<compile_context>
chip_gen: v7x
topology: tpu7x:2x2x1
jax: 0.10.2.dev20260603
libtpu: 0.0.44.dev20260713+nightly
codegen_flags: <defaults>
</compile_context>

<pallas_src>
import functools

import jax
import jax.numpy as jnp
import numpy as np
from jax import lax
from jax.experimental import pallas as pl
from jax.experimental.pallas import tpu as pltpu
from jax.experimental.pallas import tpu_sc as plsc

NUM_NEG = 10
NCOL = NUM_NEG + 1
NCOL_OUT = 16
TEMP = 0.1

NC = 2
NS = 16
NW = NC * NS

BLK = 32
NSLOT = 3


def _sc_worker_id():
    return lax.axis_index("s") * NC + lax.axis_index("c")


def _tf2x32(k0, k1, x0, x1):
    rot0, rot1 = (13, 15, 26, 6), (17, 29, 16, 24)
    u32 = np.uint32
    ks0, ks1 = u32(k0), u32(k1)
    ks2 = ks0 ^ ks1 ^ u32(0x1BD11BDA)
    x0 = (x0 + ks0).astype(u32)
    x1 = (x1 + ks1).astype(u32)

    def rounds(x0, x1, rots):
        for r in rots:
            x0 = (x0 + x1).astype(u32)
            x1 = ((x1 << u32(r)) | (x1 >> u32(32 - r))).astype(u32)
            x1 = x0 ^ x1
        return x0, x1

    for i, (rots, ka, kb) in enumerate(
        [(rot0, ks1, ks2), (rot1, ks2, ks0), (rot0, ks0, ks1),
         (rot1, ks1, ks2), (rot0, ks2, ks0)]
    ):
        x0, x1 = rounds(x0, x1, rots)
        x0 = (x0 + ka).astype(u32)
        x1 = (x1 + kb + u32(i + 1)).astype(u32)
    return x0, x1


def _np_randint(key01, k, n, m, span):
    u32 = np.uint32
    k0, k1 = key01
    f0, f1 = _tf2x32(k0, k1, np.array([0], u32), np.array([k], u32))
    kf0, kf1 = f0[0], f1[0]
    b1, b2 = _tf2x32(kf0, kf1, np.zeros(2, u32), np.arange(2, dtype=u32))
    sub = [(b1[0], b2[0]), (b1[1], b2[1])]
    size = n * m
    i = np.arange(size, dtype=np.uint64)
    c1 = (i >> np.uint64(32)).astype(u32)
    c2 = i.astype(u32)
    o0, o1 = _tf2x32(sub[0][0], sub[0][1], c1, c2)
    hi = (o0 ^ o1).reshape(n, m)
    o0, o1 = _tf2x32(sub[1][0], sub[1][1], c1, c2)
    lo = (o0 ^ o1).reshape(n, m)
    span_u = u32(span)
    mult = u32(np.uint64(65536) % np.uint64(span))
    mult = u32((np.uint64(mult) * np.uint64(mult)) % np.uint64(span))
    val = ((hi % span_u) * mult + (lo % span_u)) % span_u
    return val.astype(np.int32)


@functools.lru_cache(maxsize=None)
def _constants(B, C, S, K):
    idx = np.zeros((K, B, S, NCOL), np.int32)
    w = np.zeros((K, B, S, NCOL_OUT), np.float32)
    for k in range(1, K + 1):
        L = S - k
        npos = B * L
        b = np.arange(B, dtype=np.int64)[:, None]
        i = np.arange(L, dtype=np.int64)[None, :]
        idx[k - 1, :, :L, 0] = (b * S + i + k).astype(np.int32)
        idx[k - 1, :, :L, 1:] = _np_randint(
            (np.uint32(0), np.uint32(1234)), k, npos, NUM_NEG, B * S
        ).reshape(B, L, NUM_NEG)
        w[k - 1, :, :L, 0] = 1.0 / (K * npos)
        w[k - 1, :, :L, 1:NCOL] = 1.0 / (K * npos * NUM_NEG)
    P_pad = K * B * S
    assert P_pad % (NW * BLK) == 0
    return idx.reshape(-1), w.reshape(-1), P_pad


def _sc_sims(z_flat, cp_all, idx_flat, P_pad):
    samp_per_tile = P_pad // NW
    nblk = samp_per_tile // BLK
    ipb = BLK * NCOL
    C = cp_all.shape[1]
    zw = z_flat.shape[1]
    nc32 = C // 32
    chunks = []
    off = 0
    while off < ipb:
        n = min(128, ipb - off)
        chunks.append((off, n))
        off += n

    mesh = plsc.VectorSubcoreMesh(
        core_axis_name="c", subcore_axis_name="s", num_cores=NC, num_subcores=NS
    )

    @functools.partial(
        pl.kernel,
        out_type=jax.ShapeDtypeStruct((P_pad * NCOL_OUT,), jnp.float32),
        mesh=mesh,
        compiler_params=pltpu.CompilerParams(
            needs_layout_passes=False, use_tc_tiling_on_sc=False
        ),
        scratch_types=dict(
            idx_v=[[pltpu.VMEM((n,), jnp.int32) for _, n in chunks] for _ in range(NSLOT)],
            z_v=[pltpu.VMEM((ipb, zw), jnp.float32) for _ in range(NSLOT)],
            cp_v=[pltpu.VMEM((BLK, C), jnp.bfloat16) for _ in range(NSLOT)],
            sims_v=[pltpu.VMEM((BLK * NCOL_OUT,), jnp.float32) for _ in range(NSLOT)],
            tr_v=pltpu.VMEM((2 * NCOL_OUT * 16,), jnp.float32),
            sem_idx=[pltpu.SemaphoreType.DMA for _ in range(NSLOT)],
            sem_g=[pltpu.SemaphoreType.DMA for _ in range(NSLOT)],
            sem_cp=[pltpu.SemaphoreType.DMA for _ in range(NSLOT)],
            sem_wb=[pltpu.SemaphoreType.DMA for _ in range(NSLOT)],
        ),
    )
    def sc_kernel(z_hbm, cp_hbm, idx_hbm, out_hbm, *, idx_v, z_v, cp_v, sims_v,
                  tr_v, sem_idx, sem_g, sem_cp, sem_wb):
        wid = _sc_worker_id()
        samp0 = wid * samp_per_tile

        for tb in (0, NCOL_OUT * 16):
            for r in range(NCOL, NCOL_OUT):
                tr_v[pl.ds(tb + r * 16, 16)] = jnp.zeros((16,), jnp.float32)

        def idx_copies(g, s):
            return [
                pltpu.make_async_copy(
                    idx_hbm.at[pl.ds((samp0 + g * BLK) * NCOL + off, n)],
                    idx_v[s][ci],
                    sem_idx[s],
                )
                for ci, (off, n) in enumerate(chunks)
            ]

        def cp_copy(g, s):
            return pltpu.make_async_copy(
                cp_hbm.at[pl.ds(samp0 + g * BLK, BLK)], cp_v[s], sem_cp[s]
            )

        def gather_copies(s):
            return [
                pltpu.make_async_copy(
                    z_hbm.at[idx_v[s][ci]],
                    z_v[s].at[pl.ds(off, n)],
                    sem_g[s],
                )
                for ci, (off, n) in enumerate(chunks)
            ]

        def wb_copy(g, s):
            return pltpu.make_async_copy(
                sims_v[s],
                out_hbm.at[pl.ds((samp0 + g * BLK) * NCOL_OUT, BLK * NCOL_OUT)],
                sem_wb[s],
            )

        def stage_a_idx(g, s):
            for cpy in idx_copies(g, s):
                cpy.start()

        def stage_a_cp(g, s):
            cp_copy(g, s).start()

        def stage_b(g, s):
            for cpy in idx_copies(g, s):
                cpy.wait()
            for cpy in gather_copies(s):
                cpy.start()

        def stage_c_wait(g, s):
            for cpy in gather_copies(s):
                cpy.wait()
            cp_copy(g, s).wait()

            @pl.when(g >= NSLOT)
            def _():
                wb_copy(g - NSLOT, s).wait()

        def stage_c_comp(g, s):

            lanes = lax.iota(jnp.int32, 16)
            sign = jnp.where(lanes == 0, -1.0, 1.0).astype(jnp.float32)
            gather_ids = {
                tb: [lanes * 16 + (tb + c) for c in range(16)]
                for tb in (0, NCOL_OUT * 16)
            }

            def one_sample(i, tb):
                cpv = []
                for c32 in range(nc32):
                    cpv.extend(
                        plsc.unpack(
                            cp_v[s][i, pl.ds(c32 * 32, 32)],
                            format=plsc.PackFormat.INTERLEAVED,
                            preferred_element_type=jnp.float32,
                        )
                    )
                for r in range(NCOL):
                    row = i * NCOL + r
                    ts = []
                    for c32 in range(nc32):
                        za, zb = plsc.unpack(
                            plsc.bitcast(
                                z_v[s][row, pl.ds(c32 * 16, 16)], jnp.bfloat16
                            ),
                            format=plsc.PackFormat.INTERLEAVED,
                            preferred_element_type=jnp.float32,
                        )
                        ts.append(za * cpv[2 * c32] + zb * cpv[2 * c32 + 1])
                    acc = ts[0]
                    for t in ts[1:]:
                        acc = acc + t
                    tr_v[pl.ds(tb + r * 16, 16)] = acc
                res = plsc.load_gather(tr_v, [gather_ids[tb][0]])
                for gid in gather_ids[tb][1:]:
                    res = res + plsc.load_gather(tr_v, [gid])
                sims_v[s][pl.ds(i * NCOL_OUT, NCOL_OUT)] = res * sign

            @pl.loop(0, BLK)
            def _(i):
                one_sample(i, 0)

            wb_copy(g, s).start()

        for g in range(min(NSLOT, nblk)):
            stage_a_idx(g, g % NSLOT)
            stage_a_cp(g, g % NSLOT)
        for g in range(min(NSLOT - 1, nblk)):
            stage_b(g, g % NSLOT)

        @pl.loop(0, nblk, step=NSLOT)
        def _(g0):
            for dg in range(NSLOT):
                g = g0 + dg
                s = dg

                @pl.when(g + NSLOT - 1 < nblk)
                def _():
                    stage_b(g + NSLOT - 1, (dg + NSLOT - 1) % NSLOT)

                @pl.when(g < nblk)
                def _():
                    stage_c_wait(g, s)

                @pl.when(g + NSLOT < nblk)
                def _():
                    stage_a_idx(g + NSLOT, s)

                @pl.when(g < nblk)
                def _():
                    stage_c_comp(g, s)

                @pl.when(g + NSLOT < nblk)
                def _():
                    stage_a_cp(g + NSLOT, s)

        for t in range(NSLOT):
            g = nblk - NSLOT + t
            wb_copy(g, g % NSLOT).wait()

    return sc_kernel(z_flat, cp_all, idx_flat)


def _tc_reduce(sims2d, w2d):
    rows = sims2d.shape[0]
    br = 2048
    grid = rows // br

    def body(a_ref, w_ref, o_ref):
        @pl.when(pl.program_id(0) == 0)
        def _():
            o_ref[...] = jnp.zeros_like(o_ref)

        x = a_ref[...]
        sp = jnp.maximum(x, 0.0) + jnp.log1p(jnp.exp(-jnp.abs(x)))
        o_ref[...] += jnp.sum(w_ref[...] * sp).reshape(1, 1)

    out = pl.pallas_call(
        body,
        grid=(grid,),
        in_specs=[
            pl.BlockSpec((br, 128), lambda i: (i, 0)),
            pl.BlockSpec((br, 128), lambda i: (i, 0)),
        ],
        out_specs=pl.BlockSpec((1, 1), lambda i: (0, 0)),
        out_shape=jax.ShapeDtypeStruct((1, 1), jnp.float32),
    )(sims2d, w2d)
    return out[0, 0]


def kernel(z, c, predictions):
    del c
    B, C, S = z.shape
    K = predictions.shape[0]
    idx_flat, w_flat, P_pad = _constants(B, C, S, K)

    z_flat = jnp.transpose(z, (0, 2, 1)).reshape(-1, C).astype(jnp.bfloat16)
    z_flat = jax.lax.bitcast_convert_type(
        z_flat.reshape(-1, C // 2, 2), jnp.float32
    )
    cp_all = (
        jnp.transpose(predictions, (0, 1, 3, 2)).reshape(-1, C)
        * jnp.float32(1.0 / TEMP)
    ).astype(jnp.bfloat16)

    sims = _sc_sims(z_flat, cp_all, jnp.asarray(idx_flat), P_pad)
    sims2d = sims.reshape(-1, 128)
    w2d = jnp.asarray(w_flat).reshape(-1, 128)
    return _tc_reduce(sims2d, w2d)

# --- scband reference (transcript-rebuilt; emitter-appended) ---
"""Pipeline reference for scband-contrastive-loss-22333829940001 (READ-ONLY COPY).

The authoritative reference and input builder live on the scoring server;
editing this copy changes nothing except your own understanding.
"""

import jax, jax.numpy as jnp
import numpy as np

NUM_NEGATIVES = 10
TEMPERATURE = 0.1


def setup_inputs(seed: int = 0) -> dict:
    key = jax.random.key(seed)
    k1, k2, k3 = jax.random.split(key, 3)
    z = jax.random.normal(k1, (16, 128, 2048), dtype=jnp.float32)
    c = jax.random.normal(k2, (16, 128, 2048), dtype=jnp.float32)
    predictions = jax.random.normal(k3, (4, 16, 128, 2048), dtype=jnp.float32)
    return {"z": z, "c": c, "predictions": predictions}


def reference(z, c, predictions):
    batch_size, channels, seq_len = z.shape
    num_steps = predictions.shape[0]
    neg_key = jax.random.key(1234)
    total_loss = jnp.float32(0.0)
    valid_steps = 0
    for k in range(1, num_steps + 1):
        if seq_len <= k:
            continue
        pred_k = predictions[k - 1]
        pos_z = z[:, :, k:seq_len]
        context_pred = pred_k[:, :, : seq_len - k]
        min_len = min(pos_z.shape[2], context_pred.shape[2])
        pos_z = pos_z[:, :, :min_len]
        context_pred = context_pred[:, :, :min_len]
        if pos_z.shape[2] == 0:
            continue
        pos_sim = jnp.sum(pos_z * context_pred, axis=1) / TEMPERATURE
        z_flat = jnp.transpose(z, (0, 2, 1)).reshape(-1, channels)
        num_total_samples = z_flat.shape[0]
        num_pos_samples = pos_z.shape[0] * pos_z.shape[2]
        neg_indices = jax.random.randint(
            jax.random.fold_in(neg_key, k),
            (num_pos_samples, NUM_NEGATIVES),
            0,
            num_total_samples,
        )
        neg_z = jnp.take(z_flat, neg_indices, axis=0)
        context_pred_flat = jnp.transpose(context_pred, (0, 2, 1)).reshape(-1, channels)
        neg_sim = jnp.sum(neg_z * context_pred_flat[:, None, :], axis=2) / TEMPERATURE
        pos_loss = -jnp.mean(jax.nn.log_sigmoid(pos_sim.reshape(-1)))
        neg_loss = -jnp.mean(jax.nn.log_sigmoid(-neg_sim))
        total_loss = total_loss + pos_loss + neg_loss
        valid_steps += 1
    if valid_steps > 0:
        return total_loss / valid_steps
    return jnp.float32(0.0)

if __name__ == "__main__":
    import jax
    _d = setup_inputs()
    print(jax.jit(kernel)(*tuple(_d.values())))

</pallas_src>

<mosaic_0001>
#map = affine_map<(d0, d1) -> (0, 0)>
#map1 = affine_map<(d0, d1) -> (0)>
module attributes {stable_mosaic.version = 14 : i64} {
  func.func @sc_kernel(%arg0: i32, %arg1: i32, %arg2: memref<32768x64xf32, #tpu.memory_space<hbm>>, %arg3: memref<131072x128xbf16, #tpu.memory_space<hbm>>, %arg4: memref<1441792xi32, #tpu.memory_space<hbm>>, %arg5: memref<2097152xf32, #tpu.memory_space<hbm>>, %arg6: memref<32x128xbf16, #tpu.memory_space<vmem>>, %arg7: memref<32x128xbf16, #tpu.memory_space<vmem>>, %arg8: memref<32x128xbf16, #tpu.memory_space<vmem>>, %arg9: memref<128xi32, #tpu.memory_space<vmem>>, %arg10: memref<128xi32, #tpu.memory_space<vmem>>, %arg11: memref<96xi32, #tpu.memory_space<vmem>>, %arg12: memref<128xi32, #tpu.memory_space<vmem>>, %arg13: memref<128xi32, #tpu.memory_space<vmem>>, %arg14: memref<96xi32, #tpu.memory_space<vmem>>, %arg15: memref<128xi32, #tpu.memory_space<vmem>>, %arg16: memref<128xi32, #tpu.memory_space<vmem>>, %arg17: memref<96xi32, #tpu.memory_space<vmem>>, %arg18: memref<!tpu.dma_semaphore, #tpu.memory_space<semaphore_mem>>, %arg19: memref<!tpu.dma_semaphore, #tpu.memory_space<semaphore_mem>>, %arg20: memref<!tpu.dma_semaphore, #tpu.memory_space<semaphore_mem>>, %arg21: memref<!tpu.dma_semaphore, #tpu.memory_space<semaphore_mem>>, %arg22: memref<!tpu.dma_semaphore, #tpu.memory_space<semaphore_mem>>, %arg23: memref<!tpu.dma_semaphore, #tpu.memory_space<semaphore_mem>>, %arg24: memref<!tpu.dma_semaphore, #tpu.memory_space<semaphore_mem>>, %arg25: memref<!tpu.dma_semaphore, #tpu.memory_space<semaphore_mem>>, %arg26: memref<!tpu.dma_semaphore, #tpu.memory_space<semaphore_mem>>, %arg27: memref<!tpu.dma_semaphore, #tpu.memory_space<semaphore_mem>>, %arg28: memref<!tpu.dma_semaphore, #tpu.memory_space<semaphore_mem>>, %arg29: memref<!tpu.dma_semaphore, #tpu.memory_space<semaphore_mem>>, %arg30: memref<512xf32, #tpu.memory_space<vmem>>, %arg31: memref<512xf32, #tpu.memory_space<vmem>>, %arg32: memref<512xf32, #tpu.memory_space<vmem>>, %arg33: memref<512xf32, #tpu.memory_space<vmem>>, %arg34: memref<352x64xf32, #tpu.memory_space<vmem>>, %arg35: memref<352x64xf32, #tpu.memory_space<vmem>>, %arg36: memref<352x64xf32, #tpu.memory_space<vmem>>) attributes {dimension_semantics = [#tpu.dimension_semantics<core_parallel>, #tpu.dimension_semantics<subcore_parallel>], iteration_bounds = array<i64: 2, 16>, scalar_prefetch = 0 : i64, scratch_operands = 31 : i64, tpu.core_type = #tpu.core_type<sc_vector_subcore>, window_params = [{transform_indices = #map}, {transform_indices = #map}, {transform_indices = #map1}, {transform_indices = #map1}]} {
    %mul3A = arith.constant 2 : i32
    %mul3A_0 = arith.muli %arg1, %mul3A : i32
    %add3A = arith.addi %mul3A_0, %arg0 : i32
    %mul3A_1 = arith.constant 4096 : i32
    %mul3A_2 = arith.muli %add3A, %mul3A_1 : i32
    %broadcast_in_dim3A = arith.constant 0.000000e+00 : f32
    %broadcast_in_dim3A_3 = vector.broadcast %broadcast_in_dim3A : f32 to vector<16xf32>
    %swap3A = arith.constant 176 : index
    %swap3A_4 = tpu.vector_load %arg33[%swap3A] {strides = array<i32>} : memref<512xf32, #tpu.memory_space<vmem>>, vector<16xf32>,
    tpu.vector_store %arg33[%swap3A], %broadcast_in_dim3A_3 {strides = array<i32>} : memref<512xf32, #tpu.memory_space<vmem>>, vector<16xf32>,
    %broadcast_in_dim3A_5 = arith.constant 0.000000e+00 : f32
    %broadcast_in_dim3A_6 = vector.broadcast %broadcast_in_dim3A_5 : f32 to vector<16xf32>
    %swap3A_7 = arith.constant 192 : index
    %swap3A_8 = tpu.vector_load %arg33[%swap3A_7] {strides = array<i32>} : memref<512xf32, #tpu.memory_space<vmem>>, vector<16xf32>,
    tpu.vector_store %arg33[%swap3A_7], %broadcast_in_dim3A_6 {strides = array<i32>} : memref<512xf32, #tpu.memory_space<vmem>>, vector<16xf32>,
    %broadcast_in_dim3A_9 = arith.constant 0.000000e+00 : f32
    %broadcast_in_dim3A_10 = vector.broadcast %broadcast_in_dim3A_9 : f32 to vector<16xf32>
    %swap3A_11 = arith.constant 208 : index
    %swap3A_12 = tpu.vector_load %arg33[%swap3A_11] {strides = array<i32>} : memref<512xf32, #tpu.memory_space<vmem>>, vector<16xf32>,
    tpu.vector_store %arg33[%swap3A_11], %broadcast_in_dim3A_10 {strides = array<i32>} : memref<512xf32, #tpu.memory_space<vmem>>, vector<16xf32>,
    %broadcast_in_dim3A_13 = arith.constant 0.000000e+00 : f32
    %broadcast_in_dim3A_14 = vector.broadcast %broadcast_in_dim3A_13 : f32 to vector<16xf32>
    %swap3A_15 = arith.constant 224 : index
    %swap3A_16 = tpu.vector_load %arg33[%swap3A_15] {strides = array<i32>} : memref<512xf32, #tpu.memory_space<vmem>>, vector<16xf32>,
    tpu.vector_store %arg33[%swap3A_15], %broadcast_in_dim3A_14 {strides = array<i32>} : memref<512xf32, #tpu.memory_space<vmem>>, vector<16xf32>,
    %broadcast_in_dim3A_17 = arith.constant 0.000000e+00 : f32
    %broadcast_in_dim3A_18 = vector.broadcast %broadcast_in_dim3A_17 : f32 to vector<16xf32>
    %swap3A_19 = arith.constant 240 : index
    %swap3A_20 = tpu.vector_load %arg33[%swap3A_19] {strides = array<i32>} : memref<512xf32, #tpu.memory_space<vmem>>, vector<16xf32>,
    tpu.vector_store %arg33[%swap3A_19], %broadcast_in_dim3A_18 {strides = array<i32>} : memref<512xf32, #tpu.memory_space<vmem>>, vector<16xf32>,
    %broadcast_in_dim3A_21 = arith.constant 0.000000e+00 : f32
    %broadcast_in_dim3A_22 = vector.broadcast %broadcast_in_dim3A_21 : f32 to vector<16xf32>
    %swap3A_23 = arith.constant 432 : index
    %swap3A_24 = tpu.vector_load %arg33[%swap3A_23] {strides = array<i32>} : memref<512xf32, #tpu.memory_space<vmem>>, vector<16xf32>,
    tpu.vector_store %arg33[%swap3A_23], %broadcast_in_dim3A_22 {strides = array<i32>} : memref<512xf32, #tpu.memory_space<vmem>>, vector<16xf32>,
    %broadcast_in_dim3A_25 = arith.constant 0.000000e+00 : f32
    %broadcast_in_dim3A_26 = vector.broadcast %broadcast_in_dim3A_25 : f32 to vector<16xf32>
    %swap3A_27 = arith.constant 448 : index
    %swap3A_28 = tpu.vector_load %arg33[%swap3A_27] {strides = array<i32>} : memref<512xf32, #tpu.memory_space<vmem>>, vector<16xf32>,
    tpu.vector_store %arg33[%swap3A_27], %broadcast_in_dim3A_26 {strides = array<i32>} : memref<512xf32, #tpu.memory_space<vmem>>, vector<16xf32>,
    %broadcast_in_dim3A_29 = arith.constant 0.000000e+00 : f32
    %broadcast_in_dim3A_30 = vector.broadcast %broadcast_in_dim3A_29 : f32 to vector<16xf32>
    %swap3A_31 = arith.constant 464 : index
    %swap3A_32 = tpu.vector_load %arg33[%swap3A_31] {strides = array<i32>} : memref<512xf32, #tpu.memory_space<vmem>>, vector<16xf32>,
    tpu.vector_store %arg33[%swap3A_31], %broadcast_in_dim3A_30 {strides = array<i32>} : memref<512xf32, #tpu.memory_space<vmem>>, vector<16xf32>,
    %broadcast_in_dim3A_33 = arith.constant 0.000000e+00 : f32
    %broadcast_in_dim3A_34 = vector.broadcast %broadcast_in_dim3A_33 : f32 to vector<16xf32>
    %swap3A_35 = arith.constant 480 : index
    %swap3A_36 = tpu.vector_load %arg33[%swap3A_35] {strides = array<i32>} : memref<512xf32, #tpu.memory_space<vmem>>, vector<16xf32>,
    tpu.vector_store %arg33[%swap3A_35], %broadcast_in_dim3A_34 {strides = array<i32>} : memref<512xf32, #tpu.memory_space<vmem>>, vector<16xf32>,
    %broadcast_in_dim3A_37 = arith.constant 0.000000e+00 : f32
    %broadcast_in_dim3A_38 = vector.broadcast %broadcast_in_dim3A_37 : f32 to vector<16xf32>
    %swap3A_39 = arith.constant 496 : index
    %swap3A_40 = tpu.vector_load %arg33[%swap3A_39] {strides = array<i32>} : memref<512xf32, #tpu.memory_space<vmem>>, vector<16xf32>,
    tpu.vector_store %arg33[%swap3A_39], %broadcast_in_dim3A_38 {strides = array<i32>} : memref<512xf32, #tpu.memory_space<vmem>>, vector<16xf32>,
    %add3A_41 = arith.constant 0 : i32
    %add3A_42 = arith.addi %mul3A_2, %add3A_41 : i32
    %mul3A_43 = arith.constant 11 : i32
    %mul3A_44 = arith.muli %add3A_42, %mul3A_43 : i32
    %add3A_45 = arith.constant 0 : i32
    %add3A_46 = arith.addi %mul3A_44, %add3A_45 : i32
    %add3A_47 = arith.constant 0 : i32
    %add3A_48 = arith.addi %mul3A_2, %add3A_47 : i32
    %mul3A_49 = arith.constant 11 : i32
    %mul3A_50 = arith.muli %add3A_48, %mul3A_49 : i32
    %add3A_51 = arith.constant 128 : i32
    %add3A_52 = arith.addi %mul3A_50, %add3A_51 : i32
    %add3A_53 = arith.constant 0 : i32
    %add3A_54 = arith.addi %mul3A_2, %add3A_53 : i32
    %mul3A_55 = arith.constant 11 : i32
    %mul3A_56 = arith.muli %add3A_54, %mul3A_55 : i32
    %add3A_57 = arith.constant 256 : i32
    %add3A_58 = arith.addi %mul3A_56, %add3A_57 : i32
    %dma_start3A = tpu.memref_slice %arg4[%add3A_46] : memref<1441792xi32, #tpu.memory_space<hbm>> -> memref<128xi32, #tpu.memory_space<hbm>>
    %dma_start3A_59 = tpu.memref_slice %arg4[%add3A_46] : memref<1441792xi32, #tpu.memory_space<hbm>> -> memref<128xi32, #tpu.memory_space<hbm>>
    tpu.enqueue_dma source(%dma_start3A_59 : memref<128xi32, #tpu.memory_space<hbm>>) target(%arg9 : memref<128xi32, #tpu.memory_space<vmem>>) target_semaphore(%arg24 : memref<!tpu.dma_semaphore, #tpu.memory_space<semaphore_mem>>)
    %dma_start3A_60 = tpu.memref_slice %arg4[%add3A_52] : memref<1441792xi32, #tpu.memory_space<hbm>> -> memref<128xi32, #tpu.memory_space<hbm>>
    %dma_start3A_61 = tpu.memref_slice %arg4[%add3A_52] : memref<1441792xi32, #tpu.memory_space<hbm>> -> memref<128xi32, #tpu.memory_space<hbm>>
    tpu.enqueue_dma source(%dma_start3A_61 : memref<128xi32, #tpu.memory_space<hbm>>) target(%arg10 : memref<128xi32, #tpu.memory_space<vmem>>) target_semaphore(%arg24 : memref<!tpu.dma_semaphore, #tpu.memory_space<semaphore_mem>>)
    %dma_start3A_62 = tpu.memref_slice %arg4[%add3A_58] : memref<1441792xi32, #tpu.memory_space<hbm>> -> memref<96xi32, #tpu.memory_space<hbm>>
    %dma_start3A_63 = tpu.memref_slice %arg4[%add3A_58] : memref<1441792xi32, #tpu.memory_space<hbm>> -> memref<96xi32, #tpu.memory_space<hbm>>
    tpu.enqueue_dma source(%dma_start3A_63 : memref<96xi32, #tpu.memory_space<hbm>>) target(%arg11 : memref<96xi32, #tpu.memory_space<vmem>>) target_semaphore(%arg24 : memref<!tpu.dma_semaphore, #tpu.memory_space<semaphore_mem>>)
    %add3A_64 = arith.constant 0 : i32
    %add3A_65 = arith.addi %mul3A_2, %add3A_64 : i32
    %dma_start3A_66 = arith.constant 0 : i32
    %dma_start3A_67 = tpu.memref_slice %arg3[%add3A_65, %dma_start3A_66] : memref<131072x128xbf16, #tpu.memory_space<hbm>> -> memref<32x128xbf16, #tpu.memory_space<hbm>>
    %dma_start3A_68 = arith.constant 0 : i32
    %dma_start3A_69 = tpu.memref_slice %arg3[%add3A_65, %dma_start3A_68] : memref<131072x128xbf16, #tpu.memory_space<hbm>> -> memref<32x128xbf16, #tpu.memory_space<hbm>>
    tpu.enqueue_dma source(%dma_start3A_69 : memref<32x128xbf16, #tpu.memory_space<hbm>>) target(%arg6 : memref<32x128xbf16, #tpu.memory_space<vmem>>) target_semaphore(%arg18 : memref<!tpu.dma_semaphore, #tpu.memory_space<semaphore_mem>>)
    %add3A_70 = arith.constant 32 : i32
    %add3A_71 = arith.addi %mul3A_2, %add3A_70 : i32
    %mul3A_72 = arith.constant 11 : i32
    %mul3A_73 = arith.muli %add3A_71, %mul3A_72 : i32
    %add3A_74 = arith.constant 0 : i32
    %add3A_75 = arith.addi %mul3A_73, %add3A_74 : i32
    %add3A_76 = arith.constant 32 : i32
    %add3A_77 = arith.addi %mul3A_2, %add3A_76 : i32
    %mul3A_78 = arith.constant 11 : i32
    %mul3A_79 = arith.muli %add3A_77, %mul3A_78 : i32
    %add3A_80 = arith.constant 128 : i32
    %add3A_81 = arith.addi %mul3A_79, %add3A_80 : i32
    %add3A_82 = arith.constant 32 : i32
    %add3A_83 = arith.addi %mul3A_2, %add3A_82 : i32
    %mul3A_84 = arith.constant 11 : i32
    %mul3A_85 = arith.muli %add3A_83, %mul3A_84 : i32
    %add3A_86 = arith.constant 256 : i32
    %add3A_87 = arith.addi %mul3A_85, %add3A_86 : i32
    %dma_start3A_88 = tpu.memref_slice %arg4[%add3A_75] : memref<1441792xi32, #tpu.memory_space<hbm>> -> memref<128xi32, #tpu.memory_space<hbm>>
    %dma_start3A_89 = tpu.memref_slice %arg4[%add3A_75] : memref<1441792xi32, #tpu.memory_space<hbm>> -> memref<128xi32, #tpu.memory_space<hbm>>
    tpu.enqueue_dma source(%dma_start3A_89 : memref<128xi32, #tpu.memory_space<hbm>>) target(%arg12 : memref<128xi32, #tpu.memory_space<vmem>>) target_semaphore(%arg25 : memref<!tpu.dma_semaphore, #tpu.memory_space<semaphore_mem>>)
    %dma_start3A_90 = tpu.memref_slice %arg4[%add3A_81] : memref<1441792xi32, #tpu.memory_space<hbm>> -> memref<128xi32, #tpu.memory_space<hbm>>
    %dma_start3A_91 = tpu.memref_slice %arg4[%add3A_81] : memref<1441792xi32, #tpu.memory_space<hbm>> -> memref<128xi32, #tpu.memory_space<hbm>>
    tpu.enqueue_dma source(%dma_start3A_91 : memref<128xi32, #tpu.memory_space<hbm>>) target(%arg13 : memref<128xi32, #tpu.memory_space<vmem>>) target_semaphore(%arg25 : memref<!tpu.dma_semaphore, #tpu.memory_space<semaphore_mem>>)
    %dma_start3A_92 = tpu.memref_slice %arg4[%add3A_87] : memref<1441792xi32, #tpu.memory_space<hbm>> -> memref<96xi32, #tpu.memory_space<hbm>>
    %dma_start3A_93 = tpu.memref_slice %arg4[%add3A_87] : memref<1441792xi32, #tpu.memory_space<hbm>> -> memref<96xi32, #tpu.memory_space<hbm>>
    tpu.enqueue_dma source(%dma_start3A_93 : memref<96xi32, #tpu.memory_space<hbm>>) target(%arg14 : memref<96xi32, #tpu.memory_space<vmem>>) target_semaphore(%arg25 : memref<!tpu.dma_semaphore, #tpu.memory_space<semaphore_mem>>)
    %add3A_94 = arith.constant 32 : i32
    %add3A_95 = arith.addi %mul3A_2, %add3A_94 : i32
    %dma_start3A_96 = arith.constant 0 : i32
    %dma_start3A_97 = tpu.memref_slice %arg3[%add3A_95, %dma_start3A_96] : memref<131072x128xbf16, #tpu.memory_space<hbm>> -> memref<32x128xbf16, #tpu.memory_space<hbm>>
    %dma_start3A_98 = arith.constant 0 : i32
    %dma_start3A_99 = tpu.memref_slice %arg3[%add3A_95, %dma_start3A_98] : memref<131072x128xbf16, #tpu.memory_space<hbm>> -> memref<32x128xbf16, #tpu.memory_space<hbm>>
    tpu.enqueue_dma source(%dma_start3A_99 : memref<32x128xbf16, #tpu.memory_space<hbm>>) target(%arg7 : memref<32x128xbf16, #tpu.memory_space<vmem>>) target_semaphore(%arg19 : memref<!tpu.dma_semaphore, #tpu.memory_space<semaphore_mem>>)
    %add3A_100 = arith.constant 64 : i32
    %add3A_101 = arith.addi %mul3A_2, %add3A_100 : i32
    %mul3A_102 = arith.constant 11 : i32
    %mul3A_103 = arith.muli %add3A_101, %mul3A_102 : i32
    %add3A_104 = arith.constant 0 : i32
    %add3A_105 = arith.addi %mul3A_103, %add3A_104 : i32
    %add3A_106 = arith.constant 64 : i32
    %add3A_107 = arith.addi %mul3A_2, %add3A_106 : i32
    %mul3A_108 = arith.constant 11 : i32
    %mul3A_109 = arith.muli %add3A_107, %mul3A_108 : i32
    %add3A_110 = arith.constant 128 : i32
    %add3A_111 = arith.addi %mul3A_109, %add3A_110 : i32
    %add3A_112 = arith.constant 64 : i32
    %add3A_113 = arith.addi %mul3A_2, %add3A_112 : i32
    %mul3A_114 = arith.constant 11 : i32
    %mul3A_115 = arith.muli %add3A_113, %mul3A_114 : i32
    %add3A_116 = arith.constant 256 : i32
    %add3A_117 = arith.addi %mul3A_115, %add3A_116 : i32
    %dma_start3A_118 = tpu.memref_slice %arg4[%add3A_105] : memref<1441792xi32, #tpu.memory_space<hbm>> -> memref<128xi32, #tpu.memory_space<hbm>>
    %dma_start3A_119 = tpu.memref_slice %arg4[%add3A_105] : memref<1441792xi32, #tpu.memory_space<hbm>> -> memref<128xi32, #tpu.memory_space<hbm>>
    tpu.enqueue_dma source(%dma_start3A_119 : memref<128xi32, #tpu.memory_space<hbm>>) target(%arg15 : memref<128xi32, #tpu.memory_space<vmem>>) target_semaphore(%arg26 : memref<!tpu.dma_semaphore, #tpu.memory_space<semaphore_mem>>)
    %dma_start3A_120 = tpu.memref_slice %arg4[%add3A_111] : memref<1441792xi32, #tpu.memory_space<hbm>> -> memref<128xi32, #tpu.memory_space<hbm>>
    %dma_start3A_121 = tpu.memref_slice %arg4[%add3A_111] : memref<1441792xi32, #tpu.memory_space<hbm>> -> memref<128xi32, #tpu.memory_space<hbm>>
    tpu.enqueue_dma source(%dma_start3A_121 : memref<128xi32, #tpu.memory_space<hbm>>) target(%arg16 : memref<128xi32, #tpu.memory_space<vmem>>) target_semaphore(%arg26 : memref<!tpu.dma_semaphore, #tpu.memory_space<semaphore_mem>>)
    %dma_start3A_122 = tpu.memref_slice %arg4[%add3A_117] : memref<1441792xi32, #tpu.memory_space<hbm>> -> memref<96xi32, #tpu.memory_space<hbm>>
    %dma_start3A_123 = tpu.memref_slice %arg4[%add3A_117] : memref<1441792xi32, #tpu.memory_space<hbm>> -> memref<96xi32, #tpu.memory_space<hbm>>
    tpu.enqueue_dma source(%dma_start3A_123 : memref<96xi32, #tpu.memory_space<hbm>>) target(%arg17 : memref<96xi32, #tpu.memory_space<vmem>>) target_semaphore(%arg26 : memref<!tpu.dma_semaphore, #tpu.memory_space<semaphore_mem>>)
    %add3A_124 = arith.constant 64 : i32
    %add3A_125 = arith.addi %mul3A_2, %add3A_124 : i32
    %dma_start3A_126 = arith.constant 0 : i32
    %dma_start3A_127 = tpu.memref_slice %arg3[%add3A_125, %dma_start3A_126] : memref<131072x128xbf16, #tpu.memory_space<hbm>> -> memref<32x128xbf16, #tpu.memory_space<hbm>>
    %dma_start3A_128 = arith.constant 0 : i32
    %dma_start3A_129 = tpu.memref_slice %arg3[%add3A_125, %dma_start3A_128] : memref<131072x128xbf16, #tpu.memory_space<hbm>> -> memref<32x128xbf16, #tpu.memory_space<hbm>>
    tpu.enqueue_dma source(%dma_start3A_129 : memref<32x128xbf16, #tpu.memory_space<hbm>>) target(%arg8 : memref<32x128xbf16, #tpu.memory_space<vmem>>) target_semaphore(%arg20 : memref<!tpu.dma_semaphore, #tpu.memory_space<semaphore_mem>>)
    %add3A_130 = arith.constant 0 : i32
    %add3A_131 = arith.addi %mul3A_2, %add3A_130 : i32
    %mul3A_132 = arith.constant 11 : i32
    %mul3A_133 = arith.muli %add3A_131, %mul3A_132 : i32
    %add3A_134 = arith.constant 0 : i32
    %add3A_135 = arith.addi %mul3A_133, %add3A_134 : i32
    %add3A_136 = arith.constant 0 : i32
    %add3A_137 = arith.addi %mul3A_2, %add3A_136 : i32
    %mul3A_138 = arith.constant 11 : i32
    %mul3A_139 = arith.muli %add3A_137, %mul3A_138 : i32
    %add3A_140 = arith.constant 128 : i32
    %add3A_141 = arith.addi %mul3A_139, %add3A_140 : i32
    %add3A_142 = arith.constant 0 : i32
    %add3A_143 = arith.addi %mul3A_2, %add3A_142 : i32
    %mul3A_144 = arith.constant 11 : i32
    %mul3A_145 = arith.muli %add3A_143, %mul3A_144 : i32
    %add3A_146 = arith.constant 256 : i32
    %add3A_147 = arith.addi %mul3A_145, %add3A_146 : i32
    %dma_wait3A = tpu.memref_slice %arg4[%add3A_135] : memref<1441792xi32, #tpu.memory_space<hbm>> -> memref<128xi32, #tpu.memory_space<hbm>>
    %dma_wait3A_148 = tpu.memref_slice %arg4[%add3A_135] : memref<1441792xi32, #tpu.memory_space<hbm>> -> memref<128xi32, #tpu.memory_space<hbm>>
    tpu.wait_dma2 semaphore(%arg24 : memref<!tpu.dma_semaphore, #tpu.memory_space<semaphore_mem>>) src(%dma_wait3A_148 : memref<128xi32, #tpu.memory_space<hbm>>) dst(%arg9 : memref<128xi32, #tpu.memory_space<vmem>>)
    %dma_wait3A_149 = tpu.memref_slice %arg4[%add3A_141] : memref<1441792xi32, #tpu.memory_space<hbm>> -> memref<128xi32, #tpu.memory_space<hbm>>
    %dma_wait3A_150 = tpu.memref_slice %arg4[%add3A_141] : memref<1441792xi32, #tpu.memory_space<hbm>> -> memref<128xi32, #tpu.memory_space<hbm>>
    tpu.wait_dma2 semaphore(%arg24 : memref<!tpu.dma_semaphore, #tpu.memory_space<semaphore_mem>>) src(%dma_wait3A_150 : memref<128xi32, #tpu.memory_space<hbm>>) dst(%arg10 : memref<128xi32, #tpu.memory_space<vmem>>)
    %dma_wait3A_151 = tpu.memref_slice %arg4[%add3A_147] : memref<1441792xi32, #tpu.memory_space<hbm>> -> memref<96xi32, #tpu.memory_space<hbm>>
    %dma_wait3A_152 = tpu.memref_slice %arg4[%add3A_147] : memref<1441792xi32, #tpu.memory_space<hbm>> -> memref<96xi32, #tpu.memory_space<hbm>>
    tpu.wait_dma2 semaphore(%arg24 : memref<!tpu.dma_semaphore, #tpu.memory_space<semaphore_mem>>) src(%dma_wait3A_152 : memref<96xi32, #tpu.memory_space<hbm>>) dst(%arg11 : memref<96xi32, #tpu.memory_space<vmem>>)
    %dma_start3A_153 = arith.constant 0 : i32
    %dma_start3A_154 = arith.constant 0 : i32
    %dma_start3A_155 = tpu.memref_slice %arg34[%dma_start3A_153, %dma_start3A_154] : memref<352x64xf32, #tpu.memory_space<vmem>> -> memref<128x64xf32, #tpu.memory_space<vmem>>
    %dma_start3A_156 = arith.constant 0 : i32
    %dma_start3A_157 = arith.constant 0 : i32
    %dma_start3A_158 = tpu.memref_slice %arg2[%dma_start3A_156, %dma_start3A_157] : memref<32768x64xf32, #tpu.memory_space<hbm>> -> memref<32768x64xf32, #tpu.memory_space<hbm>>
    tpu.enqueue_indirect_dma source(%dma_start3A_158 : memref<32768x64xf32, #tpu.memory_space<hbm>>) target(%dma_start3A_155 : memref<128x64xf32, #tpu.memory_space<vmem>>) offsets(%arg9 : memref<128xi32, #tpu.memory_space<vmem>>) semaphore(%arg21 : memref<!tpu.dma_semaphore, #tpu.memory_space<semaphore_mem>>)
    %dma_start3A_159 = arith.constant 128 : i32
    %dma_start3A_160 = arith.constant 0 : i32
    %dma_start3A_161 = tpu.memref_slice %arg34[%dma_start3A_159, %dma_start3A_160] : memref<352x64xf32, #tpu.memory_space<vmem>> -> memref<128x64xf32, #tpu.memory_space<vmem>>
    %dma_start3A_162 = arith.constant 0 : i32
    %dma_start3A_163 = arith.constant 0 : i32
    %dma_start3A_164 = tpu.memref_slice %arg2[%dma_start3A_162, %dma_start3A_163] : memref<32768x64xf32, #tpu.memory_space<hbm>> -> memref<32768x64xf32, #tpu.memory_space<hbm>>
    tpu.enqueue_indirect_dma source(%dma_start3A_164 : memref<32768x64xf32, #tpu.memory_space<hbm>>) target(%dma_start3A_161 : memref<128x64xf32, #tpu.memory_space<vmem>>) offsets(%arg10 : memref<128xi32, #tpu.memory_space<vmem>>) semaphore(%arg21 : memref<!tpu.dma_semaphore, #tpu.memory_space<semaphore_mem>>)
    %dma_start3A_165 = arith.constant 256 : i32
    %dma_start3A_166 = arith.constant 0 : i32
    %dma_start3A_167 = tpu.memref_slice %arg34[%dma_start3A_165, %dma_start3A_166] : memref<352x64xf32, #tpu.memory_space<vmem>> -> memref<96x64xf32, #tpu.memory_space<vmem>>
    %dma_start3A_168 = arith.constant 0 : i32
    %dma_start3A_169 = arith.constant 0 : i32
    %dma_start3A_170 = tpu.memref_slice %arg2[%dma_start3A_168, %dma_start3A_169] : memref<32768x64xf32, #tpu.memory_space<hbm>> -> memref<32768x64xf32, #tpu.memory_space<hbm>>
    tpu.enqueue_indirect_dma source(%dma_start3A_170 : memref<32768x64xf32, #tpu.memory_space<hbm>>) target(%dma_start3A_167 : memref<96x64xf32, #tpu.memory_space<vmem>>) offsets(%arg11 : memref<96xi32, #tpu.memory_space<vmem>>) semaphore(%arg21 : memref<!tpu.dma_semaphore, #tpu.memory_space<semaphore_mem>>)
    %add3A_171 = arith.constant 32 : i32
    %add3A_172 = arith.addi %mul3A_2, %add3A_171 : i32
    %mul3A_173 = arith.constant 11 : i32
    %mul3A_174 = arith.muli %add3A_172, %mul3A_173 : i32
    %add3A_175 = arith.constant 0 : i32
    %add3A_176 = arith.addi %mul3A_174, %add3A_175 : i32
    %add3A_177 = arith.constant 32 : i32
    %add3A_178 = arith.addi %mul3A_2, %add3A_177 : i32
    %mul3A_179 = arith.constant 11 : i32
    %mul3A_180 = arith.muli %add3A_178, %mul3A_179 : i32
    %add3A_181 = arith.constant 128 : i32
    %add3A_182 = arith.addi %mul3A_180, %add3A_181 : i32
    %add3A_183 = arith.constant 32 : i32
    %add3A_184 = arith.addi %mul3A_2, %add3A_183 : i32
    %mul3A_185 = arith.constant 11 : i32
    %mul3A_186 = arith.muli %add3A_184, %mul3A_185 : i32
    %add3A_187 = arith.constant 256 : i32
    %add3A_188 = arith.addi %mul3A_186, %add3A_187 : i32
    %dma_wait3A_189 = tpu.memref_slice %arg4[%add3A_176] : memref<1441792xi32, #tpu.memory_space<hbm>> -> memref<128xi32, #tpu.memory_space<hbm>>
    %dma_wait3A_190 = tpu.memref_slice %arg4[%add3A_176] : memref<1441792xi32, #tpu.memory_space<hbm>> -> memref<128xi32, #tpu.memory_space<hbm>>
    tpu.wait_dma2 semaphore(%arg25 : memref<!tpu.dma_semaphore, #tpu.memory_space<semaphore_mem>>) src(%dma_wait3A_190 : memref<128xi32, #tpu.memory_space<hbm>>) dst(%arg12 : memref<128xi32, #tpu.memory_space<vmem>>)
    %dma_wait3A_191 = tpu.memref_slice %arg4[%add3A_182] : memref<1441792xi32, #tpu.memory_space<hbm>> -> memref<128xi32, #tpu.memory_space<hbm>>
    %dma_wait3A_192 = tpu.memref_slice %arg4[%add3A_182] : memref<1441792xi32, #tpu.memory_space<hbm>> -> memref<128xi32, #tpu.memory_space<hbm>>
    tpu.wait_dma2 semaphore(%arg25 : memref<!tpu.dma_semaphore, #tpu.memory_space<semaphore_mem>>) src(%dma_wait3A_192 : memref<128xi32, #tpu.memory_space<hbm>>) dst(%arg13 : memref<128xi32, #tpu.memory_space<vmem>>)
    %dma_wait3A_193 = tpu.memref_slice %arg4[%add3A_188] : memref<1441792xi32, #tpu.memory_space<hbm>> -> memref<96xi32, #tpu.memory_space<hbm>>
    %dma_wait3A_194 = tpu.memref_slice %arg4[%add3A_188] : memref<1441792xi32, #tpu.memory_space<hbm>> -> memref<96xi32, #tpu.memory_space<hbm>>
    tpu.wait_dma2 semaphore(%arg25 : memref<!tpu.dma_semaphore, #tpu.memory_space<semaphore_mem>>) src(%dma_wait3A_194 : memref<96xi32, #tpu.memory_space<hbm>>) dst(%arg14 : memref<96xi32, #tpu.memory_space<vmem>>)
    %dma_start3A_195 = arith.constant 0 : i32
    %dma_start3A_196 = arith.constant 0 : i32
    %dma_start3A_197 = tpu.memref_slice %arg35[%dma_start3A_195, %dma_start3A_196] : memref<352x64xf32, #tpu.memory_space<vmem>> -> memref<128x64xf32, #tpu.memory_space<vmem>>
    %dma_start3A_198 = arith.constant 0 : i32
    %dma_start3A_199 = arith.constant 0 : i32
    %dma_start3A_200 = tpu.memref_slice %arg2[%dma_start3A_198, %dma_start3A_199] : memref<32768x64xf32, #tpu.memory_space<hbm>> -> memref<32768x64xf32, #tpu.memory_space<hbm>>
    tpu.enqueue_indirect_dma source(%dma_start3A_200 : memref<32768x64xf32, #tpu.memory_space<hbm>>) target(%dma_start3A_197 : memref<128x64xf32, #tpu.memory_space<vmem>>) offsets(%arg12 : memref<128xi32, #tpu.memory_space<vmem>>) semaphore(%arg22 : memref<!tpu.dma_semaphore, #tpu.memory_space<semaphore_mem>>)
    %dma_start3A_201 = arith.constant 128 : i32
    %dma_start3A_202 = arith.constant 0 : i32
    %dma_start3A_203 = tpu.memref_slice %arg35[%dma_start3A_201, %dma_start3A_202] : memref<352x64xf32, #tpu.memory_space<vmem>> -> memref<128x64xf32, #tpu.memory_space<vmem>>
    %dma_start3A_204 = arith.constant 0 : i32
    %dma_start3A_205 = arith.constant 0 : i32
    %dma_start3A_206 = tpu.memref_slice %arg2[%dma_start3A_204, %dma_start3A_205] : memref<32768x64xf32, #tpu.memory_space<hbm>> -> memref<32768x64xf32, #tpu.memory_space<hbm>>
    tpu.enqueue_indirect_dma source(%dma_start3A_206 : memref<32768x64xf32, #tpu.memory_space<hbm>>) target(%dma_start3A_203 : memref<128x64xf32, #tpu.memory_space<vmem>>) offsets(%arg13 : memref<128xi32, #tpu.memory_space<vmem>>) semaphore(%arg22 : memref<!tpu.dma_semaphore, #tpu.memory_space<semaphore_mem>>)
    %dma_start3A_207 = arith.constant 256 : i32
    %dma_start3A_208 = arith.constant 0 : i32
    %dma_start3A_209 = tpu.memref_slice %arg35[%dma_start3A_207, %dma_start3A_208] : memref<352x64xf32, #tpu.memory_space<vmem>> -> memref<96x64xf32, #tpu.memory_space<vmem>>
    %dma_start3A_210 = arith.constant 0 : i32
    %dma_start3A_211 = arith.constant 0 : i32
    %dma_start3A_212 = tpu.memref_slice %arg2[%dma_start3A_210, %dma_start3A_211] : memref<32768x64xf32, #tpu.memory_space<hbm>> -> memref<32768x64xf32, #tpu.memory_space<hbm>>
    tpu.enqueue_indirect_dma source(%dma_start3A_212 : memref<32768x64xf32, #tpu.memory_space<hbm>>) target(%dma_start3A_209 : memref<96x64xf32, #tpu.memory_space<vmem>>) offsets(%arg14 : memref<96xi32, #tpu.memory_space<vmem>>) semaphore(%arg22 : memref<!tpu.dma_semaphore, #tpu.memory_space<semaphore_mem>>)
    %scan3A = arith.constant 0 : i32
    %scan3A_213 = arith.constant 43 : i32
    %scan3A_214 = arith.addi %scan3A, %scan3A_213 : i32
    %scan3A_215 = arith.constant 1 : i32
    scf.for %scan3A_235 = %scan3A to %scan3A_214 step %scan3A_215  : i32 {
      %mul3A_236 = arith.constant 3 : i32
      %mul3A_237 = arith.muli %scan3A_235, %mul3A_236 : i32
      %add3A_238 = arith.constant 0 : i32
      %add3A_239 = arith.addi %add3A_238, %mul3A_237 : i32
      %add3A_240 = arith.constant 0 : i32
      %add3A_241 = arith.addi %add3A_239, %add3A_240 : i32
      %add3A_242 = arith.constant 3 : i32
      %add3A_243 = arith.addi %add3A_241, %add3A_242 : i32
      %sub3A = arith.constant 1 : i32
      %sub3A_244 = arith.subi %add3A_243, %sub3A : i32
      %lt3A = arith.constant 128 : i32
      %lt3A_245 = arith.cmpi slt, %sub3A_244, %lt3A : i32
      %convert_element_type3A = arith.extui %lt3A_245 : i1 to i32
      %cond3A = arith.constant 0 : i32
      %cond3A_246 = arith.cmpi ne, %convert_element_type3A, %cond3A : i32
      scf.if %cond3A_246 {
        %add3A_341 = arith.constant 3 : i32
        %add3A_342 = arith.addi %add3A_241, %add3A_341 : i32
        %sub3A_343 = arith.constant 1 : i32
        %sub3A_344 = arith.subi %add3A_342, %sub3A_343 : i32
        %mul3A_345 = arith.constant 32 : i32
        %mul3A_346 = arith.muli %sub3A_344, %mul3A_345 : i32
        %add3A_347 = arith.addi %mul3A_2, %mul3A_346 : i32
        %mul3A_348 = arith.constant 11 : i32
        %mul3A_349 = arith.muli %add3A_347, %mul3A_348 : i32
        %add3A_350 = arith.constant 0 : i32
        %add3A_351 = arith.addi %mul3A_349, %add3A_350 : i32
        %mul3A_352 = arith.constant 32 : i32
        %mul3A_353 = arith.muli %sub3A_344, %mul3A_352 : i32
        %add3A_354 = arith.addi %mul3A_2, %mul3A_353 : i32
        %mul3A_355 = arith.constant 11 : i32
        %mul3A_356 = arith.muli %add3A_354, %mul3A_355 : i32
        %add3A_357 = arith.constant 128 : i32
        %add3A_358 = arith.addi %mul3A_356, %add3A_357 : i32
        %mul3A_359 = arith.constant 32 : i32
        %mul3A_360 = arith.muli %sub3A_344, %mul3A_359 : i32
        %add3A_361 = arith.addi %mul3A_2, %mul3A_360 : i32
        %mul3A_362 = arith.constant 11 : i32
        %mul3A_363 = arith.muli %add3A_361, %mul3A_362 : i32
        %add3A_364 = arith.constant 256 : i32
        %add3A_365 = arith.addi %mul3A_363, %add3A_364 : i32
        %dma_wait3A_366 = tpu.memref_slice %arg4[%add3A_351] : memref<1441792xi32, #tpu.memory_space<hbm>> -> memref<128xi32, #tpu.memory_space<hbm>>
        %dma_wait3A_367 = tpu.memref_slice %arg4[%add3A_351] : memref<1441792xi32, #tpu.memory_space<hbm>> -> memref<128xi32, #tpu.memory_space<hbm>>
        tpu.wait_dma2 semaphore(%arg26 : memref<!tpu.dma_semaphore, #tpu.memory_space<semaphore_mem>>) src(%dma_wait3A_367 : memref<128xi32, #tpu.memory_space<hbm>>) dst(%arg15 : memref<128xi32, #tpu.memory_space<vmem>>)
        %dma_wait3A_368 = tpu.memref_slice %arg4[%add3A_358] : memref<1441792xi32, #tpu.memory_space<hbm>> -> memref<128xi32, #tpu.memory_space<hbm>>
        %dma_wait3A_369 = tpu.memref_slice %arg4[%add3A_358] : memref<1441792xi32, #tpu.memory_space<hbm>> -> memref<128xi32, #tpu.memory_space<hbm>>
        tpu.wait_dma2 semaphore(%arg26 : memref<!tpu.dma_semaphore, #tpu.memory_space<semaphore_mem>>) src(%dma_wait3A_369 : memref<128xi32, #tpu.memory_space<hbm>>) dst(%arg16 : memref<128xi32, #tpu.memory_space<vmem>>)
        %dma_wait3A_370 = tpu.memref_slice %arg4[%add3A_365] : memref<1441792xi32, #tpu.memory_space<hbm>> -> memref<96xi32, #tpu.memory_space<hbm>>
        %dma_wait3A_371 = tpu.memref_slice %arg4[%add3A_365] : memref<1441792xi32, #tpu.memory_space<hbm>> -> memref<96xi32, #tpu.memory_space<hbm>>
        tpu.wait_dma2 semaphore(%arg26 : memref<!tpu.dma_semaphore, #tpu.memory_space<semaphore_mem>>) src(%dma_wait3A_371 : memref<96xi32, #tpu.memory_space<hbm>>) dst(%arg17 : memref<96xi32, #tpu.memory_space<vmem>>)
        %dma_start3A_372 = arith.constant 0 : i32
        %dma_start3A_373 = arith.constant 0 : i32
        %dma_start3A_374 = tpu.memref_slice %arg36[%dma_start3A_372, %dma_start3A_373] : memref<352x64xf32, #tpu.memory_space<vmem>> -> memref<128x64xf32, #tpu.memory_space<vmem>>
        %dma_start3A_375 = arith.constant 0 : i32
        %dma_start3A_376 = arith.constant 0 : i32
        %dma_start3A_377 = tpu.memref_slice %arg2[%dma_start3A_375, %dma_start3A_376] : memref<32768x64xf32, #tpu.memory_space<hbm>> -> memref<32768x64xf32, #tpu.memory_space<hbm>>
        tpu.enqueue_indirect_dma source(%dma_start3A_377 : memref<32768x64xf32, #tpu.memory_space<hbm>>) target(%dma_start3A_374 : memref<128x64xf32, #tpu.memory_space<vmem>>) offsets(%arg15 : memref<128xi32, #tpu.memory_space<vmem>>) semaphore(%arg23 : memref<!tpu.dma_semaphore, #tpu.memory_space<semaphore_mem>>)
        %dma_start3A_378 = arith.constant 128 : i32
        %dma_start3A_379 = arith.constant 0 : i32
        %dma_start3A_380 = tpu.memref_slice %arg36[%dma_start3A_378, %dma_start3A_379] : memref<352x64xf32, #tpu.memory_space<vmem>> -> memref<128x64xf32, #tpu.memory_space<vmem>>
        %dma_start3A_381 = arith.constant 0 : i32
        %dma_start3A_382 = arith.constant 0 : i32
        %dma_start3A_383 = tpu.memref_slice %arg2[%dma_start3A_381, %dma_start3A_382] : memref<32768x64xf32, #tpu.memory_space<hbm>> -> memref<32768x64xf32, #tpu.memory_space<hbm>>
        tpu.enqueue_indirect_dma source(%dma_start3A_383 : memref<32768x64xf32, #tpu.memory_space<hbm>>) target(%dma_start3A_380 : memref<128x64xf32, #tpu.memory_space<vmem>>) offsets(%arg16 : memref<128xi32, #tpu.memory_space<vmem>>) semaphore(%arg23 : memref<!tpu.dma_semaphore, #tpu.memory_space<semaphore_mem>>)
        %dma_start3A_384 = arith.constant 256 : i32
        %dma_start3A_385 = arith.constant 0 : i32
        %dma_start3A_386 = tpu.memref_slice %arg36[%dma_start3A_384, %dma_start3A_385] : memref<352x64xf32, #tpu.memory_space<vmem>> -> memref<96x64xf32, #tpu.memory_space<vmem>>
        %dma_start3A_387 = arith.constant 0 : i32
        %dma_start3A_388 = arith.constant 0 : i32
        %dma_start3A_389 = tpu.memref_slice %arg2[%dma_start3A_387, %dma_start3A_388] : memref<32768x64xf32, #tpu.memory_space<hbm>> -> memref<32768x64xf32, #tpu.memory_space<hbm>>
        tpu.enqueue_indirect_dma source(%dma_start3A_389 : memref<32768x64xf32, #tpu.memory_space<hbm>>) target(%dma_start3A_386 : memref<96x64xf32, #tpu.memory_space<vmem>>) offsets(%arg17 : memref<96xi32, #tpu.memory_space<vmem>>) semaphore(%arg23 : memref<!tpu.dma_semaphore, #tpu.memory_space<semaphore_mem>>)
      } else {
      }
      %lt3A_247 = arith.constant 128 : i32
      %lt3A_248 = arith.cmpi slt, %add3A_241, %lt3A_247 : i32
      %convert_element_type3A_249 = arith.extui %lt3A_248 : i1 to i32
      %cond3A_250 = arith.constant 0 : i32
      %cond3A_251 = arith.cmpi ne, %convert_element_type3A_249, %cond3A_250 : i32
      scf.if %cond3A_251 {
        %dma_wait3A_341 = arith.constant 0 : i32
        %dma_wait3A_342 = arith.constant 0 : i32
        %dma_wait3A_343 = tpu.memref_slice %arg34[%dma_wait3A_341, %dma_wait3A_342] : memref<352x64xf32, #tpu.memory_space<vmem>> -> memref<128x64xf32, #tpu.memory_space<vmem>>
        %dma_wait3A_344 = arith.constant 0 : i32
        %dma_wait3A_345 = arith.constant 0 : i32
        %dma_wait3A_346 = tpu.memref_slice %arg2[%dma_wait3A_344, %dma_wait3A_345] : memref<32768x64xf32, #tpu.memory_space<hbm>> -> memref<32768x64xf32, #tpu.memory_space<hbm>>
        tpu.wait_indirect_dma semaphore(%arg21 : memref<!tpu.dma_semaphore, #tpu.memory_space<semaphore_mem>>) src(%dma_wait3A_346 : memref<32768x64xf32, #tpu.memory_space<hbm>>) dst(%dma_wait3A_343 : memref<128x64xf32, #tpu.memory_space<vmem>>)
        %dma_wait3A_347 = arith.constant 128 : i32
        %dma_wait3A_348 = arith.constant 0 : i32
        %dma_wait3A_349 = tpu.memref_slice %arg34[%dma_wait3A_347, %dma_wait3A_348] : memref<352x64xf32, #tpu.memory_space<vmem>> -> memref<128x64xf32, #tpu.memory_space<vmem>>
        %dma_wait3A_350 = arith.constant 0 : i32
        %dma_wait3A_351 = arith.constant 0 : i32
        %dma_wait3A_352 = tpu.memref_slice %arg2[%dma_wait3A_350, %dma_wait3A_351] : memref<32768x64xf32, #tpu.memory_space<hbm>> -> memref<32768x64xf32, #tpu.memory_space<hbm>>
        tpu.wait_indirect_dma semaphore(%arg21 : memref<!tpu.dma_semaphore, #tpu.memory_space<semaphore_mem>>) src(%dma_wait3A_352 : memref<32768x64xf32, #tpu.memory_space<hbm>>) dst(%dma_wait3A_349 : memref<128x64xf32, #tpu.memory_space<vmem>>)
        %dma_wait3A_353 = arith.constant 256 : i32
        %dma_wait3A_354 = arith.constant 0 : i32
        %dma_wait3A_355 = tpu.memref_slice %arg34[%dma_wait3A_353, %dma_wait3A_354] : memref<352x64xf32, #tpu.memory_space<vmem>> -> memref<96x64xf32, #tpu.memory_space<vmem>>
        %dma_wait3A_356 = arith.constant 0 : i32
        %dma_wait3A_357 = arith.constant 0 : i32
        %dma_wait3A_358 = tpu.memref_slice %arg2[%dma_wait3A_356, %dma_wait3A_357] : memref<32768x64xf32, #tpu.memory_space<hbm>> -> memref<32768x64xf32, #tpu.memory_space<hbm>>
        tpu.wait_indirect_dma semaphore(%arg21 : memref<!tpu.dma_semaphore, #tpu.memory_space<semaphore_mem>>) src(%dma_wait3A_358 : memref<32768x64xf32, #tpu.memory_space<hbm>>) dst(%dma_wait3A_355 : memref<96x64xf32, #tpu.memory_space<vmem>>)
        %mul3A_359 = arith.constant 32 : i32
        %mul3A_360 = arith.muli %add3A_241, %mul3A_359 : i32
        %add3A_361 = arith.addi %mul3A_2, %mul3A_360 : i32
        %dma_wait3A_362 = arith.constant 0 : i32
        %dma_wait3A_363 = tpu.memref_slice %arg3[%add3A_361, %dma_wait3A_362] : memref<131072x128xbf16, #tpu.memory_space<hbm>> -> memref<32x128xbf16, #tpu.memory_space<hbm>>
        %dma_wait3A_364 = arith.constant 0 : i32
        %dma_wait3A_365 = tpu.memref_slice %arg3[%add3A_361, %dma_wait3A_364] : memref<131072x128xbf16, #tpu.memory_space<hbm>> -> memref<32x128xbf16, #tpu.memory_space<hbm>>
        tpu.wait_dma2 semaphore(%arg18 : memref<!tpu.dma_semaphore, #tpu.memory_space<semaphore_mem>>) src(%dma_wait3A_365 : memref<32x128xbf16, #tpu.memory_space<hbm>>) dst(%arg6 : memref<32x128xbf16, #tpu.memory_space<vmem>>)
        %ge3A = arith.constant 3 : i32
        %ge3A_366 = arith.cmpi sge, %add3A_241, %ge3A : i32
        %convert_element_type3A_367 = arith.extui %ge3A_366 : i1 to i32
        %cond3A_368 = arith.constant 0 : i32
        %cond3A_369 = arith.cmpi ne, %convert_element_type3A_367, %cond3A_368 : i32
        scf.if %cond3A_369 {
          %sub3A_370 = arith.constant 3 : i32
          %sub3A_371 = arith.subi %add3A_241, %sub3A_370 : i32
          %mul3A_372 = arith.constant 32 : i32
          %mul3A_373 = arith.muli %sub3A_371, %mul3A_372 : i32
          %add3A_374 = arith.addi %mul3A_2, %mul3A_373 : i32
          %mul3A_375 = arith.constant 16 : i32
          %mul3A_376 = arith.muli %add3A_374, %mul3A_375 : i32
          %dma_wait3A_377 = tpu.memref_slice %arg5[%mul3A_376] : memref<2097152xf32, #tpu.memory_space<hbm>> -> memref<512xf32, #tpu.memory_space<hbm>>
          %dma_wait3A_378 = tpu.memref_slice %arg5[%mul3A_376] : memref<2097152xf32, #tpu.memory_space<hbm>> -> memref<512xf32, #tpu.memory_space<hbm>>
          tpu.wait_dma2 semaphore(%arg27 : memref<!tpu.dma_semaphore, #tpu.memory_space<semaphore_mem>>) src(%arg30 : memref<512xf32, #tpu.memory_space<vmem>>) dst(%dma_wait3A_378 : memref<512xf32, #tpu.memory_space<hbm>>)
        } else {
        }
      } else {
      }
      %add3A_252 = arith.constant 3 : i32
      %add3A_253 = arith.addi %add3A_241, %add3A_252 : i32
      %lt3A_254 = arith.constant 128 : i32
      %lt3A_255 = arith.cmpi slt, %add3A_253, %lt3A_254 : i32
      %convert_element_type3A_256 = arith.extui %lt3A_255 : i1 to i32
      %cond3A_257 = arith.constant 0 : i32
      %cond3A_258 = arith.cmpi ne, %convert_element_type3A_256, %cond3A_257 : i32
      scf.if %cond3A_258 {
        %add3A_341 = arith.constant 3 : i32
        %add3A_342 = arith.addi %add3A_241, %add3A_341 : i32
        %mul3A_343 = arith.constant 32 : i32
        %mul3A_344 = arith.muli %add3A_342, %mul3A_343 : i32
        %add3A_345 = arith.addi %mul3A_2, %mul3A_344 : i32
        %mul3A_346 = arith.constant 11 : i32
        %mul3A_347 = arith.muli %add3A_345, %mul3A_346 : i32
        %add3A_348 = arith.constant 0 : i32
        %add3A_349 = arith.addi %mul3A_347, %add3A_348 : i32
        %mul3A_350 = arith.constant 32 : i32
        %mul3A_351 = arith.muli %add3A_342, %mul3A_350 : i32
        %add3A_352 = arith.addi %mul3A_2, %mul3A_351 : i32
        %mul3A_353 = arith.constant 11 : i32
        %mul3A_354 = arith.muli %add3A_352, %mul3A_353 : i32
        %add3A_355 = arith.constant 128 : i32
        %add3A_356 = arith.addi %mul3A_354, %add3A_355 : i32
        %mul3A_357 = arith.constant 32 : i32
        %mul3A_358 = arith.muli %add3A_342, %mul3A_357 : i32
        %add3A_359 = arith.addi %mul3A_2, %mul3A_358 : i32
        %mul3A_360 = arith.constant 11 : i32
        %mul3A_361 = arith.muli %add3A_359, %mul3A_360 : i32
        %add3A_362 = arith.constant 256 : i32
        %add3A_363 = arith.addi %mul3A_361, %add3A_362 : i32
        %dma_start3A_364 = tpu.memref_slice %arg4[%add3A_349] : memref<1441792xi32, #tpu.memory_space<hbm>> -> memref<128xi32, #tpu.memory_space<hbm>>
        %dma_start3A_365 = tpu.memref_slice %arg4[%add3A_349] : memref<1441792xi32, #tpu.memory_space<hbm>> -> memref<128xi32, #tpu.memory_space<hbm>>
        tpu.enqueue_dma source(%dma_start3A_365 : memref<128xi32, #tpu.memory_space<hbm>>) target(%arg9 : memref<128xi32, #tpu.memory_space<vmem>>) target_semaphore(%arg24 : memref<!tpu.dma_semaphore, #tpu.memory_space<semaphore_mem>>)
        %dma_start3A_366 = tpu.memref_slice %arg4[%add3A_356] : memref<1441792xi32, #tpu.memory_space<hbm>> -> memref<128xi32, #tpu.memory_space<hbm>>
        %dma_start3A_367 = tpu.memref_slice %arg4[%add3A_356] : memref<1441792xi32, #tpu.memory_space<hbm>> -> memref<128xi32, #tpu.memory_space<hbm>>
        tpu.enqueue_dma source(%dma_start3A_367 : memref<128xi32, #tpu.memory_space<hbm>>) target(%arg10 : memref<128xi32, #tpu.memory_space<vmem>>) target_semaphore(%arg24 : memref<!tpu.dma_semaphore, #tpu.memory_space<semaphore_mem>>)
        %dma_start3A_368 = tpu.memref_slice %arg4[%add3A_363] : memref<1441792xi32, #tpu.memory_space<hbm>> -> memref<96xi32, #tpu.memory_space<hbm>>
        %dma_start3A_369 = tpu.memref_slice %arg4[%add3A_363] : memref<1441792xi32, #tpu.memory_space<hbm>> -> memref<96xi32, #tpu.memory_space<hbm>>
        tpu.enqueue_dma source(%dma_start3A_369 : memref<96xi32, #tpu.memory_space<hbm>>) target(%arg11 : memref<96xi32, #tpu.memory_space<vmem>>) target_semaphore(%arg24 : memref<!tpu.dma_semaphore, #tpu.memory_space<semaphore_mem>>)
      } else {
      }
      %lt3A_259 = arith.constant 128 : i32
      %lt3A_260 = arith.cmpi slt, %add3A_241, %lt3A_259 : i32
      %convert_element_type3A_261 = arith.extui %lt3A_260 : i1 to i32
      %cond3A_262 = arith.constant 0 : i32
      %cond3A_263 = arith.cmpi ne, %convert_element_type3A_261, %cond3A_262 : i32
      scf.if %cond3A_263 {
        %iota3A = tpu.iota {dimensions = array<i32: 0>} : vector<16xi32>
        %eq3A = arith.constant 0 : i32
        %eq3A_341 = vector.broadcast %eq3A : i32 to vector<16xi32>
        %eq3A_342 = arith.cmpi eq, %iota3A, %eq3A_341 : vector<16xi32>
        %jit3A = arith.constant -1.000000e+00 : f32
        %jit3A_343 = arith.constant 1.000000e+00 : f32
        %broadcast_in_dim3A_344 = vector.broadcast %jit3A : f32 to vector<16xf32>
        %broadcast_in_dim3A_345 = vector.broadcast %jit3A_343 : f32 to vector<16xf32>
        %select_n3A = arith.select %eq3A_342, %broadcast_in_dim3A_344, %broadcast_in_dim3A_345 : vector<16xi1>, vector<16xf32>
        %mul3A_346 = arith.constant 16 : i32
        %mul3A_347 = vector.broadcast %mul3A_346 : i32 to vector<16xi32>
        %mul3A_348 = arith.muli %iota3A, %mul3A_347 : vector<16xi32>
        %add3A_349 = arith.constant 0 : i32
        %add3A_350 = vector.broadcast %add3A_349 : i32 to vector<16xi32>
        %add3A_351 = arith.addi %mul3A_348, %add3A_350 : vector<16xi32>
        %mul3A_352 = arith.constant 16 : i32
        %mul3A_353 = vector.broadcast %mul3A_352 : i32 to vector<16xi32>
        %mul3A_354 = arith.muli %iota3A, %mul3A_353 : vector<16xi32>
        %add3A_355 = arith.constant 1 : i32
        %add3A_356 = vector.broadcast %add3A_355 : i32 to vector<16xi32>
        %add3A_357 = arith.addi %mul3A_354, %add3A_356 : vector<16xi32>
        %mul3A_358 = arith.constant 16 : i32
        %mul3A_359 = vector.broadcast %mul3A_358 : i32 to vector<16xi32>
        %mul3A_360 = arith.muli %iota3A, %mul3A_359 : vector<16xi32>
        %add3A_361 = arith.constant 2 : i32
        %add3A_362 = vector.broadcast %add3A_361 : i32 to vector<16xi32>
        %add3A_363 = arith.addi %mul3A_360, %add3A_362 : vector<16xi32>
        %mul3A_364 = arith.constant 16 : i32
        %mul3A_365 = vector.broadcast %mul3A_364 : i32 to vector<16xi32>
        %mul3A_366 = arith.muli %iota3A, %mul3A_365 : vector<16xi32>
        %add3A_367 = arith.constant 3 : i32
        %add3A_368 = vector.broadcast %add3A_367 : i32 to vector<16xi32>
        %add3A_369 = arith.addi %mul3A_366, %add3A_368 : vector<16xi32>
        %mul3A_370 = arith.constant 16 : i32
        %mul3A_371 = vector.broadcast %mul3A_370 : i32 to vector<16xi32>
        %mul3A_372 = arith.muli %iota3A, %mul3A_371 : vector<16xi32>
        %add3A_373 = arith.constant 4 : i32
        %add3A_374 = vector.broadcast %add3A_373 : i32 to vector<16xi32>
        %add3A_375 = arith.addi %mul3A_372, %add3A_374 : vector<16xi32>
        %mul3A_376 = arith.constant 16 : i32
        %mul3A_377 = vector.broadcast %mul3A_376 : i32 to vector<16xi32>
        %mul3A_378 = arith.muli %iota3A, %mul3A_377 : vector<16xi32>
        %add3A_379 = arith.constant 5 : i32
        %add3A_380 = vector.broadcast %add3A_379 : i32 to vector<16xi32>
        %add3A_381 = arith.addi %mul3A_378, %add3A_380 : vector<16xi32>
        %mul3A_382 = arith.constant 16 : i32
        %mul3A_383 = vector.broadcast %mul3A_382 : i32 to vector<16xi32>
        %mul3A_384 = arith.muli %iota3A, %mul3A_383 : vector<16xi32>
        %add3A_385 = arith.constant 6 : i32
        %add3A_386 = vector.broadcast %add3A_385 : i32 to vector<16xi32>
        %add3A_387 = arith.addi %mul3A_384, %add3A_386 : vector<16xi32>
        %mul3A_388 = arith.constant 16 : i32
        %mul3A_389 = vector.broadcast %mul3A_388 : i32 to vector<16xi32>
        %mul3A_390 = arith.muli %iota3A, %mul3A_389 : vector<16xi32>
        %add3A_391 = arith.constant 7 : i32
        %add3A_392 = vector.broadcast %add3A_391 : i32 to vector<16xi32>
        %add3A_393 = arith.addi %mul3A_390, %add3A_392 : vector<16xi32>
        %mul3A_394 = arith.constant 16 : i32
        %mul3A_395 = vector.broadcast %mul3A_394 : i32 to vector<16xi32>
        %mul3A_396 = arith.muli %iota3A, %mul3A_395 : vector<16xi32>
        %add3A_397 = arith.constant 8 : i32
        %add3A_398 = vector.broadcast %add3A_397 : i32 to vector<16xi32>
        %add3A_399 = arith.addi %mul3A_396, %add3A_398 : vector<16xi32>
        %mul3A_400 = arith.constant 16 : i32
        %mul3A_401 = vector.broadcast %mul3A_400 : i32 to vector<16xi32>
        %mul3A_402 = arith.muli %iota3A, %mul3A_401 : vector<16xi32>
        %add3A_403 = arith.constant 9 : i32
        %add3A_404 = vector.broadcast %add3A_403 : i32 to vector<16xi32>
        %add3A_405 = arith.addi %mul3A_402, %add3A_404 : vector<16xi32>
        %mul3A_406 = arith.constant 16 : i32
        %mul3A_407 = vector.broadcast %mul3A_406 : i32 to vector<16xi32>
        %mul3A_408 = arith.muli %iota3A, %mul3A_407 : vector<16xi32>
        %add3A_409 = arith.constant 10 : i32
        %add3A_410 = vector.broadcast %add3A_409 : i32 to vector<16xi32>
        %add3A_411 = arith.addi %mul3A_408, %add3A_410 : vector<16xi32>
        %mul3A_412 = arith.constant 16 : i32
        %mul3A_413 = vector.broadcast %mul3A_412 : i32 to vector<16xi32>
        %mul3A_414 = arith.muli %iota3A, %mul3A_413 : vector<16xi32>
        %add3A_415 = arith.constant 11 : i32
        %add3A_416 = vector.broadcast %add3A_415 : i32 to vector<16xi32>
        %add3A_417 = arith.addi %mul3A_414, %add3A_416 : vector<16xi32>
        %mul3A_418 = arith.constant 16 : i32
        %mul3A_419 = vector.broadcast %mul3A_418 : i32 to vector<16xi32>
        %mul3A_420 = arith.muli %iota3A, %mul3A_419 : vector<16xi32>
        %add3A_421 = arith.constant 12 : i32
        %add3A_422 = vector.broadcast %add3A_421 : i32 to vector<16xi32>
        %add3A_423 = arith.addi %mul3A_420, %add3A_422 : vector<16xi32>
        %mul3A_424 = arith.constant 16 : i32
        %mul3A_425 = vector.broadcast %mul3A_424 : i32 to vector<16xi32>
        %mul3A_426 = arith.muli %iota3A, %mul3A_425 : vector<16xi32>
        %add3A_427 = arith.constant 13 : i32
        %add3A_428 = vector.broadcast %add3A_427 : i32 to vector<16xi32>
        %add3A_429 = arith.addi %mul3A_426, %add3A_428 : vector<16xi32>
        %mul3A_430 = arith.constant 16 : i32
        %mul3A_431 = vector.broadcast %mul3A_430 : i32 to vector<16xi32>
        %mul3A_432 = arith.muli %iota3A, %mul3A_431 : vector<16xi32>
        %add3A_433 = arith.constant 14 : i32
        %add3A_434 = vector.broadcast %add3A_433 : i32 to vector<16xi32>
        %add3A_435 = arith.addi %mul3A_432, %add3A_434 : vector<16xi32>
        %mul3A_436 = arith.constant 16 : i32
        %mul3A_437 = vector.broadcast %mul3A_436 : i32 to vector<16xi32>
        %mul3A_438 = arith.muli %iota3A, %mul3A_437 : vector<16xi32>
        %add3A_439 = arith.constant 15 : i32
        %add3A_440 = vector.broadcast %add3A_439 : i32 to vector<16xi32>
        %add3A_441 = arith.addi %mul3A_438, %add3A_440 : vector<16xi32>
        %mul3A_442 = arith.constant 16 : i32
        %mul3A_443 = vector.broadcast %mul3A_442 : i32 to vector<16xi32>
        %mul3A_444 = arith.muli %iota3A, %mul3A_443 : vector<16xi32>
        %add3A_445 = arith.constant 256 : i32
        %add3A_446 = vector.broadcast %add3A_445 : i32 to vector<16xi32>
        %add3A_447 = arith.addi %mul3A_444, %add3A_446 : vector<16xi32>
        %mul3A_448 = arith.constant 16 : i32
        %mul3A_449 = vector.broadcast %mul3A_448 : i32 to vector<16xi32>
        %mul3A_450 = arith.muli %iota3A, %mul3A_449 : vector<16xi32>
        %add3A_451 = arith.constant 257 : i32
        %add3A_452 = vector.broadcast %add3A_451 : i32 to vector<16xi32>
        %add3A_453 = arith.addi %mul3A_450, %add3A_452 : vector<16xi32>
        %mul3A_454 = arith.constant 16 : i32
        %mul3A_455 = vector.broadcast %mul3A_454 : i32 to vector<16xi32>
        %mul3A_456 = arith.muli %iota3A, %mul3A_455 : vector<16xi32>
        %add3A_457 = arith.constant 258 : i32
        %add3A_458 = vector.broadcast %add3A_457 : i32 to vector<16xi32>
        %add3A_459 = arith.addi %mul3A_456, %add3A_458 : vector<16xi32>
        %mul3A_460 = arith.constant 16 : i32
        %mul3A_461 = vector.broadcast %mul3A_460 : i32 to vector<16xi32>
        %mul3A_462 = arith.muli %iota3A, %mul3A_461 : vector<16xi32>
        %add3A_463 = arith.constant 259 : i32
        %add3A_464 = vector.broadcast %add3A_463 : i32 to vector<16xi32>
        %add3A_465 = arith.addi %mul3A_462, %add3A_464 : vector<16xi32>
        %mul3A_466 = arith.constant 16 : i32
        %mul3A_467 = vector.broadcast %mul3A_466 : i32 to vector<16xi32>
        %mul3A_468 = arith.muli %iota3A, %mul3A_467 : vector<16xi32>
        %add3A_469 = arith.constant 260 : i32
        %add3A_470 = vector.broadcast %add3A_469 : i32 to vector<16xi32>
        %add3A_471 = arith.addi %mul3A_468, %add3A_470 : vector<16xi32>
        %mul3A_472 = arith.constant 16 : i32
        %mul3A_473 = vector.broadcast %mul3A_472 : i32 to vector<16xi32>
        %mul3A_474 = arith.muli %iota3A, %mul3A_473 : vector<16xi32>
        %add3A_475 = arith.constant 261 : i32
        %add3A_476 = vector.broadcast %add3A_475 : i32 to vector<16xi32>
        %add3A_477 = arith.addi %mul3A_474, %add3A_476 : vector<16xi32>
        %mul3A_478 = arith.constant 16 : i32
        %mul3A_479 = vector.broadcast %mul3A_478 : i32 to vector<16xi32>
        %mul3A_480 = arith.muli %iota3A, %mul3A_479 : vector<16xi32>
        %add3A_481 = arith.constant 262 : i32
        %add3A_482 = vector.broadcast %add3A_481 : i32 to vector<16xi32>
        %add3A_483 = arith.addi %mul3A_480, %add3A_482 : vector<16xi32>
        %mul3A_484 = arith.constant 16 : i32
        %mul3A_485 = vector.broadcast %mul3A_484 : i32 to vector<16xi32>
        %mul3A_486 = arith.muli %iota3A, %mul3A_485 : vector<16xi32>
        %add3A_487 = arith.constant 263 : i32
        %add3A_488 = vector.broadcast %add3A_487 : i32 to vector<16xi32>
        %add3A_489 = arith.addi %mul3A_486, %add3A_488 : vector<16xi32>
        %mul3A_490 = arith.constant 16 : i32
        %mul3A_491 = vector.broadcast %mul3A_490 : i32 to vector<16xi32>
        %mul3A_492 = arith.muli %iota3A, %mul3A_491 : vector<16xi32>
        %add3A_493 = arith.constant 264 : i32
        %add3A_494 = vector.broadcast %add3A_493 : i32 to vector<16xi32>
        %add3A_495 = arith.addi %mul3A_492, %add3A_494 : vector<16xi32>
        %mul3A_496 = arith.constant 16 : i32
        %mul3A_497 = vector.broadcast %mul3A_496 : i32 to vector<16xi32>
        %mul3A_498 = arith.muli %iota3A, %mul3A_497 : vector<16xi32>
        %add3A_499 = arith.constant 265 : i32
        %add3A_500 = vector.broadcast %add3A_499 : i32 to vector<16xi32>
        %add3A_501 = arith.addi %mul3A_498, %add3A_500 : vector<16xi32>
        %mul3A_502 = arith.constant 16 : i32
        %mul3A_503 = vector.broadcast %mul3A_502 : i32 to vector<16xi32>
        %mul3A_504 = arith.muli %iota3A, %mul3A_503 : vector<16xi32>
        %add3A_505 = arith.constant 266 : i32
        %add3A_506 = vector.broadcast %add3A_505 : i32 to vector<16xi32>
        %add3A_507 = arith.addi %mul3A_504, %add3A_506 : vector<16xi32>
        %mul3A_508 = arith.constant 16 : i32
        %mul3A_509 = vector.broadcast %mul3A_508 : i32 to vector<16xi32>
        %mul3A_510 = arith.muli %iota3A, %mul3A_509 : vector<16xi32>
        %add3A_511 = arith.constant 267 : i32
        %add3A_512 = vector.broadcast %add3A_511 : i32 to vector<16xi32>
        %add3A_513 = arith.addi %mul3A_510, %add3A_512 : vector<16xi32>
        %mul3A_514 = arith.constant 16 : i32
        %mul3A_515 = vector.broadcast %mul3A_514 : i32 to vector<16xi32>
        %mul3A_516 = arith.muli %iota3A, %mul3A_515 : vector<16xi32>
        %add3A_517 = arith.constant 268 : i32
        %add3A_518 = vector.broadcast %add3A_517 : i32 to vector<16xi32>
        %add3A_519 = arith.addi %mul3A_516, %add3A_518 : vector<16xi32>
        %mul3A_520 = arith.constant 16 : i32
        %mul3A_521 = vector.broadcast %mul3A_520 : i32 to vector<16xi32>
        %mul3A_522 = arith.muli %iota3A, %mul3A_521 : vector<16xi32>
        %add3A_523 = arith.constant 269 : i32
        %add3A_524 = vector.broadcast %add3A_523 : i32 to vector<16xi32>
        %add3A_525 = arith.addi %mul3A_522, %add3A_524 : vector<16xi32>
        %mul3A_526 = arith.constant 16 : i32
        %mul3A_527 = vector.broadcast %mul3A_526 : i32 to vector<16xi32>
        %mul3A_528 = arith.muli %iota3A, %mul3A_527 : vector<16xi32>
        %add3A_529 = arith.constant 270 : i32
        %add3A_530 = vector.broadcast %add3A_529 : i32 to vector<16xi32>
        %add3A_531 = arith.addi %mul3A_528, %add3A_530 : vector<16xi32>
        %mul3A_532 = arith.constant 16 : i32
        %mul3A_533 = vector.broadcast %mul3A_532 : i32 to vector<16xi32>
        %mul3A_534 = arith.muli %iota3A, %mul3A_533 : vector<16xi32>
        %add3A_535 = arith.constant 271 : i32
        %add3A_536 = vector.broadcast %add3A_535 : i32 to vector<16xi32>
        %add3A_537 = arith.addi %mul3A_534, %add3A_536 : vector<16xi32>
        %scan3A_538 = arith.constant 0 : i32
        %scan3A_539 = arith.constant 32 : i32
        %scan3A_540 = arith.addi %scan3A_538, %scan3A_539 : i32
        %scan3A_541 = arith.constant 1 : i32
        scf.for %scan3A_550 = %scan3A_538 to %scan3A_540 step %scan3A_541  : i32 {
          %mul3A_551 = arith.constant 1 : i32
          %mul3A_552 = arith.muli %scan3A_550, %mul3A_551 : i32
          %add3A_553 = arith.constant 0 : i32
          %add3A_554 = arith.addi %add3A_553, %mul3A_552 : i32
          %get3A = arith.index_cast %add3A_554 : i32 to index
          %get3A_555 = arith.constant 0 : index
          %get3A_556 = tpu.vector_load %arg6[%get3A, %get3A_555] {strides = array<i32>} : memref<32x128xbf16, #tpu.memory_space<vmem>>, vector<32xbf16>,
          %unpack3A = tpu.unpack_subelements %get3A_556, 0 {pack_format = #tpu.pack_format<interleaved>} : vector<32xbf16> -> vector<16xf32>
          %unpack3A_557 = tpu.unpack_subelements %get3A_556, 1 {pack_format = #tpu.pack_format<interleaved>} : vector<32xbf16> -> vector<16xf32>
          %get3A_558 = arith.index_cast %add3A_554 : i32 to index
          %get3A_559 = arith.constant 32 : index
          %get3A_560 = tpu.vector_load %arg6[%get3A_558, %get3A_559] {strides = array<i32>} : memref<32x128xbf16, #tpu.memory_space<vmem>>, vector<32xbf16>,
          %unpack3A_561 = tpu.unpack_subelements %get3A_560, 0 {pack_format = #tpu.pack_format<interleaved>} : vector<32xbf16> -> vector<16xf32>
          %unpack3A_562 = tpu.unpack_subelements %get3A_560, 1 {pack_format = #tpu.pack_format<interleaved>} : vector<32xbf16> -> vector<16xf32>
          %get3A_563 = arith.index_cast %add3A_554 : i32 to index
          %get3A_564 = arith.constant 64 : index
          %get3A_565 = tpu.vector_load %arg6[%get3A_563, %get3A_564] {strides = array<i32>} : memref<32x128xbf16, #tpu.memory_space<vmem>>, vector<32xbf16>,
          %unpack3A_566 = tpu.unpack_subelements %get3A_565, 0 {pack_format = #tpu.pack_format<interleaved>} : vector<32xbf16> -> vector<16xf32>
          %unpack3A_567 = tpu.unpack_subelements %get3A_565, 1 {pack_format = #tpu.pack_format<interleaved>} : vector<32xbf16> -> vector<16xf32>
          %get3A_568 = arith.index_cast %add3A_554 : i32 to index
          %get3A_569 = arith.constant 96 : index
          %get3A_570 = tpu.vector_load %arg6[%get3A_568, %get3A_569] {strides = array<i32>} : memref<32x128xbf16, #tpu.memory_space<vmem>>, vector<32xbf16>,
          %unpack3A_571 = tpu.unpack_subelements %get3A_570, 0 {pack_format = #tpu.pack_format<interleaved>} : vector<32xbf16> -> vector<16xf32>
          %unpack3A_572 = tpu.unpack_subelements %get3A_570, 1 {pack_format = #tpu.pack_format<interleaved>} : vector<32xbf16> -> vector<16xf32>
          %mul3A_573 = arith.constant 11 : i32
          %mul3A_574 = arith.muli %add3A_554, %mul3A_573 : i32
          %add3A_575 = arith.constant 0 : i32
          %add3A_576 = arith.addi %mul3A_574, %add3A_575 : i32
          %get3A_577 = arith.index_cast %add3A_576 : i32 to index
          %get3A_578 = arith.constant 0 : index
          %get3A_579 = tpu.vector_load %arg34[%get3A_577, %get3A_578] {strides = array<i32>} : memref<352x64xf32, #tpu.memory_space<vmem>>, vector<16xf32>,
          %bitcast3A = vector.bitcast %get3A_579 : vector<16xf32> to vector<32xbf16>
          %unpack3A_580 = tpu.unpack_subelements %bitcast3A, 0 {pack_format = #tpu.pack_format<interleaved>} : vector<32xbf16> -> vector<16xf32>
          %unpack3A_581 = tpu.unpack_subelements %bitcast3A, 1 {pack_format = #tpu.pack_format<interleaved>} : vector<32xbf16> -> vector<16xf32>
          %mul3A_582 = arith.mulf %unpack3A_580, %unpack3A : vector<16xf32>
          %mul3A_583 = arith.mulf %unpack3A_581, %unpack3A_557 : vector<16xf32>
          %add3A_584 = arith.addf %mul3A_582, %mul3A_583 : vector<16xf32>
          %get3A_585 = arith.index_cast %add3A_576 : i32 to index
          %get3A_586 = arith.constant 16 : index
          %get3A_587 = tpu.vector_load %arg34[%get3A_585, %get3A_586] {strides = array<i32>} : memref<352x64xf32, #tpu.memory_space<vmem>>, vector<16xf32>,
          %bitcast3A_588 = vector.bitcast %get3A_587 : vector<16xf32> to vector<32xbf16>
          %unpack3A_589 = tpu.unpack_subelements %bitcast3A_588, 0 {pack_format = #tpu.pack_format<interleaved>} : vector<32xbf16> -> vector<16xf32>
          %unpack3A_590 = tpu.unpack_subelements %bitcast3A_588, 1 {pack_format = #tpu.pack_format<interleaved>} : vector<32xbf16> -> vector<16xf32>
          %mul3A_591 = arith.mulf %unpack3A_589, %unpack3A_561 : vector<16xf32>
          %mul3A_592 = arith.mulf %unpack3A_590, %unpack3A_562 : vector<16xf32>
          %add3A_593 = arith.addf %mul3A_591, %mul3A_592 : vector<16xf32>
          %get3A_594 = arith.index_cast %add3A_576 : i32 to index
          %get3A_595 = arith.constant 32 : index
          %get3A_596 = tpu.vector_load %arg34[%get3A_594, %get3A_595] {strides = array<i32>} : memref<352x64xf32, #tpu.memory_space<vmem>>, vector<16xf32>,
          %bitcast3A_597 = vector.bitcast %get3A_596 : vector<16xf32> to vector<32xbf16>
          %unpack3A_598 = tpu.unpack_subelements %bitcast3A_597, 0 {pack_format = #tpu.pack_format<interleaved>} : vector<32xbf16> -> vector<16xf32>
          %unpack3A_599 = tpu.unpack_subelements %bitcast3A_597, 1 {pack_format = #tpu.pack_format<interleaved>} : vector<32xbf16> -> vector<16xf32>
          %mul3A_600 = arith.mulf %unpack3A_598, %unpack3A_566 : vector<16xf32>
          %mul3A_601 = arith.mulf %unpack3A_599, %unpack3A_567 : vector<16xf32>
          %add3A_602 = arith.addf %mul3A_600, %mul3A_601 : vector<16xf32>
          %get3A_603 = arith.index_cast %add3A_576 : i32 to index
          %get3A_604 = arith.constant 48 : index
          %get3A_605 = tpu.vector_load %arg34[%get3A_603, %get3A_604] {strides = array<i32>} : memref<352x64xf32, #tpu.memory_space<vmem>>, vector<16xf32>,
          %bitcast3A_606 = vector.bitcast %get3A_605 : vector<16xf32> to vector<32xbf16>
          %unpack3A_607 = tpu.unpack_subelements %bitcast3A_606, 0 {pack_format = #tpu.pack_format<interleaved>} : vector<32xbf16> -> vector<16xf32>
          %unpack3A_608 = tpu.unpack_subelements %bitcast3A_606, 1 {pack_format = #tpu.pack_format<interleaved>} : vector<32xbf16> -> vector<16xf32>
          %mul3A_609 = arith.mulf %unpack3A_607, %unpack3A_571 : vector<16xf32>
          %mul3A_610 = arith.mulf %unpack3A_608, %unpack3A_572 : vector<16xf32>
          %add3A_611 = arith.addf %mul3A_609, %mul3A_610 : vector<16xf32>
          %add3A_612 = arith.addf %add3A_584, %add3A_593 : vector<16xf32>
          %add3A_613 = arith.addf %add3A_612, %add3A_602 : vector<16xf32>
          %add3A_614 = arith.addf %add3A_613, %add3A_611 : vector<16xf32>
          %swap3A_615 = arith.constant 0 : index
          %swap3A_616 = tpu.vector_load %arg33[%swap3A_615] {strides = array<i32>} : memref<512xf32, #tpu.memory_space<vmem>>, vector<16xf32>,
          tpu.vector_store %arg33[%swap3A_615], %add3A_614 {strides = array<i32>} : memref<512xf32, #tpu.memory_space<vmem>>, vector<16xf32>,
          %mul3A_617 = arith.constant 11 : i32
          %mul3A_618 = arith.muli %add3A_554, %mul3A_617 : i32
          %add3A_619 = arith.constant 1 : i32
          %add3A_620 = arith.addi %mul3A_618, %add3A_619 : i32
          %get3A_621 = arith.index_cast %add3A_620 : i32 to index
          %get3A_622 = arith.constant 0 : index
          %get3A_623 = tpu.vector_load %arg34[%get3A_621, %get3A_622] {strides = array<i32>} : memref<352x64xf32, #tpu.memory_space<vmem>>, vector<16xf32>,
          %bitcast3A_624 = vector.bitcast %get3A_623 : vector<16xf32> to vector<32xbf16>
          %unpack3A_625 = tpu.unpack_subelements %bitcast3A_624, 0 {pack_format = #tpu.pack_format<interleaved>} : vector<32xbf16> -> vector<16xf32>
          %unpack3A_626 = tpu.unpack_subelements %bitcast3A_624, 1 {pack_format = #tpu.pack_format<interleaved>} : vector<32xbf16> -> vector<16xf32>
          %mul3A_627 = arith.mulf %unpack3A_625, %unpack3A : vector<16xf32>
          %mul3A_628 = arith.mulf %unpack3A_626, %unpack3A_557 : vector<16xf32>
          %add3A_629 = arith.addf %mul3A_627, %mul3A_628 : vector<16xf32>
          %get3A_630 = arith.index_cast %add3A_620 : i32 to index
          %get3A_631 = arith.constant 16 : index
          %get3A_632 = tpu.vector_load %arg34[%get3A_630, %get3A_631] {strides = array<i32>} : memref<352x64xf32, #tpu.memory_space<vmem>>, vector<16xf32>,
          %bitcast3A_633 = vector.bitcast %get3A_632 : vector<16xf32> to vector<32xbf16>
          %unpack3A_634 = tpu.unpack_subelements %bitcast3A_633, 0 {pack_format = #tpu.pack_format<interleaved>} : vector<32xbf16> -> vector<16xf32>
          %unpack3A_635 = tpu.unpack_subelements %bitcast3A_633, 1 {pack_format = #tpu.pack_format<interleaved>} : vector<32xbf16> -> vector<16xf32>
          %mul3A_636 = arith.mulf %unpack3A_634, %unpack3A_561 : vector<16xf32>
          %mul3A_637 = arith.mulf %unpack3A_635, %unpack3A_562 : vector<16xf32>
          %add3A_638 = arith.addf %mul3A_636, %mul3A_637 : vector<16xf32>
          %get3A_639 = arith.index_cast %add3A_620 : i32 to index
          %get3A_640 = arith.constant 32 : index
          %get3A_641 = tpu.vector_load %arg34[%get3A_639, %get3A_640] {strides = array<i32>} : memref<352x64xf32, #tpu.memory_space<vmem>>, vector<16xf32>,
          %bitcast3A_642 = vector.bitcast %get3A_641 : vector<16xf32> to vector<32xbf16>
          %unpack3A_643 = tpu.unpack_subelements %bitcast3A_642, 0 {pack_format = #tpu.pack_format<interleaved>} : vector<32xbf16> -> vector<16xf32>
          %unpack3A_644 = tpu.unpack_subelements %bitcast3A_642, 1 {pack_format = #tpu.pack_format<interleaved>} : vector<32xbf16> -> vector<16xf32>
          %mul3A_645 = arith.mulf %unpack3A_643, %unpack3A_566 : vector<16xf32>
          %mul3A_646 = arith.mulf %unpack3A_644, %unpack3A_567 : vector<16xf32>
          %add3A_647 = arith.addf %mul3A_645, %mul3A_646 : vector<16xf32>
          %get3A_648 = arith.index_cast %add3A_620 : i32 to index
          %get3A_649 = arith.constant 48 : index
          %get3A_650 = tpu.vector_load %arg34[%get3A_648, %get3A_649] {strides = array<i32>} : memref<352x64xf32, #tpu.memory_space<vmem>>, vector<16xf32>,
          %bitcast3A_651 = vector.bitcast %get3A_650 : vector<16xf32> to vector<32xbf16>
          %unpack3A_652 = tpu.unpack_subelements %bitcast3A_651, 0 {pack_format = #tpu.pack_format<interleaved>} : vector<32xbf16> -> vector<16xf32>
          %unpack3A_653 = tpu.unpack_subelements %bitcast3A_651, 1 {pack_format = #tpu.pack_format<interleaved>} : vector<32xbf16> -> vector<16xf32>
          %mul3A_654 = arith.mulf %unpack3A_652, %unpack3A_571 : vector<16xf32>
          %mul3A_655 = arith.mulf %unpack3A_653, %unpack3A_572 : vector<16xf32>
          %add3A_656 = arith.addf %mul3A_654, %mul3A_655 : vector<16xf32>
          %add3A_657 = arith.addf %add3A_629, %add3A_638 : vector<16xf32>
          %add3A_658 = arith.addf %add3A_657, %add3A_647 : vector<16xf32>
          %add3A_659 = arith.addf %add3A_658, %add3A_656 : vector<16xf32>
          %swap3A_660 = arith.constant 16 : index
          %swap3A_661 = tpu.vector_load %arg33[%swap3A_660] {strides = array<i32>} : memref<512xf32, #tpu.memory_space<vmem>>, vector<16xf32>,
          tpu.vector_store %arg33[%swap3A_660], %add3A_659 {strides = array<i32>} : memref<512xf32, #tpu.memory_space<vmem>>, vector<16xf32>,
          %mul3A_662 = arith.constant 11 : i32
          %mul3A_663 = arith.muli %add3A_554, %mul3A_662 : i32
          %add3A_664 = arith.constant 2 : i32
          %add3A_665 = arith.addi %mul3A_663, %add3A_664 : i32
          %get3A_666 = arith.index_cast %add3A_665 : i32 to index
          %get3A_667 = arith.constant 0 : index
          %get3A_668 = tpu.vector_load %arg34[%get3A_666, %get3A_667] {strides = array<i32>} : memref<352x64xf32, #tpu.memory_space<vmem>>, vector<16xf32>,
          %bitcast3A_669 = vector.bitcast %get3A_668 : vector<16xf32> to vector<32xbf16>
          %unpack3A_670 = tpu.unpack_subelements %bitcast3A_669, 0 {pack_format = #tpu.pack_format<interleaved>} : vector<32xbf16> -> vector<16xf32>
          %unpack3A_671 = tpu.unpack_subelements %bitcast3A_669, 1 {pack_format = #tpu.pack_format<interleaved>} : vector<32xbf16> -> vector<16xf32>
          %mul3A_672 = arith.mulf %unpack3A_670, %unpack3A : vector<16xf32>
          %mul3A_673 = arith.mulf %unpack3A_671, %unpack3A_557 : vector<16xf32>
          %add3A_674 = arith.addf %mul3A_672, %mul3A_673 : vector<16xf32>
          %get3A_675 = arith.index_cast %add3A_665 : i32 to index
          %get3A_676 = arith.constant 16 : index
          %get3A_677 = tpu.vector_load %arg34[%get3A_675, %get3A_676] {strides = array<i32>} : memref<352x64xf32, #tpu.memory_space<vmem>>, vector<16xf32>,
          %bitcast3A_678 = vector.bitcast %get3A_677 : vector<16xf32> to vector<32xbf16>
          %unpack3A_679 = tpu.unpack_subelements %bitcast3A_678, 0 {pack_format = #tpu.pack_format<interleaved>} : vector<32xbf16> -> vector<16xf32>
          %unpack3A_680 = tpu.unpack_subelements %bitcast3A_678, 1 {pack_format = #tpu.pack_format<interleaved>} : vector<32xbf16> -> vector<16xf32>
          %mul3A_681 = arith.mulf %unpack3A_679, %unpack3A_561 : vector<16xf32>
          %mul3A_682 = arith.mulf %unpack3A_680, %unpack3A_562 : vector<16xf32>
          %add3A_683 = arith.addf %mul3A_681, %mul3A_682 : vector<16xf32>
          %get3A_684 = arith.index_cast %add3A_665 : i32 to index
          %get3A_685 = arith.constant 32 : index
          %get3A_686 = tpu.vector_load %arg34[%get3A_684, %get3A_685] {strides = array<i32>} : memref<352x64xf32, #tpu.memory_space<vmem>>, vector<16xf32>,
          %bitcast3A_687 = vector.bitcast %get3A_686 : vector<16xf32> to vector<32xbf16>
          %unpack3A_688 = tpu.unpack_subelements %bitcast3A_687, 0 {pack_format = #tpu.pack_format<interleaved>} : vector<32xbf16> -> vector<16xf32>
          %unpack3A_689 = tpu.unpack_subelements %bitcast3A_687, 1 {pack_format = #tpu.pack_format<interleaved>} : vector<32xbf16> -> vector<16xf32>
          %mul3A_690 = arith.mulf %unpack3A_688, %unpack3A_566 : vector<16xf32>
          %mul3A_691 = arith.mulf %unpack3A_689, %unpack3A_567 : vector<16xf32>
          %add3A_692 = arith.addf %mul3A_690, %mul3A_691 : vector<16xf32>
          %get3A_693 = arith.index_cast %add3A_665 : i32 to index
          %get3A_694 = arith.constant 48 : index
          %get3A_695 = tpu.vector_load %arg34[%get3A_693, %get3A_694] {strides = array<i32>} : memref<352x64xf32, #tpu.memory_space<vmem>>, vector<16xf32>,
          %bitcast3A_696 = vector.bitcast %get3A_695 : vector<16xf32> to vector<32xbf16>
          %unpack3A_697 = tpu.unpack_subelements %bitcast3A_696, 0 {pack_format = #tpu.pack_format<interleaved>} : vector<32xbf16> -> vector<16xf32>
          %unpack3A_698 = tpu.unpack_subelements %bitcast3A_696, 1 {pack_format = #tpu.pack_format<interleaved>} : vector<32xbf16> -> vector<16xf32>
          %mul3A_699 = arith.mulf %unpack3A_697, %unpack3A_571 : vector<16xf32>
          %mul3A_700 = arith.mulf %unpack3A_698, %unpack3A_572 : vector<16xf32>
          %add3A_701 = arith.addf %mul3A_699, %mul3A_700 : vector<16xf32>
          %add3A_702 = arith.addf %add3A_674, %add3A_683 : vector<16xf32>
          %add3A_703 = arith.addf %add3A_702, %add3A_692 : vector<16xf32>
          %add3A_704 = arith.addf %add3A_703, %add3A_701 : vector<16xf32>
          %swap3A_705 = arith.constant 32 : index
          %swap3A_706 = tpu.vector_load %arg33[%swap3A_705] {strides = array<i32>} : memref<512xf32, #tpu.memory_space<vmem>>, vector<16xf32>,
          tpu.vector_store %arg33[%swap3A_705], %add3A_704 {strides = array<i32>} : memref<512xf32, #tpu.memory_space<vmem>>, vector<16xf32>,
          %mul3A_707 = arith.constant 11 : i32
          %mul3A_708 = arith.muli %add3A_554, %mul3A_707 : i32
          %add3A_709 = arith.constant 3 : i32
          %add3A_710 = arith.addi %mul3A_708, %add3A_709 : i32
          %get3A_711 = arith.index_cast %add3A_710 : i32 to index
          %get3A_712 = arith.constant 0 : index
          %get3A_713 = tpu.vector_load %arg34[%get3A_711, %get3A_712] {strides = array<i32>} : memref<352x64xf32, #tpu.memory_space<vmem>>, vector<16xf32>,
          %bitcast3A_714 = vector.bitcast %get3A_713 : vector<16xf32> to vector<32xbf16>
          %unpack3A_715 = tpu.unpack_subelements %bitcast3A_714, 0 {pack_format = #tpu.pack_format<interleaved>} : vector<32xbf16> -> vector<16xf32>
          %unpack3A_716 = tpu.unpack_subelements %bitcast3A_714, 1 {pack_format = #tpu.pack_format<interleaved>} : vector<32xbf16> -> vector<16xf32>
          %mul3A_717 = arith.mulf %unpack3A_715, %unpack3A : vector<16xf32>
          %mul3A_718 = arith.mulf %unpack3A_716, %unpack3A_557 : vector<16xf32>
          %add3A_719 = arith.addf %mul3A_717, %mul3A_718 : vector<16xf32>
          %get3A_720 = arith.index_cast %add3A_710 : i32 to index
          %get3A_721 = arith.constant 16 : index
          %get3A_722 = tpu.vector_load %arg34[%get3A_720, %get3A_721] {strides = array<i32>} : memref<352x64xf32, #tpu.memory_space<vmem>>, vector<16xf32>,
          %bitcast3A_723 = vector.bitcast %get3A_722 : vector<16xf32> to vector<32xbf16>
          %unpack3A_724 = tpu.unpack_subelements %bitcast3A_723, 0 {pack_format = #tpu.pack_format<interleaved>} : vector<32xbf16> -> vector<16xf32>
          %unpack3A_725 = tpu.unpack_subelements %bitcast3A_723, 1 {pack_format = #tpu.pack_format<interleaved>} : vector<32xbf16> -> vector<16xf32>
          %mul3A_726 = arith.mulf %unpack3A_724, %unpack3A_561 : vector<16xf32>
          %mul3A_727 = arith.mulf %unpack3A_725, %unpack3A_562 : vector<16xf32>
          %add3A_728 = arith.addf %mul3A_726, %mul3A_727 : vector<16xf32>
          %get3A_729 = arith.index_cast %add3A_710 : i32 to index
          %get3A_730 = arith.constant 32 : index
          %get3A_731 = tpu.vector_load %arg34[%get3A_729, %get3A_730] {strides = array<i32>} : memref<352x64xf32, #tpu.memory_space<vmem>>, vector<16xf32>,
          %bitcast3A_732 = vector.bitcast %get3A_731 : vector<16xf32> to vector<32xbf16>
          %unpack3A_733 = tpu.unpack_subelements %bitcast3A_732, 0 {pack_format = #tpu.pack_format<interleaved>} : vector<32xbf16> -> vector<16xf32>
          %unpack3A_734 = tpu.unpack_subelements %bitcast3A_732, 1 {pack_format = #tpu.pack_format<interleaved>} : vector<32xbf16> -> vector<16xf32>
          %mul3A_735 = arith.mulf %unpack3A_733, %unpack3A_566 : vector<16xf32>
          %mul3A_736 = arith.mulf %unpack3A_734, %unpack3A_567 : vector<16xf32>
          %add3A_737 = arith.addf %mul3A_735, %mul3A_736 : vector<16xf32>
          %get3A_738 = arith.index_cast %add3A_710 : i32 to index
          %get3A_739 = arith.constant 48 : index
          %get3A_740 = tpu.vector_load %arg34[%get3A_738, %get3A_739] {strides = array<i32>} : memref<352x64xf32, #tpu.memory_space<vmem>>, vector<16xf32>,
          %bitcast3A_741 = vector.bitcast %get3A_740 : vector<16xf32> to vector<32xbf16>
          %unpack3A_742 = tpu.unpack_subelements %bitcast3A_741, 0 {pack_format = #tpu.pack_format<interleaved>} : vector<32xbf16> -> vector<16xf32>
          %unpack3A_743 = tpu.unpack_subelements %bitcast3A_741, 1 {pack_format = #tpu.pack_format<interleaved>} : vector<32xbf16> -> vector<16xf32>
          %mul3A_744 = arith.mulf %unpack3A_742, %unpack3A_571 : vector<16xf32>
          %mul3A_745 = arith.mulf %unpack3A_743, %unpack3A_572 : vector<16xf32>
          %add3A_746 = arith.addf %mul3A_744, %mul3A_745 : vector<16xf32>
          %add3A_747 = arith.addf %add3A_719, %add3A_728 : vector<16xf32>
          %add3A_748 = arith.addf %add3A_747, %add3A_737 : vector<16xf32>
          %add3A_749 = arith.addf %add3A_748, %add3A_746 : vector<16xf32>
          %swap3A_750 = arith.constant 48 : index
          %swap3A_751 = tpu.vector_load %arg33[%swap3A_750] {strides = array<i32>} : memref<512xf32, #tpu.memory_space<vmem>>, vector<16xf32>,
          tpu.vector_store %arg33[%swap3A_750], %add3A_749 {strides = array<i32>} : memref<512xf32, #tpu.memory_space<vmem>>, vector<16xf32>,
          %mul3A_752 = arith.constant 11 : i32
          %mul3A_753 = arith.muli %add3A_554, %mul3A_752 : i32
          %add3A_754 = arith.constant 4 : i32
          %add3A_755 = arith.addi %mul3A_753, %add3A_754 : i32
          %get3A_756 = arith.index_cast %add3A_755 : i32 to index
          %get3A_757 = arith.constant 0 : index
          %get3A_758 = tpu.vector_load %arg34[%get3A_756, %get3A_757] {strides = array<i32>} : memref<352x64xf32, #tpu.memory_space<vmem>>, vector<16xf32>,
          %bitcast3A_759 = vector.bitcast %get3A_758 : vector<16xf32> to vector<32xbf16>
          %unpack3A_760 = tpu.unpack_subelements %bitcast3A_759, 0 {pack_format = #tpu.pack_format<interleaved>} : vector<32xbf16> -> vector<16xf32>
          %unpack3A_761 = tpu.unpack_subelements %bitcast3A_759, 1 {pack_format = #tpu.pack_format<interleaved>} : vector<32xbf16> -> vector<16xf32>
          %mul3A_762 = arith.mulf %unpack3A_760, %unpack3A : vector<16xf32>
          %mul3A_763 = arith.mulf %unpack3A_761, %unpack3A_557 : vector<16xf32>
          %add3A_764 = arith.addf %mul3A_762, %mul3A_763 : vector<16xf32>
          %get3A_765 = arith.index_cast %add3A_755 : i32 to index
          %get3A_766 = arith.constant 16 : index
          %get3A_767 = tpu.vector_load %arg34[%get3A_765, %get3A_766] {strides = array<i32>} : memref<352x64xf32, #tpu.memory_space<vmem>>, vector<16xf32>,
          %bitcast3A_768 = vector.bitcast %get3A_767 : vector<16xf32> to vector<32xbf16>
          %unpack3A_769 = tpu.unpack_subelements %bitcast3A_768, 0 {pack_format = #tpu.pack_format<interleaved>} : vector<32xbf16> -> vector<16xf32>
          %unpack3A_770 = tpu.unpack_subelements %bitcast3A_768, 1 {pack_format = #tpu.pack_format<interleaved>} : vector<32xbf16> -> vector<16xf32>
          %mul3A_771 = arith.mulf %unpack3A_769, %unpack3A_561 : vector<16xf32>
          %mul3A_772 = arith.mulf %unpack3A_770, %unpack3A_562 : vector<16xf32>
          %add3A_773 = arith.addf %mul3A_771, %mul3A_772 : vector<16xf32>
          %get3A_774 = arith.index_cast %add3A_755 : i32 to index
          %get3A_775 = arith.constant 32 : index
          %get3A_776 = tpu.vector_load %arg34[%get3A_774, %get3A_775] {strides = array<i32>} : memref<352x64xf32, #tpu.memory_space<vmem>>, vector<16xf32>,
          %bitcast3A_777 = vector.bitcast %get3A_776 : vector<16xf32> to vector<32xbf16>
          %unpack3A_778 = tpu.unpack_subelements %bitcast3A_777, 0 {pack_format = #tpu.pack_format<interleaved>} : vector<32xbf16> -> vector<16xf32>
          %unpack3A_779 = tpu.unpack_subelements %bitcast3A_777, 1 {pack_format = #tpu.pack_format<interleaved>} : vector<32xbf16> -> vector<16xf32>
          %mul3A_780 = arith.mulf %unpack3A_778, %unpack3A_566 : vector<16xf32>
          %mul3A_781 = arith.mulf %unpack3A_779, %unpack3A_567 : vector<16xf32>
          %add3A_782 = arith.addf %mul3A_780, %mul3A_781 : vector<16xf32>
          %get3A_783 = arith.index_cast %add3A_755 : i32 to index
          %get3A_784 = arith.constant 48 : index
          %get3A_785 = tpu.vector_load %arg34[%get3A_783, %get3A_784] {strides = array<i32>} : memref<352x64xf32, #tpu.memory_space<vmem>>, vector<16xf32>,
          %bitcast3A_786 = vector.bitcast %get3A_785 : vector<16xf32> to vector<32xbf16>
          %unpack3A_787 = tpu.unpack_subelements %bitcast3A_786, 0 {pack_format = #tpu.pack_format<interleaved>} : vector<32xbf16> -> vector<16xf32>
          %unpack3A_788 = tpu.unpack_subelements %bitcast3A_786, 1 {pack_format = #tpu.pack_format<interleaved>} : vector<32xbf16> -> vector<16xf32>
          %mul3A_789 = arith.mulf %unpack3A_787, %unpack3A_571 : vector<16xf32>
          %mul3A_790 = arith.mulf %unpack3A_788, %unpack3A_572 : vector<16xf32>
          %add3A_791 = arith.addf %mul3A_789, %mul3A_790 : vector<16xf32>
          %add3A_792 = arith.addf %add3A_764, %add3A_773 : vector<16xf32>
          %add3A_793 = arith.addf %add3A_792, %add3A_782 : vector<16xf32>
          %add3A_794 = arith.addf %add3A_793, %add3A_791 : vector<16xf32>
          %swap3A_795 = arith.constant 64 : index
          %swap3A_796 = tpu.vector_load %arg33[%swap3A_795] {strides = array<i32>} : memref<512xf32, #tpu.memory_space<vmem>>, vector<16xf32>,
          tpu.vector_store %arg33[%swap3A_795], %add3A_794 {strides = array<i32>} : memref<512xf32, #tpu.memory_space<vmem>>, vector<16xf32>,
          %mul3A_797 = arith.constant 11 : i32
          %mul3A_798 = arith.muli %add3A_554, %mul3A_797 : i32
          %add3A_799 = arith.constant 5 : i32
          %add3A_800 = arith.addi %mul3A_798, %add3A_799 : i32
          %get3A_801 = arith.index_cast %add3A_800 : i32 to index
          %get3A_802 = arith.constant 0 : index
          %get3A_803 = tpu.vector_load %arg34[%get3A_801, %get3A_802] {strides = array<i32>} : memref<352x64xf32, #tpu.memory_space<vmem>>, vector<16xf32>,
          %bitcast3A_804 = vector.bitcast %get3A_803 : vector<16xf32> to vector<32xbf16>
          %unpack3A_805 = tpu.unpack_subelements %bitcast3A_804, 0 {pack_format = #tpu.pack_format<interleaved>} : vector<32xbf16> -> vector<16xf32>
          %unpack3A_806 = tpu.unpack_subelements %bitcast3A_804, 1 {pack_format = #tpu.pack_format<interleaved>} : vector<32xbf16> -> vector<16xf32>
          %mul3A_807 = arith.mulf %unpack3A_805, %unpack3A : vector<16xf32>
          %mul3A_808 = arith.mulf %unpack3A_806, %unpack3A_557 : vector<16xf32>
          %add3A_809 = arith.addf %mul3A_807, %mul3A_808 : vector<16xf32>
          %get3A_810 = arith.index_cast %add3A_800 : i32 to index
          %get3A_811 = arith.constant 16 : index
          %get3A_812 = tpu.vector_load %arg34[%get3A_810, %get3A_811] {strides = array<i32>} : memref<352x64xf32, #tpu.memory_space<vmem>>, vector<16xf32>,
          %bitcast3A_813 = vector.bitcast %get3A_812 : vector<16xf32> to vector<32xbf16>
          %unpack3A_814 = tpu.unpack_subelements %bitcast3A_813, 0 {pack_format = #tpu.pack_format<interleaved>} : vector<32xbf16> -> vector<16xf32>
          %unpack3A_815 = tpu.unpack_subelements %bitcast3A_813, 1 {pack_format = #tpu.pack_format<interleaved>} : vector<32xbf16> -> vector<16xf32>
          %mul3A_816 = arith.mulf %unpack3A_814, %unpack3A_561 : vector<16xf32>
          %mul3A_817 = arith.mulf %unpack3A_815, %unpack3A_562 : vector<16xf32>
          %add3A_818 = arith.addf %mul3A_816, %mul3A_817 : vector<16xf32>
          %get3A_819 = arith.index_cast %add3A_800 : i32 to index
          %get3A_820 = arith.constant 32 : index
          %get3A_821 = tpu.vector_load %arg34[%get3A_819, %get3A_820] {strides = array<i32>} : memref<352x64xf32, #tpu.memory_space<vmem>>, vector<16xf32>,
          %bitcast3A_822 = vector.bitcast %get3A_821 : vector<16xf32> to vector<32xbf16>
          %unpack3A_823 = tpu.unpack_subelements %bitcast3A_822, 0 {pack_format = #tpu.pack_format<interleaved>} : vector<32xbf16> -> vector<16xf32>
          %unpack3A_824 = tpu.unpack_subelements %bitcast3A_822, 1 {pack_format = #tpu.pack_format<interleaved>} : vector<32xbf16> -> vector<16xf32>
          %mul3A_825 = arith.mulf %unpack3A_823, %unpack3A_566 : vector<16xf32>
          %mul3A_826 = arith.mulf %unpack3A_824, %unpack3A_567 : vector<16xf32>
          %add3A_827 = arith.addf %mul3A_825, %mul3A_826 : vector<16xf32>
          %get3A_828 = arith.index_cast %add3A_800 : i32 to index
          %get3A_829 = arith.constant 48 : index
          %get3A_830 = tpu.vector_load %arg34[%get3A_828, %get3A_829] {strides = array<i32>} : memref<352x64xf32, #tpu.memory_space<vmem>>, vector<16xf32>,
          %bitcast3A_831 = vector.bitcast %get3A_830 : vector<16xf32> to vector<32xbf16>
          %unpack3A_832 = tpu.unpack_subelements %bitcast3A_831, 0 {pack_format = #tpu.pack_format<interleaved>} : vector<32xbf16> -> vector<16xf32>
          %unpack3A_833 = tpu.unpack_subelements %bitcast3A_831, 1 {pack_format = #tpu.pack_format<interleaved>} : vector<32xbf16> -> vector<16xf32>
          %mul3A_834 = arith.mulf %unpack3A_832, %unpack3A_571 : vector<16xf32>
          %mul3A_835 = arith.mulf %unpack3A_833, %unpack3A_572 : vector<16xf32>
          %add3A_836 = arith.addf %mul3A_834, %mul3A_835 : vector<16xf32>
          %add3A_837 = arith.addf %add3A_809, %add3A_818 : vector<16xf32>
          %add3A_838 = arith.addf %add3A_837, %add3A_827 : vector<16xf32>
          %add3A_839 = arith.addf %add3A_838, %add3A_836 : vector<16xf32>
          %swap3A_840 = arith.constant 80 : index
          %swap3A_841 = tpu.vector_load %arg33[%swap3A_840] {strides = array<i32>} : memref<512xf32, #tpu.memory_space<vmem>>, vector<16xf32>,
          tpu.vector_store %arg33[%swap3A_840], %add3A_839 {strides = array<i32>} : memref<512xf32, #tpu.memory_space<vmem>>, vector<16xf32>,
          %mul3A_842 = arith.constant 11 : i32
          %mul3A_843 = arith.muli %add3A_554, %mul3A_842 : i32
          %add3A_844 = arith.constant 6 : i32
          %add3A_845 = arith.addi %mul3A_843, %add3A_844 : i32
          %get3A_846 = arith.index_cast %add3A_845 : i32 to index
          %get3A_847 = arith.constant 0 : index
          %get3A_848 = tpu.vector_load %arg34[%get3A_846, %get3A_847] {strides = array<i32>} : memref<352x64xf32, #tpu.memory_space<vmem>>, vector<16xf32>,
          %bitcast3A_849 = vector.bitcast %get3A_848 : vector<16xf32> to vector<32xbf16>
          %unpack3A_850 = tpu.unpack_subelements %bitcast3A_849, 0 {pack_format = #tpu.pack_format<interleaved>} : vector<32xbf16> -> vector<16xf32>
          %unpack3A_851 = tpu.unpack_subelements %bitcast3A_849, 1 {pack_format = #tpu.pack_format<interleaved>} : vector<32xbf16> -> vector<16xf32>
          %mul3A_852 = arith.mulf %unpack3A_850, %unpack3A : vector<16xf32>
          %mul3A_853 = arith.mulf %unpack3A_851, %unpack3A_557 : vector<16xf32>
          %add3A_854 = arith.addf %mul3A_852, %mul3A_853 : vector<16xf32>
          %get3A_855 = arith.index_cast %add3A_845 : i32 to index
          %get3A_856 = arith.constant 16 : index
          %get3A_857 = tpu.vector_load %arg34[%get3A_855, %get3A_856] {strides = array<i32>} : memref<352x64xf32, #tpu.memory_space<vmem>>, vector<16xf32>,
          %bitcast3A_858 = vector.bitcast %get3A_857 : vector<16xf32> to vector<32xbf16>
          %unpack3A_859 = tpu.unpack_subelements %bitcast3A_858, 0 {pack_format = #tpu.pack_format<interleaved>} : vector<32xbf16> -> vector<16xf32>
          %unpack3A_860 = tpu.unpack_subelements %bitcast3A_858, 1 {pack_format = #tpu.pack_format<interleaved>} : vector<32xbf16> -> vector<16xf32>
          %mul3A_861 = arith.mulf %unpack3A_859, %unpack3A_561 : vector<16xf32>
          %mul3A_862 = arith.mulf %unpack3A_860, %unpack3A_562 : vector<16xf32>
          %add3A_863 = arith.addf %mul3A_861, %mul3A_862 : vector<16xf32>
          %get3A_864 = arith.index_cast %add3A_845 : i32 to index
          %get3A_865 = arith.constant 32 : index
          %get3A_866 = tpu.vector_load %arg34[%get3A_864, %get3A_865] {strides = array<i32>} : memref<352x64xf32, #tpu.memory_space<vmem>>, vector<16xf32>,
          %bitcast3A_867 = vector.bitcast %get3A_866 : vector<16xf32> to vector<32xbf16>
          %unpack3A_868 = tpu.unpack_subelements %bitcast3A_867, 0 {pack_format = #tpu.pack_format<interleaved>} : vector<32xbf16> -> vector<16xf32>
          %unpack3A_869 = tpu.unpack_subelements %bitcast3A_867, 1 {pack_format = #tpu.pack_format<interleaved>} : vector<32xbf16> -> vector<16xf32>
          %mul3A_870 = arith.mulf %unpack3A_868, %unpack3A_566 : vector<16xf32>
          %mul3A_871 = arith.mulf %unpack3A_869, %unpack3A_567 : vector<16xf32>
          %add3A_872 = arith.addf %mul3A_870, %mul3A_871 : vector<16xf32>
          %get3A_873 = arith.index_cast %add3A_845 : i32 to index
          %get3A_874 = arith.constant 48 : index
          %get3A_875 = tpu.vector_load %arg34[%get3A_873, %get3A_874] {strides = array<i32>} : memref<352x64xf32, #tpu.memory_space<vmem>>, vector<16xf32>,
          %bitcast3A_876 = vector.bitcast %get3A_875 : vector<16xf32> to vector<32xbf16>
          %unpack3A_877 = tpu.unpack_subelements %bitcast3A_876, 0 {pack_format = #tpu.pack_format<interleaved>} : vector<32xbf16> -> vector<16xf32>
          %unpack3A_878 = tpu.unpack_subelements %bitcast3A_876, 1 {pack_format = #tpu.pack_format<interleaved>} : vector<32xbf16> -> vector<16xf32>
          %mul3A_879 = arith.mulf %unpack3A_877, %unpack3A_571 : vector<16xf32>
          %mul3A_880 = arith.mulf %unpack3A_878, %unpack3A_572 : vector<16xf32>
          %add3A_881 = arith.addf %mul3A_879, %mul3A_880 : vector<16xf32>
          %add3A_882 = arith.addf %add3A_854, %add3A_863 : vector<16xf32>
          %add3A_883 = arith.addf %add3A_882, %add3A_872 : vector<16xf32>
          %add3A_884 = arith.addf %add3A_883, %add3A_881 : vector<16xf32>
          %swap3A_885 = arith.constant 96 : index
          %swap3A_886 = tpu.vector_load %arg33[%swap3A_885] {strides = array<i32>} : memref<512xf32, #tpu.memory_space<vmem>>, vector<16xf32>,
          tpu.vector_store %arg33[%swap3A_885], %add3A_884 {strides = array<i32>} : memref<512xf32, #tpu.memory_space<vmem>>, vector<16xf32>,
          %mul3A_887 = arith.constant 11 : i32
          %mul3A_888 = arith.muli %add3A_554, %mul3A_887 : i32
          %add3A_889 = arith.constant 7 : i32
          %add3A_890 = arith.addi %mul3A_888, %add3A_889 : i32
          %get3A_891 = arith.index_cast %add3A_890 : i32 to index
          %get3A_892 = arith.constant 0 : index
          %get3A_893 = tpu.vector_load %arg34[%get3A_891, %get3A_892] {strides = array<i32>} : memref<352x64xf32, #tpu.memory_space<vmem>>, vector<16xf32>,
          %bitcast3A_894 = vector.bitcast %get3A_893 : vector<16xf32> to vector<32xbf16>
          %unpack3A_895 = tpu.unpack_subelements %bitcast3A_894, 0 {pack_format = #tpu.pack_format<interleaved>} : vector<32xbf16> -> vector<16xf32>
          %unpack3A_896 = tpu.unpack_subelements %bitcast3A_894, 1 {pack_format = #tpu.pack_format<interleaved>} : vector<32xbf16> -> vector<16xf32>
          %mul3A_897 = arith.mulf %unpack3A_895, %unpack3A : vector<16xf32>
          %mul3A_898 = arith.mulf %unpack3A_896, %unpack3A_557 : vector<16xf32>
          %add3A_899 = arith.addf %mul3A_897, %mul3A_898 : vector<16xf32>
          %get3A_900 = arith.index_cast %add3A_890 : i32 to index
          %get3A_901 = arith.constant 16 : index
          %get3A_902 = tpu.vector_load %arg34[%get3A_900, %get3A_901] {strides = array<i32>} : memref<352x64xf32, #tpu.memory_space<vmem>>, vector<16xf32>,
          %bitcast3A_903 = vector.bitcast %get3A_902 : vector<16xf32> to vector<32xbf16>
          %unpack3A_904 = tpu.unpack_subelements %bitcast3A_903, 0 {pack_format = #tpu.pack_format<interleaved>} : vector<32xbf16> -> vector<16xf32>
          %unpack3A_905 = tpu.unpack_subelements %bitcast3A_903, 1 {pack_format = #tpu.pack_format<interleaved>} : vector<32xbf16> -> vector<16xf32>
          %mul3A_906 = arith.mulf %unpack3A_904, %unpack3A_561 : vector<16xf32>
          %mul3A_907 = arith.mulf %unpack3A_905, %unpack3A_562 : vector<16xf32>
          %add3A_908 = arith.addf %mul3A_906, %mul3A_907 : vector<16xf32>
          %get3A_909 = arith.index_cast %add3A_890 : i32 to index
          %get3A_910 = arith.constant 32 : index
          %get3A_911 = tpu.vector_load %arg34[%get3A_909, %get3A_910] {strides = array<i32>} : memref<352x64xf32, #tpu.memory_space<vmem>>, vector<16xf32>,
          %bitcast3A_912 = vector.bitcast %get3A_911 : vector<16xf32> to vector<32xbf16>
          %unpack3A_913 = tpu.unpack_subelements %bitcast3A_912, 0 {pack_format = #tpu.pack_format<interleaved>} : vector<32xbf16> -> vector<16xf32>
          %unpack3A_914 = tpu.unpack_subelements %bitcast3A_912, 1 {pack_format = #tpu.pack_format<interleaved>} : vector<32xbf16> -> vector<16xf32>
          %mul3A_915 = arith.mulf %unpack3A_913, %unpack3A_566 : vector<16xf32>
          %mul3A_916 = arith.mulf %unpack3A_914, %unpack3A_567 : vector<16xf32>
          %add3A_917 = arith.addf %mul3A_915, %mul3A_916 : vector<16xf32>
          %get3A_918 = arith.index_cast %add3A_890 : i32 to index
          %get3A_919 = arith.constant 48 : index
          %get3A_920 = tpu.vector_load %arg34[%get3A_918, %get3A_919] {strides = array<i32>} : memref<352x64xf32, #tpu.memory_space<vmem>>, vector<16xf32>,
          %bitcast3A_921 = vector.bitcast %get3A_920 : vector<16xf32> to vector<32xbf16>
          %unpack3A_922 = tpu.unpack_subelements %bitcast3A_921, 0 {pack_format = #tpu.pack_format<interleaved>} : vector<32xbf16> -> vector<16xf32>
          %unpack3A_923 = tpu.unpack_subelements %bitcast3A_921, 1 {pack_format = #tpu.pack_format<interleaved>} : vector<32xbf16> -> vector<16xf32>
          %mul3A_924 = arith.mulf %unpack3A_922, %unpack3A_571 : vector<16xf32>
          %mul3A_925 = arith.mulf %unpack3A_923, %unpack3A_572 : vector<16xf32>
          %add3A_926 = arith.addf %mul3A_924, %mul3A_925 : vector<16xf32>
          %add3A_927 = arith.addf %add3A_899, %add3A_908 : vector<16xf32>
          %add3A_928 = arith.addf %add3A_927, %add3A_917 : vector<16xf32>
          %add3A_929 = arith.addf %add3A_928, %add3A_926 : vector<16xf32>
          %swap3A_930 = arith.constant 112 : index
          %swap3A_931 = tpu.vector_load %arg33[%swap3A_930] {strides = array<i32>} : memref<512xf32, #tpu.memory_space<vmem>>, vector<16xf32>,
          tpu.vector_store %arg33[%swap3A_930], %add3A_929 {strides = array<i32>} : memref<512xf32, #tpu.memory_space<vmem>>, vector<16xf32>,
          %mul3A_932 = arith.constant 11 : i32
          %mul3A_933 = arith.muli %add3A_554, %mul3A_932 : i32
          %add3A_934 = arith.constant 8 : i32
          %add3A_935 = arith.addi %mul3A_933, %add3A_934 : i32
          %get3A_936 = arith.index_cast %add3A_935 : i32 to index
          %get3A_937 = arith.constant 0 : index
          %get3A_938 = tpu.vector_load %arg34[%get3A_936, %get3A_937] {strides = array<i32>} : memref<352x64xf32, #tpu.memory_space<vmem>>, vector<16xf32>,
          %bitcast3A_939 = vector.bitcast %get3A_938 : vector<16xf32> to vector<32xbf16>
          %unpack3A_940 = tpu.unpack_subelements %bitcast3A_939, 0 {pack_format = #tpu.pack_format<interleaved>} : vector<32xbf16> -> vector<16xf32>
          %unpack3A_941 = tpu.unpack_subelements %bitcast3A_939, 1 {pack_format = #tpu.pack_format<interleaved>} : vector<32xbf16> -> vector<16xf32>
          %mul3A_942 = arith.mulf %unpack3A_940, %unpack3A : vector<16xf32>
          %mul3A_943 = arith.mulf %unpack3A_941, %unpack3A_557 : vector<16xf32>
          %add3A_944 = arith.addf %mul3A_942, %mul3A_943 : vector<16xf32>
          %get3A_945 = arith.index_cast %add3A_935 : i32 to index
          %get3A_946 = arith.constant 16 : index
          %get3A_947 = tpu.vector_load %arg34[%get3A_945, %get3A_946] {strides = array<i32>} : memref<352x64xf32, #tpu.memory_space<vmem>>, vector<16xf32>,
          %bitcast3A_948 = vector.bitcast %get3A_947 : vector<16xf32> to vector<32xbf16>
          %unpack3A_949 = tpu.unpack_subelements %bitcast3A_948, 0 {pack_format = #tpu.pack_format<interleaved>} : vector<32xbf16> -> vector<16xf32>
          %unpack3A_950 = tpu.unpack_subelements %bitcast3A_948, 1 {pack_format = #tpu.pack_format<interleaved>} : vector<32xbf16> -> vector<16xf32>
          %mul3A_951 = arith.mulf %unpack3A_949, %unpack3A_561 : vector<16xf32>
          %mul3A_952 = arith.mulf %unpack3A_950, %unpack3A_562 : vector<16xf32>
          %add3A_953 = arith.addf %mul3A_951, %mul3A_952 : vector<16xf32>
          %get3A_954 = arith.index_cast %add3A_935 : i32 to index
          %get3A_955 = arith.constant 32 : index
          %get3A_956 = tpu.vector_load %arg34[%get3A_954, %get3A_955] {strides = array<i32>} : memref<352x64xf32, #tpu.memory_space<vmem>>, vector<16xf32>,
          %bitcast3A_957 = vector.bitcast %get3A_956 : vector<16xf32> to vector<32xbf16>
          %unpack3A_958 = tpu.unpack_subelements %bitcast3A_957, 0 {pack_format = #tpu.pack_format<interleaved>} : vector<32xbf16> -> vector<16xf32>
          %unpack3A_959 = tpu.unpack_subelements %bitcast3A_957, 1 {pack_format = #tpu.pack_format<interleaved>} : vector<32xbf16> -> vector<16xf32>
          %mul3A_960 = arith.mulf %unpack3A_958, %unpack3A_566 : vector<16xf32>
          %mul3A_961 = arith.mulf %unpack3A_959, %unpack3A_567 : vector<16xf32>
          %add3A_962 = arith.addf %mul3A_960, %mul3A_961 : vector<16xf32>
          %get3A_963 = arith.index_cast %add3A_935 : i32 to index
          %get3A_964 = arith.constant 48 : index
          %get3A_965 = tpu.vector_load %arg34[%get3A_963, %get3A_964] {strides = array<i32>} : memref<352x64xf32, #tpu.memory_space<vmem>>, vector<16xf32>,
          %bitcast3A_966 = vector.bitcast %get3A_965 : vector<16xf32> to vector<32xbf16>
          %unpack3A_967 = tpu.unpack_subelements %bitcast3A_966, 0 {pack_format = #tpu.pack_format<interleaved>} : vector<32xbf16> -> vector<16xf32>
          %unpack3A_968 = tpu.unpack_subelements %bitcast3A_966, 1 {pack_format = #tpu.pack_format<interleaved>} : vector<32xbf16> -> vector<16xf32>
          %mul3A_969 = arith.mulf %unpack3A_967, %unpack3A_571 : vector<16xf32>
          %mul3A_970 = arith.mulf %unpack3A_968, %unpack3A_572 : vector<16xf32>
          %add3A_971 = arith.addf %mul3A_969, %mul3A_970 : vector<16xf32>
          %add3A_972 = arith.addf %add3A_944, %add3A_953 : vector<16xf32>
          %add3A_973 = arith.addf %add3A_972, %add3A_962 : vector<16xf32>
          %add3A_974 = arith.addf %add3A_973, %add3A_971 : vector<16xf32>
          %swap3A_975 = arith.constant 128 : index
          %swap3A_976 = tpu.vector_load %arg33[%swap3A_975] {strides = array<i32>} : memref<512xf32, #tpu.memory_space<vmem>>, vector<16xf32>,
          tpu.vector_store %arg33[%swap3A_975], %add3A_974 {strides = array<i32>} : memref<512xf32, #tpu.memory_space<vmem>>, vector<16xf32>,
          %mul3A_977 = arith.constant 11 : i32
          %mul3A_978 = arith.muli %add3A_554, %mul3A_977 : i32
          %add3A_979 = arith.constant 9 : i32
          %add3A_980 = arith.addi %mul3A_978, %add3A_979 : i32
          %get3A_981 = arith.index_cast %add3A_980 : i32 to index
          %get3A_982 = arith.constant 0 : index
          %get3A_983 = tpu.vector_load %arg34[%get3A_981, %get3A_982] {strides = array<i32>} : memref<352x64xf32, #tpu.memory_space<vmem>>, vector<16xf32>,
          %bitcast3A_984 = vector.bitcast %get3A_983 : vector<16xf32> to vector<32xbf16>
          %unpack3A_985 = tpu.unpack_subelements %bitcast3A_984, 0 {pack_format = #tpu.pack_format<interleaved>} : vector<32xbf16> -> vector<16xf32>
          %unpack3A_986 = tpu.unpack_subelements %bitcast3A_984, 1 {pack_format = #tpu.pack_format<interleaved>} : vector<32xbf16> -> vector<16xf32>
          %mul3A_987 = arith.mulf %unpack3A_985, %unpack3A : vector<16xf32>
          %mul3A_988 = arith.mulf %unpack3A_986, %unpack3A_557 : vector<16xf32>
          %add3A_989 = arith.addf %mul3A_987, %mul3A_988 : vector<16xf32>
          %get3A_990 = arith.index_cast %add3A_980 : i32 to index
          %get3A_991 = arith.constant 16 : index
          %get3A_992 = tpu.vector_load %arg34[%get3A_990, %get3A_991] {strides = array<i32>} : memref<352x64xf32, #tpu.memory_space<vmem>>, vector<16xf32>,
          %bitcast3A_993 = vector.bitcast %get3A_992 : vector<16xf32> to vector<32xbf16>
          %unpack3A_994 = tpu.unpack_subelements %bitcast3A_993, 0 {pack_format = #tpu.pack_format<interleaved>} : vector<32xbf16> -> vector<16xf32>
          %unpack3A_995 = tpu.unpack_subelements %bitcast3A_993, 1 {pack_format = #tpu.pack_format<interleaved>} : vector<32xbf16> -> vector<16xf32>
          %mul3A_996 = arith.mulf %unpack3A_994, %unpack3A_561 : vector<16xf32>
          %mul3A_997 = arith.mulf %unpack3A_995, %unpack3A_562 : vector<16xf32>
          %add3A_998 = arith.addf %mul3A_996, %mul3A_997 : vector<16xf32>
          %get3A_999 = arith.index_cast %add3A_980 : i32 to index
          %get3A_1000 = arith.constant 32 : index
          %get3A_1001 = tpu.vector_load %arg34[%get3A_999, %get3A_1000] {strides = array<i32>} : memref<352x64xf32, #tpu.memory_space<vmem>>, vector<16xf32>,
          %bitcast3A_1002 = vector.bitcast %get3A_1001 : vector<16xf32> to vector<32xbf16>
          %unpack3A_1003 = tpu.unpack_subelements %bitcast3A_1002, 0 {pack_format = #tpu.pack_format<interleaved>} : vector<32xbf16> -> vector<16xf32>
          %unpack3A_1004 = tpu.unpack_subelements %bitcast3A_1002, 1 {pack_format = #tpu.pack_format<interleaved>} : vector<32xbf16> -> vector<16xf32>
          %mul3A_1005 = arith.mulf %unpack3A_1003, %unpack3A_566 : vector<16xf32>
          %mul3A_1006 = arith.mulf %unpack3A_1004, %unpack3A_567 : vector<16xf32>
          %add3A_1007 = arith.addf %mul3A_1005, %mul3A_1006 : vector<16xf32>
          %get3A_1008 = arith.index_cast %add3A_980 : i32 to index
          %get3A_1009 = arith.constant 48 : index
          %get3A_1010 = tpu.vector_load %arg34[%get3A_1008, %get3A_1009] {strides = array<i32>} : memref<352x64xf32, #tpu.memory_space<vmem>>, vector<16xf32>,
          %bitcast3A_1011 = vector.bitcast %get3A_1010 : vector<16xf32> to vector<32xbf16>
          %unpack3A_1012 = tpu.unpack_subelements %bitcast3A_1011, 0 {pack_format = #tpu.pack_format<interleaved>} : vector<32xbf16> -> vector<16xf32>
          %unpack3A_1013 = tpu.unpack_subelements %bitcast3A_1011, 1 {pack_format = #tpu.pack_format<interleaved>} : vector<32xbf16> -> vector<16xf32>
          %mul3A_1014 = arith.mulf %unpack3A_1012, %unpack3A_571 : vector<16xf32>
          %mul3A_1015 = arith.mulf %unpack3A_1013, %unpack3A_572 : vector<16xf32>
          %add3A_1016 = arith.addf %mul3A_1014, %mul3A_1015 : vector<16xf32>
          %add3A_1017 = arith.addf %add3A_989, %add3A_998 : vector<16xf32>
          %add3A_1018 = arith.addf %add3A_1017, %add3A_1007 : vector<16xf32>
          %add3A_1019 = arith.addf %add3A_1018, %add3A_1016 : vector<16xf32>
          %swap3A_1020 = arith.constant 144 : index
          %swap3A_1021 = tpu.vector_load %arg33[%swap3A_1020] {strides = array<i32>} : memref<512xf32, #tpu.memory_space<vmem>>, vector<16xf32>,
          tpu.vector_store %arg33[%swap3A_1020], %add3A_1019 {strides = array<i32>} : memref<512xf32, #tpu.memory_space<vmem>>, vector<16xf32>,
          %mul3A_1022 = arith.constant 11 : i32
          %mul3A_1023 = arith.muli %add3A_554, %mul3A_1022 : i32
          %add3A_1024 = arith.constant 10 : i32
          %add3A_1025 = arith.addi %mul3A_1023, %add3A_1024 : i32
          %get3A_1026 = arith.index_cast %add3A_1025 : i32 to index
          %get3A_1027 = arith.constant 0 : index
          %get3A_1028 = tpu.vector_load %arg34[%get3A_1026, %get3A_1027] {strides = array<i32>} : memref<352x64xf32, #tpu.memory_space<vmem>>, vector<16xf32>,
          %bitcast3A_1029 = vector.bitcast %get3A_1028 : vector<16xf32> to vector<32xbf16>
          %unpack3A_1030 = tpu.unpack_subelements %bitcast3A_1029, 0 {pack_format = #tpu.pack_format<interleaved>} : vector<32xbf16> -> vector<16xf32>
          %unpack3A_1031 = tpu.unpack_subelements %bitcast3A_1029, 1 {pack_format = #tpu.pack_format<interleaved>} : vector<32xbf16> -> vector<16xf32>
          %mul3A_1032 = arith.mulf %unpack3A_1030, %unpack3A : vector<16xf32>
          %mul3A_1033 = arith.mulf %unpack3A_1031, %unpack3A_557 : vector<16xf32>
          %add3A_1034 = arith.addf %mul3A_1032, %mul3A_1033 : vector<16xf32>
          %get3A_1035 = arith.index_cast %add3A_1025 : i32 to index
          %get3A_1036 = arith.constant 16 : index
          %get3A_1037 = tpu.vector_load %arg34[%get3A_1035, %get3A_1036] {strides = array<i32>} : memref<352x64xf32, #tpu.memory_space<vmem>>, vector<16xf32>,
          %bitcast3A_1038 = vector.bitcast %get3A_1037 : vector<16xf32> to vector<32xbf16>
          %unpack3A_1039 = tpu.unpack_subelements %bitcast3A_1038, 0 {pack_format = #tpu.pack_format<interleaved>} : vector<32xbf16> -> vector<16xf32>
          %unpack3A_1040 = tpu.unpack_subelements %bitcast3A_1038, 1 {pack_format = #tpu.pack_format<interleaved>} : vector<32xbf16> -> vector<16xf32>
          %mul3A_1041 = arith.mulf %unpack3A_1039, %unpack3A_561 : vector<16xf32>
          %mul3A_1042 = arith.mulf %unpack3A_1040, %unpack3A_562 : vector<16xf32>
          %add3A_1043 = arith.addf %mul3A_1041, %mul3A_1042 : vector<16xf32>
          %get3A_1044 = arith.index_cast %add3A_1025 : i32 to index
          %get3A_1045 = arith.constant 32 : index
          %get3A_1046 = tpu.vector_load %arg34[%get3A_1044, %get3A_1045] {strides = array<i32>} : memref<352x64xf32, #tpu.memory_space<vmem>>, vector<16xf32>,
          %bitcast3A_1047 = vector.bitcast %get3A_1046 : vector<16xf32> to vector<32xbf16>
          %unpack3A_1048 = tpu.unpack_subelements %bitcast3A_1047, 0 {pack_format = #tpu.pack_format<interleaved>} : vector<32xbf16> -> vector<16xf32>
          %unpack3A_1049 = tpu.unpack_subelements %bitcast3A_1047, 1 {pack_format = #tpu.pack_format<interleaved>} : vector<32xbf16> -> vector<16xf32>
          %mul3A_1050 = arith.mulf %unpack3A_1048, %unpack3A_566 : vector<16xf32>
          %mul3A_1051 = arith.mulf %unpack3A_1049, %unpack3A_567 : vector<16xf32>
          %add3A_1052 = arith.addf %mul3A_1050, %mul3A_1051 : vector<16xf32>
          %get3A_1053 = arith.index_cast %add3A_1025 : i32 to index
          %get3A_1054 = arith.constant 48 : index
          %get3A_1055 = tpu.vector_load %arg34[%get3A_1053, %get3A_1054] {strides = array<i32>} : memref<352x64xf32, #tpu.memory_space<vmem>>, vector<16xf32>,
          %bitcast3A_1056 = vector.bitcast %get3A_1055 : vector<16xf32> to vector<32xbf16>
          %unpack3A_1057 = tpu.unpack_subelements %bitcast3A_1056, 0 {pack_format = #tpu.pack_format<interleaved>} : vector<32xbf16> -> vector<16xf32>
          %unpack3A_1058 = tpu.unpack_subelements %bitcast3A_1056, 1 {pack_format = #tpu.pack_format<interleaved>} : vector<32xbf16> -> vector<16xf32>
          %mul3A_1059 = arith.mulf %unpack3A_1057, %unpack3A_571 : vector<16xf32>
          %mul3A_1060 = arith.mulf %unpack3A_1058, %unpack3A_572 : vector<16xf32>
          %add3A_1061 = arith.addf %mul3A_1059, %mul3A_1060 : vector<16xf32>
          %add3A_1062 = arith.addf %add3A_1034, %add3A_1043 : vector<16xf32>
          %add3A_1063 = arith.addf %add3A_1062, %add3A_1052 : vector<16xf32>
          %add3A_1064 = arith.addf %add3A_1063, %add3A_1061 : vector<16xf32>
          %swap3A_1065 = arith.constant 160 : index
          %swap3A_1066 = tpu.vector_load %arg33[%swap3A_1065] {strides = array<i32>} : memref<512xf32, #tpu.memory_space<vmem>>, vector<16xf32>,
          tpu.vector_store %arg33[%swap3A_1065], %add3A_1064 {strides = array<i32>} : memref<512xf32, #tpu.memory_space<vmem>>, vector<16xf32>,
          %gather3A = tpu.vector_load_idx %arg33[%add3A_351] : memref<512xf32, #tpu.memory_space<vmem>>[vector<16xi32>], vector<16xf32>,
          %gather3A_1067 = tpu.vector_load_idx %arg33[%add3A_357] : memref<512xf32, #tpu.memory_space<vmem>>[vector<16xi32>], vector<16xf32>,
          %add3A_1068 = arith.addf %gather3A, %gather3A_1067 : vector<16xf32>
          %gather3A_1069 = tpu.vector_load_idx %arg33[%add3A_363] : memref<512xf32, #tpu.memory_space<vmem>>[vector<16xi32>], vector<16xf32>,
          %add3A_1070 = arith.addf %add3A_1068, %gather3A_1069 : vector<16xf32>
          %gather3A_1071 = tpu.vector_load_idx %arg33[%add3A_369] : memref<512xf32, #tpu.memory_space<vmem>>[vector<16xi32>], vector<16xf32>,
          %add3A_1072 = arith.addf %add3A_1070, %gather3A_1071 : vector<16xf32>
          %gather3A_1073 = tpu.vector_load_idx %arg33[%add3A_375] : memref<512xf32, #tpu.memory_space<vmem>>[vector<16xi32>], vector<16xf32>,
          %add3A_1074 = arith.addf %add3A_1072, %gather3A_1073 : vector<16xf32>
          %gather3A_1075 = tpu.vector_load_idx %arg33[%add3A_381] : memref<512xf32, #tpu.memory_space<vmem>>[vector<16xi32>], vector<16xf32>,
          %add3A_1076 = arith.addf %add3A_1074, %gather3A_1075 : vector<16xf32>
          %gather3A_1077 = tpu.vector_load_idx %arg33[%add3A_387] : memref<512xf32, #tpu.memory_space<vmem>>[vector<16xi32>], vector<16xf32>,
          %add3A_1078 = arith.addf %add3A_1076, %gather3A_1077 : vector<16xf32>
          %gather3A_1079 = tpu.vector_load_idx %arg33[%add3A_393] : memref<512xf32, #tpu.memory_space<vmem>>[vector<16xi32>], vector<16xf32>,
          %add3A_1080 = arith.addf %add3A_1078, %gather3A_1079 : vector<16xf32>
          %gather3A_1081 = tpu.vector_load_idx %arg33[%add3A_399] : memref<512xf32, #tpu.memory_space<vmem>>[vector<16xi32>], vector<16xf32>,
          %add3A_1082 = arith.addf %add3A_1080, %gather3A_1081 : vector<16xf32>
          %gather3A_1083 = tpu.vector_load_idx %arg33[%add3A_405] : memref<512xf32, #tpu.memory_space<vmem>>[vector<16xi32>], vector<16xf32>,
          %add3A_1084 = arith.addf %add3A_1082, %gather3A_1083 : vector<16xf32>
          %gather3A_1085 = tpu.vector_load_idx %arg33[%add3A_411] : memref<512xf32, #tpu.memory_space<vmem>>[vector<16xi32>], vector<16xf32>,
          %add3A_1086 = arith.addf %add3A_1084, %gather3A_1085 : vector<16xf32>
          %gather3A_1087 = tpu.vector_load_idx %arg33[%add3A_417] : memref<512xf32, #tpu.memory_space<vmem>>[vector<16xi32>], vector<16xf32>,
          %add3A_1088 = arith.addf %add3A_1086, %gather3A_1087 : vector<16xf32>
          %gather3A_1089 = tpu.vector_load_idx %arg33[%add3A_423] : memref<512xf32, #tpu.memory_space<vmem>>[vector<16xi32>], vector<16xf32>,
          %add3A_1090 = arith.addf %add3A_1088, %gather3A_1089 : vector<16xf32>
          %gather3A_1091 = tpu.vector_load_idx %arg33[%add3A_429] : memref<512xf32, #tpu.memory_space<vmem>>[vector<16xi32>], vector<16xf32>,
          %add3A_1092 = arith.addf %add3A_1090, %gather3A_1091 : vector<16xf32>
          %gather3A_1093 = tpu.vector_load_idx %arg33[%add3A_435] : memref<512xf32, #tpu.memory_space<vmem>>[vector<16xi32>], vector<16xf32>,
          %add3A_1094 = arith.addf %add3A_1092, %gather3A_1093 : vector<16xf32>
          %gather3A_1095 = tpu.vector_load_idx %arg33[%add3A_441] : memref<512xf32, #tpu.memory_space<vmem>>[vector<16xi32>], vector<16xf32>,
          %add3A_1096 = arith.addf %add3A_1094, %gather3A_1095 : vector<16xf32>
          %mul3A_1097 = arith.mulf %add3A_1096, %select_n3A : vector<16xf32>
          %mul3A_1098 = arith.constant 16 : i32
          %mul3A_1099 = arith.muli %add3A_554, %mul3A_1098 : i32
          %swap3A_1100 = arith.index_cast %mul3A_1099 : i32 to index
          %swap3A_1101 = tpu.vector_load %arg30[%swap3A_1100] {strides = array<i32>} : memref<512xf32, #tpu.memory_space<vmem>>, vector<16xf32>,
          tpu.vector_store %arg30[%swap3A_1100], %mul3A_1097 {strides = array<i32>} : memref<512xf32, #tpu.memory_space<vmem>>, vector<16xf32>,
        }
        %scan3A_542 = arith.constant 32 : i32
        %mul3A_543 = arith.constant 32 : i32
        %mul3A_544 = arith.muli %add3A_241, %mul3A_543 : i32
        %add3A_545 = arith.addi %mul3A_2, %mul3A_544 : i32
        %mul3A_546 = arith.constant 16 : i32
        %mul3A_547 = arith.muli %add3A_545, %mul3A_546 : i32
        %dma_start3A_548 = tpu.memref_slice %arg5[%mul3A_547] : memref<2097152xf32, #tpu.memory_space<hbm>> -> memref<512xf32, #tpu.memory_space<hbm>>
        %dma_start3A_549 = tpu.memref_slice %arg5[%mul3A_547] : memref<2097152xf32, #tpu.memory_space<hbm>> -> memref<512xf32, #tpu.memory_space<hbm>>
        tpu.enqueue_dma source(%arg30 : memref<512xf32, #tpu.memory_space<vmem>>) target(%dma_start3A_549 : memref<512xf32, #tpu.memory_space<hbm>>) target_semaphore(%arg27 : memref<!tpu.dma_semaphore, #tpu.memory_space<semaphore_mem>>)
      } else {
      }
      %add3A_264 = arith.constant 3 : i32
      %add3A_265 = arith.addi %add3A_241, %add3A_264 : i32
      %lt3A_266 = arith.constant 128 : i32
      %lt3A_267 = arith.cmpi slt, %add3A_265, %lt3A_266 : i32
      %convert_element_type3A_268 = arith.extui %lt3A_267 : i1 to i32
      %cond3A_269 = arith.constant 0 : i32
      %cond3A_270 = arith.cmpi ne, %convert_element_type3A_268, %cond3A_269 : i32
      scf.if %cond3A_270 {
        %add3A_341 = arith.constant 3 : i32
        %add3A_342 = arith.addi %add3A_241, %add3A_341 : i32
        %mul3A_343 = arith.constant 32 : i32
        %mul3A_344 = arith.muli %add3A_342, %mul3A_343 : i32
        %add3A_345 = arith.addi %mul3A_2, %mul3A_344 : i32
        %dma_start3A_346 = arith.constant 0 : i32
        %dma_start3A_347 = tpu.memref_slice %arg3[%add3A_345, %dma_start3A_346] : memref<131072x128xbf16, #tpu.memory_space<hbm>> -> memref<32x128xbf16, #tpu.memory_space<hbm>>
        %dma_start3A_348 = arith.constant 0 : i32
        %dma_start3A_349 = tpu.memref_slice %arg3[%add3A_345, %dma_start3A_348] : memref<131072x128xbf16, #tpu.memory_space<hbm>> -> memref<32x128xbf16, #tpu.memory_space<hbm>>
        tpu.enqueue_dma source(%dma_start3A_349 : memref<32x128xbf16, #tpu.memory_space<hbm>>) target(%arg6 : memref<32x128xbf16, #tpu.memory_space<vmem>>) target_semaphore(%arg18 : memref<!tpu.dma_semaphore, #tpu.memory_space<semaphore_mem>>)
      } else {
      }
      %add3A_271 = arith.constant 1 : i32
      %add3A_272 = arith.addi %add3A_239, %add3A_271 : i32
      %add3A_273 = arith.constant 3 : i32
      %add3A_274 = arith.addi %add3A_272, %add3A_273 : i32
      %sub3A_275 = arith.constant 1 : i32
      %sub3A_276 = arith.subi %add3A_274, %sub3A_275 : i32
      %lt3A_277 = arith.constant 128 : i32
      %lt3A_278 = arith.cmpi slt, %sub3A_276, %lt3A_277 : i32
      %convert_element_type3A_279 = arith.extui %lt3A_278 : i1 to i32
      %cond3A_280 = arith.constant 0 : i32
      %cond3A_281 = arith.cmpi ne, %convert_element_type3A_279, %cond3A_280 : i32
      scf.if %cond3A_281 {
        %add3A_341 = arith.constant 3 : i32
        %add3A_342 = arith.addi %add3A_272, %add3A_341 : i32
        %sub3A_343 = arith.constant 1 : i32
        %sub3A_344 = arith.subi %add3A_342, %sub3A_343 : i32
        %mul3A_345 = arith.constant 32 : i32
        %mul3A_346 = arith.muli %sub3A_344, %mul3A_345 : i32
        %add3A_347 = arith.addi %mul3A_2, %mul3A_346 : i32
        %mul3A_348 = arith.constant 11 : i32
        %mul3A_349 = arith.muli %add3A_347, %mul3A_348 : i32
        %add3A_350 = arith.constant 0 : i32
        %add3A_351 = arith.addi %mul3A_349, %add3A_350 : i32
        %mul3A_352 = arith.constant 32 : i32
        %mul3A_353 = arith.muli %sub3A_344, %mul3A_352 : i32
        %add3A_354 = arith.addi %mul3A_2, %mul3A_353 : i32
        %mul3A_355 = arith.constant 11 : i32
        %mul3A_356 = arith.muli %add3A_354, %mul3A_355 : i32
        %add3A_357 = arith.constant 128 : i32
        %add3A_358 = arith.addi %mul3A_356, %add3A_357 : i32
        %mul3A_359 = arith.constant 32 : i32
        %mul3A_360 = arith.muli %sub3A_344, %mul3A_359 : i32
        %add3A_361 = arith.addi %mul3A_2, %mul3A_360 : i32
        %mul3A_362 = arith.constant 11 : i32
        %mul3A_363 = arith.muli %add3A_361, %mul3A_362 : i32
        %add3A_364 = arith.constant 256 : i32
        %add3A_365 = arith.addi %mul3A_363, %add3A_364 : i32
        %dma_wait3A_366 = tpu.memref_slice %arg4[%add3A_351] : memref<1441792xi32, #tpu.memory_space<hbm>> -> memref<128xi32, #tpu.memory_space<hbm>>
        %dma_wait3A_367 = tpu.memref_slice %arg4[%add3A_351] : memref<1441792xi32, #tpu.memory_space<hbm>> -> memref<128xi32, #tpu.memory_space<hbm>>
        tpu.wait_dma2 semaphore(%arg24 : memref<!tpu.dma_semaphore, #tpu.memory_space<semaphore_mem>>) src(%dma_wait3A_367 : memref<128xi32, #tpu.memory_space<hbm>>) dst(%arg9 : memref<128xi32, #tpu.memory_space<vmem>>)
        %dma_wait3A_368 = tpu.memref_slice %arg4[%add3A_358] : memref<1441792xi32, #tpu.memory_space<hbm>> -> memref<128xi32, #tpu.memory_space<hbm>>
        %dma_wait3A_369 = tpu.memref_slice %arg4[%add3A_358] : memref<1441792xi32, #tpu.memory_space<hbm>> -> memref<128xi32, #tpu.memory_space<hbm>>
        tpu.wait_dma2 semaphore(%arg24 : memref<!tpu.dma_semaphore, #tpu.memory_space<semaphore_mem>>) src(%dma_wait3A_369 : memref<128xi32, #tpu.memory_space<hbm>>) dst(%arg10 : memref<128xi32, #tpu.memory_space<vmem>>)
        %dma_wait3A_370 = tpu.memref_slice %arg4[%add3A_365] : memref<1441792xi32, #tpu.memory_space<hbm>> -> memref<96xi32, #tpu.memory_space<hbm>>
        %dma_wait3A_371 = tpu.memref_slice %arg4[%add3A_365] : memref<1441792xi32, #tpu.memory_space<hbm>> -> memref<96xi32, #tpu.memory_space<hbm>>
        tpu.wait_dma2 semaphore(%arg24 : memref<!tpu.dma_semaphore, #tpu.memory_space<semaphore_mem>>) src(%dma_wait3A_371 : memref<96xi32, #tpu.memory_space<hbm>>) dst(%arg11 : memref<96xi32, #tpu.memory_space<vmem>>)
        %dma_start3A_372 = arith.constant 0 : i32
        %dma_start3A_373 = arith.constant 0 : i32
        %dma_start3A_374 = tpu.memref_slice %arg34[%dma_start3A_372, %dma_start3A_373] : memref<352x64xf32, #tpu.memory_space<vmem>> -> memref<128x64xf32, #tpu.memory_space<vmem>>
        %dma_start3A_375 = arith.constant 0 : i32
        %dma_start3A_376 = arith.constant 0 : i32
        %dma_start3A_377 = tpu.memref_slice %arg2[%dma_start3A_375, %dma_start3A_376] : memref<32768x64xf32, #tpu.memory_space<hbm>> -> memref<32768x64xf32, #tpu.memory_space<hbm>>
        tpu.enqueue_indirect_dma source(%dma_start3A_377 : memref<32768x64xf32, #tpu.memory_space<hbm>>) target(%dma_start3A_374 : memref<128x64xf32, #tpu.memory_space<vmem>>) offsets(%arg9 : memref<128xi32, #tpu.memory_space<vmem>>) semaphore(%arg21 : memref<!tpu.dma_semaphore, #tpu.memory_space<semaphore_mem>>)
        %dma_start3A_378 = arith.constant 128 : i32
        %dma_start3A_379 = arith.constant 0 : i32
        %dma_start3A_380 = tpu.memref_slice %arg34[%dma_start3A_378, %dma_start3A_379] : memref<352x64xf32, #tpu.memory_space<vmem>> -> memref<128x64xf32, #tpu.memory_space<vmem>>
        %dma_start3A_381 = arith.constant 0 : i32
        %dma_start3A_382 = arith.constant 0 : i32
        %dma_start3A_383 = tpu.memref_slice %arg2[%dma_start3A_381, %dma_start3A_382] : memref<32768x64xf32, #tpu.memory_space<hbm>> -> memref<32768x64xf32, #tpu.memory_space<hbm>>
        tpu.enqueue_indirect_dma source(%dma_start3A_383 : memref<32768x64xf32, #tpu.memory_space<hbm>>) target(%dma_start3A_380 : memref<128x64xf32, #tpu.memory_space<vmem>>) offsets(%arg10 : memref<128xi32, #tpu.memory_space<vmem>>) semaphore(%arg21 : memref<!tpu.dma_semaphore, #tpu.memory_space<semaphore_mem>>)
        %dma_start3A_384 = arith.constant 256 : i32
        %dma_start3A_385 = arith.constant 0 : i32
        %dma_start3A_386 = tpu.memref_slice %arg34[%dma_start3A_384, %dma_start3A_385] : memref<352x64xf32, #tpu.memory_space<vmem>> -> memref<96x64xf32, #tpu.memory_space<vmem>>
        %dma_start3A_387 = arith.constant 0 : i32
        %dma_start3A_388 = arith.constant 0 : i32
        %dma_start3A_389 = tpu.memref_slice %arg2[%dma_start3A_387, %dma_start3A_388] : memref<32768x64xf32, #tpu.memory_space<hbm>> -> memref<32768x64xf32, #tpu.memory_space<hbm>>
        tpu.enqueue_indirect_dma source(%dma_start3A_389 : memref<32768x64xf32, #tpu.memory_space<hbm>>) target(%dma_start3A_386 : memref<96x64xf32, #tpu.memory_space<vmem>>) offsets(%arg11 : memref<96xi32, #tpu.memory_space<vmem>>) semaphore(%arg21 : memref<!tpu.dma_semaphore, #tpu.memory_space<semaphore_mem>>)
      } else {
      }
      %lt3A_282 = arith.constant 128 : i32
      %lt3A_283 = arith.cmpi slt, %add3A_272, %lt3A_282 : i32
      %convert_element_type3A_284 = arith.extui %lt3A_283 : i1 to i32
      %cond3A_285 = arith.constant 0 : i32
      %cond3A_286 = arith.cmpi ne, %convert_element_type3A_284, %cond3A_285 : i32
      scf.if %cond3A_286 {
        %dma_wait3A_341 = arith.constant 0 : i32
        %dma_wait3A_342 = arith.constant 0 : i32
        %dma_wait3A_343 = tpu.memref_slice %arg35[%dma_wait3A_341, %dma_wait3A_342] : memref<352x64xf32, #tpu.memory_space<vmem>> -> memref<128x64xf32, #tpu.memory_space<vmem>>
        %dma_wait3A_344 = arith.constant 0 : i32
        %dma_wait3A_345 = arith.constant 0 : i32
        %dma_wait3A_346 = tpu.memref_slice %arg2[%dma_wait3A_344, %dma_wait3A_345] : memref<32768x64xf32, #tpu.memory_space<hbm>> -> memref<32768x64xf32, #tpu.memory_space<hbm>>
        tpu.wait_indirect_dma semaphore(%arg22 : memref<!tpu.dma_semaphore, #tpu.memory_space<semaphore_mem>>) src(%dma_wait3A_346 : memref<32768x64xf32, #tpu.memory_space<hbm>>) dst(%dma_wait3A_343 : memref<128x64xf32, #tpu.memory_space<vmem>>)
        %dma_wait3A_347 = arith.constant 128 : i32
        %dma_wait3A_348 = arith.constant 0 : i32
        %dma_wait3A_349 = tpu.memref_slice %arg35[%dma_wait3A_347, %dma_wait3A_348] : memref<352x64xf32, #tpu.memory_space<vmem>> -> memref<128x64xf32, #tpu.memory_space<vmem>>
        %dma_wait3A_350 = arith.constant 0 : i32
        %dma_wait3A_351 = arith.constant 0 : i32
        %dma_wait3A_352 = tpu.memref_slice %arg2[%dma_wait3A_350, %dma_wait3A_351] : memref<32768x64xf32, #tpu.memory_space<hbm>> -> memref<32768x64xf32, #tpu.memory_space<hbm>>
        tpu.wait_indirect_dma semaphore(%arg22 : memref<!tpu.dma_semaphore, #tpu.memory_space<semaphore_mem>>) src(%dma_wait3A_352 : memref<32768x64xf32, #tpu.memory_space<hbm>>) dst(%dma_wait3A_349 : memref<128x64xf32, #tpu.memory_space<vmem>>)
        %dma_wait3A_353 = arith.constant 256 : i32
        %dma_wait3A_354 = arith.constant 0 : i32
        %dma_wait3A_355 = tpu.memref_slice %arg35[%dma_wait3A_353, %dma_wait3A_354] : memref<352x64xf32, #tpu.memory_space<vmem>> -> memref<96x64xf32, #tpu.memory_space<vmem>>
        %dma_wait3A_356 = arith.constant 0 : i32
        %dma_wait3A_357 = arith.constant 0 : i32
        %dma_wait3A_358 = tpu.memref_slice %arg2[%dma_wait3A_356, %dma_wait3A_357] : memref<32768x64xf32, #tpu.memory_space<hbm>> -> memref<32768x64xf32, #tpu.memory_space<hbm>>
        tpu.wait_indirect_dma semaphore(%arg22 : memref<!tpu.dma_semaphore, #tpu.memory_space<semaphore_mem>>) src(%dma_wait3A_358 : memref<32768x64xf32, #tpu.memory_space<hbm>>) dst(%dma_wait3A_355 : memref<96x64xf32, #tpu.memory_space<vmem>>)
        %mul3A_359 = arith.constant 32 : i32
        %mul3A_360 = arith.muli %add3A_272, %mul3A_359 : i32
        %add3A_361 = arith.addi %mul3A_2, %mul3A_360 : i32
        %dma_wait3A_362 = arith.constant 0 : i32
        %dma_wait3A_363 = tpu.memref_slice %arg3[%add3A_361, %dma_wait3A_362] : memref<131072x128xbf16, #tpu.memory_space<hbm>> -> memref<32x128xbf16, #tpu.memory_space<hbm>>
        %dma_wait3A_364 = arith.constant 0 : i32
        %dma_wait3A_365 = tpu.memref_slice %arg3[%add3A_361, %dma_wait3A_364] : memref<131072x128xbf16, #tpu.memory_space<hbm>> -> memref<32x128xbf16, #tpu.memory_space<hbm>>
        tpu.wait_dma2 semaphore(%arg19 : memref<!tpu.dma_semaphore, #tpu.memory_space<semaphore_mem>>) src(%dma_wait3A_365 : memref<32x128xbf16, #tpu.memory_space<hbm>>) dst(%arg7 : memref<32x128xbf16, #tpu.memory_space<vmem>>)
        %ge3A = arith.constant 3 : i32
        %ge3A_366 = arith.cmpi sge, %add3A_272, %ge3A : i32
        %convert_element_type3A_367 = arith.extui %ge3A_366 : i1 to i32
        %cond3A_368 = arith.constant 0 : i32
        %cond3A_369 = arith.cmpi ne, %convert_element_type3A_367, %cond3A_368 : i32
        scf.if %cond3A_369 {
          %sub3A_370 = arith.constant 3 : i32
          %sub3A_371 = arith.subi %add3A_272, %sub3A_370 : i32
          %mul3A_372 = arith.constant 32 : i32
          %mul3A_373 = arith.muli %sub3A_371, %mul3A_372 : i32
          %add3A_374 = arith.addi %mul3A_2, %mul3A_373 : i32
          %mul3A_375 = arith.constant 16 : i32
          %mul3A_376 = arith.muli %add3A_374, %mul3A_375 : i32
          %dma_wait3A_377 = tpu.memref_slice %arg5[%mul3A_376] : memref<2097152xf32, #tpu.memory_space<hbm>> -> memref<512xf32, #tpu.memory_space<hbm>>
          %dma_wait3A_378 = tpu.memref_slice %arg5[%mul3A_376] : memref<2097152xf32, #tpu.memory_space<hbm>> -> memref<512xf32, #tpu.memory_space<hbm>>
          tpu.wait_dma2 semaphore(%arg28 : memref<!tpu.dma_semaphore, #tpu.memory_space<semaphore_mem>>) src(%arg31 : memref<512xf32, #tpu.memory_space<vmem>>) dst(%dma_wait3A_378 : memref<512xf32, #tpu.memory_space<hbm>>)
        } else {
        }
      } else {
      }
      %add3A_287 = arith.constant 3 : i32
      %add3A_288 = arith.addi %add3A_272, %add3A_287 : i32
      %lt3A_289 = arith.constant 128 : i32
      %lt3A_290 = arith.cmpi slt, %add3A_288, %lt3A_289 : i32
      %convert_element_type3A_291 = arith.extui %lt3A_290 : i1 to i32
      %cond3A_292 = arith.constant 0 : i32
      %cond3A_293 = arith.cmpi ne, %convert_element_type3A_291, %cond3A_292 : i32
      scf.if %cond3A_293 {
        %add3A_341 = arith.constant 3 : i32
        %add3A_342 = arith.addi %add3A_272, %add3A_341 : i32
        %mul3A_343 = arith.constant 32 : i32
        %mul3A_344 = arith.muli %add3A_342, %mul3A_343 : i32
        %add3A_345 = arith.addi %mul3A_2, %mul3A_344 : i32
        %mul3A_346 = arith.constant 11 : i32
        %mul3A_347 = arith.muli %add3A_345, %mul3A_346 : i32
        %add3A_348 = arith.constant 0 : i32
        %add3A_349 = arith.addi %mul3A_347, %add3A_348 : i32
        %mul3A_350 = arith.constant 32 : i32
        %mul3A_351 = arith.muli %add3A_342, %mul3A_350 : i32
        %add3A_352 = arith.addi %mul3A_2, %mul3A_351 : i32
        %mul3A_353 = arith.constant 11 : i32
        %mul3A_354 = arith.muli %add3A_352, %mul3A_353 : i32
        %add3A_355 = arith.constant 128 : i32
        %add3A_356 = arith.addi %mul3A_354, %add3A_355 : i32
        %mul3A_357 = arith.constant 32 : i32
        %mul3A_358 = arith.muli %add3A_342, %mul3A_357 : i32
        %add3A_359 = arith.addi %mul3A_2, %mul3A_358 : i32
        %mul3A_360 = arith.constant 11 : i32
        %mul3A_361 = arith.muli %add3A_359, %mul3A_360 : i32
        %add3A_362 = arith.constant 256 : i32
        %add3A_363 = arith.addi %mul3A_361, %add3A_362 : i32
        %dma_start3A_364 = tpu.memref_slice %arg4[%add3A_349] : memref<1441792xi32, #tpu.memory_space<hbm>> -> memref<128xi32, #tpu.memory_space<hbm>>
        %dma_start3A_365 = tpu.memref_slice %arg4[%add3A_349] : memref<1441792xi32, #tpu.memory_space<hbm>> -> memref<128xi32, #tpu.memory_space<hbm>>
        tpu.enqueue_dma source(%dma_start3A_365 : memref<128xi32, #tpu.memory_space<hbm>>) target(%arg12 : memref<128xi32, #tpu.memory_space<vmem>>) target_semaphore(%arg25 : memref<!tpu.dma_semaphore, #tpu.memory_space<semaphore_mem>>)
        %dma_start3A_366 = tpu.memref_slice %arg4[%add3A_356] : memref<1441792xi32, #tpu.memory_space<hbm>> -> memref<128xi32, #tpu.memory_space<hbm>>
        %dma_start3A_367 = tpu.memref_slice %arg4[%add3A_356] : memref<1441792xi32, #tpu.memory_space<hbm>> -> memref<128xi32, #tpu.memory_space<hbm>>
        tpu.enqueue_dma source(%dma_start3A_367 : memref<128xi32, #tpu.memory_space<hbm>>) target(%arg13 : memref<128xi32, #tpu.memory_space<vmem>>) target_semaphore(%arg25 : memref<!tpu.dma_semaphore, #tpu.memory_space<semaphore_mem>>)
        %dma_start3A_368 = tpu.memref_slice %arg4[%add3A_363] : memref<1441792xi32, #tpu.memory_space<hbm>> -> memref<96xi32, #tpu.memory_space<hbm>>
        %dma_start3A_369 = tpu.memref_slice %arg4[%add3A_363] : memref<1441792xi32, #tpu.memory_space<hbm>> -> memref<96xi32, #tpu.memory_space<hbm>>
        tpu.enqueue_dma source(%dma_start3A_369 : memref<96xi32, #tpu.memory_space<hbm>>) target(%arg14 : memref<96xi32, #tpu.memory_space<vmem>>) target_semaphore(%arg25 : memref<!tpu.dma_semaphore, #tpu.memory_space<semaphore_mem>>)
      } else {
      }
      %lt3A_294 = arith.constant 128 : i32
      %lt3A_295 = arith.cmpi slt, %add3A_272, %lt3A_294 : i32
      %convert_element_type3A_296 = arith.extui %lt3A_295 : i1 to i32
      %cond3A_297 = arith.constant 0 : i32
      %cond3A_298 = arith.cmpi ne, %convert_element_type3A_296, %cond3A_297 : i32
      scf.if %cond3A_298 {
        %iota3A = tpu.iota {dimensions = array<i32: 0>} : vector<16xi32>
        %eq3A = arith.constant 0 : i32
        %eq3A_341 = vector.broadcast %eq3A : i32 to vector<16xi32>
        %eq3A_342 = arith.cmpi eq, %iota3A, %eq3A_341 : vector<16xi32>
        %jit3A = arith.constant -1.000000e+00 : f32
        %jit3A_343 = arith.constant 1.000000e+00 : f32
        %broadcast_in_dim3A_344 = vector.broadcast %jit3A : f32 to vector<16xf32>
        %broadcast_in_dim3A_345 = vector.broadcast %jit3A_343 : f32 to vector<16xf32>
        %select_n3A = arith.select %eq3A_342, %broadcast_in_dim3A_344, %broadcast_in_dim3A_345 : vector<16xi1>, vector<16xf32>
        %mul3A_346 = arith.constant 16 : i32
        %mul3A_347 = vector.broadcast %mul3A_346 : i32 to vector<16xi32>
        %mul3A_348 = arith.muli %iota3A, %mul3A_347 : vector<16xi32>
        %add3A_349 = arith.constant 0 : i32
        %add3A_350 = vector.broadcast %add3A_349 : i32 to vector<16xi32>
        %add3A_351 = arith.addi %mul3A_348, %add3A_350 : vector<16xi32>
        %mul3A_352 = arith.constant 16 : i32
        %mul3A_353 = vector.broadcast %mul3A_352 : i32 to vector<16xi32>
        %mul3A_354 = arith.muli %iota3A, %mul3A_353 : vector<16xi32>
        %add3A_355 = arith.constant 1 : i32
        %add3A_356 = vector.broadcast %add3A_355 : i32 to vector<16xi32>
        %add3A_357 = arith.addi %mul3A_354, %add3A_356 : vector<16xi32>
        %mul3A_358 = arith.constant 16 : i32
        %mul3A_359 = vector.broadcast %mul3A_358 : i32 to vector<16xi32>
        %mul3A_360 = arith.muli %iota3A, %mul3A_359 : vector<16xi32>
        %add3A_361 = arith.constant 2 : i32
        %add3A_362 = vector.broadcast %add3A_361 : i32 to vector<16xi32>
        %add3A_363 = arith.addi %mul3A_360, %add3A_362 : vector<16xi32>
        %mul3A_364 = arith.constant 16 : i32
        %mul3A_365 = vector.broadcast %mul3A_364 : i32 to vector<16xi32>
        %mul3A_366 = arith.muli %iota3A, %mul3A_365 : vector<16xi32>
        %add3A_367 = arith.constant 3 : i32
        %add3A_368 = vector.broadcast %add3A_367 : i32 to vector<16xi32>
        %add3A_369 = arith.addi %mul3A_366, %add3A_368 : vector<16xi32>
        %mul3A_370 = arith.constant 16 : i32
        %mul3A_371 = vector.broadcast %mul3A_370 : i32 to vector<16xi32>
        %mul3A_372 = arith.muli %iota3A, %mul3A_371 : vector<16xi32>
        %add3A_373 = arith.constant 4 : i32
        %add3A_374 = vector.broadcast %add3A_373 : i32 to vector<16xi32>
        %add3A_375 = arith.addi %mul3A_372, %add3A_374 : vector<16xi32>
        %mul3A_376 = arith.constant 16 : i32
        %mul3A_377 = vector.broadcast %mul3A_376 : i32 to vector<16xi32>
        %mul3A_378 = arith.muli %iota3A, %mul3A_377 : vector<16xi32>
        %add3A_379 = arith.constant 5 : i32
        %add3A_380 = vector.broadcast %add3A_379 : i32 to vector<16xi32>
        %add3A_381 = arith.addi %mul3A_378, %add3A_380 : vector<16xi32>
        %mul3A_382 = arith.constant 16 : i32
        %mul3A_383 = vector.broadcast %mul3A_382 : i32 to vector<16xi32>
        %mul3A_384 = arith.muli %iota3A, %mul3A_383 : vector<16xi32>
        %add3A_385 = arith.constant 6 : i32
        %add3A_386 = vector.broadcast %add3A_385 : i32 to vector<16xi32>
        %add3A_387 = arith.addi %mul3A_384, %add3A_386 : vector<16xi32>
        %mul3A_388 = arith.constant 16 : i32
        %mul3A_389 = vector.broadcast %mul3A_388 : i32 to vector<16xi32>
        %mul3A_390 = arith.muli %iota3A, %mul3A_389 : vector<16xi32>
        %add3A_391 = arith.constant 7 : i32
        %add3A_392 = vector.broadcast %add3A_391 : i32 to vector<16xi32>
        %add3A_393 = arith.addi %mul3A_390, %add3A_392 : vector<16xi32>
        %mul3A_394 = arith.constant 16 : i32
        %mul3A_395 = vector.broadcast %mul3A_394 : i32 to vector<16xi32>
        %mul3A_396 = arith.muli %iota3A, %mul3A_395 : vector<16xi32>
        %add3A_397 = arith.constant 8 : i32
        %add3A_398 = vector.broadcast %add3A_397 : i32 to vector<16xi32>
        %add3A_399 = arith.addi %mul3A_396, %add3A_398 : vector<16xi32>
        %mul3A_400 = arith.constant 16 : i32
        %mul3A_401 = vector.broadcast %mul3A_400 : i32 to vector<16xi32>
        %mul3A_402 = arith.muli %iota3A, %mul3A_401 : vector<16xi32>
        %add3A_403 = arith.constant 9 : i32
        %add3A_404 = vector.broadcast %add3A_403 : i32 to vector<16xi32>
        %add3A_405 = arith.addi %mul3A_402, %add3A_404 : vector<16xi32>
        %mul3A_406 = arith.constant 16 : i32
        %mul3A_407 = vector.broadcast %mul3A_406 : i32 to vector<16xi32>
        %mul3A_408 = arith.muli %iota3A, %mul3A_407 : vector<16xi32>
        %add3A_409 = arith.constant 10 : i32
        %add3A_410 = vector.broadcast %add3A_409 : i32 to vector<16xi32>
        %add3A_411 = arith.addi %mul3A_408, %add3A_410 : vector<16xi32>
        %mul3A_412 = arith.constant 16 : i32
        %mul3A_413 = vector.broadcast %mul3A_412 : i32 to vector<16xi32>
        %mul3A_414 = arith.muli %iota3A, %mul3A_413 : vector<16xi32>
        %add3A_415 = arith.constant 11 : i32
        %add3A_416 = vector.broadcast %add3A_415 : i32 to vector<16xi32>
        %add3A_417 = arith.addi %mul3A_414, %add3A_416 : vector<16xi32>
        %mul3A_418 = arith.constant 16 : i32
        %mul3A_419 = vector.broadcast %mul3A_418 : i32 to vector<16xi32>
        %mul3A_420 = arith.muli %iota3A, %mul3A_419 : vector<16xi32>
        %add3A_421 = arith.constant 12 : i32
        %add3A_422 = vector.broadcast %add3A_421 : i32 to vector<16xi32>
        %add3A_423 = arith.addi %mul3A_420, %add3A_422 : vector<16xi32>
        %mul3A_424 = arith.constant 16 : i32
        %mul3A_425 = vector.broadcast %mul3A_424 : i32 to vector<16xi32>
        %mul3A_426 = arith.muli %iota3A, %mul3A_425 : vector<16xi32>
        %add3A_427 = arith.constant 13 : i32
        %add3A_428 = vector.broadcast %add3A_427 : i32 to vector<16xi32>
        %add3A_429 = arith.addi %mul3A_426, %add3A_428 : vector<16xi32>
        %mul3A_430 = arith.constant 16 : i32
        %mul3A_431 = vector.broadcast %mul3A_430 : i32 to vector<16xi32>
        %mul3A_432 = arith.muli %iota3A, %mul3A_431 : vector<16xi32>
        %add3A_433 = arith.constant 14 : i32
        %add3A_434 = vector.broadcast %add3A_433 : i32 to vector<16xi32>
        %add3A_435 = arith.addi %mul3A_432, %add3A_434 : vector<16xi32>
        %mul3A_436 = arith.constant 16 : i32
        %mul3A_437 = vector.broadcast %mul3A_436 : i32 to vector<16xi32>
        %mul3A_438 = arith.muli %iota3A, %mul3A_437 : vector<16xi32>
        %add3A_439 = arith.constant 15 : i32
        %add3A_440 = vector.broadcast %add3A_439 : i32 to vector<16xi32>
        %add3A_441 = arith.addi %mul3A_438, %add3A_440 : vector<16xi32>
        %mul3A_442 = arith.constant 16 : i32
        %mul3A_443 = vector.broadcast %mul3A_442 : i32 to vector<16xi32>
        %mul3A_444 = arith.muli %iota3A, %mul3A_443 : vector<16xi32>
        %add3A_445 = arith.constant 256 : i32
        %add3A_446 = vector.broadcast %add3A_445 : i32 to vector<16xi32>
        %add3A_447 = arith.addi %mul3A_444, %add3A_446 : vector<16xi32>
        %mul3A_448 = arith.constant 16 : i32
        %mul3A_449 = vector.broadcast %mul3A_448 : i32 to vector<16xi32>
        %mul3A_450 = arith.muli %iota3A, %mul3A_449 : vector<16xi32>
        %add3A_451 = arith.constant 257 : i32
        %add3A_452 = vector.broadcast %add3A_451 : i32 to vector<16xi32>
        %add3A_453 = arith.addi %mul3A_450, %add3A_452 : vector<16xi32>
        %mul3A_454 = arith.constant 16 : i32
        %mul3A_455 = vector.broadcast %mul3A_454 : i32 to vector<16xi32>
        %mul3A_456 = arith.muli %iota3A, %mul3A_455 : vector<16xi32>
        %add3A_457 = arith.constant 258 : i32
        %add3A_458 = vector.broadcast %add3A_457 : i32 to vector<16xi32>
        %add3A_459 = arith.addi %mul3A_456, %add3A_458 : vector<16xi32>
        %mul3A_460 = arith.constant 16 : i32
        %mul3A_461 = vector.broadcast %mul3A_460 : i32 to vector<16xi32>
        %mul3A_462 = arith.muli %iota3A, %mul3A_461 : vector<16xi32>
        %add3A_463 = arith.constant 259 : i32
        %add3A_464 = vector.broadcast %add3A_463 : i32 to vector<16xi32>
        %add3A_465 = arith.addi %mul3A_462, %add3A_464 : vector<16xi32>
        %mul3A_466 = arith.constant 16 : i32
        %mul3A_467 = vector.broadcast %mul3A_466 : i32 to vector<16xi32>
        %mul3A_468 = arith.muli %iota3A, %mul3A_467 : vector<16xi32>
        %add3A_469 = arith.constant 260 : i32
        %add3A_470 = vector.broadcast %add3A_469 : i32 to vector<16xi32>
        %add3A_471 = arith.addi %mul3A_468, %add3A_470 : vector<16xi32>
        %mul3A_472 = arith.constant 16 : i32
        %mul3A_473 = vector.broadcast %mul3A_472 : i32 to vector<16xi32>
        %mul3A_474 = arith.muli %iota3A, %mul3A_473 : vector<16xi32>
        %add3A_475 = arith.constant 261 : i32
        %add3A_476 = vector.broadcast %add3A_475 : i32 to vector<16xi32>
        %add3A_477 = arith.addi %mul3A_474, %add3A_476 : vector<16xi32>
        %mul3A_478 = arith.constant 16 : i32
        %mul3A_479 = vector.broadcast %mul3A_478 : i32 to vector<16xi32>
        %mul3A_480 = arith.muli %iota3A, %mul3A_479 : vector<16xi32>
        %add3A_481 = arith.constant 262 : i32
        %add3A_482 = vector.broadcast %add3A_481 : i32 to vector<16xi32>
        %add3A_483 = arith.addi %mul3A_480, %add3A_482 : vector<16xi32>
        %mul3A_484 = arith.constant 16 : i32
        %mul3A_485 = vector.broadcast %mul3A_484 : i32 to vector<16xi32>
        %mul3A_486 = arith.muli %iota3A, %mul3A_485 : vector<16xi32>
        %add3A_487 = arith.constant 263 : i32
        %add3A_488 = vector.broadcast %add3A_487 : i32 to vector<16xi32>
        %add3A_489 = arith.addi %mul3A_486, %add3A_488 : vector<16xi32>
        %mul3A_490 = arith.constant 16 : i32
        %mul3A_491 = vector.broadcast %mul3A_490 : i32 to vector<16xi32>
        %mul3A_492 = arith.muli %iota3A, %mul3A_491 : vector<16xi32>
        %add3A_493 = arith.constant 264 : i32
        %add3A_494 = vector.broadcast %add3A_493 : i32 to vector<16xi32>
        %add3A_495 = arith.addi %mul3A_492, %add3A_494 : vector<16xi32>
        %mul3A_496 = arith.constant 16 : i32
        %mul3A_497 = vector.broadcast %mul3A_496 : i32 to vector<16xi32>
        %mul3A_498 = arith.muli %iota3A, %mul3A_497 : vector<16xi32>
        %add3A_499 = arith.constant 265 : i32
        %add3A_500 = vector.broadcast %add3A_499 : i32 to vector<16xi32>
        %add3A_501 = arith.addi %mul3A_498, %add3A_500 : vector<16xi32>
        %mul3A_502 = arith.constant 16 : i32
        %mul3A_503 = vector.broadcast %mul3A_502 : i32 to vector<16xi32>
        %mul3A_504 = arith.muli %iota3A, %mul3A_503 : vector<16xi32>
        %add3A_505 = arith.constant 266 : i32
        %add3A_506 = vector.broadcast %add3A_505 : i32 to vector<16xi32>
        %add3A_507 = arith.addi %mul3A_504, %add3A_506 : vector<16xi32>
        %mul3A_508 = arith.constant 16 : i32
        %mul3A_509 = vector.broadcast %mul3A_508 : i32 to vector<16xi32>
        %mul3A_510 = arith.muli %iota3A, %mul3A_509 : vector<16xi32>
        %add3A_511 = arith.constant 267 : i32
        %add3A_512 = vector.broadcast %add3A_511 : i32 to vector<16xi32>
        %add3A_513 = arith.addi %mul3A_510, %add3A_512 : vector<16xi32>
        %mul3A_514 = arith.constant 16 : i32
        %mul3A_515 = vector.broadcast %mul3A_514 : i32 to vector<16xi32>
        %mul3A_516 = arith.muli %iota3A, %mul3A_515 : vector<16xi32>
        %add3A_517 = arith.constant 268 : i32
        %add3A_518 = vector.broadcast %add3A_517 : i32 to vector<16xi32>
        %add3A_519 = arith.addi %mul3A_516, %add3A_518 : vector<16xi32>
        %mul3A_520 = arith.constant 16 : i32
        %mul3A_521 = vector.broadcast %mul3A_520 : i32 to vector<16xi32>
        %mul3A_522 = arith.muli %iota3A, %mul3A_521 : vector<16xi32>
        %add3A_523 = arith.constant 269 : i32
        %add3A_524 = vector.broadcast %add3A_523 : i32 to vector<16xi32>
        %add3A_525 = arith.addi %mul3A_522, %add3A_524 : vector<16xi32>
        %mul3A_526 = arith.constant 16 : i32
        %mul3A_527 = vector.broadcast %mul3A_526 : i32 to vector<16xi32>
        %mul3A_528 = arith.muli %iota3A, %mul3A_527 : vector<16xi32>
        %add3A_529 = arith.constant 270 : i32
        %add3A_530 = vector.broadcast %add3A_529 : i32 to vector<16xi32>
        %add3A_531 = arith.addi %mul3A_528, %add3A_530 : vector<16xi32>
        %mul3A_532 = arith.constant 16 : i32
        %mul3A_533 = vector.broadcast %mul3A_532 : i32 to vector<16xi32>
        %mul3A_534 = arith.muli %iota3A, %mul3A_533 : vector<16xi32>
        %add3A_535 = arith.constant 271 : i32
        %add3A_536 = vector.broadcast %add3A_535 : i32 to vector<16xi32>
        %add3A_537 = arith.addi %mul3A_534, %add3A_536 : vector<16xi32>
        %scan3A_538 = arith.constant 0 : i32
        %scan3A_539 = arith.constant 32 : i32
        %scan3A_540 = arith.addi %scan3A_538, %scan3A_539 : i32
        %scan3A_541 = arith.constant 1 : i32
        scf.for %scan3A_550 = %scan3A_538 to %scan3A_540 step %scan3A_541  : i32 {
          %mul3A_551 = arith.constant 1 : i32
          %mul3A_552 = arith.muli %scan3A_550, %mul3A_551 : i32
          %add3A_553 = arith.constant 0 : i32
          %add3A_554 = arith.addi %add3A_553, %mul3A_552 : i32
          %get3A = arith.index_cast %add3A_554 : i32 to index
          %get3A_555 = arith.constant 0 : index
          %get3A_556 = tpu.vector_load %arg7[%get3A, %get3A_555] {strides = array<i32>} : memref<32x128xbf16, #tpu.memory_space<vmem>>, vector<32xbf16>,
          %unpack3A = tpu.unpack_subelements %get3A_556, 0 {pack_format = #tpu.pack_format<interleaved>} : vector<32xbf16> -> vector<16xf32>
          %unpack3A_557 = tpu.unpack_subelements %get3A_556, 1 {pack_format = #tpu.pack_format<interleaved>} : vector<32xbf16> -> vector<16xf32>
          %get3A_558 = arith.index_cast %add3A_554 : i32 to index
          %get3A_559 = arith.constant 32 : index
          %get3A_560 = tpu.vector_load %arg7[%get3A_558, %get3A_559] {strides = array<i32>} : memref<32x128xbf16, #tpu.memory_space<vmem>>, vector<32xbf16>,
          %unpack3A_561 = tpu.unpack_subelements %get3A_560, 0 {pack_format = #tpu.pack_format<interleaved>} : vector<32xbf16> -> vector<16xf32>
          %unpack3A_562 = tpu.unpack_subelements %get3A_560, 1 {pack_format = #tpu.pack_format<interleaved>} : vector<32xbf16> -> vector<16xf32>
          %get3A_563 = arith.index_cast %add3A_554 : i32 to index
          %get3A_564 = arith.constant 64 : index
          %get3A_565 = tpu.vector_load %arg7[%get3A_563, %get3A_564] {strides = array<i32>} : memref<32x128xbf16, #tpu.memory_space<vmem>>, vector<32xbf16>,
          %unpack3A_566 = tpu.unpack_subelements %get3A_565, 0 {pack_format = #tpu.pack_format<interleaved>} : vector<32xbf16> -> vector<16xf32>
          %unpack3A_567 = tpu.unpack_subelements %get3A_565, 1 {pack_format = #tpu.pack_format<interleaved>} : vector<32xbf16> -> vector<16xf32>
          %get3A_568 = arith.index_cast %add3A_554 : i32 to index
          %get3A_569 = arith.constant 96 : index
          %get3A_570 = tpu.vector_load %arg7[%get3A_568, %get3A_569] {strides = array<i32>} : memref<32x128xbf16, #tpu.memory_space<vmem>>, vector<32xbf16>,
          %unpack3A_571 = tpu.unpack_subelements %get3A_570, 0 {pack_format = #tpu.pack_format<interleaved>} : vector<32xbf16> -> vector<16xf32>
          %unpack3A_572 = tpu.unpack_subelements %get3A_570, 1 {pack_format = #tpu.pack_format<interleaved>} : vector<32xbf16> -> vector<16xf32>
          %mul3A_573 = arith.constant 11 : i32
          %mul3A_574 = arith.muli %add3A_554, %mul3A_573 : i32
          %add3A_575 = arith.constant 0 : i32
          %add3A_576 = arith.addi %mul3A_574, %add3A_575 : i32
          %get3A_577 = arith.index_cast %add3A_576 : i32 to index
          %get3A_578 = arith.constant 0 : index
          %get3A_579 = tpu.vector_load %arg35[%get3A_577, %get3A_578] {strides = array<i32>} : memref<352x64xf32, #tpu.memory_space<vmem>>, vector<16xf32>,
          %bitcast3A = vector.bitcast %get3A_579 : vector<16xf32> to vector<32xbf16>
          %unpack3A_580 = tpu.unpack_subelements %bitcast3A, 0 {pack_format = #tpu.pack_format<interleaved>} : vector<32xbf16> -> vector<16xf32>
          %unpack3A_581 = tpu.unpack_subelements %bitcast3A, 1 {pack_format = #tpu.pack_format<interleaved>} : vector<32xbf16> -> vector<16xf32>
          %mul3A_582 = arith.mulf %unpack3A_580, %unpack3A : vector<16xf32>
          %mul3A_583 = arith.mulf %unpack3A_581, %unpack3A_557 : vector<16xf32>
          %add3A_584 = arith.addf %mul3A_582, %mul3A_583 : vector<16xf32>
          %get3A_585 = arith.index_cast %add3A_576 : i32 to index
          %get3A_586 = arith.constant 16 : index
          %get3A_587 = tpu.vector_load %arg35[%get3A_585, %get3A_586] {strides = array<i32>} : memref<352x64xf32, #tpu.memory_space<vmem>>, vector<16xf32>,
          %bitcast3A_588 = vector.bitcast %get3A_587 : vector<16xf32> to vector<32xbf16>
          %unpack3A_589 = tpu.unpack_subelements %bitcast3A_588, 0 {pack_format = #tpu.pack_format<interleaved>} : vector<32xbf16> -> vector<16xf32>
          %unpack3A_590 = tpu.unpack_subelements %bitcast3A_588, 1 {pack_format = #tpu.pack_format<interleaved>} : vector<32xbf16> -> vector<16xf32>
          %mul3A_591 = arith.mulf %unpack3A_589, %unpack3A_561 : vector<16xf32>
          %mul3A_592 = arith.mulf %unpack3A_590, %unpack3A_562 : vector<16xf32>
          %add3A_593 = arith.addf %mul3A_591, %mul3A_592 : vector<16xf32>
          %get3A_594 = arith.index_cast %add3A_576 : i32 to index
          %get3A_595 = arith.constant 32 : index
          %get3A_596 = tpu.vector_load %arg35[%get3A_594, %get3A_595] {strides = array<i32>} : memref<352x64xf32, #tpu.memory_space<vmem>>, vector<16xf32>,
          %bitcast3A_597 = vector.bitcast %get3A_596 : vector<16xf32> to vector<32xbf16>
          %unpack3A_598 = tpu.unpack_subelements %bitcast3A_597, 0 {pack_format = #tpu.pack_format<interleaved>} : vector<32xbf16> -> vector<16xf32>
          %unpack3A_599 = tpu.unpack_subelements %bitcast3A_597, 1 {pack_format = #tpu.pack_format<interleaved>} : vector<32xbf16> -> vector<16xf32>
          %mul3A_600 = arith.mulf %unpack3A_598, %unpack3A_566 : vector<16xf32>
          %mul3A_601 = arith.mulf %unpack3A_599, %unpack3A_567 : vector<16xf32>
          %add3A_602 = arith.addf %mul3A_600, %mul3A_601 : vector<16xf32>
          %get3A_603 = arith.index_cast %add3A_576 : i32 to index
          %get3A_604 = arith.constant 48 : index
          %get3A_605 = tpu.vector_load %arg35[%get3A_603, %get3A_604] {strides = array<i32>} : memref<352x64xf32, #tpu.memory_space<vmem>>, vector<16xf32>,
          %bitcast3A_606 = vector.bitcast %get3A_605 : vector<16xf32> to vector<32xbf16>
          %unpack3A_607 = tpu.unpack_subelements %bitcast3A_606, 0 {pack_format = #tpu.pack_format<interleaved>} : vector<32xbf16> -> vector<16xf32>
          %unpack3A_608 = tpu.unpack_subelements %bitcast3A_606, 1 {pack_format = #tpu.pack_format<interleaved>} : vector<32xbf16> -> vector<16xf32>
          %mul3A_609 = arith.mulf %unpack3A_607, %unpack3A_571 : vector<16xf32>
          %mul3A_610 = arith.mulf %unpack3A_608, %unpack3A_572 : vector<16xf32>
          %add3A_611 = arith.addf %mul3A_609, %mul3A_610 : vector<16xf32>
          %add3A_612 = arith.addf %add3A_584, %add3A_593 : vector<16xf32>
          %add3A_613 = arith.addf %add3A_612, %add3A_602 : vector<16xf32>
          %add3A_614 = arith.addf %add3A_613, %add3A_611 : vector<16xf32>
          %swap3A_615 = arith.constant 0 : index
          %swap3A_616 = tpu.vector_load %arg33[%swap3A_615] {strides = array<i32>} : memref<512xf32, #tpu.memory_space<vmem>>, vector<16xf32>,
          tpu.vector_store %arg33[%swap3A_615], %add3A_614 {strides = array<i32>} : memref<512xf32, #tpu.memory_space<vmem>>, vector<16xf32>,
          %mul3A_617 = arith.constant 11 : i32
          %mul3A_618 = arith.muli %add3A_554, %mul3A_617 : i32
          %add3A_619 = arith.constant 1 : i32
          %add3A_620 = arith.addi %mul3A_618, %add3A_619 : i32
          %get3A_621 = arith.index_cast %add3A_620 : i32 to index
          %get3A_622 = arith.constant 0 : index
          %get3A_623 = tpu.vector_load %arg35[%get3A_621, %get3A_622] {strides = array<i32>} : memref<352x64xf32, #tpu.memory_space<vmem>>, vector<16xf32>,
          %bitcast3A_624 = vector.bitcast %get3A_623 : vector<16xf32> to vector<32xbf16>
          %unpack3A_625 = tpu.unpack_subelements %bitcast3A_624, 0 {pack_format = #tpu.pack_format<interleaved>} : vector<32xbf16> -> vector<16xf32>
          %unpack3A_626 = tpu.unpack_subelements %bitcast3A_624, 1 {pack_format = #tpu.pack_format<interleaved>} : vector<32xbf16> -> vector<16xf32>
          %mul3A_627 = arith.mulf %unpack3A_625, %unpack3A : vector<16xf32>
          %mul3A_628 = arith.mulf %unpack3A_626, %unpack3A_557 : vector<16xf32>
          %add3A_629 = arith.addf %mul3A_627, %mul3A_628 : vector<16xf32>
          %get3A_630 = arith.index_cast %add3A_620 : i32 to index
          %get3A_631 = arith.constant 16 : index
          %get3A_632 = tpu.vector_load %arg35[%get3A_630, %get3A_631] {strides = array<i32>} : memref<352x64xf32, #tpu.memory_space<vmem>>, vector<16xf32>,
          %bitcast3A_633 = vector.bitcast %get3A_632 : vector<16xf32> to vector<32xbf16>
          %unpack3A_634 = tpu.unpack_subelements %bitcast3A_633, 0 {pack_format = #tpu.pack_format<interleaved>} : vector<32xbf16> -> vector<16xf32>
          %unpack3A_635 = tpu.unpack_subelements %bitcast3A_633, 1 {pack_format = #tpu.pack_format<interleaved>} : vector<32xbf16> -> vector<16xf32>
          %mul3A_636 = arith.mulf %unpack3A_634, %unpack3A_561 : vector<16xf32>
          %mul3A_637 = arith.mulf %unpack3A_635, %unpack3A_562 : vector<16xf32>
          %add3A_638 = arith.addf %mul3A_636, %mul3A_637 : vector<16xf32>
          %get3A_639 = arith.index_cast %add3A_620 : i32 to index
          %get3A_640 = arith.constant 32 : index
          %get3A_641 = tpu.vector_load %arg35[%get3A_639, %get3A_640] {strides = array<i32>} : memref<352x64xf32, #tpu.memory_space<vmem>>, vector<16xf32>,
          %bitcast3A_642 = vector.bitcast %get3A_641 : vector<16xf32> to vector<32xbf16>
          %unpack3A_643 = tpu.unpack_subelements %bitcast3A_642, 0 {pack_format = #tpu.pack_format<interleaved>} : vector<32xbf16> -> vector<16xf32>
          %unpack3A_644 = tpu.unpack_subelements %bitcast3A_642, 1 {pack_format = #tpu.pack_format<interleaved>} : vector<32xbf16> -> vector<16xf32>
          %mul3A_645 = arith.mulf %unpack3A_643, %unpack3A_566 : vector<16xf32>
          %mul3A_646 = arith.mulf %unpack3A_644, %unpack3A_567 : vector<16xf32>
          %add3A_647 = arith.addf %mul3A_645, %mul3A_646 : vector<16xf32>
          %get3A_648 = arith.index_cast %add3A_620 : i32 to index
          %get3A_649 = arith.constant 48 : index
          %get3A_650 = tpu.vector_load %arg35[%get3A_648, %get3A_649] {strides = array<i32>} : memref<352x64xf32, #tpu.memory_space<vmem>>, vector<16xf32>,
          %bitcast3A_651 = vector.bitcast %get3A_650 : vector<16xf32> to vector<32xbf16>
          %unpack3A_652 = tpu.unpack_subelements %bitcast3A_651, 0 {pack_format = #tpu.pack_format<interleaved>} : vector<32xbf16> -> vector<16xf32>
          %unpack3A_653 = tpu.unpack_subelements %bitcast3A_651, 1 {pack_format = #tpu.pack_format<interleaved>} : vector<32xbf16> -> vector<16xf32>
          %mul3A_654 = arith.mulf %unpack3A_652, %unpack3A_571 : vector<16xf32>
          %mul3A_655 = arith.mulf %unpack3A_653, %unpack3A_572 : vector<16xf32>
          %add3A_656 = arith.addf %mul3A_654, %mul3A_655 : vector<16xf32>
          %add3A_657 = arith.addf %add3A_629, %add3A_638 : vector<16xf32>
          %add3A_658 = arith.addf %add3A_657, %add3A_647 : vector<16xf32>
          %add3A_659 = arith.addf %add3A_658, %add3A_656 : vector<16xf32>
          %swap3A_660 = arith.constant 16 : index
          %swap3A_661 = tpu.vector_load %arg33[%swap3A_660] {strides = array<i32>} : memref<512xf32, #tpu.memory_space<vmem>>, vector<16xf32>,
          tpu.vector_store %arg33[%swap3A_660], %add3A_659 {strides = array<i32>} : memref<512xf32, #tpu.memory_space<vmem>>, vector<16xf32>,
          %mul3A_662 = arith.constant 11 : i32
          %mul3A_663 = arith.muli %add3A_554, %mul3A_662 : i32
          %add3A_664 = arith.constant 2 : i32
          %add3A_665 = arith.addi %mul3A_663, %add3A_664 : i32
          %get3A_666 = arith.index_cast %add3A_665 : i32 to index
          %get3A_667 = arith.constant 0 : index
          %get3A_668 = tpu.vector_load %arg35[%get3A_666, %get3A_667] {strides = array<i32>} : memref<352x64xf32, #tpu.memory_space<vmem>>, vector<16xf32>,
          %bitcast3A_669 = vector.bitcast %get3A_668 : vector<16xf32> to vector<32xbf16>
          %unpack3A_670 = tpu.unpack_subelements %bitcast3A_669, 0 {pack_format = #tpu.pack_format<interleaved>} : vector<32xbf16> -> vector<16xf32>
          %unpack3A_671 = tpu.unpack_subelements %bitcast3A_669, 1 {pack_format = #tpu.pack_format<interleaved>} : vector<32xbf16> -> vector<16xf32>
          %mul3A_672 = arith.mulf %unpack3A_670, %unpack3A : vector<16xf32>
          %mul3A_673 = arith.mulf %unpack3A_671, %unpack3A_557 : vector<16xf32>
          %add3A_674 = arith.addf %mul3A_672, %mul3A_673 : vector<16xf32>
          %get3A_675 = arith.index_cast %add3A_665 : i32 to index
          %get3A_676 = arith.constant 16 : index
          %get3A_677 = tpu.vector_load %arg35[%get3A_675, %get3A_676] {strides = array<i32>} : memref<352x64xf32, #tpu.memory_space<vmem>>, vector<16xf32>,
          %bitcast3A_678 = vector.bitcast %get3A_677 : vector<16xf32> to vector<32xbf16>
          %unpack3A_679 = tpu.unpack_subelements %bitcast3A_678, 0 {pack_format = #tpu.pack_format<interleaved>} : vector<32xbf16> -> vector<16xf32>
          %unpack3A_680 = tpu.unpack_subelements %bitcast3A_678, 1 {pack_format = #tpu.pack_format<interleaved>} : vector<32xbf16> -> vector<16xf32>
          %mul3A_681 = arith.mulf %unpack3A_679, %unpack3A_561 : vector<16xf32>
          %mul3A_682 = arith.mulf %unpack3A_680, %unpack3A_562 : vector<16xf32>
          %add3A_683 = arith.addf %mul3A_681, %mul3A_682 : vector<16xf32>
          %get3A_684 = arith.index_cast %add3A_665 : i32 to index
          %get3A_685 = arith.constant 32 : index
          %get3A_686 = tpu.vector_load %arg35[%get3A_684, %get3A_685] {strides = array<i32>} : memref<352x64xf32, #tpu.memory_space<vmem>>, vector<16xf32>,
          %bitcast3A_687 = vector.bitcast %get3A_686 : vector<16xf32> to vector<32xbf16>
          %unpack3A_688 = tpu.unpack_subelements %bitcast3A_687, 0 {pack_format = #tpu.pack_format<interleaved>} : vector<32xbf16> -> vector<16xf32>
          %unpack3A_689 = tpu.unpack_subelements %bitcast3A_687, 1 {pack_format = #tpu.pack_format<interleaved>} : vector<32xbf16> -> vector<16xf32>
          %mul3A_690 = arith.mulf %unpack3A_688, %unpack3A_566 : vector<16xf32>
          %mul3A_691 = arith.mulf %unpack3A_689, %unpack3A_567 : vector<16xf32>
          %add3A_692 = arith.addf %mul3A_690, %mul3A_691 : vector<16xf32>
          %get3A_693 = arith.index_cast %add3A_665 : i32 to index
          %get3A_694 = arith.constant 48 : index
          %get3A_695 = tpu.vector_load %arg35[%get3A_693, %get3A_694] {strides = array<i32>} : memref<352x64xf32, #tpu.memory_space<vmem>>, vector<16xf32>,
          %bitcast3A_696 = vector.bitcast %get3A_695 : vector<16xf32> to vector<32xbf16>
          %unpack3A_697 = tpu.unpack_subelements %bitcast3A_696, 0 {pack_format = #tpu.pack_format<interleaved>} : vector<32xbf16> -> vector<16xf32>
          %unpack3A_698 = tpu.unpack_subelements %bitcast3A_696, 1 {pack_format = #tpu.pack_format<interleaved>} : vector<32xbf16> -> vector<16xf32>
          %mul3A_699 = arith.mulf %unpack3A_697, %unpack3A_571 : vector<16xf32>
          %mul3A_700 = arith.mulf %unpack3A_698, %unpack3A_572 : vector<16xf32>
          %add3A_701 = arith.addf %mul3A_699, %mul3A_700 : vector<16xf32>
          %add3A_702 = arith.addf %add3A_674, %add3A_683 : vector<16xf32>
          %add3A_703 = arith.addf %add3A_702, %add3A_692 : vector<16xf32>
          %add3A_704 = arith.addf %add3A_703, %add3A_701 : vector<16xf32>
          %swap3A_705 = arith.constant 32 : index
          %swap3A_706 = tpu.vector_load %arg33[%swap3A_705] {strides = array<i32>} : memref<512xf32, #tpu.memory_space<vmem>>, vector<16xf32>,
          tpu.vector_store %arg33[%swap3A_705], %add3A_704 {strides = array<i32>} : memref<512xf32, #tpu.memory_space<vmem>>, vector<16xf32>,
          %mul3A_707 = arith.constant 11 : i32
          %mul3A_708 = arith.muli %add3A_554, %mul3A_707 : i32
          %add3A_709 = arith.constant 3 : i32
          %add3A_710 = arith.addi %mul3A_708, %add3A_709 : i32
          %get3A_711 = arith.index_cast %add3A_710 : i32 to index
          %get3A_712 = arith.constant 0 : index
          %get3A_713 = tpu.vector_load %arg35[%get3A_711, %get3A_712] {strides = array<i32>} : memref<352x64xf32, #tpu.memory_space<vmem>>, vector<16xf32>,
          %bitcast3A_714 = vector.bitcast %get3A_713 : vector<16xf32> to vector<32xbf16>
          %unpack3A_715 = tpu.unpack_subelements %bitcast3A_714, 0 {pack_format = #tpu.pack_format<interleaved>} : vector<32xbf16> -> vector<16xf32>
          %unpack3A_716 = tpu.unpack_subelements %bitcast3A_714, 1 {pack_format = #tpu.pack_format<interleaved>} : vector<32xbf16> -> vector<16xf32>
          %mul3A_717 = arith.mulf %unpack3A_715, %unpack3A : vector<16xf32>
          %mul3A_718 = arith.mulf %unpack3A_716, %unpack3A_557 : vector<16xf32>
          %add3A_719 = arith.addf %mul3A_717, %mul3A_718 : vector<16xf32>
          %get3A_720 = arith.index_cast %add3A_710 : i32 to index
          %get3A_721 = arith.constant 16 : index
          %get3A_722 = tpu.vector_load %arg35[%get3A_720, %get3A_721] {strides = array<i32>} : memref<352x64xf32, #tpu.memory_space<vmem>>, vector<16xf32>,
          %bitcast3A_723 = vector.bitcast %get3A_722 : vector<16xf32> to vector<32xbf16>
          %unpack3A_724 = tpu.unpack_subelements %bitcast3A_723, 0 {pack_format = #tpu.pack_format<interleaved>} : vector<32xbf16> -> vector<16xf32>
          %unpack3A_725 = tpu.unpack_subelements %bitcast3A_723, 1 {pack_format = #tpu.pack_format<interleaved>} : vector<32xbf16> -> vector<16xf32>
          %mul3A_726 = arith.mulf %unpack3A_724, %unpack3A_561 : vector<16xf32>
          %mul3A_727 = arith.mulf %unpack3A_725, %unpack3A_562 : vector<16xf32>
          %add3A_728 = arith.addf %mul3A_726, %mul3A_727 : vector<16xf32>
          %get3A_729 = arith.index_cast %add3A_710 : i32 to index
          %get3A_730 = arith.constant 32 : index
          %get3A_731 = tpu.vector_load %arg35[%get3A_729, %get3A_730] {strides = array<i32>} : memref<352x64xf32, #tpu.memory_space<vmem>>, vector<16xf32>,
          %bitcast3A_732 = vector.bitcast %get3A_731 : vector<16xf32> to vector<32xbf16>
          %unpack3A_733 = tpu.unpack_subelements %bitcast3A_732, 0 {pack_format = #tpu.pack_format<interleaved>} : vector<32xbf16> -> vector<16xf32>
          %unpack3A_734 = tpu.unpack_subelements %bitcast3A_732, 1 {pack_format = #tpu.pack_format<interleaved>} : vector<32xbf16> -> vector<16xf32>
          %mul3A_735 = arith.mulf %unpack3A_733, %unpack3A_566 : vector<16xf32>
          %mul3A_736 = arith.mulf %unpack3A_734, %unpack3A_567 : vector<16xf32>
          %add3A_737 = arith.addf %mul3A_735, %mul3A_736 : vector<16xf32>
          %get3A_738 = arith.index_cast %add3A_710 : i32 to index
          %get3A_739 = arith.constant 48 : index
          %get3A_740 = tpu.vector_load %arg35[%get3A_738, %get3A_739] {strides = array<i32>} : memref<352x64xf32, #tpu.memory_space<vmem>>, vector<16xf32>,
          %bitcast3A_741 = vector.bitcast %get3A_740 : vector<16xf32> to vector<32xbf16>
          %unpack3A_742 = tpu.unpack_subelements %bitcast3A_741, 0 {pack_format = #tpu.pack_format<interleaved>} : vector<32xbf16> -> vector<16xf32>
          %unpack3A_743 = tpu.unpack_subelements %bitcast3A_741, 1 {pack_format = #tpu.pack_format<interleaved>} : vector<32xbf16> -> vector<16xf32>
          %mul3A_744 = arith.mulf %unpack3A_742, %unpack3A_571 : vector<16xf32>
          %mul3A_745 = arith.mulf %unpack3A_743, %unpack3A_572 : vector<16xf32>
          %add3A_746 = arith.addf %mul3A_744, %mul3A_745 : vector<16xf32>
          %add3A_747 = arith.addf %add3A_719, %add3A_728 : vector<16xf32>
          %add3A_748 = arith.addf %add3A_747, %add3A_737 : vector<16xf32>
          %add3A_749 = arith.addf %add3A_748, %add3A_746 : vector<16xf32>
          %swap3A_750 = arith.constant 48 : index
          %swap3A_751 = tpu.vector_load %arg33[%swap3A_750] {strides = array<i32>} : memref<512xf32, #tpu.memory_space<vmem>>, vector<16xf32>,
          tpu.vector_store %arg33[%swap3A_750], %add3A_749 {strides = array<i32>} : memref<512xf32, #tpu.memory_space<vmem>>, vector<16xf32>,
          %mul3A_752 = arith.constant 11 : i32
          %mul3A_753 = arith.muli %add3A_554, %mul3A_752 : i32
          %add3A_754 = arith.constant 4 : i32
          %add3A_755 = arith.addi %mul3A_753, %add3A_754 : i32
          %get3A_756 = arith.index_cast %add3A_755 : i32 to index
          %get3A_757 = arith.constant 0 : index
          %get3A_758 = tpu.vector_load %arg35[%get3A_756, %get3A_757] {strides = array<i32>} : memref<352x64xf32, #tpu.memory_space<vmem>>, vector<16xf32>,
          %bitcast3A_759 = vector.bitcast %get3A_758 : vector<16xf32> to vector<32xbf16>
          %unpack3A_760 = tpu.unpack_subelements %bitcast3A_759, 0 {pack_format = #tpu.pack_format<interleaved>} : vector<32xbf16> -> vector<16xf32>
          %unpack3A_761 = tpu.unpack_subelements %bitcast3A_759, 1 {pack_format = #tpu.pack_format<interleaved>} : vector<32xbf16> -> vector<16xf32>
          %mul3A_762 = arith.mulf %unpack3A_760, %unpack3A : vector<16xf32>
          %mul3A_763 = arith.mulf %unpack3A_761, %unpack3A_557 : vector<16xf32>
          %add3A_764 = arith.addf %mul3A_762, %mul3A_763 : vector<16xf32>
          %get3A_765 = arith.index_cast %add3A_755 : i32 to index
          %get3A_766 = arith.constant 16 : index
          %get3A_767 = tpu.vector_load %arg35[%get3A_765, %get3A_766] {strides = array<i32>} : memref<352x64xf32, #tpu.memory_space<vmem>>, vector<16xf32>,
          %bitcast3A_768 = vector.bitcast %get3A_767 : vector<16xf32> to vector<32xbf16>
          %unpack3A_769 = tpu.unpack_subelements %bitcast3A_768, 0 {pack_format = #tpu.pack_format<interleaved>} : vector<32xbf16> -> vector<16xf32>
          %unpack3A_770 = tpu.unpack_subelements %bitcast3A_768, 1 {pack_format = #tpu.pack_format<interleaved>} : vector<32xbf16> -> vector<16xf32>
          %mul3A_771 = arith.mulf %unpack3A_769, %unpack3A_561 : vector<16xf32>
          %mul3A_772 = arith.mulf %unpack3A_770, %unpack3A_562 : vector<16xf32>
          %add3A_773 = arith.addf %mul3A_771, %mul3A_772 : vector<16xf32>
          %get3A_774 = arith.index_cast %add3A_755 : i32 to index
          %get3A_775 = arith.constant 32 : index
          %get3A_776 = tpu.vector_load %arg35[%get3A_774, %get3A_775] {strides = array<i32>} : memref<352x64xf32, #tpu.memory_space<vmem>>, vector<16xf32>,
          %bitcast3A_777 = vector.bitcast %get3A_776 : vector<16xf32> to vector<32xbf16>
          %unpack3A_778 = tpu.unpack_subelements %bitcast3A_777, 0 {pack_format = #tpu.pack_format<interleaved>} : vector<32xbf16> -> vector<16xf32>
          %unpack3A_779 = tpu.unpack_subelements %bitcast3A_777, 1 {pack_format = #tpu.pack_format<interleaved>} : vector<32xbf16> -> vector<16xf32>
          %mul3A_780 = arith.mulf %unpack3A_778, %unpack3A_566 : vector<16xf32>
          %mul3A_781 = arith.mulf %unpack3A_779, %unpack3A_567 : vector<16xf32>
          %add3A_782 = arith.addf %mul3A_780, %mul3A_781 : vector<16xf32>
          %get3A_783 = arith.index_cast %add3A_755 : i32 to index
          %get3A_784 = arith.constant 48 : index
          %get3A_785 = tpu.vector_load %arg35[%get3A_783, %get3A_784] {strides = array<i32>} : memref<352x64xf32, #tpu.memory_space<vmem>>, vector<16xf32>,
          %bitcast3A_786 = vector.bitcast %get3A_785 : vector<16xf32> to vector<32xbf16>
          %unpack3A_787 = tpu.unpack_subelements %bitcast3A_786, 0 {pack_format = #tpu.pack_format<interleaved>} : vector<32xbf16> -> vector<16xf32>
          %unpack3A_788 = tpu.unpack_subelements %bitcast3A_786, 1 {pack_format = #tpu.pack_format<interleaved>} : vector<32xbf16> -> vector<16xf32>
          %mul3A_789 = arith.mulf %unpack3A_787, %unpack3A_571 : vector<16xf32>
          %mul3A_790 = arith.mulf %unpack3A_788, %unpack3A_572 : vector<16xf32>
          %add3A_791 = arith.addf %mul3A_789, %mul3A_790 : vector<16xf32>
          %add3A_792 = arith.addf %add3A_764, %add3A_773 : vector<16xf32>
          %add3A_793 = arith.addf %add3A_792, %add3A_782 : vector<16xf32>
          %add3A_794 = arith.addf %add3A_793, %add3A_791 : vector<16xf32>
          %swap3A_795 = arith.constant 64 : index
          %swap3A_796 = tpu.vector_load %arg33[%swap3A_795] {strides = array<i32>} : memref<512xf32, #tpu.memory_space<vmem>>, vector<16xf32>,
          tpu.vector_store %arg33[%swap3A_795], %add3A_794 {strides = array<i32>} : memref<512xf32, #tpu.memory_space<vmem>>, vector<16xf32>,
          %mul3A_797 = arith.constant 11 : i32
          %mul3A_798 = arith.muli %add3A_554, %mul3A_797 : i32
          %add3A_799 = arith.constant 5 : i32
          %add3A_800 = arith.addi %mul3A_798, %add3A_799 : i32
          %get3A_801 = arith.index_cast %add3A_800 : i32 to index
          %get3A_802 = arith.constant 0 : index
          %get3A_803 = tpu.vector_load %arg35[%get3A_801, %get3A_802] {strides = array<i32>} : memref<352x64xf32, #tpu.memory_space<vmem>>, vector<16xf32>,
          %bitcast3A_804 = vector.bitcast %get3A_803 : vector<16xf32> to vector<32xbf16>
          %unpack3A_805 = tpu.unpack_subelements %bitcast3A_804, 0 {pack_format = #tpu.pack_format<interleaved>} : vector<32xbf16> -> vector<16xf32>
          %unpack3A_806 = tpu.unpack_subelements %bitcast3A_804, 1 {pack_format = #tpu.pack_format<interleaved>} : vector<32xbf16> -> vector<16xf32>
          %mul3A_807 = arith.mulf %unpack3A_805, %unpack3A : vector<16xf32>
          %mul3A_808 = arith.mulf %unpack3A_806, %unpack3A_557 : vector<16xf32>
          %add3A_809 = arith.addf %mul3A_807, %mul3A_808 : vector<16xf32>
          %get3A_810 = arith.index_cast %add3A_800 : i32 to index
          %get3A_811 = arith.constant 16 : index
          %get3A_812 = tpu.vector_load %arg35[%get3A_810, %get3A_811] {strides = array<i32>} : memref<352x64xf32, #tpu.memory_space<vmem>>, vector<16xf32>,
          %bitcast3A_813 = vector.bitcast %get3A_812 : vector<16xf32> to vector<32xbf16>
          %unpack3A_814 = tpu.unpack_subelements %bitcast3A_813, 0 {pack_format = #tpu.pack_format<interleaved>} : vector<32xbf16> -> vector<16xf32>
          %unpack3A_815 = tpu.unpack_subelements %bitcast3A_813, 1 {pack_format = #tpu.pack_format<interleaved>} : vector<32xbf16> -> vector<16xf32>
          %mul3A_816 = arith.mulf %unpack3A_814, %unpack3A_561 : vector<16xf32>
          %mul3A_817 = arith.mulf %unpack3A_815, %unpack3A_562 : vector<16xf32>
          %add3A_818 = arith.addf %mul3A_816, %mul3A_817 : vector<16xf32>
          %get3A_819 = arith.index_cast %add3A_800 : i32 to index
          %get3A_820 = arith.constant 32 : index
          %get3A_821 = tpu.vector_load %arg35[%get3A_819, %get3A_820] {strides = array<i32>} : memref<352x64xf32, #tpu.memory_space<vmem>>, vector<16xf32>,
          %bitcast3A_822 = vector.bitcast %get3A_821 : vector<16xf32> to vector<32xbf16>
          %unpack3A_823 = tpu.unpack_subelements %bitcast3A_822, 0 {pack_format = #tpu.pack_format<interleaved>} : vector<32xbf16> -> vector<16xf32>
          %unpack3A_824 = tpu.unpack_subelements %bitcast3A_822, 1 {pack_format = #tpu.pack_format<interleaved>} : vector<32xbf16> -> vector<16xf32>
          %mul3A_825 = arith.mulf %unpack3A_823, %unpack3A_566 : vector<16xf32>
          %mul3A_826 = arith.mulf %unpack3A_824, %unpack3A_567 : vector<16xf32>
          %add3A_827 = arith.addf %mul3A_825, %mul3A_826 : vector<16xf32>
          %get3A_828 = arith.index_cast %add3A_800 : i32 to index
          %get3A_829 = arith.constant 48 : index
          %get3A_830 = tpu.vector_load %arg35[%get3A_828, %get3A_829] {strides = array<i32>} : memref<352x64xf32, #tpu.memory_space<vmem>>, vector<16xf32>,
          %bitcast3A_831 = vector.bitcast %get3A_830 : vector<16xf32> to vector<32xbf16>
          %unpack3A_832 = tpu.unpack_subelements %bitcast3A_831, 0 {pack_format = #tpu.pack_format<interleaved>} : vector<32xbf16> -> vector<16xf32>
          %unpack3A_833 = tpu.unpack_subelements %bitcast3A_831, 1 {pack_format = #tpu.pack_format<interleaved>} : vector<32xbf16> -> vector<16xf32>
          %mul3A_834 = arith.mulf %unpack3A_832, %unpack3A_571 : vector<16xf32>
          %mul3A_835 = arith.mulf %unpack3A_833, %unpack3A_572 : vector<16xf32>
          %add3A_836 = arith.addf %mul3A_834, %mul3A_835 : vector<16xf32>
          %add3A_837 = arith.addf %add3A_809, %add3A_818 : vector<16xf32>
          %add3A_838 = arith.addf %add3A_837, %add3A_827 : vector<16xf32>
          %add3A_839 = arith.addf %add3A_838, %add3A_836 : vector<16xf32>
          %swap3A_840 = arith.constant 80 : index
          %swap3A_841 = tpu.vector_load %arg33[%swap3A_840] {strides = array<i32>} : memref<512xf32, #tpu.memory_space<vmem>>, vector<16xf32>,
          tpu.vector_store %arg33[%swap3A_840], %add3A_839 {strides = array<i32>} : memref<512xf32, #tpu.memory_space<vmem>>, vector<16xf32>,
          %mul3A_842 = arith.constant 11 : i32
          %mul3A_843 = arith.muli %add3A_554, %mul3A_842 : i32
          %add3A_844 = arith.constant 6 : i32
          %add3A_845 = arith.addi %mul3A_843, %add3A_844 : i32
          %get3A_846 = arith.index_cast %add3A_845 : i32 to index
          %get3A_847 = arith.constant 0 : index
          %get3A_848 = tpu.vector_load %arg35[%get3A_846, %get3A_847] {strides = array<i32>} : memref<352x64xf32, #tpu.memory_space<vmem>>, vector<16xf32>,
          %bitcast3A_849 = vector.bitcast %get3A_848 : vector<16xf32> to vector<32xbf16>
          %unpack3A_850 = tpu.unpack_subelements %bitcast3A_849, 0 {pack_format = #tpu.pack_format<interleaved>} : vector<32xbf16> -> vector<16xf32>
          %unpack3A_851 = tpu.unpack_subelements %bitcast3A_849, 1 {pack_format = #tpu.pack_format<interleaved>} : vector<32xbf16> -> vector<16xf32>
          %mul3A_852 = arith.mulf %unpack3A_850, %unpack3A : vector<16xf32>
          %mul3A_853 = arith.mulf %unpack3A_851, %unpack3A_557 : vector<16xf32>
          %add3A_854 = arith.addf %mul3A_852, %mul3A_853 : vector<16xf32>
          %get3A_855 = arith.index_cast %add3A_845 : i32 to index
          %get3A_856 = arith.constant 16 : index
          %get3A_857 = tpu.vector_load %arg35[%get3A_855, %get3A_856] {strides = array<i32>} : memref<352x64xf32, #tpu.memory_space<vmem>>, vector<16xf32>,
          %bitcast3A_858 = vector.bitcast %get3A_857 : vector<16xf32> to vector<32xbf16>
          %unpack3A_859 = tpu.unpack_subelements %bitcast3A_858, 0 {pack_format = #tpu.pack_format<interleaved>} : vector<32xbf16> -> vector<16xf32>
          %unpack3A_860 = tpu.unpack_subelements %bitcast3A_858, 1 {pack_format = #tpu.pack_format<interleaved>} : vector<32xbf16> -> vector<16xf32>
          %mul3A_861 = arith.mulf %unpack3A_859, %unpack3A_561 : vector<16xf32>
          %mul3A_862 = arith.mulf %unpack3A_860, %unpack3A_562 : vector<16xf32>
          %add3A_863 = arith.addf %mul3A_861, %mul3A_862 : vector<16xf32>
          %get3A_864 = arith.index_cast %add3A_845 : i32 to index
          %get3A_865 = arith.constant 32 : index
          %get3A_866 = tpu.vector_load %arg35[%get3A_864, %get3A_865] {strides = array<i32>} : memref<352x64xf32, #tpu.memory_space<vmem>>, vector<16xf32>,
          %bitcast3A_867 = vector.bitcast %get3A_866 : vector<16xf32> to vector<32xbf16>
          %unpack3A_868 = tpu.unpack_subelements %bitcast3A_867, 0 {pack_format = #tpu.pack_format<interleaved>} : vector<32xbf16> -> vector<16xf32>
          %unpack3A_869 = tpu.unpack_subelements %bitcast3A_867, 1 {pack_format = #tpu.pack_format<interleaved>} : vector<32xbf16> -> vector<16xf32>
          %mul3A_870 = arith.mulf %unpack3A_868, %unpack3A_566 : vector<16xf32>
          %mul3A_871 = arith.mulf %unpack3A_869, %unpack3A_567 : vector<16xf32>
          %add3A_872 = arith.addf %mul3A_870, %mul3A_871 : vector<16xf32>
          %get3A_873 = arith.index_cast %add3A_845 : i32 to index
          %get3A_874 = arith.constant 48 : index
          %get3A_875 = tpu.vector_load %arg35[%get3A_873, %get3A_874] {strides = array<i32>} : memref<352x64xf32, #tpu.memory_space<vmem>>, vector<16xf32>,
          %bitcast3A_876 = vector.bitcast %get3A_875 : vector<16xf32> to vector<32xbf16>
          %unpack3A_877 = tpu.unpack_subelements %bitcast3A_876, 0 {pack_format = #tpu.pack_format<interleaved>} : vector<32xbf16> -> vector<16xf32>
          %unpack3A_878 = tpu.unpack_subelements %bitcast3A_876, 1 {pack_format = #tpu.pack_format<interleaved>} : vector<32xbf16> -> vector<16xf32>
          %mul3A_879 = arith.mulf %unpack3A_877, %unpack3A_571 : vector<16xf32>
          %mul3A_880 = arith.mulf %unpack3A_878, %unpack3A_572 : vector<16xf32>
          %add3A_881 = arith.addf %mul3A_879, %mul3A_880 : vector<16xf32>
          %add3A_882 = arith.addf %add3A_854, %add3A_863 : vector<16xf32>
          %add3A_883 = arith.addf %add3A_882, %add3A_872 : vector<16xf32>
          %add3A_884 = arith.addf %add3A_883, %add3A_881 : vector<16xf32>
          %swap3A_885 = arith.constant 96 : index
          %swap3A_886 = tpu.vector_load %arg33[%swap3A_885] {strides = array<i32>} : memref<512xf32, #tpu.memory_space<vmem>>, vector<16xf32>,
          tpu.vector_store %arg33[%swap3A_885], %add3A_884 {strides = array<i32>} : memref<512xf32, #tpu.memory_space<vmem>>, vector<16xf32>,
          %mul3A_887 = arith.constant 11 : i32
          %mul3A_888 = arith.muli %add3A_554, %mul3A_887 : i32
          %add3A_889 = arith.constant 7 : i32
          %add3A_890 = arith.addi %mul3A_888, %add3A_889 : i32
          %get3A_891 = arith.index_cast %add3A_890 : i32 to index
          %get3A_892 = arith.constant 0 : index
          %get3A_893 = tpu.vector_load %arg35[%get3A_891, %get3A_892] {strides = array<i32>} : memref<352x64xf32, #tpu.memory_space<vmem>>, vector<16xf32>,
          %bitcast3A_894 = vector.bitcast %get3A_893 : vector<16xf32> to vector<32xbf16>
          %unpack3A_895 = tpu.unpack_subelements %bitcast3A_894, 0 {pack_format = #tpu.pack_format<interleaved>} : vector<32xbf16> -> vector<16xf32>
          %unpack3A_896 = tpu.unpack_subelements %bitcast3A_894, 1 {pack_format = #tpu.pack_format<interleaved>} : vector<32xbf16> -> vector<16xf32>
          %mul3A_897 = arith.mulf %unpack3A_895, %unpack3A : vector<16xf32>
          %mul3A_898 = arith.mulf %unpack3A_896, %unpack3A_557 : vector<16xf32>
          %add3A_899 = arith.addf %mul3A_897, %mul3A_898 : vector<16xf32>
          %get3A_900 = arith.index_cast %add3A_890 : i32 to index
          %get3A_901 = arith.constant 16 : index
          %get3A_902 = tpu.vector_load %arg35[%get3A_900, %get3A_901] {strides = array<i32>} : memref<352x64xf32, #tpu.memory_space<vmem>>, vector<16xf32>,
          %bitcast3A_903 = vector.bitcast %get3A_902 : vector<16xf32> to vector<32xbf16>
          %unpack3A_904 = tpu.unpack_subelements %bitcast3A_903, 0 {pack_format = #tpu.pack_format<interleaved>} : vector<32xbf16> -> vector<16xf32>
          %unpack3A_905 = tpu.unpack_subelements %bitcast3A_903, 1 {pack_format = #tpu.pack_format<interleaved>} : vector<32xbf16> -> vector<16xf32>
          %mul3A_906 = arith.mulf %unpack3A_904, %unpack3A_561 : vector<16xf32>
          %mul3A_907 = arith.mulf %unpack3A_905, %unpack3A_562 : vector<16xf32>
          %add3A_908 = arith.addf %mul3A_906, %mul3A_907 : vector<16xf32>
          %get3A_909 = arith.index_cast %add3A_890 : i32 to index
          %get3A_910 = arith.constant 32 : index
          %get3A_911 = tpu.vector_load %arg35[%get3A_909, %get3A_910] {strides = array<i32>} : memref<352x64xf32, #tpu.memory_space<vmem>>, vector<16xf32>,
          %bitcast3A_912 = vector.bitcast %get3A_911 : vector<16xf32> to vector<32xbf16>
          %unpack3A_913 = tpu.unpack_subelements %bitcast3A_912, 0 {pack_format = #tpu.pack_format<interleaved>} : vector<32xbf16> -> vector<16xf32>
          %unpack3A_914 = tpu.unpack_subelements %bitcast3A_912, 1 {pack_format = #tpu.pack_format<interleaved>} : vector<32xbf16> -> vector<16xf32>
          %mul3A_915 = arith.mulf %unpack3A_913, %unpack3A_566 : vector<16xf32>
          %mul3A_916 = arith.mulf %unpack3A_914, %unpack3A_567 : vector<16xf32>
          %add3A_917 = arith.addf %mul3A_915, %mul3A_916 : vector<16xf32>
          %get3A_918 = arith.index_cast %add3A_890 : i32 to index
          %get3A_919 = arith.constant 48 : index
          %get3A_920 = tpu.vector_load %arg35[%get3A_918, %get3A_919] {strides = array<i32>} : memref<352x64xf32, #tpu.memory_space<vmem>>, vector<16xf32>,
          %bitcast3A_921 = vector.bitcast %get3A_920 : vector<16xf32> to vector<32xbf16>
          %unpack3A_922 = tpu.unpack_subelements %bitcast3A_921, 0 {pack_format = #tpu.pack_format<interleaved>} : vector<32xbf16> -> vector<16xf32>
          %unpack3A_923 = tpu.unpack_subelements %bitcast3A_921, 1 {pack_format = #tpu.pack_format<interleaved>} : vector<32xbf16> -> vector<16xf32>
          %mul3A_924 = arith.mulf %unpack3A_922, %unpack3A_571 : vector<16xf32>
          %mul3A_925 = arith.mulf %unpack3A_923, %unpack3A_572 : vector<16xf32>
          %add3A_926 = arith.addf %mul3A_924, %mul3A_925 : vector<16xf32>
          %add3A_927 = arith.addf %add3A_899, %add3A_908 : vector<16xf32>
          %add3A_928 = arith.addf %add3A_927, %add3A_917 : vector<16xf32>
          %add3A_929 = arith.addf %add3A_928, %add3A_926 : vector<16xf32>
          %swap3A_930 = arith.constant 112 : index
          %swap3A_931 = tpu.vector_load %arg33[%swap3A_930] {strides = array<i32>} : memref<512xf32, #tpu.memory_space<vmem>>, vector<16xf32>,
          tpu.vector_store %arg33[%swap3A_930], %add3A_929 {strides = array<i32>} : memref<512xf32, #tpu.memory_space<vmem>>, vector<16xf32>,
          %mul3A_932 = arith.constant 11 : i32
          %mul3A_933 = arith.muli %add3A_554, %mul3A_932 : i32
          %add3A_934 = arith.constant 8 : i32
          %add3A_935 = arith.addi %mul3A_933, %add3A_934 : i32
          %get3A_936 = arith.index_cast %add3A_935 : i32 to index
          %get3A_937 = arith.constant 0 : index
          %get3A_938 = tpu.vector_load %arg35[%get3A_936, %get3A_937] {strides = array<i32>} : memref<352x64xf32, #tpu.memory_space<vmem>>, vector<16xf32>,
          %bitcast3A_939 = vector.bitcast %get3A_938 : vector<16xf32> to vector<32xbf16>
          %unpack3A_940 = tpu.unpack_subelements %bitcast3A_939, 0 {pack_format = #tpu.pack_format<interleaved>} : vector<32xbf16> -> vector<16xf32>
          %unpack3A_941 = tpu.unpack_subelements %bitcast3A_939, 1 {pack_format = #tpu.pack_format<interleaved>} : vector<32xbf16> -> vector<16xf32>
          %mul3A_942 = arith.mulf %unpack3A_940, %unpack3A : vector<16xf32>
          %mul3A_943 = arith.mulf %unpack3A_941, %unpack3A_557 : vector<16xf32>
          %add3A_944 = arith.addf %mul3A_942, %mul3A_943 : vector<16xf32>
          %get3A_945 = arith.index_cast %add3A_935 : i32 to index
          %get3A_946 = arith.constant 16 : index
          %get3A_947 = tpu.vector_load %arg35[%get3A_945, %get3A_946] {strides = array<i32>} : memref<352x64xf32, #tpu.memory_space<vmem>>, vector<16xf32>,
          %bitcast3A_948 = vector.bitcast %get3A_947 : vector<16xf32> to vector<32xbf16>
          %unpack3A_949 = tpu.unpack_subelements %bitcast3A_948, 0 {pack_format = #tpu.pack_format<interleaved>} : vector<32xbf16> -> vector<16xf32>
          %unpack3A_950 = tpu.unpack_subelements %bitcast3A_948, 1 {pack_format = #tpu.pack_format<interleaved>} : vector<32xbf16> -> vector<16xf32>
          %mul3A_951 = arith.mulf %unpack3A_949, %unpack3A_561 : vector<16xf32>
          %mul3A_952 = arith.mulf %unpack3A_950, %unpack3A_562 : vector<16xf32>
          %add3A_953 = arith.addf %mul3A_951, %mul3A_952 : vector<16xf32>
          %get3A_954 = arith.index_cast %add3A_935 : i32 to index
          %get3A_955 = arith.constant 32 : index
          %get3A_956 = tpu.vector_load %arg35[%get3A_954, %get3A_955] {strides = array<i32>} : memref<352x64xf32, #tpu.memory_space<vmem>>, vector<16xf32>,
          %bitcast3A_957 = vector.bitcast %get3A_956 : vector<16xf32> to vector<32xbf16>
          %unpack3A_958 = tpu.unpack_subelements %bitcast3A_957, 0 {pack_format = #tpu.pack_format<interleaved>} : vector<32xbf16> -> vector<16xf32>
          %unpack3A_959 = tpu.unpack_subelements %bitcast3A_957, 1 {pack_format = #tpu.pack_format<interleaved>} : vector<32xbf16> -> vector<16xf32>
          %mul3A_960 = arith.mulf %unpack3A_958, %unpack3A_566 : vector<16xf32>
          %mul3A_961 = arith.mulf %unpack3A_959, %unpack3A_567 : vector<16xf32>
          %add3A_962 = arith.addf %mul3A_960, %mul3A_961 : vector<16xf32>
          %get3A_963 = arith.index_cast %add3A_935 : i32 to index
          %get3A_964 = arith.constant 48 : index
          %get3A_965 = tpu.vector_load %arg35[%get3A_963, %get3A_964] {strides = array<i32>} : memref<352x64xf32, #tpu.memory_space<vmem>>, vector<16xf32>,
          %bitcast3A_966 = vector.bitcast %get3A_965 : vector<16xf32> to vector<32xbf16>
          %unpack3A_967 = tpu.unpack_subelements %bitcast3A_966, 0 {pack_format = #tpu.pack_format<interleaved>} : vector<32xbf16> -> vector<16xf32>
          %unpack3A_968 = tpu.unpack_subelements %bitcast3A_966, 1 {pack_format = #tpu.pack_format<interleaved>} : vector<32xbf16> -> vector<16xf32>
          %mul3A_969 = arith.mulf %unpack3A_967, %unpack3A_571 : vector<16xf32>
          %mul3A_970 = arith.mulf %unpack3A_968, %unpack3A_572 : vector<16xf32>
          %add3A_971 = arith.addf %mul3A_969, %mul3A_970 : vector<16xf32>
          %add3A_972 = arith.addf %add3A_944, %add3A_953 : vector<16xf32>
          %add3A_973 = arith.addf %add3A_972, %add3A_962 : vector<16xf32>
          %add3A_974 = arith.addf %add3A_973, %add3A_971 : vector<16xf32>
          %swap3A_975 = arith.constant 128 : index
          %swap3A_976 = tpu.vector_load %arg33[%swap3A_975] {strides = array<i32>} : memref<512xf32, #tpu.memory_space<vmem>>, vector<16xf32>,
          tpu.vector_store %arg33[%swap3A_975], %add3A_974 {strides = array<i32>} : memref<512xf32, #tpu.memory_space<vmem>>, vector<16xf32>,
          %mul3A_977 = arith.constant 11 : i32
          %mul3A_978 = arith.muli %add3A_554, %mul3A_977 : i32
          %add3A_979 = arith.constant 9 : i32
          %add3A_980 = arith.addi %mul3A_978, %add3A_979 : i32
          %get3A_981 = arith.index_cast %add3A_980 : i32 to index
          %get3A_982 = arith.constant 0 : index
          %get3A_983 = tpu.vector_load %arg35[%get3A_981, %get3A_982] {strides = array<i32>} : memref<352x64xf32, #tpu.memory_space<vmem>>, vector<16xf32>,
          %bitcast3A_984 = vector.bitcast %get3A_983 : vector<16xf32> to vector<32xbf16>
          %unpack3A_985 = tpu.unpack_subelements %bitcast3A_984, 0 {pack_format = #tpu.pack_format<interleaved>} : vector<32xbf16> -> vector<16xf32>
          %unpack3A_986 = tpu.unpack_subelements %bitcast3A_984, 1 {pack_format = #tpu.pack_format<interleaved>} : vector<32xbf16> -> vector<16xf32>
          %mul3A_987 = arith.mulf %unpack3A_985, %unpack3A : vector<16xf32>
          %mul3A_988 = arith.mulf %unpack3A_986, %unpack3A_557 : vector<16xf32>
          %add3A_989 = arith.addf %mul3A_987, %mul3A_988 : vector<16xf32>
          %get3A_990 = arith.index_cast %add3A_980 : i32 to index
          %get3A_991 = arith.constant 16 : index
          %get3A_992 = tpu.vector_load %arg35[%get3A_990, %get3A_991] {strides = array<i32>} : memref<352x64xf32, #tpu.memory_space<vmem>>, vector<16xf32>,
          %bitcast3A_993 = vector.bitcast %get3A_992 : vector<16xf32> to vector<32xbf16>
          %unpack3A_994 = tpu.unpack_subelements %bitcast3A_993, 0 {pack_format = #tpu.pack_format<interleaved>} : vector<32xbf16> -> vector<16xf32>
          %unpack3A_995 = tpu.unpack_subelements %bitcast3A_993, 1 {pack_format = #tpu.pack_format<interleaved>} : vector<32xbf16> -> vector<16xf32>
          %mul3A_996 = arith.mulf %unpack3A_994, %unpack3A_561 : vector<16xf32>
          %mul3A_997 = arith.mulf %unpack3A_995, %unpack3A_562 : vector<16xf32>
          %add3A_998 = arith.addf %mul3A_996, %mul3A_997 : vector<16xf32>
          %get3A_999 = arith.index_cast %add3A_980 : i32 to index
          %get3A_1000 = arith.constant 32 : index
          %get3A_1001 = tpu.vector_load %arg35[%get3A_999, %get3A_1000] {strides = array<i32>} : memref<352x64xf32, #tpu.memory_space<vmem>>, vector<16xf32>,
          %bitcast3A_1002 = vector.bitcast %get3A_1001 : vector<16xf32> to vector<32xbf16>
          %unpack3A_1003 = tpu.unpack_subelements %bitcast3A_1002, 0 {pack_format = #tpu.pack_format<interleaved>} : vector<32xbf16> -> vector<16xf32>
          %unpack3A_1004 = tpu.unpack_subelements %bitcast3A_1002, 1 {pack_format = #tpu.pack_format<interleaved>} : vector<32xbf16> -> vector<16xf32>
          %mul3A_1005 = arith.mulf %unpack3A_1003, %unpack3A_566 : vector<16xf32>
          %mul3A_1006 = arith.mulf %unpack3A_1004, %unpack3A_567 : vector<16xf32>
          %add3A_1007 = arith.addf %mul3A_1005, %mul3A_1006 : vector<16xf32>
          %get3A_1008 = arith.index_cast %add3A_980 : i32 to index
          %get3A_1009 = arith.constant 48 : index
          %get3A_1010 = tpu.vector_load %arg35[%get3A_1008, %get3A_1009] {strides = array<i32>} : memref<352x64xf32, #tpu.memory_space<vmem>>, vector<16xf32>,
          %bitcast3A_1011 = vector.bitcast %get3A_1010 : vector<16xf32> to vector<32xbf16>
          %unpack3A_1012 = tpu.unpack_subelements %bitcast3A_1011, 0 {pack_format = #tpu.pack_format<interleaved>} : vector<32xbf16> -> vector<16xf32>
          %unpack3A_1013 = tpu.unpack_subelements %bitcast3A_1011, 1 {pack_format = #tpu.pack_format<interleaved>} : vector<32xbf16> -> vector<16xf32>
          %mul3A_1014 = arith.mulf %unpack3A_1012, %unpack3A_571 : vector<16xf32>
          %mul3A_1015 = arith.mulf %unpack3A_1013, %unpack3A_572 : vector<16xf32>
          %add3A_1016 = arith.addf %mul3A_1014, %mul3A_1015 : vector<16xf32>
          %add3A_1017 = arith.addf %add3A_989, %add3A_998 : vector<16xf32>
          %add3A_1018 = arith.addf %add3A_1017, %add3A_1007 : vector<16xf32>
          %add3A_1019 = arith.addf %add3A_1018, %add3A_1016 : vector<16xf32>
          %swap3A_1020 = arith.constant 144 : index
          %swap3A_1021 = tpu.vector_load %arg33[%swap3A_1020] {strides = array<i32>} : memref<512xf32, #tpu.memory_space<vmem>>, vector<16xf32>,
          tpu.vector_store %arg33[%swap3A_1020], %add3A_1019 {strides = array<i32>} : memref<512xf32, #tpu.memory_space<vmem>>, vector<16xf32>,
          %mul3A_1022 = arith.constant 11 : i32
          %mul3A_1023 = arith.muli %add3A_554, %mul3A_1022 : i32
          %add3A_1024 = arith.constant 10 : i32
          %add3A_1025 = arith.addi %mul3A_1023, %add3A_1024 : i32
          %get3A_1026 = arith.index_cast %add3A_1025 : i32 to index
          %get3A_1027 = arith.constant 0 : index
          %get3A_1028 = tpu.vector_load %arg35[%get3A_1026, %get3A_1027] {strides = array<i32>} : memref<352x64xf32, #tpu.memory_space<vmem>>, vector<16xf32>,
          %bitcast3A_1029 = vector.bitcast %get3A_1028 : vector<16xf32> to vector<32xbf16>
          %unpack3A_1030 = tpu.unpack_subelements %bitcast3A_1029, 0 {pack_format = #tpu.pack_format<interleaved>} : vector<32xbf16> -> vector<16xf32>
          %unpack3A_1031 = tpu.unpack_subelements %bitcast3A_1029, 1 {pack_format = #tpu.pack_format<interleaved>} : vector<32xbf16> -> vector<16xf32>
          %mul3A_1032 = arith.mulf %unpack3A_1030, %unpack3A : vector<16xf32>
          %mul3A_1033 = arith.mulf %unpack3A_1031, %unpack3A_557 : vector<16xf32>
          %add3A_1034 = arith.addf %mul3A_1032, %mul3A_1033 : vector<16xf32>
          %get3A_1035 = arith.index_cast %add3A_1025 : i32 to index
          %get3A_1036 = arith.constant 16 : index
          %get3A_1037 = tpu.vector_load %arg35[%get3A_1035, %get3A_1036] {strides = array<i32>} : memref<352x64xf32, #tpu.memory_space<vmem>>, vector<16xf32>,
          %bitcast3A_1038 = vector.bitcast %get3A_1037 : vector<16xf32> to vector<32xbf16>
          %unpack3A_1039 = tpu.unpack_subelements %bitcast3A_1038, 0 {pack_format = #tpu.pack_format<interleaved>} : vector<32xbf16> -> vector<16xf32>
          %unpack3A_1040 = tpu.unpack_subelements %bitcast3A_1038, 1 {pack_format = #tpu.pack_format<interleaved>} : vector<32xbf16> -> vector<16xf32>
          %mul3A_1041 = arith.mulf %unpack3A_1039, %unpack3A_561 : vector<16xf32>
          %mul3A_1042 = arith.mulf %unpack3A_1040, %unpack3A_562 : vector<16xf32>
          %add3A_1043 = arith.addf %mul3A_1041, %mul3A_1042 : vector<16xf32>
          %get3A_1044 = arith.index_cast %add3A_1025 : i32 to index
          %get3A_1045 = arith.constant 32 : index
          %get3A_1046 = tpu.vector_load %arg35[%get3A_1044, %get3A_1045] {strides = array<i32>} : memref<352x64xf32, #tpu.memory_space<vmem>>, vector<16xf32>,
          %bitcast3A_1047 = vector.bitcast %get3A_1046 : vector<16xf32> to vector<32xbf16>
          %unpack3A_1048 = tpu.unpack_subelements %bitcast3A_1047, 0 {pack_format = #tpu.pack_format<interleaved>} : vector<32xbf16> -> vector<16xf32>
          %unpack3A_1049 = tpu.unpack_subelements %bitcast3A_1047, 1 {pack_format = #tpu.pack_format<interleaved>} : vector<32xbf16> -> vector<16xf32>
          %mul3A_1050 = arith.mulf %unpack3A_1048, %unpack3A_566 : vector<16xf32>
          %mul3A_1051 = arith.mulf %unpack3A_1049, %unpack3A_567 : vector<16xf32>
          %add3A_1052 = arith.addf %mul3A_1050, %mul3A_1051 : vector<16xf32>
          %get3A_1053 = arith.index_cast %add3A_1025 : i32 to index
          %get3A_1054 = arith.constant 48 : index
          %get3A_1055 = tpu.vector_load %arg35[%get3A_1053, %get3A_1054] {strides = array<i32>} : memref<352x64xf32, #tpu.memory_space<vmem>>, vector<16xf32>,
          %bitcast3A_1056 = vector.bitcast %get3A_1055 : vector<16xf32> to vector<32xbf16>
          %unpack3A_1057 = tpu.unpack_subelements %bitcast3A_1056, 0 {pack_format = #tpu.pack_format<interleaved>} : vector<32xbf16> -> vector<16xf32>
          %unpack3A_1058 = tpu.unpack_subelements %bitcast3A_1056, 1 {pack_format = #tpu.pack_format<interleaved>} : vector<32xbf16> -> vector<16xf32>
          %mul3A_1059 = arith.mulf %unpack3A_1057, %unpack3A_571 : vector<16xf32>
          %mul3A_1060 = arith.mulf %unpack3A_1058, %unpack3A_572 : vector<16xf32>
          %add3A_1061 = arith.addf %mul3A_1059, %mul3A_1060 : vector<16xf32>
          %add3A_1062 = arith.addf %add3A_1034, %add3A_1043 : vector<16xf32>
          %add3A_1063 = arith.addf %add3A_1062, %add3A_1052 : vector<16xf32>
          %add3A_1064 = arith.addf %add3A_1063, %add3A_1061 : vector<16xf32>
          %swap3A_1065 = arith.constant 160 : index
          %swap3A_1066 = tpu.vector_load %arg33[%swap3A_1065] {strides = array<i32>} : memref<512xf32, #tpu.memory_space<vmem>>, vector<16xf32>,
          tpu.vector_store %arg33[%swap3A_1065], %add3A_1064 {strides = array<i32>} : memref<512xf32, #tpu.memory_space<vmem>>, vector<16xf32>,
          %gather3A = tpu.vector_load_idx %arg33[%add3A_351] : memref<512xf32, #tpu.memory_space<vmem>>[vector<16xi32>], vector<16xf32>,
          %gather3A_1067 = tpu.vector_load_idx %arg33[%add3A_357] : memref<512xf32, #tpu.memory_space<vmem>>[vector<16xi32>], vector<16xf32>,
          %add3A_1068 = arith.addf %gather3A, %gather3A_1067 : vector<16xf32>
          %gather3A_1069 = tpu.vector_load_idx %arg33[%add3A_363] : memref<512xf32, #tpu.memory_space<vmem>>[vector<16xi32>], vector<16xf32>,
          %add3A_1070 = arith.addf %add3A_1068, %gather3A_1069 : vector<16xf32>
          %gather3A_1071 = tpu.vector_load_idx %arg33[%add3A_369] : memref<512xf32, #tpu.memory_space<vmem>>[vector<16xi32>], vector<16xf32>,
          %add3A_1072 = arith.addf %add3A_1070, %gather3A_1071 : vector<16xf32>
          %gather3A_1073 = tpu.vector_load_idx %arg33[%add3A_375] : memref<512xf32, #tpu.memory_space<vmem>>[vector<16xi32>], vector<16xf32>,
          %add3A_1074 = arith.addf %add3A_1072, %gather3A_1073 : vector<16xf32>
          %gather3A_1075 = tpu.vector_load_idx %arg33[%add3A_381] : memref<512xf32, #tpu.memory_space<vmem>>[vector<16xi32>], vector<16xf32>,
          %add3A_1076 = arith.addf %add3A_1074, %gather3A_1075 : vector<16xf32>
          %gather3A_1077 = tpu.vector_load_idx %arg33[%add3A_387] : memref<512xf32, #tpu.memory_space<vmem>>[vector<16xi32>], vector<16xf32>,
          %add3A_1078 = arith.addf %add3A_1076, %gather3A_1077 : vector<16xf32>
          %gather3A_1079 = tpu.vector_load_idx %arg33[%add3A_393] : memref<512xf32, #tpu.memory_space<vmem>>[vector<16xi32>], vector<16xf32>,
          %add3A_1080 = arith.addf %add3A_1078, %gather3A_1079 : vector<16xf32>
          %gather3A_1081 = tpu.vector_load_idx %arg33[%add3A_399] : memref<512xf32, #tpu.memory_space<vmem>>[vector<16xi32>], vector<16xf32>,
          %add3A_1082 = arith.addf %add3A_1080, %gather3A_1081 : vector<16xf32>
          %gather3A_1083 = tpu.vector_load_idx %arg33[%add3A_405] : memref<512xf32, #tpu.memory_space<vmem>>[vector<16xi32>], vector<16xf32>,
          %add3A_1084 = arith.addf %add3A_1082, %gather3A_1083 : vector<16xf32>
          %gather3A_1085 = tpu.vector_load_idx %arg33[%add3A_411] : memref<512xf32, #tpu.memory_space<vmem>>[vector<16xi32>], vector<16xf32>,
          %add3A_1086 = arith.addf %add3A_1084, %gather3A_1085 : vector<16xf32>
          %gather3A_1087 = tpu.vector_load_idx %arg33[%add3A_417] : memref<512xf32, #tpu.memory_space<vmem>>[vector<16xi32>], vector<16xf32>,
          %add3A_1088 = arith.addf %add3A_1086, %gather3A_1087 : vector<16xf32>
          %gather3A_1089 = tpu.vector_load_idx %arg33[%add3A_423] : memref<512xf32, #tpu.memory_space<vmem>>[vector<16xi32>], vector<16xf32>,
          %add3A_1090 = arith.addf %add3A_1088, %gather3A_1089 : vector<16xf32>
          %gather3A_1091 = tpu.vector_load_idx %arg33[%add3A_429] : memref<512xf32, #tpu.memory_space<vmem>>[vector<16xi32>], vector<16xf32>,
          %add3A_1092 = arith.addf %add3A_1090, %gather3A_1091 : vector<16xf32>
          %gather3A_1093 = tpu.vector_load_idx %arg33[%add3A_435] : memref<512xf32, #tpu.memory_space<vmem>>[vector<16xi32>], vector<16xf32>,
          %add3A_1094 = arith.addf %add3A_1092, %gather3A_1093 : vector<16xf32>
          %gather3A_1095 = tpu.vector_load_idx %arg33[%add3A_441] : memref<512xf32, #tpu.memory_space<vmem>>[vector<16xi32>], vector<16xf32>,
          %add3A_1096 = arith.addf %add3A_1094, %gather3A_1095 : vector<16xf32>
          %mul3A_1097 = arith.mulf %add3A_1096, %select_n3A : vector<16xf32>
          %mul3A_1098 = arith.constant 16 : i32
          %mul3A_1099 = arith.muli %add3A_554, %mul3A_1098 : i32
          %swap3A_1100 = arith.index_cast %mul3A_1099 : i32 to index
          %swap3A_1101 = tpu.vector_load %arg31[%swap3A_1100] {strides = array<i32>} : memref<512xf32, #tpu.memory_space<vmem>>, vector<16xf32>,
          tpu.vector_store %arg31[%swap3A_1100], %mul3A_1097 {strides = array<i32>} : memref<512xf32, #tpu.memory_space<vmem>>, vector<16xf32>,
        }
        %scan3A_542 = arith.constant 32 : i32
        %mul3A_543 = arith.constant 32 : i32
        %mul3A_544 = arith.muli %add3A_272, %mul3A_543 : i32
        %add3A_545 = arith.addi %mul3A_2, %mul3A_544 : i32
        %mul3A_546 = arith.constant 16 : i32
        %mul3A_547 = arith.muli %add3A_545, %mul3A_546 : i32
        %dma_start3A_548 = tpu.memref_slice %arg5[%mul3A_547] : memref<2097152xf32, #tpu.memory_space<hbm>> -> memref<512xf32, #tpu.memory_space<hbm>>
        %dma_start3A_549 = tpu.memref_slice %arg5[%mul3A_547] : memref<2097152xf32, #tpu.memory_space<hbm>> -> memref<512xf32, #tpu.memory_space<hbm>>
        tpu.enqueue_dma source(%arg31 : memref<512xf32, #tpu.memory_space<vmem>>) target(%dma_start3A_549 : memref<512xf32, #tpu.memory_space<hbm>>) target_semaphore(%arg28 : memref<!tpu.dma_semaphore, #tpu.memory_space<semaphore_mem>>)
      } else {
      }
      %add3A_299 = arith.constant 3 : i32
      %add3A_300 = arith.addi %add3A_272, %add3A_299 : i32
      %lt3A_301 = arith.constant 128 : i32
      %lt3A_302 = arith.cmpi slt, %add3A_300, %lt3A_301 : i32
      %convert_element_type3A_303 = arith.extui %lt3A_302 : i1 to i32
      %cond3A_304 = arith.constant 0 : i32
      %cond3A_305 = arith.cmpi ne, %convert_element_type3A_303, %cond3A_304 : i32
      scf.if %cond3A_305 {
        %add3A_341 = arith.constant 3 : i32
        %add3A_342 = arith.addi %add3A_272, %add3A_341 : i32
        %mul3A_343 = arith.constant 32 : i32
        %mul3A_344 = arith.muli %add3A_342, %mul3A_343 : i32
        %add3A_345 = arith.addi %mul3A_2, %mul3A_344 : i32
        %dma_start3A_346 = arith.constant 0 : i32
        %dma_start3A_347 = tpu.memref_slice %arg3[%add3A_345, %dma_start3A_346] : memref<131072x128xbf16, #tpu.memory_space<hbm>> -> memref<32x128xbf16, #tpu.memory_space<hbm>>
        %dma_start3A_348 = arith.constant 0 : i32
        %dma_start3A_349 = tpu.memref_slice %arg3[%add3A_345, %dma_start3A_348] : memref<131072x128xbf16, #tpu.memory_space<hbm>> -> memref<32x128xbf16, #tpu.memory_space<hbm>>
        tpu.enqueue_dma source(%dma_start3A_349 : memref<32x128xbf16, #tpu.memory_space<hbm>>) target(%arg7 : memref<32x128xbf16, #tpu.memory_space<vmem>>) target_semaphore(%arg19 : memref<!tpu.dma_semaphore, #tpu.memory_space<semaphore_mem>>)
      } else {
      }
      %add3A_306 = arith.constant 2 : i32
      %add3A_307 = arith.addi %add3A_239, %add3A_306 : i32
      %add3A_308 = arith.constant 3 : i32
      %add3A_309 = arith.addi %add3A_307, %add3A_308 : i32
      %sub3A_310 = arith.constant 1 : i32
      %sub3A_311 = arith.subi %add3A_309, %sub3A_310 : i32
      %lt3A_312 = arith.constant 128 : i32
      %lt3A_313 = arith.cmpi slt, %sub3A_311, %lt3A_312 : i32
      %convert_element_type3A_314 = arith.extui %lt3A_313 : i1 to i32
      %cond3A_315 = arith.constant 0 : i32
      %cond3A_316 = arith.cmpi ne, %convert_element_type3A_314, %cond3A_315 : i32
      scf.if %cond3A_316 {
        %add3A_341 = arith.constant 3 : i32
        %add3A_342 = arith.addi %add3A_307, %add3A_341 : i32
        %sub3A_343 = arith.constant 1 : i32
        %sub3A_344 = arith.subi %add3A_342, %sub3A_343 : i32
        %mul3A_345 = arith.constant 32 : i32
        %mul3A_346 = arith.muli %sub3A_344, %mul3A_345 : i32
        %add3A_347 = arith.addi %mul3A_2, %mul3A_346 : i32
        %mul3A_348 = arith.constant 11 : i32
        %mul3A_349 = arith.muli %add3A_347, %mul3A_348 : i32
        %add3A_350 = arith.constant 0 : i32
        %add3A_351 = arith.addi %mul3A_349, %add3A_350 : i32
        %mul3A_352 = arith.constant 32 : i32
        %mul3A_353 = arith.muli %sub3A_344, %mul3A_352 : i32
        %add3A_354 = arith.addi %mul3A_2, %mul3A_353 : i32
        %mul3A_355 = arith.constant 11 : i32
        %mul3A_356 = arith.muli %add3A_354, %mul3A_355 : i32
        %add3A_357 = arith.constant 128 : i32
        %add3A_358 = arith.addi %mul3A_356, %add3A_357 : i32
        %mul3A_359 = arith.constant 32 : i32
        %mul3A_360 = arith.muli %sub3A_344, %mul3A_359 : i32
        %add3A_361 = arith.addi %mul3A_2, %mul3A_360 : i32
        %mul3A_362 = arith.constant 11 : i32
        %mul3A_363 = arith.muli %add3A_361, %mul3A_362 : i32
        %add3A_364 = arith.constant 256 : i32
        %add3A_365 = arith.addi %mul3A_363, %add3A_364 : i32
        %dma_wait3A_366 = tpu.memref_slice %arg4[%add3A_351] : memref<1441792xi32, #tpu.memory_space<hbm>> -> memref<128xi32, #tpu.memory_space<hbm>>
        %dma_wait3A_367 = tpu.memref_slice %arg4[%add3A_351] : memref<1441792xi32, #tpu.memory_space<hbm>> -> memref<128xi32, #tpu.memory_space<hbm>>
        tpu.wait_dma2 semaphore(%arg25 : memref<!tpu.dma_semaphore, #tpu.memory_space<semaphore_mem>>) src(%dma_wait3A_367 : memref<128xi32, #tpu.memory_space<hbm>>) dst(%arg12 : memref<128xi32, #tpu.memory_space<vmem>>)
        %dma_wait3A_368 = tpu.memref_slice %arg4[%add3A_358] : memref<1441792xi32, #tpu.memory_space<hbm>> -> memref<128xi32, #tpu.memory_space<hbm>>
        %dma_wait3A_369 = tpu.memref_slice %arg4[%add3A_358] : memref<1441792xi32, #tpu.memory_space<hbm>> -> memref<128xi32, #tpu.memory_space<hbm>>
        tpu.wait_dma2 semaphore(%arg25 : memref<!tpu.dma_semaphore, #tpu.memory_space<semaphore_mem>>) src(%dma_wait3A_369 : memref<128xi32, #tpu.memory_space<hbm>>) dst(%arg13 : memref<128xi32, #tpu.memory_space<vmem>>)
        %dma_wait3A_370 = tpu.memref_slice %arg4[%add3A_365] : memref<1441792xi32, #tpu.memory_space<hbm>> -> memref<96xi32, #tpu.memory_space<hbm>>
        %dma_wait3A_371 = tpu.memref_slice %arg4[%add3A_365] : memref<1441792xi32, #tpu.memory_space<hbm>> -> memref<96xi32, #tpu.memory_space<hbm>>
        tpu.wait_dma2 semaphore(%arg25 : memref<!tpu.dma_semaphore, #tpu.memory_space<semaphore_mem>>) src(%dma_wait3A_371 : memref<96xi32, #tpu.memory_space<hbm>>) dst(%arg14 : memref<96xi32, #tpu.memory_space<vmem>>)
        %dma_start3A_372 = arith.constant 0 : i32
        %dma_start3A_373 = arith.constant 0 : i32
        %dma_start3A_374 = tpu.memref_slice %arg35[%dma_start3A_372, %dma_start3A_373] : memref<352x64xf32, #tpu.memory_space<vmem>> -> memref<128x64xf32, #tpu.memory_space<vmem>>
        %dma_start3A_375 = arith.constant 0 : i32
        %dma_start3A_376 = arith.constant 0 : i32
        %dma_start3A_377 = tpu.memref_slice %arg2[%dma_start3A_375, %dma_start3A_376] : memref<32768x64xf32, #tpu.memory_space<hbm>> -> memref<32768x64xf32, #tpu.memory_space<hbm>>
        tpu.enqueue_indirect_dma source(%dma_start3A_377 : memref<32768x64xf32, #tpu.memory_space<hbm>>) target(%dma_start3A_374 : memref<128x64xf32, #tpu.memory_space<vmem>>) offsets(%arg12 : memref<128xi32, #tpu.memory_space<vmem>>) semaphore(%arg22 : memref<!tpu.dma_semaphore, #tpu.memory_space<semaphore_mem>>)
        %dma_start3A_378 = arith.constant 128 : i32
        %dma_start3A_379 = arith.constant 0 : i32
        %dma_start3A_380 = tpu.memref_slice %arg35[%dma_start3A_378, %dma_start3A_379] : memref<352x64xf32, #tpu.memory_space<vmem>> -> memref<128x64xf32, #tpu.memory_space<vmem>>
        %dma_start3A_381 = arith.constant 0 : i32
        %dma_start3A_382 = arith.constant 0 : i32
        %dma_start3A_383 = tpu.memref_slice %arg2[%dma_start3A_381, %dma_start3A_382] : memref<32768x64xf32, #tpu.memory_space<hbm>> -> memref<32768x64xf32, #tpu.memory_space<hbm>>
        tpu.enqueue_indirect_dma source(%dma_start3A_383 : memref<32768x64xf32, #tpu.memory_space<hbm>>) target(%dma_start3A_380 : memref<128x64xf32, #tpu.memory_space<vmem>>) offsets(%arg13 : memref<128xi32, #tpu.memory_space<vmem>>) semaphore(%arg22 : memref<!tpu.dma_semaphore, #tpu.memory_space<semaphore_mem>>)
        %dma_start3A_384 = arith.constant 256 : i32
        %dma_start3A_385 = arith.constant 0 : i32
        %dma_start3A_386 = tpu.memref_slice %arg35[%dma_start3A_384, %dma_start3A_385] : memref<352x64xf32, #tpu.memory_space<vmem>> -> memref<96x64xf32, #tpu.memory_space<vmem>>
        %dma_start3A_387 = arith.constant 0 : i32
        %dma_start3A_388 = arith.constant 0 : i32
        %dma_start3A_389 = tpu.memref_slice %arg2[%dma_start3A_387, %dma_start3A_388] : memref<32768x64xf32, #tpu.memory_space<hbm>> -> memref<32768x64xf32, #tpu.memory_space<hbm>>
        tpu.enqueue_indirect_dma source(%dma_start3A_389 : memref<32768x64xf32, #tpu.memory_space<hbm>>) target(%dma_start3A_386 : memref<96x64xf32, #tpu.memory_space<vmem>>) offsets(%arg14 : memref<96xi32, #tpu.memory_space<vmem>>) semaphore(%arg22 : memref<!tpu.dma_semaphore, #tpu.memory_space<semaphore_mem>>)
      } else {
      }
      %lt3A_317 = arith.constant 128 : i32
      %lt3A_318 = arith.cmpi slt, %add3A_307, %lt3A_317 : i32
      %convert_element_type3A_319 = arith.extui %lt3A_318 : i1 to i32
      %cond3A_320 = arith.constant 0 : i32
      %cond3A_321 = arith.cmpi ne, %convert_element_type3A_319, %cond3A_320 : i32
      scf.if %cond3A_321 {
        %dma_wait3A_341 = arith.constant 0 : i32
        %dma_wait3A_342 = arith.constant 0 : i32
        %dma_wait3A_343 = tpu.memref_slice %arg36[%dma_wait3A_341, %dma_wait3A_342] : memref<352x64xf32, #tpu.memory_space<vmem>> -> memref<128x64xf32, #tpu.memory_space<vmem>>
        %dma_wait3A_344 = arith.constant 0 : i32
        %dma_wait3A_345 = arith.constant 0 : i32
        %dma_wait3A_346 = tpu.memref_slice %arg2[%dma_wait3A_344, %dma_wait3A_345] : memref<32768x64xf32, #tpu.memory_space<hbm>> -> memref<32768x64xf32, #tpu.memory_space<hbm>>
        tpu.wait_indirect_dma semaphore(%arg23 : memref<!tpu.dma_semaphore, #tpu.memory_space<semaphore_mem>>) src(%dma_wait3A_346 : memref<32768x64xf32, #tpu.memory_space<hbm>>) dst(%dma_wait3A_343 : memref<128x64xf32, #tpu.memory_space<vmem>>)
        %dma_wait3A_347 = arith.constant 128 : i32
        %dma_wait3A_348 = arith.constant 0 : i32
        %dma_wait3A_349 = tpu.memref_slice %arg36[%dma_wait3A_347, %dma_wait3A_348] : memref<352x64xf32, #tpu.memory_space<vmem>> -> memref<128x64xf32, #tpu.memory_space<vmem>>
        %dma_wait3A_350 = arith.constant 0 : i32
        %dma_wait3A_351 = arith.constant 0 : i32
        %dma_wait3A_352 = tpu.memref_slice %arg2[%dma_wait3A_350, %dma_wait3A_351] : memref<32768x64xf32, #tpu.memory_space<hbm>> -> memref<32768x64xf32, #tpu.memory_space<hbm>>
        tpu.wait_indirect_dma semaphore(%arg23 : memref<!tpu.dma_semaphore, #tpu.memory_space<semaphore_mem>>) src(%dma_wait3A_352 : memref<32768x64xf32, #tpu.memory_space<hbm>>) dst(%dma_wait3A_349 : memref<128x64xf32, #tpu.memory_space<vmem>>)
        %dma_wait3A_353 = arith.constant 256 : i32
        %dma_wait3A_354 = arith.constant 0 : i32
        %dma_wait3A_355 = tpu.memref_slice %arg36[%dma_wait3A_353, %dma_wait3A_354] : memref<352x64xf32, #tpu.memory_space<vmem>> -> memref<96x64xf32, #tpu.memory_space<vmem>>
        %dma_wait3A_356 = arith.constant 0 : i32
        %dma_wait3A_357 = arith.constant 0 : i32
        %dma_wait3A_358 = tpu.memref_slice %arg2[%dma_wait3A_356, %dma_wait3A_357] : memref<32768x64xf32, #tpu.memory_space<hbm>> -> memref<32768x64xf32, #tpu.memory_space<hbm>>
        tpu.wait_indirect_dma semaphore(%arg23 : memref<!tpu.dma_semaphore, #tpu.memory_space<semaphore_mem>>) src(%dma_wait3A_358 : memref<32768x64xf32, #tpu.memory_space<hbm>>) dst(%dma_wait3A_355 : memref<96x64xf32, #tpu.memory_space<vmem>>)
        %mul3A_359 = arith.constant 32 : i32
        %mul3A_360 = arith.muli %add3A_307, %mul3A_359 : i32
        %add3A_361 = arith.addi %mul3A_2, %mul3A_360 : i32
        %dma_wait3A_362 = arith.constant 0 : i32
        %dma_wait3A_363 = tpu.memref_slice %arg3[%add3A_361, %dma_wait3A_362] : memref<131072x128xbf16, #tpu.memory_space<hbm>> -> memref<32x128xbf16, #tpu.memory_space<hbm>>
        %dma_wait3A_364 = arith.constant 0 : i32
        %dma_wait3A_365 = tpu.memref_slice %arg3[%add3A_361, %dma_wait3A_364] : memref<131072x128xbf16, #tpu.memory_space<hbm>> -> memref<32x128xbf16, #tpu.memory_space<hbm>>
        tpu.wait_dma2 semaphore(%arg20 : memref<!tpu.dma_semaphore, #tpu.memory_space<semaphore_mem>>) src(%dma_wait3A_365 : memref<32x128xbf16, #tpu.memory_space<hbm>>) dst(%arg8 : memref<32x128xbf16, #tpu.memory_space<vmem>>)
        %ge3A = arith.constant 3 : i32
        %ge3A_366 = arith.cmpi sge, %add3A_307, %ge3A : i32
        %convert_element_type3A_367 = arith.extui %ge3A_366 : i1 to i32
        %cond3A_368 = arith.constant 0 : i32
        %cond3A_369 = arith.cmpi ne, %convert_element_type3A_367, %cond3A_368 : i32
        scf.if %cond3A_369 {
          %sub3A_370 = arith.constant 3 : i32
          %sub3A_371 = arith.subi %add3A_307, %sub3A_370 : i32
          %mul3A_372 = arith.constant 32 : i32
          %mul3A_373 = arith.muli %sub3A_371, %mul3A_372 : i32
          %add3A_374 = arith.addi %mul3A_2, %mul3A_373 : i32
          %mul3A_375 = arith.constant 16 : i32
          %mul3A_376 = arith.muli %add3A_374, %mul3A_375 : i32
          %dma_wait3A_377 = tpu.memref_slice %arg5[%mul3A_376] : memref<2097152xf32, #tpu.memory_space<hbm>> -> memref<512xf32, #tpu.memory_space<hbm>>
          %dma_wait3A_378 = tpu.memref_slice %arg5[%mul3A_376] : memref<2097152xf32, #tpu.memory_space<hbm>> -> memref<512xf32, #tpu.memory_space<hbm>>
          tpu.wait_dma2 semaphore(%arg29 : memref<!tpu.dma_semaphore, #tpu.memory_space<semaphore_mem>>) src(%arg32 : memref<512xf32, #tpu.memory_space<vmem>>) dst(%dma_wait3A_378 : memref<512xf32, #tpu.memory_space<hbm>>)
        } else {
        }
      } else {
      }
      %add3A_322 = arith.constant 3 : i32
      %add3A_323 = arith.addi %add3A_307, %add3A_322 : i32
      %lt3A_324 = arith.constant 128 : i32
      %lt3A_325 = arith.cmpi slt, %add3A_323, %lt3A_324 : i32
      %convert_element_type3A_326 = arith.extui %lt3A_325 : i1 to i32
      %cond3A_327 = arith.constant 0 : i32
      %cond3A_328 = arith.cmpi ne, %convert_element_type3A_326, %cond3A_327 : i32
      scf.if %cond3A_328 {
        %add3A_341 = arith.constant 3 : i32
        %add3A_342 = arith.addi %add3A_307, %add3A_341 : i32
        %mul3A_343 = arith.constant 32 : i32
        %mul3A_344 = arith.muli %add3A_342, %mul3A_343 : i32
        %add3A_345 = arith.addi %mul3A_2, %mul3A_344 : i32
        %mul3A_346 = arith.constant 11 : i32
        %mul3A_347 = arith.muli %add3A_345, %mul3A_346 : i32
        %add3A_348 = arith.constant 0 : i32
        %add3A_349 = arith.addi %mul3A_347, %add3A_348 : i32
        %mul3A_350 = arith.constant 32 : i32
        %mul3A_351 = arith.muli %add3A_342, %mul3A_350 : i32
        %add3A_352 = arith.addi %mul3A_2, %mul3A_351 : i32
        %mul3A_353 = arith.constant 11 : i32
        %mul3A_354 = arith.muli %add3A_352, %mul3A_353 : i32
        %add3A_355 = arith.constant 128 : i32
        %add3A_356 = arith.addi %mul3A_354, %add3A_355 : i32
        %mul3A_357 = arith.constant 32 : i32
        %mul3A_358 = arith.muli %add3A_342, %mul3A_357 : i32
        %add3A_359 = arith.addi %mul3A_2, %mul3A_358 : i32
        %mul3A_360 = arith.constant 11 : i32
        %mul3A_361 = arith.muli %add3A_359, %mul3A_360 : i32
        %add3A_362 = arith.constant 256 : i32
        %add3A_363 = arith.addi %mul3A_361, %add3A_362 : i32
        %dma_start3A_364 = tpu.memref_slice %arg4[%add3A_349] : memref<1441792xi32, #tpu.memory_space<hbm>> -> memref<128xi32, #tpu.memory_space<hbm>>
        %dma_start3A_365 = tpu.memref_slice %arg4[%add3A_349] : memref<1441792xi32, #tpu.memory_space<hbm>> -> memref<128xi32, #tpu.memory_space<hbm>>
        tpu.enqueue_dma source(%dma_start3A_365 : memref<128xi32, #tpu.memory_space<hbm>>) target(%arg15 : memref<128xi32, #tpu.memory_space<vmem>>) target_semaphore(%arg26 : memref<!tpu.dma_semaphore, #tpu.memory_space<semaphore_mem>>)
        %dma_start3A_366 = tpu.memref_slice %arg4[%add3A_356] : memref<1441792xi32, #tpu.memory_space<hbm>> -> memref<128xi32, #tpu.memory_space<hbm>>
        %dma_start3A_367 = tpu.memref_slice %arg4[%add3A_356] : memref<1441792xi32, #tpu.memory_space<hbm>> -> memref<128xi32, #tpu.memory_space<hbm>>
        tpu.enqueue_dma source(%dma_start3A_367 : memref<128xi32, #tpu.memory_space<hbm>>) target(%arg16 : memref<128xi32, #tpu.memory_space<vmem>>) target_semaphore(%arg26 : memref<!tpu.dma_semaphore, #tpu.memory_space<semaphore_mem>>)
        %dma_start3A_368 = tpu.memref_slice %arg4[%add3A_363] : memref<1441792xi32, #tpu.memory_space<hbm>> -> memref<96xi32, #tpu.memory_space<hbm>>
        %dma_start3A_369 = tpu.memref_slice %arg4[%add3A_363] : memref<1441792xi32, #tpu.memory_space<hbm>> -> memref<96xi32, #tpu.memory_space<hbm>>
        tpu.enqueue_dma source(%dma_start3A_369 : memref<96xi32, #tpu.memory_space<hbm>>) target(%arg17 : memref<96xi32, #tpu.memory_space<vmem>>) target_semaphore(%arg26 : memref<!tpu.dma_semaphore, #tpu.memory_space<semaphore_mem>>)
      } else {
      }
      %lt3A_329 = arith.constant 128 : i32
      %lt3A_330 = arith.cmpi slt, %add3A_307, %lt3A_329 : i32
      %convert_element_type3A_331 = arith.extui %lt3A_330 : i1 to i32
      %cond3A_332 = arith.constant 0 : i32
      %cond3A_333 = arith.cmpi ne, %convert_element_type3A_331, %cond3A_332 : i32
      scf.if %cond3A_333 {
        %iota3A = tpu.iota {dimensions = array<i32: 0>} : vector<16xi32>
        %eq3A = arith.constant 0 : i32
        %eq3A_341 = vector.broadcast %eq3A : i32 to vector<16xi32>
        %eq3A_342 = arith.cmpi eq, %iota3A, %eq3A_341 : vector<16xi32>
        %jit3A = arith.constant -1.000000e+00 : f32
        %jit3A_343 = arith.constant 1.000000e+00 : f32
        %broadcast_in_dim3A_344 = vector.broadcast %jit3A : f32 to vector<16xf32>
        %broadcast_in_dim3A_345 = vector.broadcast %jit3A_343 : f32 to vector<16xf32>
        %select_n3A = arith.select %eq3A_342, %broadcast_in_dim3A_344, %broadcast_in_dim3A_345 : vector<16xi1>, vector<16xf32>
        %mul3A_346 = arith.constant 16 : i32
        %mul3A_347 = vector.broadcast %mul3A_346 : i32 to vector<16xi32>
        %mul3A_348 = arith.muli %iota3A, %mul3A_347 : vector<16xi32>
        %add3A_349 = arith.constant 0 : i32
        %add3A_350 = vector.broadcast %add3A_349 : i32 to vector<16xi32>
        %add3A_351 = arith.addi %mul3A_348, %add3A_350 : vector<16xi32>
        %mul3A_352 = arith.constant 16 : i32
        %mul3A_353 = vector.broadcast %mul3A_352 : i32 to vector<16xi32>
        %mul3A_354 = arith.muli %iota3A, %mul3A_353 : vector<16xi32>
        %add3A_355 = arith.constant 1 : i32
        %add3A_356 = vector.broadcast %add3A_355 : i32 to vector<16xi32>
        %add3A_357 = arith.addi %mul3A_354, %add3A_356 : vector<16xi32>
        %mul3A_358 = arith.constant 16 : i32
        %mul3A_359 = vector.broadcast %mul3A_358 : i32 to vector<16xi32>
        %mul3A_360 = arith.muli %iota3A, %mul3A_359 : vector<16xi32>
        %add3A_361 = arith.constant 2 : i32
        %add3A_362 = vector.broadcast %add3A_361 : i32 to vector<16xi32>
        %add3A_363 = arith.addi %mul3A_360, %add3A_362 : vector<16xi32>
        %mul3A_364 = arith.constant 16 : i32
        %mul3A_365 = vector.broadcast %mul3A_364 : i32 to vector<16xi32>
        %mul3A_366 = arith.muli %iota3A, %mul3A_365 : vector<16xi32>
        %add3A_367 = arith.constant 3 : i32
        %add3A_368 = vector.broadcast %add3A_367 : i32 to vector<16xi32>
        %add3A_369 = arith.addi %mul3A_366, %add3A_368 : vector<16xi32>
        %mul3A_370 = arith.constant 16 : i32
        %mul3A_371 = vector.broadcast %mul3A_370 : i32 to vector<16xi32>
        %mul3A_372 = arith.muli %iota3A, %mul3A_371 : vector<16xi32>
        %add3A_373 = arith.constant 4 : i32
        %add3A_374 = vector.broadcast %add3A_373 : i32 to vector<16xi32>
        %add3A_375 = arith.addi %mul3A_372, %add3A_374 : vector<16xi32>
        %mul3A_376 = arith.constant 16 : i32
        %mul3A_377 = vector.broadcast %mul3A_376 : i32 to vector<16xi32>
        %mul3A_378 = arith.muli %iota3A, %mul3A_377 : vector<16xi32>
        %add3A_379 = arith.constant 5 : i32
        %add3A_380 = vector.broadcast %add3A_379 : i32 to vector<16xi32>
        %add3A_381 = arith.addi %mul3A_378, %add3A_380 : vector<16xi32>
        %mul3A_382 = arith.constant 16 : i32
        %mul3A_383 = vector.broadcast %mul3A_382 : i32 to vector<16xi32>
        %mul3A_384 = arith.muli %iota3A, %mul3A_383 : vector<16xi32>
        %add3A_385 = arith.constant 6 : i32
        %add3A_386 = vector.broadcast %add3A_385 : i32 to vector<16xi32>
        %add3A_387 = arith.addi %mul3A_384, %add3A_386 : vector<16xi32>
        %mul3A_388 = arith.constant 16 : i32
        %mul3A_389 = vector.broadcast %mul3A_388 : i32 to vector<16xi32>
        %mul3A_390 = arith.muli %iota3A, %mul3A_389 : vector<16xi32>
        %add3A_391 = arith.constant 7 : i32
        %add3A_392 = vector.broadcast %add3A_391 : i32 to vector<16xi32>
        %add3A_393 = arith.addi %mul3A_390, %add3A_392 : vector<16xi32>
        %mul3A_394 = arith.constant 16 : i32
        %mul3A_395 = vector.broadcast %mul3A_394 : i32 to vector<16xi32>
        %mul3A_396 = arith.muli %iota3A, %mul3A_395 : vector<16xi32>
        %add3A_397 = arith.constant 8 : i32
        %add3A_398 = vector.broadcast %add3A_397 : i32 to vector<16xi32>
        %add3A_399 = arith.addi %mul3A_396, %add3A_398 : vector<16xi32>
        %mul3A_400 = arith.constant 16 : i32
        %mul3A_401 = vector.broadcast %mul3A_400 : i32 to vector<16xi32>
        %mul3A_402 = arith.muli %iota3A, %mul3A_401 : vector<16xi32>
        %add3A_403 = arith.constant 9 : i32
        %add3A_404 = vector.broadcast %add3A_403 : i32 to vector<16xi32>
        %add3A_405 = arith.addi %mul3A_402, %add3A_404 : vector<16xi32>
        %mul3A_406 = arith.constant 16 : i32
        %mul3A_407 = vector.broadcast %mul3A_406 : i32 to vector<16xi32>
        %mul3A_408 = arith.muli %iota3A, %mul3A_407 : vector<16xi32>
        %add3A_409 = arith.constant 10 : i32
        %add3A_410 = vector.broadcast %add3A_409 : i32 to vector<16xi32>
        %add3A_411 = arith.addi %mul3A_408, %add3A_410 : vector<16xi32>
        %mul3A_412 = arith.constant 16 : i32
        %mul3A_413 = vector.broadcast %mul3A_412 : i32 to vector<16xi32>
        %mul3A_414 = arith.muli %iota3A, %mul3A_413 : vector<16xi32>
        %add3A_415 = arith.constant 11 : i32
        %add3A_416 = vector.broadcast %add3A_415 : i32 to vector<16xi32>
        %add3A_417 = arith.addi %mul3A_414, %add3A_416 : vector<16xi32>
        %mul3A_418 = arith.constant 16 : i32
        %mul3A_419 = vector.broadcast %mul3A_418 : i32 to vector<16xi32>
        %mul3A_420 = arith.muli %iota3A, %mul3A_419 : vector<16xi32>
        %add3A_421 = arith.constant 12 : i32
        %add3A_422 = vector.broadcast %add3A_421 : i32 to vector<16xi32>
        %add3A_423 = arith.addi %mul3A_420, %add3A_422 : vector<16xi32>
        %mul3A_424 = arith.constant 16 : i32
        %mul3A_425 = vector.broadcast %mul3A_424 : i32 to vector<16xi32>
        %mul3A_426 = arith.muli %iota3A, %mul3A_425 : vector<16xi32>
        %add3A_427 = arith.constant 13 : i32
        %add3A_428 = vector.broadcast %add3A_427 : i32 to vector<16xi32>
        %add3A_429 = arith.addi %mul3A_426, %add3A_428 : vector<16xi32>
        %mul3A_430 = arith.constant 16 : i32
        %mul3A_431 = vector.broadcast %mul3A_430 : i32 to vector<16xi32>
        %mul3A_432 = arith.muli %iota3A, %mul3A_431 : vector<16xi32>
        %add3A_433 = arith.constant 14 : i32
        %add3A_434 = vector.broadcast %add3A_433 : i32 to vector<16xi32>
        %add3A_435 = arith.addi %mul3A_432, %add3A_434 : vector<16xi32>
        %mul3A_436 = arith.constant 16 : i32
        %mul3A_437 = vector.broadcast %mul3A_436 : i32 to vector<16xi32>
        %mul3A_438 = arith.muli %iota3A, %mul3A_437 : vector<16xi32>
        %add3A_439 = arith.constant 15 : i32
        %add3A_440 = vector.broadcast %add3A_439 : i32 to vector<16xi32>
        %add3A_441 = arith.addi %mul3A_438, %add3A_440 : vector<16xi32>
        %mul3A_442 = arith.constant 16 : i32
        %mul3A_443 = vector.broadcast %mul3A_442 : i32 to vector<16xi32>
        %mul3A_444 = arith.muli %iota3A, %mul3A_443 : vector<16xi32>
        %add3A_445 = arith.constant 256 : i32
        %add3A_446 = vector.broadcast %add3A_445 : i32 to vector<16xi32>
        %add3A_447 = arith.addi %mul3A_444, %add3A_446 : vector<16xi32>
        %mul3A_448 = arith.constant 16 : i32
        %mul3A_449 = vector.broadcast %mul3A_448 : i32 to vector<16xi32>
        %mul3A_450 = arith.muli %iota3A, %mul3A_449 : vector<16xi32>
        %add3A_451 = arith.constant 257 : i32
        %add3A_452 = vector.broadcast %add3A_451 : i32 to vector<16xi32>
        %add3A_453 = arith.addi %mul3A_450, %add3A_452 : vector<16xi32>
        %mul3A_454 = arith.constant 16 : i32
        %mul3A_455 = vector.broadcast %mul3A_454 : i32 to vector<16xi32>
        %mul3A_456 = arith.muli %iota3A, %mul3A_455 : vector<16xi32>
        %add3A_457 = arith.constant 258 : i32
        %add3A_458 = vector.broadcast %add3A_457 : i32 to vector<16xi32>
        %add3A_459 = arith.addi %mul3A_456, %add3A_458 : vector<16xi32>
        %mul3A_460 = arith.constant 16 : i32
        %mul3A_461 = vector.broadcast %mul3A_460 : i32 to vector<16xi32>
        %mul3A_462 = arith.muli %iota3A, %mul3A_461 : vector<16xi32>
        %add3A_463 = arith.constant 259 : i32
        %add3A_464 = vector.broadcast %add3A_463 : i32 to vector<16xi32>
        %add3A_465 = arith.addi %mul3A_462, %add3A_464 : vector<16xi32>
        %mul3A_466 = arith.constant 16 : i32
        %mul3A_467 = vector.broadcast %mul3A_466 : i32 to vector<16xi32>
        %mul3A_468 = arith.muli %iota3A, %mul3A_467 : vector<16xi32>
        %add3A_469 = arith.constant 260 : i32
        %add3A_470 = vector.broadcast %add3A_469 : i32 to vector<16xi32>
        %add3A_471 = arith.addi %mul3A_468, %add3A_470 : vector<16xi32>
        %mul3A_472 = arith.constant 16 : i32
        %mul3A_473 = vector.broadcast %mul3A_472 : i32 to vector<16xi32>
        %mul3A_474 = arith.muli %iota3A, %mul3A_473 : vector<16xi32>
        %add3A_475 = arith.constant 261 : i32
        %add3A_476 = vector.broadcast %add3A_475 : i32 to vector<16xi32>
        %add3A_477 = arith.addi %mul3A_474, %add3A_476 : vector<16xi32>
        %mul3A_478 = arith.constant 16 : i32
        %mul3A_479 = vector.broadcast %mul3A_478 : i32 to vector<16xi32>
        %mul3A_480 = arith.muli %iota3A, %mul3A_479 : vector<16xi32>
        %add3A_481 = arith.constant 262 : i32
        %add3A_482 = vector.broadcast %add3A_481 : i32 to vector<16xi32>
        %add3A_483 = arith.addi %mul3A_480, %add3A_482 : vector<16xi32>
        %mul3A_484 = arith.constant 16 : i32
        %mul3A_485 = vector.broadcast %mul3A_484 : i32 to vector<16xi32>
        %mul3A_486 = arith.muli %iota3A, %mul3A_485 : vector<16xi32>
        %add3A_487 = arith.constant 263 : i32
        %add3A_488 = vector.broadcast %add3A_487 : i32 to vector<16xi32>
        %add3A_489 = arith.addi %mul3A_486, %add3A_488 : vector<16xi32>
        %mul3A_490 = arith.constant 16 : i32
        %mul3A_491 = vector.broadcast %mul3A_490 : i32 to vector<16xi32>
        %mul3A_492 = arith.muli %iota3A, %mul3A_491 : vector<16xi32>
        %add3A_493 = arith.constant 264 : i32
        %add3A_494 = vector.broadcast %add3A_493 : i32 to vector<16xi32>
        %add3A_495 = arith.addi %mul3A_492, %add3A_494 : vector<16xi32>
        %mul3A_496 = arith.constant 16 : i32
        %mul3A_497 = vector.broadcast %mul3A_496 : i32 to vector<16xi32>
        %mul3A_498 = arith.muli %iota3A, %mul3A_497 : vector<16xi32>
        %add3A_499 = arith.constant 265 : i32
        %add3A_500 = vector.broadcast %add3A_499 : i32 to vector<16xi32>
        %add3A_501 = arith.addi %mul3A_498, %add3A_500 : vector<16xi32>
        %mul3A_502 = arith.constant 16 : i32
        %mul3A_503 = vector.broadcast %mul3A_502 : i32 to vector<16xi32>
        %mul3A_504 = arith.muli %iota3A, %mul3A_503 : vector<16xi32>
        %add3A_505 = arith.constant 266 : i32
        %add3A_506 = vector.broadcast %add3A_505 : i32 to vector<16xi32>
        %add3A_507 = arith.addi %mul3A_504, %add3A_506 : vector<16xi32>
        %mul3A_508 = arith.constant 16 : i32
        %mul3A_509 = vector.broadcast %mul3A_508 : i32 to vector<16xi32>
        %mul3A_510 = arith.muli %iota3A, %mul3A_509 : vector<16xi32>
        %add3A_511 = arith.constant 267 : i32
        %add3A_512 = vector.broadcast %add3A_511 : i32 to vector<16xi32>
        %add3A_513 = arith.addi %mul3A_510, %add3A_512 : vector<16xi32>
        %mul3A_514 = arith.constant 16 : i32
        %mul3A_515 = vector.broadcast %mul3A_514 : i32 to vector<16xi32>
        %mul3A_516 = arith.muli %iota3A, %mul3A_515 : vector<16xi32>
        %add3A_517 = arith.constant 268 : i32
        %add3A_518 = vector.broadcast %add3A_517 : i32 to vector<16xi32>
        %add3A_519 = arith.addi %mul3A_516, %add3A_518 : vector<16xi32>
        %mul3A_520 = arith.constant 16 : i32
        %mul3A_521 = vector.broadcast %mul3A_520 : i32 to vector<16xi32>
        %mul3A_522 = arith.muli %iota3A, %mul3A_521 : vector<16xi32>
        %add3A_523 = arith.constant 269 : i32
        %add3A_524 = vector.broadcast %add3A_523 : i32 to vector<16xi32>
        %add3A_525 = arith.addi %mul3A_522, %add3A_524 : vector<16xi32>
        %mul3A_526 = arith.constant 16 : i32
        %mul3A_527 = vector.broadcast %mul3A_526 : i32 to vector<16xi32>
        %mul3A_528 = arith.muli %iota3A, %mul3A_527 : vector<16xi32>
        %add3A_529 = arith.constant 270 : i32
        %add3A_530 = vector.broadcast %add3A_529 : i32 to vector<16xi32>
        %add3A_531 = arith.addi %mul3A_528, %add3A_530 : vector<16xi32>
        %mul3A_532 = arith.constant 16 : i32
        %mul3A_533 = vector.broadcast %mul3A_532 : i32 to vector<16xi32>
        %mul3A_534 = arith.muli %iota3A, %mul3A_533 : vector<16xi32>
        %add3A_535 = arith.constant 271 : i32
        %add3A_536 = vector.broadcast %add3A_535 : i32 to vector<16xi32>
        %add3A_537 = arith.addi %mul3A_534, %add3A_536 : vector<16xi32>
        %scan3A_538 = arith.constant 0 : i32
        %scan3A_539 = arith.constant 32 : i32
        %scan3A_540 = arith.addi %scan3A_538, %scan3A_539 : i32
        %scan3A_541 = arith.constant 1 : i32
        scf.for %scan3A_550 = %scan3A_538 to %scan3A_540 step %scan3A_541  : i32 {
          %mul3A_551 = arith.constant 1 : i32
          %mul3A_552 = arith.muli %scan3A_550, %mul3A_551 : i32
          %add3A_553 = arith.constant 0 : i32
          %add3A_554 = arith.addi %add3A_553, %mul3A_552 : i32
          %get3A = arith.index_cast %add3A_554 : i32 to index
          %get3A_555 = arith.constant 0 : index
          %get3A_556 = tpu.vector_load %arg8[%get3A, %get3A_555] {strides = array<i32>} : memref<32x128xbf16, #tpu.memory_space<vmem>>, vector<32xbf16>,
          %unpack3A = tpu.unpack_subelements %get3A_556, 0 {pack_format = #tpu.pack_format<interleaved>} : vector<32xbf16> -> vector<16xf32>
          %unpack3A_557 = tpu.unpack_subelements %get3A_556, 1 {pack_format = #tpu.pack_format<interleaved>} : vector<32xbf16> -> vector<16xf32>
          %get3A_558 = arith.index_cast %add3A_554 : i32 to index
          %get3A_559 = arith.constant 32 : index
          %get3A_560 = tpu.vector_load %arg8[%get3A_558, %get3A_559] {strides = array<i32>} : memref<32x128xbf16, #tpu.memory_space<vmem>>, vector<32xbf16>,
          %unpack3A_561 = tpu.unpack_subelements %get3A_560, 0 {pack_format = #tpu.pack_format<interleaved>} : vector<32xbf16> -> vector<16xf32>
          %unpack3A_562 = tpu.unpack_subelements %get3A_560, 1 {pack_format = #tpu.pack_format<interleaved>} : vector<32xbf16> -> vector<16xf32>
          %get3A_563 = arith.index_cast %add3A_554 : i32 to index
          %get3A_564 = arith.constant 64 : index
          %get3A_565 = tpu.vector_load %arg8[%get3A_563, %get3A_564] {strides = array<i32>} : memref<32x128xbf16, #tpu.memory_space<vmem>>, vector<32xbf16>,
          %unpack3A_566 = tpu.unpack_subelements %get3A_565, 0 {pack_format = #tpu.pack_format<interleaved>} : vector<32xbf16> -> vector<16xf32>
          %unpack3A_567 = tpu.unpack_subelements %get3A_565, 1 {pack_format = #tpu.pack_format<interleaved>} : vector<32xbf16> -> vector<16xf32>
          %get3A_568 = arith.index_cast %add3A_554 : i32 to index
          %get3A_569 = arith.constant 96 : index
          %get3A_570 = tpu.vector_load %arg8[%get3A_568, %get3A_569] {strides = array<i32>} : memref<32x128xbf16, #tpu.memory_space<vmem>>, vector<32xbf16>,
          %unpack3A_571 = tpu.unpack_subelements %get3A_570, 0 {pack_format = #tpu.pack_format<interleaved>} : vector<32xbf16> -> vector<16xf32>
          %unpack3A_572 = tpu.unpack_subelements %get3A_570, 1 {pack_format = #tpu.pack_format<interleaved>} : vector<32xbf16> -> vector<16xf32>
          %mul3A_573 = arith.constant 11 : i32
          %mul3A_574 = arith.muli %add3A_554, %mul3A_573 : i32
          %add3A_575 = arith.constant 0 : i32
          %add3A_576 = arith.addi %mul3A_574, %add3A_575 : i32
          %get3A_577 = arith.index_cast %add3A_576 : i32 to index
          %get3A_578 = arith.constant 0 : index
          %get3A_579 = tpu.vector_load %arg36[%get3A_577, %get3A_578] {strides = array<i32>} : memref<352x64xf32, #tpu.memory_space<vmem>>, vector<16xf32>,
          %bitcast3A = vector.bitcast %get3A_579 : vector<16xf32> to vector<32xbf16>
          %unpack3A_580 = tpu.unpack_subelements %bitcast3A, 0 {pack_format = #tpu.pack_format<interleaved>} : vector<32xbf16> -> vector<16xf32>
          %unpack3A_581 = tpu.unpack_subelements %bitcast3A, 1 {pack_format = #tpu.pack_format<interleaved>} : vector<32xbf16> -> vector<16xf32>
          %mul3A_582 = arith.mulf %unpack3A_580, %unpack3A : vector<16xf32>
          %mul3A_583 = arith.mulf %unpack3A_581, %unpack3A_557 : vector<16xf32>
          %add3A_584 = arith.addf %mul3A_582, %mul3A_583 : vector<16xf32>
          %get3A_585 = arith.index_cast %add3A_576 : i32 to index
          %get3A_586 = arith.constant 16 : index
          %get3A_587 = tpu.vector_load %arg36[%get3A_585, %get3A_586] {strides = array<i32>} : memref<352x64xf32, #tpu.memory_space<vmem>>, vector<16xf32>,
          %bitcast3A_588 = vector.bitcast %get3A_587 : vector<16xf32> to vector<32xbf16>
          %unpack3A_589 = tpu.unpack_subelements %bitcast3A_588, 0 {pack_format = #tpu.pack_format<interleaved>} : vector<32xbf16> -> vector<16xf32>
          %unpack3A_590 = tpu.unpack_subelements %bitcast3A_588, 1 {pack_format = #tpu.pack_format<interleaved>} : vector<32xbf16> -> vector<16xf32>
          %mul3A_591 = arith.mulf %unpack3A_589, %unpack3A_561 : vector<16xf32>
          %mul3A_592 = arith.mulf %unpack3A_590, %unpack3A_562 : vector<16xf32>
          %add3A_593 = arith.addf %mul3A_591, %mul3A_592 : vector<16xf32>
          %get3A_594 = arith.index_cast %add3A_576 : i32 to index
          %get3A_595 = arith.constant 32 : index
          %get3A_596 = tpu.vector_load %arg36[%get3A_594, %get3A_595] {strides = array<i32>} : memref<352x64xf32, #tpu.memory_space<vmem>>, vector<16xf32>,
          %bitcast3A_597 = vector.bitcast %get3A_596 : vector<16xf32> to vector<32xbf16>
          %unpack3A_598 = tpu.unpack_subelements %bitcast3A_597, 0 {pack_format = #tpu.pack_format<interleaved>} : vector<32xbf16> -> vector<16xf32>
          %unpack3A_599 = tpu.unpack_subelements %bitcast3A_597, 1 {pack_format = #tpu.pack_format<interleaved>} : vector<32xbf16> -> vector<16xf32>
          %mul3A_600 = arith.mulf %unpack3A_598, %unpack3A_566 : vector<16xf32>
          %mul3A_601 = arith.mulf %unpack3A_599, %unpack3A_567 : vector<16xf32>
          %add3A_602 = arith.addf %mul3A_600, %mul3A_601 : vector<16xf32>
          %get3A_603 = arith.index_cast %add3A_576 : i32 to index
          %get3A_604 = arith.constant 48 : index
          %get3A_605 = tpu.vector_load %arg36[%get3A_603, %get3A_604] {strides = array<i32>} : memref<352x64xf32, #tpu.memory_space<vmem>>, vector<16xf32>,
          %bitcast3A_606 = vector.bitcast %get3A_605 : vector<16xf32> to vector<32xbf16>
          %unpack3A_607 = tpu.unpack_subelements %bitcast3A_606, 0 {pack_format = #tpu.pack_format<interleaved>} : vector<32xbf16> -> vector<16xf32>
          %unpack3A_608 = tpu.unpack_subelements %bitcast3A_606, 1 {pack_format = #tpu.pack_format<interleaved>} : vector<32xbf16> -> vector<16xf32>
          %mul3A_609 = arith.mulf %unpack3A_607, %unpack3A_571 : vector<16xf32>
          %mul3A_610 = arith.mulf %unpack3A_608, %unpack3A_572 : vector<16xf32>
          %add3A_611 = arith.addf %mul3A_609, %mul3A_610 : vector<16xf32>
          %add3A_612 = arith.addf %add3A_584, %add3A_593 : vector<16xf32>
          %add3A_613 = arith.addf %add3A_612, %add3A_602 : vector<16xf32>
          %add3A_614 = arith.addf %add3A_613, %add3A_611 : vector<16xf32>
          %swap3A_615 = arith.constant 0 : index
          %swap3A_616 = tpu.vector_load %arg33[%swap3A_615] {strides = array<i32>} : memref<512xf32, #tpu.memory_space<vmem>>, vector<16xf32>,
          tpu.vector_store %arg33[%swap3A_615], %add3A_614 {strides = array<i32>} : memref<512xf32, #tpu.memory_space<vmem>>, vector<16xf32>,
          %mul3A_617 = arith.constant 11 : i32
          %mul3A_618 = arith.muli %add3A_554, %mul3A_617 : i32
          %add3A_619 = arith.constant 1 : i32
          %add3A_620 = arith.addi %mul3A_618, %add3A_619 : i32
          %get3A_621 = arith.index_cast %add3A_620 : i32 to index
          %get3A_622 = arith.constant 0 : index
          %get3A_623 = tpu.vector_load %arg36[%get3A_621, %get3A_622] {strides = array<i32>} : memref<352x64xf32, #tpu.memory_space<vmem>>, vector<16xf32>,
          %bitcast3A_624 = vector.bitcast %get3A_623 : vector<16xf32> to vector<32xbf16>
          %unpack3A_625 = tpu.unpack_subelements %bitcast3A_624, 0 {pack_format = #tpu.pack_format<interleaved>} : vector<32xbf16> -> vector<16xf32>
          %unpack3A_626 = tpu.unpack_subelements %bitcast3A_624, 1 {pack_format = #tpu.pack_format<interleaved>} : vector<32xbf16> -> vector<16xf32>
          %mul3A_627 = arith.mulf %unpack3A_625, %unpack3A : vector<16xf32>
          %mul3A_628 = arith.mulf %unpack3A_626, %unpack3A_557 : vector<16xf32>
          %add3A_629 = arith.addf %mul3A_627, %mul3A_628 : vector<16xf32>
          %get3A_630 = arith.index_cast %add3A_620 : i32 to index
          %get3A_631 = arith.constant 16 : index
          %get3A_632 = tpu.vector_load %arg36[%get3A_630, %get3A_631] {strides = array<i32>} : memref<352x64xf32, #tpu.memory_space<vmem>>, vector<16xf32>,
          %bitcast3A_633 = vector.bitcast %get3A_632 : vector<16xf32> to vector<32xbf16>
          %unpack3A_634 = tpu.unpack_subelements %bitcast3A_633, 0 {pack_format = #tpu.pack_format<interleaved>} : vector<32xbf16> -> vector<16xf32>
          %unpack3A_635 = tpu.unpack_subelements %bitcast3A_633, 1 {pack_format = #tpu.pack_format<interleaved>} : vector<32xbf16> -> vector<16xf32>
          %mul3A_636 = arith.mulf %unpack3A_634, %unpack3A_561 : vector<16xf32>
          %mul3A_637 = arith.mulf %unpack3A_635, %unpack3A_562 : vector<16xf32>
          %add3A_638 = arith.addf %mul3A_636, %mul3A_637 : vector<16xf32>
          %get3A_639 = arith.index_cast %add3A_620 : i32 to index
          %get3A_640 = arith.constant 32 : index
          %get3A_641 = tpu.vector_load %arg36[%get3A_639, %get3A_640] {strides = array<i32>} : memref<352x64xf32, #tpu.memory_space<vmem>>, vector<16xf32>,
          %bitcast3A_642 = vector.bitcast %get3A_641 : vector<16xf32> to vector<32xbf16>
          %unpack3A_643 = tpu.unpack_subelements %bitcast3A_642, 0 {pack_format = #tpu.pack_format<interleaved>} : vector<32xbf16> -> vector<16xf32>
          %unpack3A_644 = tpu.unpack_subelements %bitcast3A_642, 1 {pack_format = #tpu.pack_format<interleaved>} : vector<32xbf16> -> vector<16xf32>
          %mul3A_645 = arith.mulf %unpack3A_643, %unpack3A_566 : vector<16xf32>
          %mul3A_646 = arith.mulf %unpack3A_644, %unpack3A_567 : vector<16xf32>
          %add3A_647 = arith.addf %mul3A_645, %mul3A_646 : vector<16xf32>
          %get3A_648 = arith.index_cast %add3A_620 : i32 to index
          %get3A_649 = arith.constant 48 : index
          %get3A_650 = tpu.vector_load %arg36[%get3A_648, %get3A_649] {strides = array<i32>} : memref<352x64xf32, #tpu.memory_space<vmem>>, vector<16xf32>,
          %bitcast3A_651 = vector.bitcast %get3A_650 : vector<16xf32> to vector<32xbf16>
          %unpack3A_652 = tpu.unpack_subelements %bitcast3A_651, 0 {pack_format = #tpu.pack_format<interleaved>} : vector<32xbf16> -> vector<16xf32>
          %unpack3A_653 = tpu.unpack_subelements %bitcast3A_651, 1 {pack_format = #tpu.pack_format<interleaved>} : vector<32xbf16> -> vector<16xf32>
          %mul3A_654 = arith.mulf %unpack3A_652, %unpack3A_571 : vector<16xf32>
          %mul3A_655 = arith.mulf %unpack3A_653, %unpack3A_572 : vector<16xf32>
          %add3A_656 = arith.addf %mul3A_654, %mul3A_655 : vector<16xf32>
          %add3A_657 = arith.addf %add3A_629, %add3A_638 : vector<16xf32>
          %add3A_658 = arith.addf %add3A_657, %add3A_647 : vector<16xf32>
          %add3A_659 = arith.addf %add3A_658, %add3A_656 : vector<16xf32>
          %swap3A_660 = arith.constant 16 : index
          %swap3A_661 = tpu.vector_load %arg33[%swap3A_660] {strides = array<i32>} : memref<512xf32, #tpu.memory_space<vmem>>, vector<16xf32>,
          tpu.vector_store %arg33[%swap3A_660], %add3A_659 {strides = array<i32>} : memref<512xf32, #tpu.memory_space<vmem>>, vector<16xf32>,
          %mul3A_662 = arith.constant 11 : i32
          %mul3A_663 = arith.muli %add3A_554, %mul3A_662 : i32
          %add3A_664 = arith.constant 2 : i32
          %add3A_665 = arith.addi %mul3A_663, %add3A_664 : i32
          %get3A_666 = arith.index_cast %add3A_665 : i32 to index
          %get3A_667 = arith.constant 0 : index
          %get3A_668 = tpu.vector_load %arg36[%get3A_666, %get3A_667] {strides = array<i32>} : memref<352x64xf32, #tpu.memory_space<vmem>>, vector<16xf32>,
          %bitcast3A_669 = vector.bitcast %get3A_668 : vector<16xf32> to vector<32xbf16>
          %unpack3A_670 = tpu.unpack_subelements %bitcast3A_669, 0 {pack_format = #tpu.pack_format<interleaved>} : vector<32xbf16> -> vector<16xf32>
          %unpack3A_671 = tpu.unpack_subelements %bitcast3A_669, 1 {pack_format = #tpu.pack_format<interleaved>} : vector<32xbf16> -> vector<16xf32>
          %mul3A_672 = arith.mulf %unpack3A_670, %unpack3A : vector<16xf32>
          %mul3A_673 = arith.mulf %unpack3A_671, %unpack3A_557 : vector<16xf32>
          %add3A_674 = arith.addf %mul3A_672, %mul3A_673 : vector<16xf32>
          %get3A_675 = arith.index_cast %add3A_665 : i32 to index
          %get3A_676 = arith.constant 16 : index
          %get3A_677 = tpu.vector_load %arg36[%get3A_675, %get3A_676] {strides = array<i32>} : memref<352x64xf32, #tpu.memory_space<vmem>>, vector<16xf32>,
          %bitcast3A_678 = vector.bitcast %get3A_677 : vector<16xf32> to vector<32xbf16>
          %unpack3A_679 = tpu.unpack_subelements %bitcast3A_678, 0 {pack_format = #tpu.pack_format<interleaved>} : vector<32xbf16> -> vector<16xf32>
          %unpack3A_680 = tpu.unpack_subelements %bitcast3A_678, 1 {pack_format = #tpu.pack_format<interleaved>} : vector<32xbf16> -> vector<16xf32>
          %mul3A_681 = arith.mulf %unpack3A_679, %unpack3A_561 : vector<16xf32>
          %mul3A_682 = arith.mulf %unpack3A_680, %unpack3A_562 : vector<16xf32>
          %add3A_683 = arith.addf %mul3A_681, %mul3A_682 : vector<16xf32>
          %get3A_684 = arith.index_cast %add3A_665 : i32 to index
          %get3A_685 = arith.constant 32 : index
          %get3A_686 = tpu.vector_load %arg36[%get3A_684, %get3A_685] {strides = array<i32>} : memref<352x64xf32, #tpu.memory_space<vmem>>, vector<16xf32>,
          %bitcast3A_687 = vector.bitcast %get3A_686 : vector<16xf32> to vector<32xbf16>
          %unpack3A_688 = tpu.unpack_subelements %bitcast3A_687, 0 {pack_format = #tpu.pack_format<interleaved>} : vector<32xbf16> -> vector<16xf32>
          %unpack3A_689 = tpu.unpack_subelements %bitcast3A_687, 1 {pack_format = #tpu.pack_format<interleaved>} : vector<32xbf16> -> vector<16xf32>
          %mul3A_690 = arith.mulf %unpack3A_688, %unpack3A_566 : vector<16xf32>
          %mul3A_691 = arith.mulf %unpack3A_689, %unpack3A_567 : vector<16xf32>
          %add3A_692 = arith.addf %mul3A_690, %mul3A_691 : vector<16xf32>
          %get3A_693 = arith.index_cast %add3A_665 : i32 to index
          %get3A_694 = arith.constant 48 : index
          %get3A_695 = tpu.vector_load %arg36[%get3A_693, %get3A_694] {strides = array<i32>} : memref<352x64xf32, #tpu.memory_space<vmem>>, vector<16xf32>,
          %bitcast3A_696 = vector.bitcast %get3A_695 : vector<16xf32> to vector<32xbf16>
          %unpack3A_697 = tpu.unpack_subelements %bitcast3A_696, 0 {pack_format = #tpu.pack_format<interleaved>} : vector<32xbf16> -> vector<16xf32>
          %unpack3A_698 = tpu.unpack_subelements %bitcast3A_696, 1 {pack_format = #tpu.pack_format<interleaved>} : vector<32xbf16> -> vector<16xf32>
          %mul3A_699 = arith.mulf %unpack3A_697, %unpack3A_571 : vector<16xf32>
          %mul3A_700 = arith.mulf %unpack3A_698, %unpack3A_572 : vector<16xf32>
          %add3A_701 = arith.addf %mul3A_699, %mul3A_700 : vector<16xf32>
          %add3A_702 = arith.addf %add3A_674, %add3A_683 : vector<16xf32>
          %add3A_703 = arith.addf %add3A_702, %add3A_692 : vector<16xf32>
          %add3A_704 = arith.addf %add3A_703, %add3A_701 : vector<16xf32>
          %swap3A_705 = arith.constant 32 : index
          %swap3A_706 = tpu.vector_load %arg33[%swap3A_705] {strides = array<i32>} : memref<512xf32, #tpu.memory_space<vmem>>, vector<16xf32>,
          tpu.vector_store %arg33[%swap3A_705], %add3A_704 {strides = array<i32>} : memref<512xf32, #tpu.memory_space<vmem>>, vector<16xf32>,
          %mul3A_707 = arith.constant 11 : i32
          %mul3A_708 = arith.muli %add3A_554, %mul3A_707 : i32
          %add3A_709 = arith.constant 3 : i32
          %add3A_710 = arith.addi %mul3A_708, %add3A_709 : i32
          %get3A_711 = arith.index_cast %add3A_710 : i32 to index
          %get3A_712 = arith.constant 0 : index
          %get3A_713 = tpu.vector_load %arg36[%get3A_711, %get3A_712] {strides = array<i32>} : memref<352x64xf32, #tpu.memory_space<vmem>>, vector<16xf32>,
          %bitcast3A_714 = vector.bitcast %get3A_713 : vector<16xf32> to vector<32xbf16>
          %unpack3A_715 = tpu.unpack_subelements %bitcast3A_714, 0 {pack_format = #tpu.pack_format<interleaved>} : vector<32xbf16> -> vector<16xf32>
          %unpack3A_716 = tpu.unpack_subelements %bitcast3A_714, 1 {pack_format = #tpu.pack_format<interleaved>} : vector<32xbf16> -> vector<16xf32>
          %mul3A_717 = arith.mulf %unpack3A_715, %unpack3A : vector<16xf32>
          %mul3A_718 = arith.mulf %unpack3A_716, %unpack3A_557 : vector<16xf32>
          %add3A_719 = arith.addf %mul3A_717, %mul3A_718 : vector<16xf32>
          %get3A_720 = arith.index_cast %add3A_710 : i32 to index
          %get3A_721 = arith.constant 16 : index
          %get3A_722 = tpu.vector_load %arg36[%get3A_720, %get3A_721] {strides = array<i32>} : memref<352x64xf32, #tpu.memory_space<vmem>>, vector<16xf32>,
          %bitcast3A_723 = vector.bitcast %get3A_722 : vector<16xf32> to vector<32xbf16>
          %unpack3A_724 = tpu.unpack_subelements %bitcast3A_723, 0 {pack_format = #tpu.pack_format<interleaved>} : vector<32xbf16> -> vector<16xf32>
          %unpack3A_725 = tpu.unpack_subelements %bitcast3A_723, 1 {pack_format = #tpu.pack_format<interleaved>} : vector<32xbf16> -> vector<16xf32>
          %mul3A_726 = arith.mulf %unpack3A_724, %unpack3A_561 : vector<16xf32>
          %mul3A_727 = arith.mulf %unpack3A_725, %unpack3A_562 : vector<16xf32>
          %add3A_728 = arith.addf %mul3A_726, %mul3A_727 : vector<16xf32>
          %get3A_729 = arith.index_cast %add3A_710 : i32 to index
          %get3A_730 = arith.constant 32 : index
          %get3A_731 = tpu.vector_load %arg36[%get3A_729, %get3A_730] {strides = array<i32>} : memref<352x64xf32, #tpu.memory_space<vmem>>, vector<16xf32>,
          %bitcast3A_732 = vector.bitcast %get3A_731 : vector<16xf32> to vector<32xbf16>
          %unpack3A_733 = tpu.unpack_subelements %bitcast3A_732, 0 {pack_format = #tpu.pack_format<interleaved>} : vector<32xbf16> -> vector<16xf32>
          %unpack3A_734 = tpu.unpack_subelements %bitcast3A_732, 1 {pack_format = #tpu.pack_format<interleaved>} : vector<32xbf16> -> vector<16xf32>
          %mul3A_735 = arith.mulf %unpack3A_733, %unpack3A_566 : vector<16xf32>
          %mul3A_736 = arith.mulf %unpack3A_734, %unpack3A_567 : vector<16xf32>
          %add3A_737 = arith.addf %mul3A_735, %mul3A_736 : vector<16xf32>
          %get3A_738 = arith.index_cast %add3A_710 : i32 to index
          %get3A_739 = arith.constant 48 : index
          %get3A_740 = tpu.vector_load %arg36[%get3A_738, %get3A_739] {strides = array<i32>} : memref<352x64xf32, #tpu.memory_space<vmem>>, vector<16xf32>,
          %bitcast3A_741 = vector.bitcast %get3A_740 : vector<16xf32> to vector<32xbf16>
          %unpack3A_742 = tpu.unpack_subelements %bitcast3A_741, 0 {pack_format = #tpu.pack_format<interleaved>} : vector<32xbf16> -> vector<16xf32>
          %unpack3A_743 = tpu.unpack_subelements %bitcast3A_741, 1 {pack_format = #tpu.pack_format<interleaved>} : vector<32xbf16> -> vector<16xf32>
          %mul3A_744 = arith.mulf %unpack3A_742, %unpack3A_571 : vector<16xf32>
          %mul3A_745 = arith.mulf %unpack3A_743, %unpack3A_572 : vector<16xf32>
          %add3A_746 = arith.addf %mul3A_744, %mul3A_745 : vector<16xf32>
          %add3A_747 = arith.addf %add3A_719, %add3A_728 : vector<16xf32>
          %add3A_748 = arith.addf %add3A_747, %add3A_737 : vector<16xf32>
          %add3A_749 = arith.addf %add3A_748, %add3A_746 : vector<16xf32>
          %swap3A_750 = arith.constant 48 : index
          %swap3A_751 = tpu.vector_load %arg33[%swap3A_750] {strides = array<i32>} : memref<512xf32, #tpu.memory_space<vmem>>, vector<16xf32>,
          tpu.vector_store %arg33[%swap3A_750], %add3A_749 {strides = array<i32>} : memref<512xf32, #tpu.memory_space<vmem>>, vector<16xf32>,
          %mul3A_752 = arith.constant 11 : i32
          %mul3A_753 = arith.muli %add3A_554, %mul3A_752 : i32
          %add3A_754 = arith.constant 4 : i32
          %add3A_755 = arith.addi %mul3A_753, %add3A_754 : i32
          %get3A_756 = arith.index_cast %add3A_755 : i32 to index
          %get3A_757 = arith.constant 0 : index
          %get3A_758 = tpu.vector_load %arg36[%get3A_756, %get3A_757] {strides = array<i32>} : memref<352x64xf32, #tpu.memory_space<vmem>>, vector<16xf32>,
          %bitcast3A_759 = vector.bitcast %get3A_758 : vector<16xf32> to vector<32xbf16>
          %unpack3A_760 = tpu.unpack_subelements %bitcast3A_759, 0 {pack_format = #tpu.pack_format<interleaved>} : vector<32xbf16> -> vector<16xf32>
          %unpack3A_761 = tpu.unpack_subelements %bitcast3A_759, 1 {pack_format = #tpu.pack_format<interleaved>} : vector<32xbf16> -> vector<16xf32>
          %mul3A_762 = arith.mulf %unpack3A_760, %unpack3A : vector<16xf32>
          %mul3A_763 = arith.mulf %unpack3A_761, %unpack3A_557 : vector<16xf32>
          %add3A_764 = arith.addf %mul3A_762, %mul3A_763 : vector<16xf32>
          %get3A_765 = arith.index_cast %add3A_755 : i32 to index
          %get3A_766 = arith.constant 16 : index
          %get3A_767 = tpu.vector_load %arg36[%get3A_765, %get3A_766] {strides = array<i32>} : memref<352x64xf32, #tpu.memory_space<vmem>>, vector<16xf32>,
          %bitcast3A_768 = vector.bitcast %get3A_767 : vector<16xf32> to vector<32xbf16>
          %unpack3A_769 = tpu.unpack_subelements %bitcast3A_768, 0 {pack_format = #tpu.pack_format<interleaved>} : vector<32xbf16> -> vector<16xf32>
          %unpack3A_770 = tpu.unpack_subelements %bitcast3A_768, 1 {pack_format = #tpu.pack_format<interleaved>} : vector<32xbf16> -> vector<16xf32>
          %mul3A_771 = arith.mulf %unpack3A_769, %unpack3A_561 : vector<16xf32>
          %mul3A_772 = arith.mulf %unpack3A_770, %unpack3A_562 : vector<16xf32>
          %add3A_773 = arith.addf %mul3A_771, %mul3A_772 : vector<16xf32>
          %get3A_774 = arith.index_cast %add3A_755 : i32 to index
          %get3A_775 = arith.constant 32 : index
          %get3A_776 = tpu.vector_load %arg36[%get3A_774, %get3A_775] {strides = array<i32>} : memref<352x64xf32, #tpu.memory_space<vmem>>, vector<16xf32>,
          %bitcast3A_777 = vector.bitcast %get3A_776 : vector<16xf32> to vector<32xbf16>
          %unpack3A_778 = tpu.unpack_subelements %bitcast3A_777, 0 {pack_format = #tpu.pack_format<interleaved>} : vector<32xbf16> -> vector<16xf32>
          %unpack3A_779 = tpu.unpack_subelements %bitcast3A_777, 1 {pack_format = #tpu.pack_format<interleaved>} : vector<32xbf16> -> vector<16xf32>
          %mul3A_780 = arith.mulf %unpack3A_778, %unpack3A_566 : vector<16xf32>
          %mul3A_781 = arith.mulf %unpack3A_779, %unpack3A_567 : vector<16xf32>
          %add3A_782 = arith.addf %mul3A_780, %mul3A_781 : vector<16xf32>
          %get3A_783 = arith.index_cast %add3A_755 : i32 to index
          %get3A_784 = arith.constant 48 : index
          %get3A_785 = tpu.vector_load %arg36[%get3A_783, %get3A_784] {strides = array<i32>} : memref<352x64xf32, #tpu.memory_space<vmem>>, vector<16xf32>,
          %bitcast3A_786 = vector.bitcast %get3A_785 : vector<16xf32> to vector<32xbf16>
          %unpack3A_787 = tpu.unpack_subelements %bitcast3A_786, 0 {pack_format = #tpu.pack_format<interleaved>} : vector<32xbf16> -> vector<16xf32>
          %unpack3A_788 = tpu.unpack_subelements %bitcast3A_786, 1 {pack_format = #tpu.pack_format<interleaved>} : vector<32xbf16> -> vector<16xf32>
          %mul3A_789 = arith.mulf %unpack3A_787, %unpack3A_571 : vector<16xf32>
          %mul3A_790 = arith.mulf %unpack3A_788, %unpack3A_572 : vector<16xf32>
          %add3A_791 = arith.addf %mul3A_789, %mul3A_790 : vector<16xf32>
          %add3A_792 = arith.addf %add3A_764, %add3A_773 : vector<16xf32>
          %add3A_793 = arith.addf %add3A_792, %add3A_782 : vector<16xf32>
          %add3A_794 = arith.addf %add3A_793, %add3A_791 : vector<16xf32>
          %swap3A_795 = arith.constant 64 : index
          %swap3A_796 = tpu.vector_load %arg33[%swap3A_795] {strides = array<i32>} : memref<512xf32, #tpu.memory_space<vmem>>, vector<16xf32>,
          tpu.vector_store %arg33[%swap3A_795], %add3A_794 {strides = array<i32>} : memref<512xf32, #tpu.memory_space<vmem>>, vector<16xf32>,
          %mul3A_797 = arith.constant 11 : i32
          %mul3A_798 = arith.muli %add3A_554, %mul3A_797 : i32
          %add3A_799 = arith.constant 5 : i32
          %add3A_800 = arith.addi %mul3A_798, %add3A_799 : i32
          %get3A_801 = arith.index_cast %add3A_800 : i32 to index
          %get3A_802 = arith.constant 0 : index
          %get3A_803 = tpu.vector_load %arg36[%get3A_801, %get3A_802] {strides = array<i32>} : memref<352x64xf32, #tpu.memory_space<vmem>>, vector<16xf32>,
          %bitcast3A_804 = vector.bitcast %get3A_803 : vector<16xf32> to vector<32xbf16>
          %unpack3A_805 = tpu.unpack_subelements %bitcast3A_804, 0 {pack_format = #tpu.pack_format<interleaved>} : vector<32xbf16> -> vector<16xf32>
          %unpack3A_806 = tpu.unpack_subelements %bitcast3A_804, 1 {pack_format = #tpu.pack_format<interleaved>} : vector<32xbf16> -> vector<16xf32>
          %mul3A_807 = arith.mulf %unpack3A_805, %unpack3A : vector<16xf32>
          %mul3A_808 = arith.mulf %unpack3A_806, %unpack3A_557 : vector<16xf32>
          %add3A_809 = arith.addf %mul3A_807, %mul3A_808 : vector<16xf32>
          %get3A_810 = arith.index_cast %add3A_800 : i32 to index
          %get3A_811 = arith.constant 16 : index
          %get3A_812 = tpu.vector_load %arg36[%get3A_810, %get3A_811] {strides = array<i32>} : memref<352x64xf32, #tpu.memory_space<vmem>>, vector<16xf32>,
          %bitcast3A_813 = vector.bitcast %get3A_812 : vector<16xf32> to vector<32xbf16>
          %unpack3A_814 = tpu.unpack_subelements %bitcast3A_813, 0 {pack_format = #tpu.pack_format<interleaved>} : vector<32xbf16> -> vector<16xf32>
          %unpack3A_815 = tpu.unpack_subelements %bitcast3A_813, 1 {pack_format = #tpu.pack_format<interleaved>} : vector<32xbf16> -> vector<16xf32>
          %mul3A_816 = arith.mulf %unpack3A_814, %unpack3A_561 : vector<16xf32>
          %mul3A_817 = arith.mulf %unpack3A_815, %unpack3A_562 : vector<16xf32>
          %add3A_818 = arith.addf %mul3A_816, %mul3A_817 : vector<16xf32>
          %get3A_819 = arith.index_cast %add3A_800 : i32 to index
          %get3A_820 = arith.constant 32 : index
          %get3A_821 = tpu.vector_load %arg36[%get3A_819, %get3A_820] {strides = array<i32>} : memref<352x64xf32, #tpu.memory_space<vmem>>, vector<16xf32>,
          %bitcast3A_822 = vector.bitcast %get3A_821 : vector<16xf32> to vector<32xbf16>
          %unpack3A_823 = tpu.unpack_subelements %bitcast3A_822, 0 {pack_format = #tpu.pack_format<interleaved>} : vector<32xbf16> -> vector<16xf32>
          %unpack3A_824 = tpu.unpack_subelements %bitcast3A_822, 1 {pack_format = #tpu.pack_format<interleaved>} : vector<32xbf16> -> vector<16xf32>
          %mul3A_825 = arith.mulf %unpack3A_823, %unpack3A_566 : vector<16xf32>
          %mul3A_826 = arith.mulf %unpack3A_824, %unpack3A_567 : vector<16xf32>
          %add3A_827 = arith.addf %mul3A_825, %mul3A_826 : vector<16xf32>
          %get3A_828 = arith.index_cast %add3A_800 : i32 to index
          %get3A_829 = arith.constant 48 : index
          %get3A_830 = tpu.vector_load %arg36[%get3A_828, %get3A_829] {strides = array<i32>} : memref<352x64xf32, #tpu.memory_space<vmem>>, vector<16xf32>,
          %bitcast3A_831 = vector.bitcast %get3A_830 : vector<16xf32> to vector<32xbf16>
          %unpack3A_832 = tpu.unpack_subelements %bitcast3A_831, 0 {pack_format = #tpu.pack_format<interleaved>} : vector<32xbf16> -> vector<16xf32>
          %unpack3A_833 = tpu.unpack_subelements %bitcast3A_831, 1 {pack_format = #tpu.pack_format<interleaved>} : vector<32xbf16> -> vector<16xf32>
          %mul3A_834 = arith.mulf %unpack3A_832, %unpack3A_571 : vector<16xf32>
          %mul3A_835 = arith.mulf %unpack3A_833, %unpack3A_572 : vector<16xf32>
          %add3A_836 = arith.addf %mul3A_834, %mul3A_835 : vector<16xf32>
          %add3A_837 = arith.addf %add3A_809, %add3A_818 : vector<16xf32>
          %add3A_838 = arith.addf %add3A_837, %add3A_827 : vector<16xf32>
          %add3A_839 = arith.addf %add3A_838, %add3A_836 : vector<16xf32>
          %swap3A_840 = arith.constant 80 : index
          %swap3A_841 = tpu.vector_load %arg33[%swap3A_840] {strides = array<i32>} : memref<512xf32, #tpu.memory_space<vmem>>, vector<16xf32>,
          tpu.vector_store %arg33[%swap3A_840], %add3A_839 {strides = array<i32>} : memref<512xf32, #tpu.memory_space<vmem>>, vector<16xf32>,
          %mul3A_842 = arith.constant 11 : i32
          %mul3A_843 = arith.muli %add3A_554, %mul3A_842 : i32
          %add3A_844 = arith.constant 6 : i32
          %add3A_845 = arith.addi %mul3A_843, %add3A_844 : i32
          %get3A_846 = arith.index_cast %add3A_845 : i32 to index
          %get3A_847 = arith.constant 0 : index
          %get3A_848 = tpu.vector_load %arg36[%get3A_846, %get3A_847] {strides = array<i32>} : memref<352x64xf32, #tpu.memory_space<vmem>>, vector<16xf32>,
          %bitcast3A_849 = vector.bitcast %get3A_848 : vector<16xf32> to vector<32xbf16>
          %unpack3A_850 = tpu.unpack_subelements %bitcast3A_849, 0 {pack_format = #tpu.pack_format<interleaved>} : vector<32xbf16> -> vector<16xf32>
          %unpack3A_851 = tpu.unpack_subelements %bitcast3A_849, 1 {pack_format = #tpu.pack_format<interleaved>} : vector<32xbf16> -> vector<16xf32>
          %mul3A_852 = arith.mulf %unpack3A_850, %unpack3A : vector<16xf32>
          %mul3A_853 = arith.mulf %unpack3A_851, %unpack3A_557 : vector<16xf32>
          %add3A_854 = arith.addf %mul3A_852, %mul3A_853 : vector<16xf32>
          %get3A_855 = arith.index_cast %add3A_845 : i32 to index
          %get3A_856 = arith.constant 16 : index
          %get3A_857 = tpu.vector_load %arg36[%get3A_855, %get3A_856] {strides = array<i32>} : memref<352x64xf32, #tpu.memory_space<vmem>>, vector<16xf32>,
          %bitcast3A_858 = vector.bitcast %get3A_857 : vector<16xf32> to vector<32xbf16>
          %unpack3A_859 = tpu.unpack_subelements %bitcast3A_858, 0 {pack_format = #tpu.pack_format<interleaved>} : vector<32xbf16> -> vector<16xf32>
          %unpack3A_860 = tpu.unpack_subelements %bitcast3A_858, 1 {pack_format = #tpu.pack_format<interleaved>} : vector<32xbf16> -> vector<16xf32>
          %mul3A_861 = arith.mulf %unpack3A_859, %unpack3A_561 : vector<16xf32>
          %mul3A_862 = arith.mulf %unpack3A_860, %unpack3A_562 : vector<16xf32>
          %add3A_863 = arith.addf %mul3A_861, %mul3A_862 : vector<16xf32>
          %get3A_864 = arith.index_cast %add3A_845 : i32 to index
          %get3A_865 = arith.constant 32 : index
          %get3A_866 = tpu.vector_load %arg36[%get3A_864, %get3A_865] {strides = array<i32>} : memref<352x64xf32, #tpu.memory_space<vmem>>, vector<16xf32>,
          %bitcast3A_867 = vector.bitcast %get3A_866 : vector<16xf32> to vector<32xbf16>
          %unpack3A_868 = tpu.unpack_subelements %bitcast3A_867, 0 {pack_format = #tpu.pack_format<interleaved>} : vector<32xbf16> -> vector<16xf32>
          %unpack3A_869 = tpu.unpack_subelements %bitcast3A_867, 1 {pack_format = #tpu.pack_format<interleaved>} : vector<32xbf16> -> vector<16xf32>
          %mul3A_870 = arith.mulf %unpack3A_868, %unpack3A_566 : vector<16xf32>
          %mul3A_871 = arith.mulf %unpack3A_869, %unpack3A_567 : vector<16xf32>
          %add3A_872 = arith.addf %mul3A_870, %mul3A_871 : vector<16xf32>
          %get3A_873 = arith.index_cast %add3A_845 : i32 to index
          %get3A_874 = arith.constant 48 : index
          %get3A_875 = tpu.vector_load %arg36[%get3A_873, %get3A_874] {strides = array<i32>} : memref<352x64xf32, #tpu.memory_space<vmem>>, vector<16xf32>,
          %bitcast3A_876 = vector.bitcast %get3A_875 : vector<16xf32> to vector<32xbf16>
          %unpack3A_877 = tpu.unpack_subelements %bitcast3A_876, 0 {pack_format = #tpu.pack_format<interleaved>} : vector<32xbf16> -> vector<16xf32>
          %unpack3A_878 = tpu.unpack_subelements %bitcast3A_876, 1 {pack_format = #tpu.pack_format<interleaved>} : vector<32xbf16> -> vector<16xf32>
          %mul3A_879 = arith.mulf %unpack3A_877, %unpack3A_571 : vector<16xf32>
          %mul3A_880 = arith.mulf %unpack3A_878, %unpack3A_572 : vector<16xf32>
          %add3A_881 = arith.addf %mul3A_879, %mul3A_880 : vector<16xf32>
          %add3A_882 = arith.addf %add3A_854, %add3A_863 : vector<16xf32>
          %add3A_883 = arith.addf %add3A_882, %add3A_872 : vector<16xf32>
          %add3A_884 = arith.addf %add3A_883, %add3A_881 : vector<16xf32>
          %swap3A_885 = arith.constant 96 : index
          %swap3A_886 = tpu.vector_load %arg33[%swap3A_885] {strides = array<i32>} : memref<512xf32, #tpu.memory_space<vmem>>, vector<16xf32>,
          tpu.vector_store %arg33[%swap3A_885], %add3A_884 {strides = array<i32>} : memref<512xf32, #tpu.memory_space<vmem>>, vector<16xf32>,
          %mul3A_887 = arith.constant 11 : i32
          %mul3A_888 = arith.muli %add3A_554, %mul3A_887 : i32
          %add3A_889 = arith.constant 7 : i32
          %add3A_890 = arith.addi %mul3A_888, %add3A_889 : i32
          %get3A_891 = arith.index_cast %add3A_890 : i32 to index
          %get3A_892 = arith.constant 0 : index
          %get3A_893 = tpu.vector_load %arg36[%get3A_891, %get3A_892] {strides = array<i32>} : memref<352x64xf32, #tpu.memory_space<vmem>>, vector<16xf32>,
          %bitcast3A_894 = vector.bitcast %get3A_893 : vector<16xf32> to vector<32xbf16>
          %unpack3A_895 = tpu.unpack_subelements %bitcast3A_894, 0 {pack_format = #tpu.pack_format<interleaved>} : vector<32xbf16> -> vector<16xf32>
          %unpack3A_896 = tpu.unpack_subelements %bitcast3A_894, 1 {pack_format = #tpu.pack_format<interleaved>} : vector<32xbf16> -> vector<16xf32>
          %mul3A_897 = arith.mulf %unpack3A_895, %unpack3A : vector<16xf32>
          %mul3A_898 = arith.mulf %unpack3A_896, %unpack3A_557 : vector<16xf32>
          %add3A_899 = arith.addf %mul3A_897, %mul3A_898 : vector<16xf32>
          %get3A_900 = arith.index_cast %add3A_890 : i32 to index
          %get3A_901 = arith.constant 16 : index
          %get3A_902 = tpu.vector_load %arg36[%get3A_900, %get3A_901] {strides = array<i32>} : memref<352x64xf32, #tpu.memory_space<vmem>>, vector<16xf32>,
          %bitcast3A_903 = vector.bitcast %get3A_902 : vector<16xf32> to vector<32xbf16>
          %unpack3A_904 = tpu.unpack_subelements %bitcast3A_903, 0 {pack_format = #tpu.pack_format<interleaved>} : vector<32xbf16> -> vector<16xf32>
          %unpack3A_905 = tpu.unpack_subelements %bitcast3A_903, 1 {pack_format = #tpu.pack_format<interleaved>} : vector<32xbf16> -> vector<16xf32>
          %mul3A_906 = arith.mulf %unpack3A_904, %unpack3A_561 : vector<16xf32>
          %mul3A_907 = arith.mulf %unpack3A_905, %unpack3A_562 : vector<16xf32>
          %add3A_908 = arith.addf %mul3A_906, %mul3A_907 : vector<16xf32>
          %get3A_909 = arith.index_cast %add3A_890 : i32 to index
          %get3A_910 = arith.constant 32 : index
          %get3A_911 = tpu.vector_load %arg36[%get3A_909, %get3A_910] {strides = array<i32>} : memref<352x64xf32, #tpu.memory_space<vmem>>, vector<16xf32>,
          %bitcast3A_912 = vector.bitcast %get3A_911 : vector<16xf32> to vector<32xbf16>
          %unpack3A_913 = tpu.unpack_subelements %bitcast3A_912, 0 {pack_format = #tpu.pack_format<interleaved>} : vector<32xbf16> -> vector<16xf32>
          %unpack3A_914 = tpu.unpack_subelements %bitcast3A_912, 1 {pack_format = #tpu.pack_format<interleaved>} : vector<32xbf16> -> vector<16xf32>
          %mul3A_915 = arith.mulf %unpack3A_913, %unpack3A_566 : vector<16xf32>
          %mul3A_916 = arith.mulf %unpack3A_914, %unpack3A_567 : vector<16xf32>
          %add3A_917 = arith.addf %mul3A_915, %mul3A_916 : vector<16xf32>
          %get3A_918 = arith.index_cast %add3A_890 : i32 to index
          %get3A_919 = arith.constant 48 : index
          %get3A_920 = tpu.vector_load %arg36[%get3A_918, %get3A_919] {strides = array<i32>} : memref<352x64xf32, #tpu.memory_space<vmem>>, vector<16xf32>,
          %bitcast3A_921 = vector.bitcast %get3A_920 : vector<16xf32> to vector<32xbf16>
          %unpack3A_922 = tpu.unpack_subelements %bitcast3A_921, 0 {pack_format = #tpu.pack_format<interleaved>} : vector<32xbf16> -> vector<16xf32>
          %unpack3A_923 = tpu.unpack_subelements %bitcast3A_921, 1 {pack_format = #tpu.pack_format<interleaved>} : vector<32xbf16> -> vector<16xf32>
          %mul3A_924 = arith.mulf %unpack3A_922, %unpack3A_571 : vector<16xf32>
          %mul3A_925 = arith.mulf %unpack3A_923, %unpack3A_572 : vector<16xf32>
          %add3A_926 = arith.addf %mul3A_924, %mul3A_925 : vector<16xf32>
          %add3A_927 = arith.addf %add3A_899, %add3A_908 : vector<16xf32>
          %add3A_928 = arith.addf %add3A_927, %add3A_917 : vector<16xf32>
          %add3A_929 = arith.addf %add3A_928, %add3A_926 : vector<16xf32>
          %swap3A_930 = arith.constant 112 : index
          %swap3A_931 = tpu.vector_load %arg33[%swap3A_930] {strides = array<i32>} : memref<512xf32, #tpu.memory_space<vmem>>, vector<16xf32>,
          tpu.vector_store %arg33[%swap3A_930], %add3A_929 {strides = array<i32>} : memref<512xf32, #tpu.memory_space<vmem>>, vector<16xf32>,
          %mul3A_932 = arith.constant 11 : i32
          %mul3A_933 = arith.muli %add3A_554, %mul3A_932 : i32
          %add3A_934 = arith.constant 8 : i32
          %add3A_935 = arith.addi %mul3A_933, %add3A_934 : i32
          %get3A_936 = arith.index_cast %add3A_935 : i32 to index
          %get3A_937 = arith.constant 0 : index
          %get3A_938 = tpu.vector_load %arg36[%get3A_936, %get3A_937] {strides = array<i32>} : memref<352x64xf32, #tpu.memory_space<vmem>>, vector<16xf32>,
          %bitcast3A_939 = vector.bitcast %get3A_938 : vector<16xf32> to vector<32xbf16>
          %unpack3A_940 = tpu.unpack_subelements %bitcast3A_939, 0 {pack_format = #tpu.pack_format<interleaved>} : vector<32xbf16> -> vector<16xf32>
          %unpack3A_941 = tpu.unpack_subelements %bitcast3A_939, 1 {pack_format = #tpu.pack_format<interleaved>} : vector<32xbf16> -> vector<16xf32>
          %mul3A_942 = arith.mulf %unpack3A_940, %unpack3A : vector<16xf32>
          %mul3A_943 = arith.mulf %unpack3A_941, %unpack3A_557 : vector<16xf32>
          %add3A_944 = arith.addf %mul3A_942, %mul3A_943 : vector<16xf32>
          %get3A_945 = arith.index_cast %add3A_935 : i32 to index
          %get3A_946 = arith.constant 16 : index
          %get3A_947 = tpu.vector_load %arg36[%get3A_945, %get3A_946] {strides = array<i32>} : memref<352x64xf32, #tpu.memory_space<vmem>>, vector<16xf32>,
          %bitcast3A_948 = vector.bitcast %get3A_947 : vector<16xf32> to vector<32xbf16>
          %unpack3A_949 = tpu.unpack_subelements %bitcast3A_948, 0 {pack_format = #tpu.pack_format<interleaved>} : vector<32xbf16> -> vector<16xf32>
          %unpack3A_950 = tpu.unpack_subelements %bitcast3A_948, 1 {pack_format = #tpu.pack_format<interleaved>} : vector<32xbf16> -> vector<16xf32>
          %mul3A_951 = arith.mulf %unpack3A_949, %unpack3A_561 : vector<16xf32>
          %mul3A_952 = arith.mulf %unpack3A_950, %unpack3A_562 : vector<16xf32>
          %add3A_953 = arith.addf %mul3A_951, %mul3A_952 : vector<16xf32>
          %get3A_954 = arith.index_cast %add3A_935 : i32 to index
          %get3A_955 = arith.constant 32 : index
          %get3A_956 = tpu.vector_load %arg36[%get3A_954, %get3A_955] {strides = array<i32>} : memref<352x64xf32, #tpu.memory_space<vmem>>, vector<16xf32>,
          %bitcast3A_957 = vector.bitcast %get3A_956 : vector<16xf32> to vector<32xbf16>
          %unpack3A_958 = tpu.unpack_subelements %bitcast3A_957, 0 {pack_format = #tpu.pack_format<interleaved>} : vector<32xbf16> -> vector<16xf32>
          %unpack3A_959 = tpu.unpack_subelements %bitcast3A_957, 1 {pack_format = #tpu.pack_format<interleaved>} : vector<32xbf16> -> vector<16xf32>
          %mul3A_960 = arith.mulf %unpack3A_958, %unpack3A_566 : vector<16xf32>
          %mul3A_961 = arith.mulf %unpack3A_959, %unpack3A_567 : vector<16xf32>
          %add3A_962 = arith.addf %mul3A_960, %mul3A_961 : vector<16xf32>
          %get3A_963 = arith.index_cast %add3A_935 : i32 to index
          %get3A_964 = arith.constant 48 : index
          %get3A_965 = tpu.vector_load %arg36[%get3A_963, %get3A_964] {strides = array<i32>} : memref<352x64xf32, #tpu.memory_space<vmem>>, vector<16xf32>,
          %bitcast3A_966 = vector.bitcast %get3A_965 : vector<16xf32> to vector<32xbf16>
          %unpack3A_967 = tpu.unpack_subelements %bitcast3A_966, 0 {pack_format = #tpu.pack_format<interleaved>} : vector<32xbf16> -> vector<16xf32>
          %unpack3A_968 = tpu.unpack_subelements %bitcast3A_966, 1 {pack_format = #tpu.pack_format<interleaved>} : vector<32xbf16> -> vector<16xf32>
          %mul3A_969 = arith.mulf %unpack3A_967, %unpack3A_571 : vector<16xf32>
          %mul3A_970 = arith.mulf %unpack3A_968, %unpack3A_572 : vector<16xf32>
          %add3A_971 = arith.addf %mul3A_969, %mul3A_970 : vector<16xf32>
          %add3A_972 = arith.addf %add3A_944, %add3A_953 : vector<16xf32>
          %add3A_973 = arith.addf %add3A_972, %add3A_962 : vector<16xf32>
          %add3A_974 = arith.addf %add3A_973, %add3A_971 : vector<16xf32>
          %swap3A_975 = arith.constant 128 : index
          %swap3A_976 = tpu.vector_load %arg33[%swap3A_975] {strides = array<i32>} : memref<512xf32, #tpu.memory_space<vmem>>, vector<16xf32>,
          tpu.vector_store %arg33[%swap3A_975], %add3A_974 {strides = array<i32>} : memref<512xf32, #tpu.memory_space<vmem>>, vector<16xf32>,
          %mul3A_977 = arith.constant 11 : i32
          %mul3A_978 = arith.muli %add3A_554, %mul3A_977 : i32
          %add3A_979 = arith.constant 9 : i32
          %add3A_980 = arith.addi %mul3A_978, %add3A_979 : i32
          %get3A_981 = arith.index_cast %add3A_980 : i32 to index
          %get3A_982 = arith.constant 0 : index
          %get3A_983 = tpu.vector_load %arg36[%get3A_981, %get3A_982] {strides = array<i32>} : memref<352x64xf32, #tpu.memory_space<vmem>>, vector<16xf32>,
          %bitcast3A_984 = vector.bitcast %get3A_983 : vector<16xf32> to vector<32xbf16>
          %unpack3A_985 = tpu.unpack_subelements %bitcast3A_984, 0 {pack_format = #tpu.pack_format<interleaved>} : vector<32xbf16> -> vector<16xf32>
          %unpack3A_986 = tpu.unpack_subelements %bitcast3A_984, 1 {pack_format = #tpu.pack_format<interleaved>} : vector<32xbf16> -> vector<16xf32>
          %mul3A_987 = arith.mulf %unpack3A_985, %unpack3A : vector<16xf32>
          %mul3A_988 = arith.mulf %unpack3A_986, %unpack3A_557 : vector<16xf32>
          %add3A_989 = arith.addf %mul3A_987, %mul3A_988 : vector<16xf32>
          %get3A_990 = arith.index_cast %add3A_980 : i32 to index
          %get3A_991 = arith.constant 16 : index
          %get3A_992 = tpu.vector_load %arg36[%get3A_990, %get3A_991] {strides = array<i32>} : memref<352x64xf32, #tpu.memory_space<vmem>>, vector<16xf32>,
          %bitcast3A_993 = vector.bitcast %get3A_992 : vector<16xf32> to vector<32xbf16>
          %unpack3A_994 = tpu.unpack_subelements %bitcast3A_993, 0 {pack_format = #tpu.pack_format<interleaved>} : vector<32xbf16> -> vector<16xf32>
          %unpack3A_995 = tpu.unpack_subelements %bitcast3A_993, 1 {pack_format = #tpu.pack_format<interleaved>} : vector<32xbf16> -> vector<16xf32>
          %mul3A_996 = arith.mulf %unpack3A_994, %unpack3A_561 : vector<16xf32>
          %mul3A_997 = arith.mulf %unpack3A_995, %unpack3A_562 : vector<16xf32>
          %add3A_998 = arith.addf %mul3A_996, %mul3A_997 : vector<16xf32>
          %get3A_999 = arith.index_cast %add3A_980 : i32 to index
          %get3A_1000 = arith.constant 32 : index
          %get3A_1001 = tpu.vector_load %arg36[%get3A_999, %get3A_1000] {strides = array<i32>} : memref<352x64xf32, #tpu.memory_space<vmem>>, vector<16xf32>,
          %bitcast3A_1002 = vector.bitcast %get3A_1001 : vector<16xf32> to vector<32xbf16>
          %unpack3A_1003 = tpu.unpack_subelements %bitcast3A_1002, 0 {pack_format = #tpu.pack_format<interleaved>} : vector<32xbf16> -> vector<16xf32>
          %unpack3A_1004 = tpu.unpack_subelements %bitcast3A_1002, 1 {pack_format = #tpu.pack_format<interleaved>} : vector<32xbf16> -> vector<16xf32>
          %mul3A_1005 = arith.mulf %unpack3A_1003, %unpack3A_566 : vector<16xf32>
          %mul3A_1006 = arith.mulf %unpack3A_1004, %unpack3A_567 : vector<16xf32>
          %add3A_1007 = arith.addf %mul3A_1005, %mul3A_1006 : vector<16xf32>
          %get3A_1008 = arith.index_cast %add3A_980 : i32 to index
          %get3A_1009 = arith.constant 48 : index
          %get3A_1010 = tpu.vector_load %arg36[%get3A_1008, %get3A_1009] {strides = array<i32>} : memref<352x64xf32, #tpu.memory_space<vmem>>, vector<16xf32>,
          %bitcast3A_1011 = vector.bitcast %get3A_1010 : vector<16xf32> to vector<32xbf16>
          %unpack3A_1012 = tpu.unpack_subelements %bitcast3A_1011, 0 {pack_format = #tpu.pack_format<interleaved>} : vector<32xbf16> -> vector<16xf32>
          %unpack3A_1013 = tpu.unpack_subelements %bitcast3A_1011, 1 {pack_format = #tpu.pack_format<interleaved>} : vector<32xbf16> -> vector<16xf32>
          %mul3A_1014 = arith.mulf %unpack3A_1012, %unpack3A_571 : vector<16xf32>
          %mul3A_1015 = arith.mulf %unpack3A_1013, %unpack3A_572 : vector<16xf32>
          %add3A_1016 = arith.addf %mul3A_1014, %mul3A_1015 : vector<16xf32>
          %add3A_1017 = arith.addf %add3A_989, %add3A_998 : vector<16xf32>
          %add3A_1018 = arith.addf %add3A_1017, %add3A_1007 : vector<16xf32>
          %add3A_1019 = arith.addf %add3A_1018, %add3A_1016 : vector<16xf32>
          %swap3A_1020 = arith.constant 144 : index
          %swap3A_1021 = tpu.vector_load %arg33[%swap3A_1020] {strides = array<i32>} : memref<512xf32, #tpu.memory_space<vmem>>, vector<16xf32>,
          tpu.vector_store %arg33[%swap3A_1020], %add3A_1019 {strides = array<i32>} : memref<512xf32, #tpu.memory_space<vmem>>, vector<16xf32>,
          %mul3A_1022 = arith.constant 11 : i32
          %mul3A_1023 = arith.muli %add3A_554, %mul3A_1022 : i32
          %add3A_1024 = arith.constant 10 : i32
          %add3A_1025 = arith.addi %mul3A_1023, %add3A_1024 : i32
          %get3A_1026 = arith.index_cast %add3A_1025 : i32 to index
          %get3A_1027 = arith.constant 0 : index
          %get3A_1028 = tpu.vector_load %arg36[%get3A_1026, %get3A_1027] {strides = array<i32>} : memref<352x64xf32, #tpu.memory_space<vmem>>, vector<16xf32>,
          %bitcast3A_1029 = vector.bitcast %get3A_1028 : vector<16xf32> to vector<32xbf16>
          %unpack3A_1030 = tpu.unpack_subelements %bitcast3A_1029, 0 {pack_format = #tpu.pack_format<interleaved>} : vector<32xbf16> -> vector<16xf32>
          %unpack3A_1031 = tpu.unpack_subelements %bitcast3A_1029, 1 {pack_format = #tpu.pack_format<interleaved>} : vector<32xbf16> -> vector<16xf32>
          %mul3A_1032 = arith.mulf %unpack3A_1030, %unpack3A : vector<16xf32>
          %mul3A_1033 = arith.mulf %unpack3A_1031, %unpack3A_557 : vector<16xf32>
          %add3A_1034 = arith.addf %mul3A_1032, %mul3A_1033 : vector<16xf32>
          %get3A_1035 = arith.index_cast %add3A_1025 : i32 to index
          %get3A_1036 = arith.constant 16 : index
          %get3A_1037 = tpu.vector_load %arg36[%get3A_1035, %get3A_1036] {strides = array<i32>} : memref<352x64xf32, #tpu.memory_space<vmem>>, vector<16xf32>,
          %bitcast3A_1038 = vector.bitcast %get3A_1037 : vector<16xf32> to vector<32xbf16>
          %unpack3A_1039 = tpu.unpack_subelements %bitcast3A_1038, 0 {pack_format = #tpu.pack_format<interleaved>} : vector<32xbf16> -> vector<16xf32>
          %unpack3A_1040 = tpu.unpack_subelements %bitcast3A_1038, 1 {pack_format = #tpu.pack_format<interleaved>} : vector<32xbf16> -> vector<16xf32>
          %mul3A_1041 = arith.mulf %unpack3A_1039, %unpack3A_561 : vector<16xf32>
          %mul3A_1042 = arith.mulf %unpack3A_1040, %unpack3A_562 : vector<16xf32>
          %add3A_1043 = arith.addf %mul3A_1041, %mul3A_1042 : vector<16xf32>
          %get3A_1044 = arith.index_cast %add3A_1025 : i32 to index
          %get3A_1045 = arith.constant 32 : index
          %get3A_1046 = tpu.vector_load %arg36[%get3A_1044, %get3A_1045] {strides = array<i32>} : memref<352x64xf32, #tpu.memory_space<vmem>>, vector<16xf32>,
          %bitcast3A_1047 = vector.bitcast %get3A_1046 : vector<16xf32> to vector<32xbf16>
          %unpack3A_1048 = tpu.unpack_subelements %bitcast3A_1047, 0 {pack_format = #tpu.pack_format<interleaved>} : vector<32xbf16> -> vector<16xf32>
          %unpack3A_1049 = tpu.unpack_subelements %bitcast3A_1047, 1 {pack_format = #tpu.pack_format<interleaved>} : vector<32xbf16> -> vector<16xf32>
          %mul3A_1050 = arith.mulf %unpack3A_1048, %unpack3A_566 : vector<16xf32>
          %mul3A_1051 = arith.mulf %unpack3A_1049, %unpack3A_567 : vector<16xf32>
          %add3A_1052 = arith.addf %mul3A_1050, %mul3A_1051 : vector<16xf32>
          %get3A_1053 = arith.index_cast %add3A_1025 : i32 to index
          %get3A_1054 = arith.constant 48 : index
          %get3A_1055 = tpu.vector_load %arg36[%get3A_1053, %get3A_1054] {strides = array<i32>} : memref<352x64xf32, #tpu.memory_space<vmem>>, vector<16xf32>,
          %bitcast3A_1056 = vector.bitcast %get3A_1055 : vector<16xf32> to vector<32xbf16>
          %unpack3A_1057 = tpu.unpack_subelements %bitcast3A_1056, 0 {pack_format = #tpu.pack_format<interleaved>} : vector<32xbf16> -> vector<16xf32>
          %unpack3A_1058 = tpu.unpack_subelements %bitcast3A_1056, 1 {pack_format = #tpu.pack_format<interleaved>} : vector<32xbf16> -> vector<16xf32>
          %mul3A_1059 = arith.mulf %unpack3A_1057, %unpack3A_571 : vector<16xf32>
          %mul3A_1060 = arith.mulf %unpack3A_1058, %unpack3A_572 : vector<16xf32>
          %add3A_1061 = arith.addf %mul3A_1059, %mul3A_1060 : vector<16xf32>
          %add3A_1062 = arith.addf %add3A_1034, %add3A_1043 : vector<16xf32>
          %add3A_1063 = arith.addf %add3A_1062, %add3A_1052 : vector<16xf32>
          %add3A_1064 = arith.addf %add3A_1063, %add3A_1061 : vector<16xf32>
          %swap3A_1065 = arith.constant 160 : index
          %swap3A_1066 = tpu.vector_load %arg33[%swap3A_1065] {strides = array<i32>} : memref<512xf32, #tpu.memory_space<vmem>>, vector<16xf32>,
          tpu.vector_store %arg33[%swap3A_1065], %add3A_1064 {strides = array<i32>} : memref<512xf32, #tpu.memory_space<vmem>>, vector<16xf32>,
          %gather3A = tpu.vector_load_idx %arg33[%add3A_351] : memref<512xf32, #tpu.memory_space<vmem>>[vector<16xi32>], vector<16xf32>,
          %gather3A_1067 = tpu.vector_load_idx %arg33[%add3A_357] : memref<512xf32, #tpu.memory_space<vmem>>[vector<16xi32>], vector<16xf32>,
          %add3A_1068 = arith.addf %gather3A, %gather3A_1067 : vector<16xf32>
          %gather3A_1069 = tpu.vector_load_idx %arg33[%add3A_363] : memref<512xf32, #tpu.memory_space<vmem>>[vector<16xi32>], vector<16xf32>,
          %add3A_1070 = arith.addf %add3A_1068, %gather3A_1069 : vector<16xf32>
          %gather3A_1071 = tpu.vector_load_idx %arg33[%add3A_369] : memref<512xf32, #tpu.memory_space<vmem>>[vector<16xi32>], vector<16xf32>,
          %add3A_1072 = arith.addf %add3A_1070, %gather3A_1071 : vector<16xf32>
          %gather3A_1073 = tpu.vector_load_idx %arg33[%add3A_375] : memref<512xf32, #tpu.memory_space<vmem>>[vector<16xi32>], vector<16xf32>,
          %add3A_1074 = arith.addf %add3A_1072, %gather3A_1073 : vector<16xf32>
          %gather3A_1075 = tpu.vector_load_idx %arg33[%add3A_381] : memref<512xf32, #tpu.memory_space<vmem>>[vector<16xi32>], vector<16xf32>,
          %add3A_1076 = arith.addf %add3A_1074, %gather3A_1075 : vector<16xf32>
          %gather3A_1077 = tpu.vector_load_idx %arg33[%add3A_387] : memref<512xf32, #tpu.memory_space<vmem>>[vector<16xi32>], vector<16xf32>,
          %add3A_1078 = arith.addf %add3A_1076, %gather3A_1077 : vector<16xf32>
          %gather3A_1079 = tpu.vector_load_idx %arg33[%add3A_393] : memref<512xf32, #tpu.memory_space<vmem>>[vector<16xi32>], vector<16xf32>,
          %add3A_1080 = arith.addf %add3A_1078, %gather3A_1079 : vector<16xf32>
          %gather3A_1081 = tpu.vector_load_idx %arg33[%add3A_399] : memref<512xf32, #tpu.memory_space<vmem>>[vector<16xi32>], vector<16xf32>,
          %add3A_1082 = arith.addf %add3A_1080, %gather3A_1081 : vector<16xf32>
          %gather3A_1083 = tpu.vector_load_idx %arg33[%add3A_405] : memref<512xf32, #tpu.memory_space<vmem>>[vector<16xi32>], vector<16xf32>,
          %add3A_1084 = arith.addf %add3A_1082, %gather3A_1083 : vector<16xf32>
          %gather3A_1085 = tpu.vector_load_idx %arg33[%add3A_411] : memref<512xf32, #tpu.memory_space<vmem>>[vector<16xi32>], vector<16xf32>,
          %add3A_1086 = arith.addf %add3A_1084, %gather3A_1085 : vector<16xf32>
          %gather3A_1087 = tpu.vector_load_idx %arg33[%add3A_417] : memref<512xf32, #tpu.memory_space<vmem>>[vector<16xi32>], vector<16xf32>,
          %add3A_1088 = arith.addf %add3A_1086, %gather3A_1087 : vector<16xf32>
          %gather3A_1089 = tpu.vector_load_idx %arg33[%add3A_423] : memref<512xf32, #tpu.memory_space<vmem>>[vector<16xi32>], vector<16xf32>,
          %add3A_1090 = arith.addf %add3A_1088, %gather3A_1089 : vector<16xf32>
          %gather3A_1091 = tpu.vector_load_idx %arg33[%add3A_429] : memref<512xf32, #tpu.memory_space<vmem>>[vector<16xi32>], vector<16xf32>,
          %add3A_1092 = arith.addf %add3A_1090, %gather3A_1091 : vector<16xf32>
          %gather3A_1093 = tpu.vector_load_idx %arg33[%add3A_435] : memref<512xf32, #tpu.memory_space<vmem>>[vector<16xi32>], vector<16xf32>,
          %add3A_1094 = arith.addf %add3A_1092, %gather3A_1093 : vector<16xf32>
          %gather3A_1095 = tpu.vector_load_idx %arg33[%add3A_441] : memref<512xf32, #tpu.memory_space<vmem>>[vector<16xi32>], vector<16xf32>,
          %add3A_1096 = arith.addf %add3A_1094, %gather3A_1095 : vector<16xf32>
          %mul3A_1097 = arith.mulf %add3A_1096, %select_n3A : vector<16xf32>
          %mul3A_1098 = arith.constant 16 : i32
          %mul3A_1099 = arith.muli %add3A_554, %mul3A_1098 : i32
          %swap3A_1100 = arith.index_cast %mul3A_1099 : i32 to index
          %swap3A_1101 = tpu.vector_load %arg32[%swap3A_1100] {strides = array<i32>} : memref<512xf32, #tpu.memory_space<vmem>>, vector<16xf32>,
          tpu.vector_store %arg32[%swap3A_1100], %mul3A_1097 {strides = array<i32>} : memref<512xf32, #tpu.memory_space<vmem>>, vector<16xf32>,
        }
        %scan3A_542 = arith.constant 32 : i32
        %mul3A_543 = arith.constant 32 : i32
        %mul3A_544 = arith.muli %add3A_307, %mul3A_543 : i32
        %add3A_545 = arith.addi %mul3A_2, %mul3A_544 : i32
        %mul3A_546 = arith.constant 16 : i32
        %mul3A_547 = arith.muli %add3A_545, %mul3A_546 : i32
        %dma_start3A_548 = tpu.memref_slice %arg5[%mul3A_547] : memref<2097152xf32, #tpu.memory_space<hbm>> -> memref<512xf32, #tpu.memory_space<hbm>>
        %dma_start3A_549 = tpu.memref_slice %arg5[%mul3A_547] : memref<2097152xf32, #tpu.memory_space<hbm>> -> memref<512xf32, #tpu.memory_space<hbm>>
        tpu.enqueue_dma source(%arg32 : memref<512xf32, #tpu.memory_space<vmem>>) target(%dma_start3A_549 : memref<512xf32, #tpu.memory_space<hbm>>) target_semaphore(%arg29 : memref<!tpu.dma_semaphore, #tpu.memory_space<semaphore_mem>>)
      } else {
      }
      %add3A_334 = arith.constant 3 : i32
      %add3A_335 = arith.addi %add3A_307, %add3A_334 : i32
      %lt3A_336 = arith.constant 128 : i32
      %lt3A_337 = arith.cmpi slt, %add3A_335, %lt3A_336 : i32
      %convert_element_type3A_338 = arith.extui %lt3A_337 : i1 to i32
      %cond3A_339 = arith.constant 0 : i32
      %cond3A_340 = arith.cmpi ne, %convert_element_type3A_338, %cond3A_339 : i32
      scf.if %cond3A_340 {
        %add3A_341 = arith.constant 3 : i32
        %add3A_342 = arith.addi %add3A_307, %add3A_341 : i32
        %mul3A_343 = arith.constant 32 : i32
        %mul3A_344 = arith.muli %add3A_342, %mul3A_343 : i32
        %add3A_345 = arith.addi %mul3A_2, %mul3A_344 : i32
        %dma_start3A_346 = arith.constant 0 : i32
        %dma_start3A_347 = tpu.memref_slice %arg3[%add3A_345, %dma_start3A_346] : memref<131072x128xbf16, #tpu.memory_space<hbm>> -> memref<32x128xbf16, #tpu.memory_space<hbm>>
        %dma_start3A_348 = arith.constant 0 : i32
        %dma_start3A_349 = tpu.memref_slice %arg3[%add3A_345, %dma_start3A_348] : memref<131072x128xbf16, #tpu.memory_space<hbm>> -> memref<32x128xbf16, #tpu.memory_space<hbm>>
        tpu.enqueue_dma source(%dma_start3A_349 : memref<32x128xbf16, #tpu.memory_space<hbm>>) target(%arg8 : memref<32x128xbf16, #tpu.memory_space<vmem>>) target_semaphore(%arg20 : memref<!tpu.dma_semaphore, #tpu.memory_space<semaphore_mem>>)
      } else {
      }
    }
    %scan3A_216 = arith.constant 43 : i32
    %add3A_217 = arith.constant 4000 : i32
    %add3A_218 = arith.addi %mul3A_2, %add3A_217 : i32
    %mul3A_219 = arith.constant 16 : i32
    %mul3A_220 = arith.muli %add3A_218, %mul3A_219 : i32
    %dma_wait3A_221 = tpu.memref_slice %arg5[%mul3A_220] : memref<2097152xf32, #tpu.memory_space<hbm>> -> memref<512xf32, #tpu.memory_space<hbm>>
    %dma_wait3A_222 = tpu.memref_slice %arg5[%mul3A_220] : memref<2097152xf32, #tpu.memory_space<hbm>> -> memref<512xf32, #tpu.memory_space<hbm>>
    tpu.wait_dma2 semaphore(%arg29 : memref<!tpu.dma_semaphore, #tpu.memory_space<semaphore_mem>>) src(%arg32 : memref<512xf32, #tpu.memory_space<vmem>>) dst(%dma_wait3A_222 : memref<512xf32, #tpu.memory_space<hbm>>)
    %add3A_223 = arith.constant 4032 : i32
    %add3A_224 = arith.addi %mul3A_2, %add3A_223 : i32
    %mul3A_225 = arith.constant 16 : i32
    %mul3A_226 = arith.muli %add3A_224, %mul3A_225 : i32
    %dma_wait3A_227 = tpu.memref_slice %arg5[%mul3A_226] : memref<2097152xf32, #tpu.memory_space<hbm>> -> memref<512xf32, #tpu.memory_space<hbm>>
    %dma_wait3A_228 = tpu.memref_slice %arg5[%mul3A_226] : memref<2097152xf32, #tpu.memory_space<hbm>> -> memref<512xf32, #tpu.memory_space<hbm>>
    tpu.wait_dma2 semaphore(%arg27 : memref<!tpu.dma_semaphore, #tpu.memory_space<semaphore_mem>>) src(%arg30 : memref<512xf32, #tpu.memory_space<vmem>>) dst(%dma_wait3A_228 : memref<512xf32, #tpu.memory_space<hbm>>)
    %add3A_229 = arith.constant 4064 : i32
    %add3A_230 = arith.addi %mul3A_2, %add3A_229 : i32
    %mul3A_231 = arith.constant 16 : i32
    %mul3A_232 = arith.muli %add3A_230, %mul3A_231 : i32
    %dma_wait3A_233 = tpu.memref_slice %arg5[%mul3A_232] : memref<2097152xf32, #tpu.memory_space<hbm>> -> memref<512xf32, #tpu.memory_space<hbm>>
    %dma_wait3A_234 = tpu.memref_slice %arg5[%mul3A_232] : memref<2097152xf32, #tpu.memory_space<hbm>> -> memref<512xf32, #tpu.memory_space<hbm>>
    tpu.wait_dma2 semaphore(%arg28 : memref<!tpu.dma_semaphore, #tpu.memory_space<semaphore_mem>>) src(%arg31 : memref<512xf32, #tpu.memory_space<vmem>>) dst(%dma_wait3A_234 : memref<512xf32, #tpu.memory_space<hbm>>)
    return
  }
}

module attributes {stable_mosaic.version = 14 : i64} {
  func.func @body(%arg0: i32, %arg1: memref<2048x128xf32, #tpu.memory_space<vmem>>, %arg2: memref<2048x128xf32, #tpu.memory_space<vmem>>, %arg3: memref<1x1xf32, #tpu.memory_space<vmem>>) attributes {dimension_semantics = [#tpu.dimension_semantics<arbitrary>], iteration_bounds = array<i64: 8>, scalar_prefetch = 0 : i64, scratch_operands = 0 : i64, tpu.core_type = #tpu.core_type<tc>, window_params = [{transform_indices = @transform_0, window_bounds = array<i64: 2048, 128>}, {transform_indices = @transform_1, window_bounds = array<i64: 2048, 128>}, {pipeline_mode = #tpu.pipeline_mode<synchronous>, transform_indices = @transform_2, window_bounds = array<i64: 1, 1>}]} {
    %eq3A = arith.constant 0 : i32
    %eq3A_0 = arith.cmpi eq, %arg0, %eq3A : i32
    %convert_element_type3A = arith.extui %eq3A_0 : i1 to i32
    %cond3A = arith.constant 0 : i32
    %cond3A_1 = arith.cmpi ne, %convert_element_type3A, %cond3A : i32
    scf.if %cond3A_1 {
      %broadcast_in_dim3A = arith.constant 0.000000e+00 : f32
      %broadcast_in_dim3A_21 = vector.broadcast %broadcast_in_dim3A : f32 to vector<1x1xf32>
      %swap3A_22 = arith.constant 0 : index
      %swap3A_23 = arith.constant 0 : index
      %swap3A_24 = vector.load %arg3[%swap3A_22, %swap3A_23] : memref<1x1xf32, #tpu.memory_space<vmem>>, vector<1x1xf32>
      tpu.vector_store %arg3[%swap3A_22, %swap3A_23], %broadcast_in_dim3A_21 {strides = array<i32>} : memref<1x1xf32, #tpu.memory_space<vmem>>, vector<1x1xf32>,
    } else {
    }
    %get3A = arith.constant 0 : index
    %get3A_2 = arith.constant 0 : index
    %get3A_3 = vector.load %arg1[%get3A, %get3A_2] : memref<2048x128xf32, #tpu.memory_space<vmem>>, vector<2048x128xf32>
    %max3A = arith.constant 0.000000e+00 : f32
    %max3A_4 = vector.broadcast %max3A : f32 to vector<2048x128xf32>
    %max3A_5 = arith.maximumf %get3A_3, %max3A_4 : vector<2048x128xf32>
    %abs3A = math.absf %get3A_3 : vector<2048x128xf32>
    %neg3A = arith.constant 0.000000e+00 : f32
    %neg3A_6 = vector.broadcast %neg3A : f32 to vector<2048x128xf32>
    %neg3A_7 = arith.subf %neg3A_6, %abs3A : vector<2048x128xf32>
    %exp3A = math.exp %neg3A_7 : vector<2048x128xf32>
    %log1p3A = math.log1p %exp3A : vector<2048x128xf32>
    %add3A = arith.addf %max3A_5, %log1p3A : vector<2048x128xf32>
    %get3A_8 = arith.constant 0 : index
    %get3A_9 = arith.constant 0 : index
    %get3A_10 = vector.load %arg3[%get3A_8, %get3A_9] : memref<1x1xf32, #tpu.memory_space<vmem>>, vector<1x1xf32>
    %get3A_11 = arith.constant 0 : index
    %get3A_12 = arith.constant 0 : index
    %get3A_13 = vector.load %arg2[%get3A_11, %get3A_12] : memref<2048x128xf32, #tpu.memory_space<vmem>>, vector<2048x128xf32>
    %mul3A = arith.mulf %get3A_13, %add3A : vector<2048x128xf32>
    %reduce_sum3A = vector.shape_cast %mul3A : vector<2048x128xf32> to vector<1x2048x128xf32>
    %reduce_sum3A_14 = arith.constant dense<0.000000e+00> : vector<1xf32>
    %reduce_sum3A_15 = vector.multi_reduction <add>, %reduce_sum3A, %reduce_sum3A_14 [1, 2] : vector<1x2048x128xf32> to vector<1xf32>
    %reduce_sum3A_16 = vector.shape_cast %reduce_sum3A_15 : vector<1xf32> to vector<1x1x1xf32>
    %reduce_sum3A_17 = vector.extract %reduce_sum3A_16[0, 0, 0] : f32 from vector<1x1x1xf32>
    %reshape3A = vector.broadcast %reduce_sum3A_17 : f32 to vector<1x1xf32>
    %add3A_18 = arith.addf %get3A_10, %reshape3A : vector<1x1xf32>
    %swap3A = arith.constant 0 : index
    %swap3A_19 = arith.constant 0 : index
    %swap3A_20 = vector.load %arg3[%swap3A, %swap3A_19] : memref<1x1xf32, #tpu.memory_space<vmem>>, vector<1x1xf32>
    tpu.vector_store %arg3[%swap3A, %swap3A_19], %add3A_18 {strides = array<i32>} : memref<1x1xf32, #tpu.memory_space<vmem>>, vector<1x1xf32>,
    return
  }
  func.func @transform_0(%arg0: i32) -> (i32, i32) {
    %c0_i32 = arith.constant 0 : i32
    %c0_i32_0 = arith.constant 0 : i32
    return %arg0, %c0_i32 : i32, i32
  }
  func.func @transform_1(%arg0: i32) -> (i32, i32) {
    %c0_i32 = arith.constant 0 : i32
    %c0_i32_0 = arith.constant 0 : i32
    return %arg0, %c0_i32 : i32, i32
  }
  func.func @transform_2(%arg0: i32) -> (i32, i32) {
    %c0_i32 = arith.constant 0 : i32
    %c0_i32_0 = arith.constant 0 : i32
    %c0_i32_1 = arith.constant 0 : i32
    return %c0_i32, %c0_i32_0 : i32, i32
  }
}

</mosaic_0001>

<sc_bundles>
// kernel: kernel.4.cloned.1.call-start
scs
__scs_entry_jumppad:
0x0: {  	(pc) =	sbr.rel $0x88, $3  }
0x1: {  	(tag) =	ssettag $0x0;
	lr =	simm.s32 $0x1  }
0x2: {  	[smem:$0x3F9F] =	sst lr;
	_ =	strace $0xD0000000  }
0x3: {  	_ = 	snop  }
0x4: {  	_ = 	snop  }
0x5: {  	_ = 	snop  }
0x6: {  	_ = 	snop  }
0x7: {  	_ = 	snop  }
__scs_overlays_trampoline_lowered:
0x8: {  	[smem:$0x3FAE] =	sst s0  }
0x9: {  	[smem:$0x3FAF] =	sst s1  }
0xa: {  	[smem:$0x3FB0] =	sst s2  }
0xb: {  	[smem:$0x3FB1] =	sst s3  }
0xc: {  	[smem:$0x3FB2] =	sst s4  }
0xd: {  	[smem:$0x3FB3] =	sst s5  }
0xe: {  	[smem:$0x3FB4] =	sst s6  }
0xf: {  	[smem:$0x3FB5] =	sst s7  }
0x10: {  	[smem:$0x3FB6] =	sst s8  }
0x11: {  	[smem:$0x3FB7] =	sst s9;
	s0 =	simm.s32 @!p0 $0x0  }
0x12: {  	s1 =	sld [smem:$0x3F9D];
	s0 =	simm.s32 @p0 $0x1  }
0x13: {  	[smem:$0x3FB8] =	sst s0;
	s0 =	simm.s32 @!p1 $0x0  }
0x14: {  	s2 =	sld [smem:$0x3F9C];
	s0 =	simm.s32 @p1 $0x1  }
0x15: {  	[smem:$0x3FB9] =	sst s0;
	s0 =	simm.s32 @!p2 $0x0  }
0x16: {  	s3 =	sld [smem:$0x3FDB];
	s0 =	simm.s32 @p2 $0x1  }
0x17: {  	s4 =	simm.s32 $0x1BF5;
	[smem:$0x3FBB] =	sst s0  }
0x18: {  	s0 =	sld [smem:$0x3F9E];
	_ =	swait.ge [sflag:s4], $0x0  }
0x19: {  	s7 =	sld [smem:$0x3F9F]  }
0x1a: {  	s8 =	sadd.s32 $0xFFFFE003, lr  }
0x1b: {  	s9 =	sadd.s32 $0xFFFFFEF7, lr;
	s5 =	simm.s32 $0xFFFFFFFF;
	p2 =	slt.u32 s8, $0xFFFFF086  }
0x1c: {  	p1 =	slt.u32 s9, $0xF7A;
	s5 =	simm.s32 @!p2 $0x0  }
0x1d: {  	s5 =	simm.s32 @p1 $0x1;
	p0 =	seq.s32 s7, s2  }
0x1e: {  	s7 =	smul.u32 @!p0 $0xF7A, s2;
	p2 =	seq.s32 @!p0 s5, $0x0  }
0x1f: {  	s9 =	smul.u32 $0xF7A, s1;
	s8 =	simm.s32 @!p0 $0x1BF5;
	p2 =	por !p2, p0  }
0x20: {  	[sflag:s8] =	ssyncset.s32 @!p0 $0xFFFFF086;
	s6 =	sadd.s32 @!p0 s3, s7;
	s7 =	simm.s32 @!p0 $0x108  }
0x21: {  	s3 =	sadd.s32 s3, s9;
	s6 =	sadd.s32 @!p0 $0x88, s6;
	s7 =	simm.s32 @p2 $0x1082  }
0x22: {  	[simem:s7], [sflag:s8] =	dma.local @!p0 [hbm:s6], $0xF7A  }
0x23: {  	s9 =	sor.u32 $0xD0000000, s2;
	s6 =	simm.s32 $0x108;
	_ =	swait.ge @!p0 [sflag:s8], $0x0  }
0x24: {  	s3 =	sadd.s32 $0x88, s3;
	s6 =	simm.s32 @!p1 $0x1082;
	[sflag:s4] =	ssyncset.s32 $0xFFFFF086  }
0x25: {  	[simem:s6], [sflag:s4] =	dma.local [hbm:s3], $0xF7A  }
0x26: {  	[smem:$0x3F9F] =	sst s1;
	(tag) =	ssettag s2;
	_ =	strace s9  }
0x27: {  	s1 =	sld [smem:$0x3FAF]  }
0x28: {  	s2 =	sld [smem:$0x3FB0]  }
0x29: {  	s4 =	sld [smem:$0x3FB2]  }
0x2a: {  	p0 =	seq.s32 s5, $0x0;
	s5 =	sld [smem:$0x3FB3]  }
0x2b: {  	s6 =	sld [smem:$0x3FB4]  }
0x2c: {  	s7 =	sld [smem:$0x3FB5]  }
0x2d: {  	s3 =	simm.s32 $0x108;
	s8 =	sld [smem:$0x3FB6]  }
0x2e: {  	s3 =	simm.s32 @!p0 $0x1082;
	s9 =	sld [smem:$0x3FB7]  }
0x2f: {  	lr =	sadd.s32 s0, s3;
	s0 =	sld [smem:$0x3FAE]  }
0x30: {  	s3 =	sld [smem:$0x3FB1]  }
0x31: {  	[smem:$0x3FBA] =	sst s10  }
0x32: {  	s10 =	sld [smem:$0x3FB8];
	_ =	sdelay $0x3  }
0x33: {  	p0 =	seq.s32 s10, $0x1;
	s10 =	sld [smem:$0x3FBA];
	_ =	sdelay $0x3  }
0x34: {  	[smem:$0x3FBA] =	sst s10  }
0x35: {  	s10 =	sld [smem:$0x3FB9];
	_ =	sdelay $0x3  }
0x36: {  	p1 =	seq.s32 s10, $0x1;
	s10 =	sld [smem:$0x3FBA];
	_ =	sdelay $0x3  }
0x37: {  	[smem:$0x3FBA] =	sst s10  }
0x38: {  	s10 =	sld [smem:$0x3FBB]  }
0x39: {  	_ = 	snop;
	(pc) =	sbr.ind lr, $3  }
0x3a: {  	_ = 	snop  }
0x3b: {  	_ = 	snop  }
0x3c: {  	p2 =	seq.s32 s10, $0x1;
	s10 =	sld [smem:$0x3FBA]  }
0x3d: {  	_ =	shalt  }
0x3e: {  	_ =	shalt  }
0x3f: {  	_ =	shalt  }
0x40: {  	_ =	shalt  }
0x41: {  	_ =	shalt  }
0x42: {  	_ =	shalt  }
0x43: {  	_ =	shalt  }
0x44: {  	_ =	shalt  }
0x45: {  	_ =	shalt  }
0x46: {  	_ =	shalt  }
0x47: {  	_ =	shalt  }
0x48: {  	_ =	shalt  }
0x49: {  	_ =	shalt  }
0x4a: {  	_ =	shalt  }
0x4b: {  	_ =	shalt  }
0x4c: {  	_ =	shalt  }
0x4d: {  	_ =	shalt  }
0x4e: {  	_ =	shalt  }
0x4f: {  	_ =	shalt  }
0x50: {  	_ =	shalt  }
0x51: {  	_ =	shalt  }
0x52: {  	_ =	shalt  }
0x53: {  	_ =	shalt  }
0x54: {  	_ =	shalt  }
0x55: {  	_ =	shalt  }
0x56: {  	_ =	shalt  }
0x57: {  	_ =	shalt  }
0x58: {  	_ =	shalt  }
0x59: {  	_ =	shalt  }
0x5a: {  	_ =	shalt  }
0x5b: {  	_ =	shalt  }
0x5c: {  	_ =	shalt  }
0x5d: {  	_ =	shalt  }
0x5e: {  	_ =	shalt  }
0x5f: {  	_ =	shalt  }
0x60: {  	_ =	shalt  }
0x61: {  	_ =	shalt  }
0x62: {  	_ =	shalt  }
0x63: {  	_ =	shalt  }
0x64: {  	_ =	shalt  }
0x65: {  	_ =	shalt  }
0x66: {  	_ =	shalt  }
0x67: {  	_ =	shalt  }
0x68: {  	_ =	shalt  }
0x69: {  	_ =	shalt  }
0x6a: {  	_ =	shalt  }
0x6b: {  	_ =	shalt  }
0x6c: {  	_ =	shalt  }
0x6d: {  	_ =	shalt  }
0x6e: {  	_ =	shalt  }
0x6f: {  	_ =	shalt  }
0x70: {  	_ =	shalt  }
0x71: {  	_ =	shalt  }
0x72: {  	_ =	shalt  }
0x73: {  	_ =	shalt  }
0x74: {  	_ =	shalt  }
0x75: {  	_ =	shalt  }
0x76: {  	_ =	shalt  }
0x77: {  	_ =	shalt  }
0x78: {  	_ =	shalt  }
0x79: {  	_ =	shalt  }
0x7a: {  	_ =	shalt  }
0x7b: {  	_ =	shalt  }
0x7c: {  	_ =	shalt  }
0x7d: {  	_ =	shalt  }
0x7e: {  	_ =	shalt  }
0x7f: {  	_ =	shalt  }
0x80: {  	_ =	shalt  }
0x81: {  	_ =	shalt  }
0x82: {  	_ =	shalt  }
0x83: {  	_ =	shalt  }
0x84: {  	_ =	shalt  }
0x85: {  	_ =	shalt  }
0x86: {  	_ =	shalt  }
0x87: {  	_ =	shalt  }
.Lfunc_end0:
.L_simem_size_0:
called_computation.2_lowered:
.L_overlay_start_0:
0x88: {  	s2 =	sld [smem:$0x3FD9]  }
0x89: {  	s3 =	sld [smem:$0x3FFE];
	_ =	sdelay $0x1  }
0x8a: {  	s1 =	srdreg.scid  }
0x8b: {  	s0 =	sand.u32 $0x1, s1  }
0x8c: {  	s16 =	sshll.u32 s0, $0xA;
	s2 =	sadd.s32 s3, s2  }
0x8d: {  	s2 =	sadd.s32 s2, s16  }
0x8e: {  	[smem:$0x3FC6] =	sst s2  }
0x8f: {  	_ = 	snop  }
0x90: {  	(tm) =	ssettm $0x1  }
0x91: {  	s17 =	sld [smem:$0x3FFB];
	_ =	sdelay $0x3  }
0x92: {  	_ =	strace s17  }
0x93: {  	s2 =	sld [smem:$0x3FFC];
	_ =	sdelay $0x3  }
0x94: {  	_ =	strace s2  }
0x95: {  	s2 =	sld [smem:$0x3FFD];
	_ =	sdelay $0x3  }
0x96: {  	_ =	strace s2  }
0x97: {  	_ =	strace $0x8FFFFFFF  }
0x98: {  	s18 =	sld [smem:$0x3FDB];
	_ =	sdelay $0x1  }
0x99: {  	s19 =	simm.s32 $_scs_section_size  }
0x9a: {  	s4 =	simm.s32 $_size__tile_overlayer_lowered;
	s5 =	simm.s32 $_tile_overlayer_lowered  }
0x9b: {  	s22 =	simm.s32 $0x1BFF;
	s21 =	sshll.u32 s5, $0x1;
	s2 =	sadd.s32 s19, s18  }
0x9c: {  	s6 =	simm.s32 $0x0;
	s20 =	sshll.u32 s4, $0x1;
	s4 =	sadd.s32 s21, s2  }
0x9d: {  	[timem:s6], [sflag:s22] =	dma.local [hbm:s4], s20  }
0x9e: {  	_ =	swait.ge [sflag:s22], s20  }
0x9f: {  	s3 =	ssub.s32 $0x0, s20;
	[sflag:s22] =	ssyncset.done $0x0  }
0xa0: {  	[sflag:s22] =	ssyncadd.s32 s3;
	_ =	sdelay $0x1  }
0xa1: {  	s23 =	simm.s32 $0x1B8B  }
0xa2: {  	_ =	swait.ge [sflag:s23], $0x1  }
0xa3: {  	[sflag:s23] =	ssyncset.done $0x0  }
0xa4: {  	s25 =	simm.s32 $0x1B8E;
	s24 =	sld [smem:$0x3FFE];
	[sflag:s23] =	ssyncadd.s32 $0xFFFFFFFF  }
0xa5: {  	s26 =	simm.s32 $execute0_lowered;
	[smem:$0x3FD2] =	sst s25  }
0xa6: {  	s4 =	sshll.u32 s26, $0x1;
	_ =	strace $0x8000004C;
	[dreg:$0x1] =	wrdreg $0xFFFFFFFF  }
0xa7: {  	s28 =	simm.s32 $_size_execute0_lowered;
	s2 =	sadd.s32 s2, s4;
	[dreg:$0x0] =	wrdreg $0x0  }
0xa8: {  	s4 =	sshll.u32 s28, $0x1;
	[dreg:$0x2] =	wrdreg s2  }
0xa9: {  	[dreg:$0x3] =	wrdreg s4  }
0xaa: {  	[dreg:$0x4] =	wrdreg $0xC0  }
0xab: {  	_ =	task [dreg:s6], $0x5FFFF  }
0xac: {  	[dreg:$0x1] =	wrdreg $0xFFFFFFFF  }
0xad: {  	[dreg:$0x0] =	wrdreg $0x60  }
0xae: {  	[dreg:$0x2] =	wrdreg s24  }
0xaf: {  	[dreg:$0x3] =	wrdreg $0x9  }
0xb0: {  	_ =	task.clear_ibuf [dreg:s6], $0x4FFFF;
	_ =	strace $0x9000004C  }
0xb1: {  	s29 =	simm.s32 $0x9;
	_ =	strace $0x8000004E  }
0xb2: {  	_ =	swait.ge [sflag:s29], $0x1  }
0xb3: {  	[sflag:s29] =	ssyncadd.s32 $0xFFFFFFFF  }
0xb4: {  	_ =	strace $0x9000004E  }
0xb5: {  	_ =	sfence  }
0xb6: {  	s30 =	sld [smem:$0x0];
	_ =	sdelay $0x2  }
0xb7: {  	s31 =	sshll.u32 s1, $0xD;
	s1 =	sshrl.u32 s1, $0x2  }
0xb8: {  	s3 =	sand.u32 $0x4000, s31;
	s1 =	sadd.s32 s1, s30  }
0xb9: {  	s0 =	sor.u32 s3, s0;
	s1 =	sshll.u32 s1, $0x11  }
0xba: {  	s0 =	sor.u32 s1, s0  }
0xbb: {  	s0 =	sadd.s32 $0x8F2B, s0  }
0xbc: {  	[sflag:s0] =	ssyncadd.remote.s32 $0x1  }
0xbd: {  	_ =	sfence.sel $0xFFFF  }
0xbe: {  	[dreg:$0x0] =	wrdreg $0xFFFFFFFF;
	(pc) =	sbr.abs _section_cstart, $3  }
0xbf: {  	[dreg:$0x1] =	wrdreg $0xFFFFFFFF  }
0xc0: {  	_ =	task.clear_ibuf [dreg:s6], $0x2FFFF;
	_ =	strace $0x9FFFFFFF  }
0xc1: {  	(tm) =	ssettm $0x7FFFFFFF  }
tec
execute0_lowered:
.L_overlay_start_1:
0x0: {  	(tag) =	ssettag $0x1  }
0x1: {  	s0 =	rddreg [dreg:$0x0]  }
0x2: {  	s2 =	simm.s32 $0x0;
	s1 =	srdreg.scid;
	s3 =	stileid.u32  }
0x3: {  	s28 =	simm.s32 $0x1A60;
	s17 =	simm.s32 $0x1;
	s18 =	simm.s32 $0x3  }
0x4: {  	s30 =	simm.s32 $0x2;
	[smem:$0x7FF] =	sst s2;
	s4 =	sshll.u32 s3, $0x1  }
0x5: {  	s3 =	sadd.s32 $0x202A00, s0;
	s7 =	sadd.s32 $0x2A00, s0;
	s5 =	sadd.s32 $0x12EA00, s0  }
0x6: {  	s1 =	sand.u32 $0x1, s1;
	s12 =	sadd.s32 $0x102A10, s0;
	_ =	strace $0x8000004D  }
0x7: {  	s8 =	sor.u32 s1, s4;
	s4 =	sadd.s32 $0x102A00, s0;
	s1 =	ssub.s32 $0x2, s1  }
0x8: {  	s0 =	sadd.s32 $0x102A20, s0;
	s9 =	smul.u32 $0x1600, s8;
	s10 =	sshrl.u32 s1, $0x1  }
0x9: {  	s6 =	sshll.u32 s8, $0xC;
	s22 =	sshll.u32 s8, $0xF;
	s8 =	sshll.u32 s8, $0x10  }
0xa: {  	s1 =	ssub.s32 s1, s10;
	s11 =	sor.u32 $0x20, s6;
	s13 =	sor.u32 $0x40, s6  }
0xb: {  	s10 =	sadd.s32 s7, s22;
	s19 =	sadd.s32 s4, s9;
	s20 =	smul.u32 $0xB, s11  }
0xc: {  	s14 =	sadd.s32 s9, s12;
	s21 =	smul.u32 $0xB, s13;
	s9 =	sadd.s32 s9, s0  }
0xd: {  	s11 =	sshll.u32 s11, $0x3;
	s29 =	sshll.u32 s13, $0x3;
	[dreg:$0x2] =	wrdreg s19  }
0xe: {  	s31 =	smax.u32 s1, $0x1;
	s13 =	simm.s32 $0x5;
	[dreg:$0x3] =	wrdreg s14  }
0xf: {  	[dreg:$0x4] =	wrdreg s9;
	s11 =	sadd.s32 s7, s11;
	s19 =	sor.u32 $0x200, s8  }
0x10: {  	[dreg:$0xd] =	wrdreg s31;
	s9 =	simm.s32 $0x8;
	s15 =	sshrl.u32 s20, $0x3  }
0x11: {  	s23 =	sshrl.u32 s21, $0x3;
	[dreg:$0x9] =	wrdreg s11;
	s12 =	sadd.s32 s15, s12  }
0x12: {  	v0 =	vlaneseq.u32;
	s20 =	sor.u32 $0x400, s8;
	s16 =	sadd.s32 s4, s15;
	[dreg:$0x6] =	wrdreg s12  }
0x13: {  	v17 =	vimm.f32 $1.000000000e+00;
	vm0 =	vcmask $0x300;
	v0 =	vmul.u32 $0x10, v0;
	s8 =	simm.s32 $0x60;
	s24 =	sadd.s32 s4, s23;
	[dreg:$0x5] =	wrdreg s16  }
0x14: {  	v1 =	vimm.f32 $0.0e+00;
	v17 =	vsel vm0, $0xBF800000, v17;
	s21 =	simm.s32 $0x2220;
	s0 =	sadd.s32 s23, s0;
	[dreg:$0x7] =	wrdreg s24  }
.Ltmp0:
0x15: {  	v2 =	vor.u32 $0x1, v0;
	v3 =	vor.u32 $0x2, v0;
	v16 =	vor.u32 $0xF, v0;
	s25 =	sadd.s32 $0x20, s16;
	[dreg:$0xb] =	wrdreg s0;
	(pc) =	sbr.rel .LBB2_1-.Ltmp0, $4  }
0x16: {  	v4 =	vor.u32 $0x3, v0;
	v5 =	vor.u32 $0x4, v0;
	v6 =	vor.u32 $0x5, v0;
	s15 =	simm.s32 $0xBC20;
	s26 =	sadd.s32 $0x10, s24;
	[dreg:$0x8] =	wrdreg s25  }
0x17: {  	v7 =	vor.u32 $0x6, v0;
	v8 =	vor.u32 $0x7, v0;
	v9 =	vor.u32 $0x8, v0;
	s0 =	sadd.s32 s7, s29;
	s7 =	simm.s32 $0x80;
	[dreg:$0xa] =	wrdreg s26  }
0x18: {  	v10 =	vor.u32 $0x9, v0;
	v11 =	vor.u32 $0xA, v0;
	v12 =	vor.u32 $0xB, v0;
	s16 =	simm.s32 $0x4;
	s12 =	simm.s32 $0x0;
	[dreg:$0xc] =	wrdreg s0  }
0x19: {  	v13 =	vor.u32 $0xC, v0;
	v14 =	vor.u32 $0xD, v0;
	v15 =	vor.u32 $0xE, v0;
	s25 =	simm.s32 $0x1960;
	s26 =	simm.s32 $0x19E0;
	s0 =	simm.s32 $0x6  }
.LBB2_16:
0x1a: {  	s1 =	simm.s32 $0xC  }
0x1b: {  	_ =	swait.ge [sflag:s1], $0x200  }
0x1c: {  	[sflag:s1] =	ssyncset.done $0x0  }
0x1d: {  	s29 =	simm.s32 $0xA;
	[sflag:s1] =	ssyncadd.s32 $0xFFFFFE00  }
0x1e: {  	_ =	swait.ge [sflag:s29], $0x200  }
0x1f: {  	[sflag:s29] =	ssyncset.done $0x0  }
0x20: {  	s11 =	simm.s32 $0xB;
	[sflag:s29] =	ssyncadd.s32 $0xFFFFFE00  }
0x21: {  	_ =	swait.ge [sflag:s11], $0x200  }
0x22: {  	s12 =	rddreg [dreg:$0xe]  }
0x23: {  	s31 =	rddreg [dreg:$0xd];
	s12 =	sadd.s32 $0x1, s12  }
0x24: {  	p0 =	sne.s32 s12, s31  }
.Ltmp1:
0x25: {  	_ = 	snop;
	(pc) =	sbr.rel @!p0 .LBB2_17-.Ltmp1, $3  }
0x26: {  	_ =	sdelay $0x1  }
0x27: {  	[sflag:s11] =	ssyncset.done $0x0  }
0x28: {  	[sflag:s11] =	ssyncadd.s32 $0xFFFFFE00  }
.LBB2_1:
0x29: {  	[tilespmem:$0x22D0] =	vst v1  }
0x2a: {  	[tilespmem:$0x22E0] =	vst v1  }
0x2b: {  	[tilespmem:$0x22F0] =	vst v1  }
0x2c: {  	[tilespmem:$0x2300] =	vst v1  }
0x2d: {  	[tilespmem:$0x2310] =	vst v1  }
0x2e: {  	[tilespmem:$0x23D0] =	vst v1  }
0x2f: {  	[tilespmem:$0x23E0] =	vst v1  }
0x30: {  	[tilespmem:$0x23F0] =	vst v1  }
0x31: {  	[dreg:$0xe] =	wrdreg s12;
	[tilespmem:$0x2400] =	vst v1  }
0x32: {  	[tilespmem:$0x2410] =	vst v1;
	s1 =	rddreg [dreg:$0x2];
	s11 =	simm.s32 $0x1800  }
0x33: {  	[tilespmem:s11], [sflag:$0x7] =	stream.linear.gather [hbm4b:s1+s2], $0x80, $0x38;
	[tilespmem:$0x12C20] =	vst v63  }
0x34: {  	s14 =	rddreg [dreg:$0x3];
	s12 =	simm.s32 $0x1880  }
0x35: {  	[tilespmem:s12], [sflag:$0x7] =	stream.linear.gather [hbm4b:s14+s2], $0x80, $0x38;
	[tilespmem:$0x12C20] =	vst v63  }
0x36: {  	s22 =	rddreg [dreg:$0x4];
	s14 =	simm.s32 $0x1900  }
0x37: {  	[tilespmem:s14], [sflag:$0x7] =	stream.linear.gather [hbm4b:s22+s2], $0x60, $0x38;
	[tilespmem:$0x12C20] =	vst v63  }
0x38: {  	_ = 	snop  }
0x39: {  	[tilespmem:s2], [sflag:$0x1] =	stream.linear.gather [hbm4b:s10+s2], $0x800, $0x38;
	[tilespmem:$0x12C20] =	vst v63  }
0x3a: {  	s23 =	rddreg [dreg:$0x5]  }
0x3b: {  	[tilespmem:s25], [sflag:$0x8] =	stream.linear.gather [hbm4b:s23+s2], $0x80, $0x38;
	[tilespmem:$0x12C20] =	vst v63  }
0x3c: {  	s24 =	rddreg [dreg:$0x6]  }
0x3d: {  	[tilespmem:s26], [sflag:$0x8] =	stream.linear.gather [hbm4b:s24+s2], $0x80, $0x38;
	[tilespmem:$0x12C20] =	vst v63  }
0x3e: {  	s29 =	rddreg [dreg:$0x8]  }
0x3f: {  	[tilespmem:s28], [sflag:$0x8] =	stream.linear.gather [hbm4b:s29+s2], $0x60, $0x38;
	[tilespmem:$0x12C20] =	vst v63  }
0x40: {  	s31 =	rddreg [dreg:$0x9];
	s22 =	simm.s32 $0x800  }
0x41: {  	[tilespmem:s22], [sflag:$0x2] =	stream.linear.gather [hbm4b:s31+s2], $0x800, $0x38;
	[tilespmem:$0x12C20] =	vst v63  }
0x42: {  	s23 =	rddreg [dreg:$0x7];
	s24 =	simm.s32 $0x1AC0  }
0x43: {  	[tilespmem:s24], [sflag:$0x9] =	stream.linear.gather [hbm4b:s23+s2], $0x80, $0x38;
	[tilespmem:$0x12C20] =	vst v63  }
0x44: {  	s29 =	rddreg [dreg:$0xa];
	s31 =	simm.s32 $0x1B40  }
0x45: {  	[tilespmem:s31], [sflag:$0x9] =	stream.linear.gather [hbm4b:s29+s2], $0x80, $0x38;
	[tilespmem:$0x12C20] =	vst v63  }
0x46: {  	s22 =	rddreg [dreg:$0xb];
	s23 =	simm.s32 $0x1BC0  }
0x47: {  	[tilespmem:s23], [sflag:$0x9] =	stream.linear.gather [hbm4b:s22+s2], $0x60, $0x38;
	[tilespmem:$0x12C20] =	vst v63  }
0x48: {  	s24 =	rddreg [dreg:$0xc];
	s29 =	simm.s32 $0x1000;
	s31 =	simm.s32 $0x7  }
0x49: {  	[tilespmem:s29], [sflag:$0x3] =	stream.linear.gather [hbm4b:s24+s2], $0x800, $0x38;
	[tilespmem:$0x12C20] =	vst v63  }
0x4a: {  	_ =	swait.ge [sflag:s31], $0x80  }
0x4b: {  	[sflag:s31] =	ssyncset.done $0x0  }
0x4c: {  	[sflag:s31] =	ssyncadd.s32 $0xFFFFFF80  }
0x4d: {  	_ =	swait.ge [sflag:s31], $0x80  }
0x4e: {  	[sflag:s31] =	ssyncset.done $0x0  }
0x4f: {  	[sflag:s31] =	ssyncadd.s32 $0xFFFFFF80  }
0x50: {  	_ =	swait.ge [sflag:s31], $0x60  }
0x51: {  	[sflag:s31] =	ssyncset.done $0x0  }
0x52: {  	s22 =	simm.s32 $0x2420;
	[sflag:s31] =	ssyncadd.s32 $0xFFFFFFA0  }
0x53: {  	[tilespmem:s22], [sflag:$0x4] =	stream.indirect.gather [hbm4b:s3+s7], $0x40, s11, s7, $0xb8;
	[tilespmem:$0x12C20] =	vst v63  }
0x54: {  	s23 =	simm.s32 $0x4420  }
0x55: {  	[tilespmem:s23], [sflag:$0x4] =	stream.indirect.gather [hbm4b:s3+s7], $0x40, s12, s7, $0xb8;
	[tilespmem:$0x12C20] =	vst v63  }
0x56: {  	s24 =	simm.s32 $0x6420  }
0x57: {  	[tilespmem:s24], [sflag:$0x4] =	stream.indirect.gather [hbm4b:s3+s8], $0x40, s14, s8, $0xb8;
	[tilespmem:$0x12C20] =	vst v63  }
0x58: {  	_ =	swait.ge [sflag:s9], $0x80  }
0x59: {  	[sflag:s9] =	ssyncset.done $0x0  }
0x5a: {  	[sflag:s9] =	ssyncadd.s32 $0xFFFFFF80  }
0x5b: {  	_ =	swait.ge [sflag:s9], $0x80  }
0x5c: {  	[sflag:s9] =	ssyncset.done $0x0  }
0x5d: {  	[sflag:s9] =	ssyncadd.s32 $0xFFFFFF80  }
0x5e: {  	_ =	swait.ge [sflag:s9], $0x60  }
0x5f: {  	[sflag:s9] =	ssyncset.done $0x0  }
0x60: {  	s29 =	simm.s32 $0x7C20;
	[sflag:s9] =	ssyncadd.s32 $0xFFFFFFA0  }
0x61: {  	[tilespmem:s29], [sflag:$0x5] =	stream.indirect.gather [hbm4b:s3+s7], $0x40, s25, s7, $0xb8;
	[tilespmem:$0x12C20] =	vst v63  }
0x62: {  	s31 =	simm.s32 $0x9C20  }
0x63: {  	[tilespmem:s31], [sflag:$0x5] =	stream.indirect.gather [hbm4b:s3+s7], $0x40, s26, s7, $0xb8;
	[tilespmem:$0x12C20] =	vst v63  }
0x64: {  	s23 =	simm.s32 $0x0  }
0x65: {  	[tilespmem:s15], [sflag:$0x5] =	stream.indirect.gather [hbm4b:s3+s8], $0x40, s28, s8, $0xb8;
	[tilespmem:$0x12C20] =	vst v63  }
.LBB2_2:
0x66: {  	p1 =	seq.s32 s23, $0x2A  }
0x67: {  	s1 =	simm.s32 @!p1 $0x9  }
0x68: {  	_ =	swait.ge @!p1 [sflag:s1], $0x80  }
0x69: {  	[sflag:s1] =	ssyncset.done @!p1 $0x0  }
0x6a: {  	[sflag:s1] =	ssyncadd.s32 @!p1 $0xFFFFFF80  }
0x6b: {  	_ =	swait.ge @!p1 [sflag:s1], $0x80  }
0x6c: {  	[sflag:s1] =	ssyncset.done @!p1 $0x0  }
0x6d: {  	[sflag:s1] =	ssyncadd.s32 @!p1 $0xFFFFFF80  }
0x6e: {  	_ =	swait.ge @!p1 [sflag:s1], $0x60  }
0x6f: {  	s11 =	simm.s32 @!p1 $0x1AC0;
	[sflag:s1] =	ssyncset.done @!p1 $0x0  }
0x70: {  	s22 =	simm.s32 @!p1 $0xD420;
	[sflag:s1] =	ssyncadd.s32 @!p1 $0xFFFFFFA0;
	s1 =	simm.s32 @!p1 $0x80  }
0x71: {  	[tilespmem:s22], [sflag:$0x6] =	stream.indirect.gather @!p1 [hbm4b:s3+s1], $0x40, s11, s1, $0xb8;
	[tilespmem:$0x12C20] =	vst v63  }
0x72: {  	s11 =	simm.s32 @!p1 $0x1B40;
	s22 =	simm.s32 @!p1 $0xF420  }
0x73: {  	[tilespmem:s22], [sflag:$0x6] =	stream.indirect.gather @!p1 [hbm4b:s3+s1], $0x40, s11, s1, $0xb8;
	[tilespmem:$0x12C20] =	vst v63  }
0x74: {  	s1 =	simm.s32 @!p1 $0x60;
	s11 =	simm.s32 @!p1 $0x1BC0;
	s22 =	simm.s32 @!p1 $0x11420  }
0x75: {  	[tilespmem:s22], [sflag:$0x6] =	stream.indirect.gather @!p1 [hbm4b:s3+s1], $0x40, s11, s1, $0xb8;
	[tilespmem:$0x12C20] =	vst v63  }
0x76: {  	_ =	swait.ge [sflag:s16], $0x2000  }
0x77: {  	[sflag:s16] =	ssyncset.done $0x0  }
0x78: {  	[sflag:s16] =	ssyncadd.s32 $0xFFFFE000  }
0x79: {  	_ =	swait.ge [sflag:s16], $0x2000  }
0x7a: {  	[sflag:s16] =	ssyncset.done $0x0  }
0x7b: {  	[sflag:s16] =	ssyncadd.s32 $0xFFFFE000  }
0x7c: {  	_ =	swait.ge [sflag:s16], $0x1800  }
0x7d: {  	p0 =	seq.s32 s23, $0x0;
	[sflag:s16] =	ssyncset.done $0x0  }
0x7e: {  	p2 =	seq.s32 @!p0 s23, $0x2A;
	[sflag:s16] =	ssyncadd.s32 $0xFFFFE800  }
0x7f: {  	p2 =	por p0, !p2;
	_ =	swait.ge [sflag:s17], $0x800  }
.Ltmp2:
0x80: {  	[sflag:s17] =	ssyncset.done $0x0;
	(pc) =	sbr.rel @!p2 .LBB2_4-.Ltmp2, $4  }
0x81: {  	s1 =	simm.s32 @!p0 $0xA;
	[sflag:s17] =	ssyncadd.s32 $0xFFFFF800  }
0x82: {  	s24 =	smul.u32 $0x3, s23;
	_ =	swait.ge @!p0 [sflag:s1], $0x200  }
0x83: {  	[sflag:s1] =	ssyncset.done @!p0 $0x0  }
0x84: {  	[sflag:s1] =	ssyncadd.s32 @!p0 $0xFFFFFE00;
	s1 =	sadd.s32 @!p0 $0x3, s24  }
0x85: {  	s1 =	simm.s32 @p0 $0x3  }
0x86: {  	s11 =	sshll.u32 s1, $0x5  }
0x87: {  	s11 =	sadd.s32 s6, s11  }
0x88: {  	s11 =	smul.u32 $0xB, s11;
	_ =	sdelay $0x1  }
0x89: {  	s11 =	sshrl.u32 s11, $0x3  }
0x8a: {  	s12 =	simm.s32 $0x1800;
	s11 =	sadd.s32 s4, s11  }
0x8b: {  	[tilespmem:s12], [sflag:$0x7] =	stream.linear.gather [hbm4b:s11+s2], $0x80, $0x38;
	[tilespmem:$0x12C20] =	vst v63  }
0x8c: {  	s29 =	simm.s32 $0x1880;
	s22 =	sadd.s32 $0x10, s11  }
0x8d: {  	[tilespmem:s29], [sflag:$0x7] =	stream.linear.gather [hbm4b:s22+s2], $0x80, $0x38;
	[tilespmem:$0x12C20] =	vst v63  }
0x8e: {  	s31 =	simm.s32 $0x1900;
	s11 =	sadd.s32 $0x20, s11  }
0x8f: {  	[tilespmem:s31], [sflag:$0x7] =	stream.linear.gather [hbm4b:s11+s2], $0x60, $0x38;
	[tilespmem:$0x12C20] =	vst v63  }
.LBB2_4:
0x90: {  	s22 =	simm.s32 $0x20  }
0x91: {  	s11 =	simm.s32 $0x2580;
	v19 =	vld [tilespmem:s22+$0xFFFFFFE0]  }
0x92: {  	v20 =	vld [tilespmem:s11+$0xFFFFFEB0]  }
0x93: {  	v22 =	vld [tilespmem:s11+$0xFFFFFEA0]  }
0x94: {  	v21 =	vld [tilespmem:s22+$0xFFFFFFF0]  }
0x95: {  	v24 =	vld [tilespmem:s11+$0xFFFFFEC0]  }
0x96: {  	v28 =	vld [tilespmem:s11+$0xFFFFFED0]  }
0x97: {  	v25 =	vld [tilespmem:s22+$0x0];
	v18 =	vunpack.i.l.bf16.f32 v19  }
0x98: {  	v29 =	vld [tilespmem:s22+$0x10];
	v23 =	vunpack.i.u.bf16.f32 v20;
	v19 =	vunpack.i.u.bf16.f32 v19;
	v26 =	vunpack.i.u.bf16.f32 v22  }
0x99: {  	v27 =	vunpack.i.l.bf16.f32 v20;
	v20 =	vunpack.i.u.bf16.f32 v21;
	v21 =	vunpack.i.l.bf16.f32 v21  }
0x9a: {  	v22 =	vunpack.i.l.bf16.f32 v22;
	v32 =	vunpack.i.u.bf16.f32 v24;
	v24 =	vunpack.i.l.bf16.f32 v24  }
0x9b: {  	v54 =	vunpack.i.u.bf16.f32 v28;
	v27 =	vmul.f32 v27, v21;
	v30 =	vmul.f32 v23, v20  }
0x9c: {  	v31 =	vmul.f32 v22, v18;
	v26 =	vmul.f32 v26, v19;
	v23 =	vunpack.i.u.bf16.f32 v25  }
0x9d: {  	v22 =	vunpack.i.l.bf16.f32 v25;
	v25 =	vunpack.i.u.bf16.f32 v29;
	v27 =	vadd.f32 v27, v30  }
0x9e: {  	v26 =	vadd.f32 v31, v26;
	v30 =	vmul.f32 v32, v23;
	v31 =	vmul.f32 v24, v22  }
0x9f: {  	v28 =	vunpack.i.l.bf16.f32 v28;
	v24 =	vunpack.i.l.bf16.f32 v29;
	v29 =	vmul.f32 v54, v25  }
0xa0: {  	v28 =	vmul.f32 v28, v24;
	v26 =	vadd.f32 v27, v26;
	v27 =	vadd.f32 v31, v30;
	_ =	sdelay $0x1  }
0xa1: {  	v28 =	vadd.f32 v28, v29;
	v26 =	vadd.f32 v27, v26;
	_ =	sdelay $0x1  }
0xa2: {  	v26 =	vadd.f32 v28, v26;
	_ =	sdelay $0x1  }
0xa3: {  	[tilespmem:$0x2220] =	vst v26  }
0xa4: {  	v26 =	vld [tilespmem:s11+$0xFFFFFEF0]  }
0xa5: {  	v27 =	vld [tilespmem:s11+$0xFFFFFEE0];
	_ =	sdelay $0x2  }
0xa6: {  	v28 =	vld [tilespmem:s11+$0xFFFFFF00];
	_ =	sdelay $0x1  }
0xa7: {  	v29 =	vunpack.i.u.bf16.f32 v27;
	v30 =	vunpack.i.u.bf16.f32 v26;
	v26 =	vunpack.i.l.bf16.f32 v26  }
0xa8: {  	v31 =	vld [tilespmem:s11+$0xFFFFFF10];
	v27 =	vunpack.i.l.bf16.f32 v27;
	v29 =	vmul.f32 v29, v19;
	v26 =	vmul.f32 v26, v21  }
0xa9: {  	v27 =	vmul.f32 v27, v18;
	v30 =	vmul.f32 v30, v20  }
0xaa: {  	v55 =	vunpack.i.u.bf16.f32 v28  }
0xab: {  	v28 =	vunpack.i.l.bf16.f32 v28;
	v27 =	vadd.f32 v27, v29;
	v26 =	vadd.f32 v26, v30  }
0xac: {  	v28 =	vmul.f32 v28, v22;
	v29 =	vmul.f32 v55, v23  }
0xad: {  	v30 =	vunpack.i.u.bf16.f32 v31;
	v31 =	vunpack.i.l.bf16.f32 v31;
	v26 =	vadd.f32 v26, v27  }
0xae: {  	v27 =	vadd.f32 v28, v29;
	v28 =	vmul.f32 v31, v24;
	v29 =	vmul.f32 v30, v25;
	_ =	sdelay $0x1  }
0xaf: {  	v28 =	vadd.f32 v28, v29;
	v26 =	vadd.f32 v27, v26;
	_ =	sdelay $0x1  }
0xb0: {  	v26 =	vadd.f32 v28, v26;
	_ =	sdelay $0x1  }
0xb1: {  	[tilespmem:$0x2230] =	vst v26  }
0xb2: {  	v26 =	vld [tilespmem:s11+$0xFFFFFF20]  }
0xb3: {  	v27 =	vld [tilespmem:s11+$0xFFFFFF30]  }
0xb4: {  	v28 =	vld [tilespmem:s11+$0xFFFFFF40];
	_ =	sdelay $0x2  }
0xb5: {  	v30 =	vunpack.i.u.bf16.f32 v26  }
0xb6: {  	v29 =	vld [tilespmem:s11+$0xFFFFFF50];
	v31 =	vunpack.i.u.bf16.f32 v27;
	v27 =	vunpack.i.l.bf16.f32 v27;
	v26 =	vunpack.i.l.bf16.f32 v26  }
0xb7: {  	v56 =	vunpack.i.u.bf16.f32 v28;
	v27 =	vmul.f32 v27, v21;
	v31 =	vmul.f32 v31, v20  }
0xb8: {  	v28 =	vunpack.i.l.bf16.f32 v28;
	v26 =	vmul.f32 v26, v18;
	v30 =	vmul.f32 v30, v19  }
0xb9: {  	v32 =	vmul.f32 v56, v23;
	v28 =	vmul.f32 v28, v22  }
0xba: {  	v27 =	vadd.f32 v27, v31;
	v26 =	vadd.f32 v26, v30  }
0xbb: {  	v31 =	vunpack.i.u.bf16.f32 v29;
	v29 =	vunpack.i.l.bf16.f32 v29;
	v28 =	vadd.f32 v28, v32  }
0xbc: {  	v30 =	vmul.f32 v31, v25;
	v29 =	vmul.f32 v29, v24;
	v26 =	vadd.f32 v27, v26;
	_ =	sdelay $0x1  }
0xbd: {  	v27 =	vadd.f32 v29, v30;
	v26 =	vadd.f32 v28, v26;
	_ =	sdelay $0x1  }
0xbe: {  	v26 =	vadd.f32 v27, v26;
	_ =	sdelay $0x1  }
0xbf: {  	[tilespmem:$0x2240] =	vst v26  }
0xc0: {  	v26 =	vld [tilespmem:s11+$0xFFFFFF60]  }
0xc1: {  	v27 =	vld [tilespmem:s11+$0xFFFFFF70]  }
0xc2: {  	v28 =	vld [tilespmem:s11+$0xFFFFFF80];
	_ =	sdelay $0x2  }
0xc3: {  	v30 =	vunpack.i.u.bf16.f32 v26  }
0xc4: {  	v29 =	vld [tilespmem:s11+$0xFFFFFF90];
	v31 =	vunpack.i.u.bf16.f32 v27;
	v27 =	vunpack.i.l.bf16.f32 v27;
	v26 =	vunpack.i.l.bf16.f32 v26  }
0xc5: {  	v57 =	vunpack.i.u.bf16.f32 v28;
	v27 =	vmul.f32 v27, v21;
	v31 =	vmul.f32 v31, v20  }
0xc6: {  	v28 =	vunpack.i.l.bf16.f32 v28;
	v26 =	vmul.f32 v26, v18;
	v30 =	vmul.f32 v30, v19  }
0xc7: {  	v32 =	vmul.f32 v57, v23;
	v28 =	vmul.f32 v28, v22  }
0xc8: {  	v27 =	vadd.f32 v27, v31;
	v26 =	vadd.f32 v26, v30  }
0xc9: {  	v31 =	vunpack.i.u.bf16.f32 v29;
	v29 =	vunpack.i.l.bf16.f32 v29;
	v28 =	vadd.f32 v28, v32  }
0xca: {  	v30 =	vmul.f32 v31, v25;
	v29 =	vmul.f32 v29, v24;
	v26 =	vadd.f32 v27, v26;
	_ =	sdelay $0x1  }
0xcb: {  	v27 =	vadd.f32 v29, v30;
	v26 =	vadd.f32 v28, v26;
	_ =	sdelay $0x1  }
0xcc: {  	v26 =	vadd.f32 v27, v26;
	_ =	sdelay $0x1  }
0xcd: {  	[tilespmem:$0x2250] =	vst v26  }
0xce: {  	v26 =	vld [tilespmem:s11+$0xFFFFFFA0]  }
0xcf: {  	v27 =	vld [tilespmem:s11+$0xFFFFFFB0]  }
0xd0: {  	v28 =	vld [tilespmem:s11+$0xFFFFFFC0];
	_ =	sdelay $0x2  }
0xd1: {  	v30 =	vunpack.i.u.bf16.f32 v26  }
0xd2: {  	v29 =	vld [tilespmem:s11+$0xFFFFFFD0];
	v31 =	vunpack.i.u.bf16.f32 v27;
	v27 =	vunpack.i.l.bf16.f32 v27;
	v26 =	vunpack.i.l.bf16.f32 v26  }
0xd3: {  	v58 =	vunpack.i.u.bf16.f32 v28;
	v27 =	vmul.f32 v27, v21;
	v31 =	vmul.f32 v31, v20  }
0xd4: {  	v28 =	vunpack.i.l.bf16.f32 v28;
	v26 =	vmul.f32 v26, v18;
	v30 =	vmul.f32 v30, v19  }
0xd5: {  	v32 =	vmul.f32 v58, v23;
	v28 =	vmul.f32 v28, v22  }
0xd6: {  	v27 =	vadd.f32 v27, v31;
	v26 =	vadd.f32 v26, v30  }
0xd7: {  	v31 =	vunpack.i.u.bf16.f32 v29;
	v29 =	vunpack.i.l.bf16.f32 v29;
	v28 =	vadd.f32 v28, v32  }
0xd8: {  	v30 =	vmul.f32 v31, v25;
	v29 =	vmul.f32 v29, v24;
	v26 =	vadd.f32 v27, v26;
	_ =	sdelay $0x1  }
0xd9: {  	v27 =	vadd.f32 v29, v30;
	v26 =	vadd.f32 v28, v26;
	_ =	sdelay $0x1  }
0xda: {  	v26 =	vadd.f32 v27, v26;
	_ =	sdelay $0x1  }
0xdb: {  	[tilespmem:$0x2260] =	vst v26  }
0xdc: {  	v26 =	vld [tilespmem:s11+$0xFFFFFFE0]  }
0xdd: {  	v27 =	vld [tilespmem:s11+$0xFFFFFFF0]  }
0xde: {  	v29 =	vld [tilespmem:s11+$0x0];
	_ =	sdelay $0x1  }
0xdf: {  	v28 =	vld [tilespmem:s11+$0x10]  }
0xe0: {  	v30 =	vunpack.i.u.bf16.f32 v26  }
0xe1: {  	v31 =	vunpack.i.u.bf16.f32 v27;
	v27 =	vunpack.i.l.bf16.f32 v27;
	v26 =	vunpack.i.l.bf16.f32 v26  }
0xe2: {  	v33 =	vunpack.i.u.bf16.f32 v29;
	v27 =	vmul.f32 v27, v21;
	v31 =	vmul.f32 v31, v20  }
0xe3: {  	v29 =	vunpack.i.l.bf16.f32 v29;
	v26 =	vmul.f32 v26, v18;
	v30 =	vmul.f32 v30, v19  }
0xe4: {  	v59 =	vunpack.i.u.bf16.f32 v28;
	v28 =	vunpack.i.l.bf16.f32 v28;
	v29 =	vmul.f32 v29, v22  }
0xe5: {  	v27 =	vadd.f32 v27, v31;
	v31 =	vmul.f32 v33, v23;
	v26 =	vadd.f32 v26, v30  }
0xe6: {  	v28 =	vmul.f32 v28, v24  }
0xe7: {  	v30 =	vmul.f32 v59, v25;
	v29 =	vadd.f32 v29, v31;
	v26 =	vadd.f32 v27, v26;
	_ =	sdelay $0x1  }
0xe8: {  	v27 =	vadd.f32 v28, v30;
	v26 =	vadd.f32 v29, v26;
	_ =	sdelay $0x1  }
0xe9: {  	v26 =	vadd.f32 v27, v26;
	_ =	sdelay $0x1  }
0xea: {  	[tilespmem:$0x2270] =	vst v26  }
0xeb: {  	v27 =	vld [tilespmem:s11+$0x20]  }
0xec: {  	v26 =	vld [tilespmem:s11+$0x30]  }
0xed: {  	v28 =	vld [tilespmem:s11+$0x40];
	_ =	sdelay $0x2  }
0xee: {  	v29 =	vld [tilespmem:s11+$0x50];
	v30 =	vunpack.i.u.bf16.f32 v27  }
0xef: {  	v31 =	vunpack.i.u.bf16.f32 v26;
	v26 =	vunpack.i.l.bf16.f32 v26;
	v27 =	vunpack.i.l.bf16.f32 v27  }
0xf0: {  	v60 =	vunpack.i.u.bf16.f32 v28;
	v26 =	vmul.f32 v26, v21;
	v31 =	vmul.f32 v31, v20  }
0xf1: {  	v28 =	vunpack.i.l.bf16.f32 v28;
	v27 =	vmul.f32 v27, v18;
	v30 =	vmul.f32 v30, v19  }
0xf2: {  	v28 =	vmul.f32 v28, v22;
	v26 =	vadd.f32 v26, v31  }
0xf3: {  	v31 =	vmul.f32 v60, v23;
	v27 =	vadd.f32 v27, v30;
	v30 =	vunpack.i.u.bf16.f32 v29  }
0xf4: {  	v29 =	vunpack.i.l.bf16.f32 v29;
	v30 =	vmul.f32 v30, v25  }
0xf5: {  	v29 =	vmul.f32 v29, v24;
	v28 =	vadd.f32 v28, v31;
	v26 =	vadd.f32 v26, v27;
	_ =	sdelay $0x1  }
0xf6: {  	v27 =	vadd.f32 v29, v30;
	v26 =	vadd.f32 v28, v26;
	_ =	sdelay $0x1  }
0xf7: {  	v26 =	vadd.f32 v27, v26;
	_ =	sdelay $0x1  }
0xf8: {  	[tilespmem:$0x2280] =	vst v26  }
0xf9: {  	v26 =	vld [tilespmem:s11+$0x70]  }
0xfa: {  	v27 =	vld [tilespmem:s11+$0x60]  }
0xfb: {  	v28 =	vld [tilespmem:s11+$0x80];
	_ =	sdelay $0x2  }
0xfc: {  	v30 =	vunpack.i.u.bf16.f32 v26  }
0xfd: {  	v29 =	vld [tilespmem:s11+$0x90];
	v31 =	vunpack.i.u.bf16.f32 v27;
	v27 =	vunpack.i.l.bf16.f32 v27;
	v26 =	vunpack.i.l.bf16.f32 v26  }
0xfe: {  	v61 =	vunpack.i.l.bf16.f32 v28;
	v27 =	vmul.f32 v27, v18;
	v31 =	vmul.f32 v31, v19  }
0xff: {  	v28 =	vunpack.i.u.bf16.f32 v28;
	v30 =	vmul.f32 v30, v20;
	v26 =	vmul.f32 v26, v21  }
0x100: {  	v32 =	vmul.f32 v61, v22;
	v28 =	vmul.f32 v28, v23  }
0x101: {  	v27 =	vadd.f32 v27, v31;
	v26 =	vadd.f32 v26, v30  }
0x102: {  	v31 =	vunpack.i.l.bf16.f32 v29;
	v29 =	vunpack.i.u.bf16.f32 v29;
	v28 =	vadd.f32 v32, v28  }
0x103: {  	v30 =	vmul.f32 v31, v24;
	v29 =	vmul.f32 v29, v25;
	v26 =	vadd.f32 v26, v27;
	_ =	sdelay $0x1  }
0x104: {  	v27 =	vadd.f32 v30, v29;
	v26 =	vadd.f32 v28, v26;
	_ =	sdelay $0x1  }
0x105: {  	v26 =	vadd.f32 v27, v26;
	_ =	sdelay $0x1  }
0x106: {  	[tilespmem:$0x2290] =	vst v26  }
0x107: {  	v26 =	vld [tilespmem:s11+$0xA0]  }
0x108: {  	v27 =	vld [tilespmem:s11+$0xB0]  }
0x109: {  	v28 =	vld [tilespmem:s11+$0xC0];
	_ =	sdelay $0x2  }
0x10a: {  	v30 =	vunpack.i.u.bf16.f32 v26  }
0x10b: {  	v29 =	vld [tilespmem:s11+$0xD0];
	v31 =	vunpack.i.u.bf16.f32 v27;
	v27 =	vunpack.i.l.bf16.f32 v27;
	v26 =	vunpack.i.l.bf16.f32 v26  }
0x10c: {  	v62 =	vunpack.i.u.bf16.f32 v28;
	v27 =	vmul.f32 v27, v21;
	v31 =	vmul.f32 v31, v20  }
0x10d: {  	v28 =	vunpack.i.l.bf16.f32 v28;
	v26 =	vmul.f32 v26, v18;
	v30 =	vmul.f32 v30, v19  }
0x10e: {  	v32 =	vmul.f32 v62, v23;
	v28 =	vmul.f32 v28, v22  }
0x10f: {  	v27 =	vadd.f32 v27, v31;
	v26 =	vadd.f32 v26, v30  }
0x110: {  	v31 =	vunpack.i.u.bf16.f32 v29;
	v29 =	vunpack.i.l.bf16.f32 v29;
	v28 =	vadd.f32 v28, v32  }
0x111: {  	v30 =	vmul.f32 v31, v25;
	v29 =	vmul.f32 v29, v24;
	v26 =	vadd.f32 v27, v26;
	_ =	sdelay $0x1  }
0x112: {  	v27 =	vadd.f32 v29, v30;
	v26 =	vadd.f32 v28, v26;
	_ =	sdelay $0x1  }
0x113: {  	v26 =	vadd.f32 v27, v26;
	_ =	sdelay $0x1  }
0x114: {  	[tilespmem:$0x22A0] =	vst v26  }
0x115: {  	v26 =	vld [tilespmem:s11+$0xE0]  }
0x116: {  	v27 =	vld [tilespmem:s11+$0xF0]  }
0x117: {  	v28 =	vld [tilespmem:s11+$0x100];
	_ =	sdelay $0x2  }
0x118: {  	v30 =	vunpack.i.u.bf16.f32 v26  }
0x119: {  	v29 =	vld [tilespmem:s11+$0x110];
	v31 =	vunpack.i.u.bf16.f32 v27;
	v27 =	vunpack.i.l.bf16.f32 v27;
	v26 =	vunpack.i.l.bf16.f32 v26  }
0x11a: {  	v63 =	vunpack.i.u.bf16.f32 v28;
	v27 =	vmul.f32 v27, v21;
	v31 =	vmul.f32 v31, v20  }
0x11b: {  	v28 =	vunpack.i.l.bf16.f32 v28;
	v26 =	vmul.f32 v26, v18;
	v30 =	vmul.f32 v30, v19  }
0x11c: {  	v32 =	vmul.f32 v63, v23;
	v28 =	vmul.f32 v28, v22  }
0x11d: {  	v27 =	vadd.f32 v27, v31;
	v26 =	vadd.f32 v26, v30  }
0x11e: {  	v31 =	vunpack.i.u.bf16.f32 v29;
	v29 =	vunpack.i.l.bf16.f32 v29;
	v28 =	vadd.f32 v28, v32  }
0x11f: {  	v30 =	vmul.f32 v31, v25;
	v29 =	vmul.f32 v29, v24;
	v26 =	vadd.f32 v27, v26;
	_ =	sdelay $0x1  }
0x120: {  	v27 =	vadd.f32 v29, v30;
	v26 =	vadd.f32 v28, v26;
	_ =	sdelay $0x1  }
0x121: {  	v26 =	vadd.f32 v27, v26;
	_ =	sdelay $0x1  }
0x122: {  	[tilespmem:$0x22B0] =	vst v26  }
0x123: {  	v26 =	vld [tilespmem:s11+$0x120];
	_ =	sdelay $0x1  }
0x124: {  	v27 =	vld [tilespmem:s11+$0x130]  }
0x125: {  	v28 =	vld [tilespmem:s11+$0x140];
	_ =	sdelay $0x1  }
0x126: {  	v29 =	vld [tilespmem:s11+$0x150];
	v30 =	vunpack.i.l.bf16.f32 v26  }
0x127: {  	v26 =	vunpack.i.u.bf16.f32 v26;
	v18 =	vmul.f32 v30, v18  }
0x128: {  	v30 =	vunpack.i.u.bf16.f32 v27;
	v27 =	vunpack.i.l.bf16.f32 v27;
	v19 =	vmul.f32 v26, v19  }
0x129: {  	v26 =	vunpack.i.u.bf16.f32 v28;
	v21 =	vmul.f32 v27, v21;
	v20 =	vmul.f32 v30, v20  }
0x12a: {  	v27 =	vunpack.i.l.bf16.f32 v28;
	v23 =	vmul.f32 v26, v23;
	v18 =	vadd.f32 v18, v19  }
0x12b: {  	v19 =	vmul.f32 v27, v22;
	v22 =	vunpack.i.u.bf16.f32 v29;
	v20 =	vadd.f32 v21, v20  }
0x12c: {  	v21 =	vunpack.i.l.bf16.f32 v29;
	v22 =	vmul.f32 v22, v25  }
0x12d: {  	v19 =	vadd.f32 v19, v23;
	v21 =	vmul.f32 v21, v24;
	v18 =	vadd.f32 v20, v18;
	_ =	sdelay $0x1  }
0x12e: {  	v20 =	vadd.f32 v21, v22;
	v18 =	vadd.f32 v19, v18;
	_ =	sdelay $0x1  }
0x12f: {  	v18 =	vadd.f32 v20, v18;
	_ =	sdelay $0x1  }
0x130: {  	[tilespmem:$0x22C0] =	vst v18  }
0x131: {  	v18 =	vld.idx.msk [tilespmem:v0+s21+$0x0], $0xffff  }
0x132: {  	v21 =	vld.idx.msk [tilespmem:v2+s21+$0x0], $0xffff  }
0x133: {  	v23 =	vld.idx.msk [tilespmem:v3+s21+$0x0], $0xffff  }
0x134: {  	v25 =	vld.idx.msk [tilespmem:v4+s21+$0x0], $0xffff  }
0x135: {  	v26 =	vld.idx.msk [tilespmem:v5+s21+$0x0], $0xffff  }
0x136: {  	v27 =	vld.idx.msk [tilespmem:v6+s21+$0x0], $0xffff  }
0x137: {  	v19 =	vld.idx.msk [tilespmem:v7+s21+$0x0], $0xffff  }
0x138: {  	v20 =	vld.idx.msk [tilespmem:v8+s21+$0x0], $0xffff  }
0x139: {  	v22 =	vld.idx.msk [tilespmem:v10+s21+$0x0], $0xffff;
	v18 =	vadd.f32 v21, v18  }
0x13a: {  	v24 =	vld.idx.msk [tilespmem:v12+s21+$0x0], $0xffff  }
0x13b: {  	v21 =	vld.idx.msk [tilespmem:v9+s21+$0x0], $0xffff;
	v18 =	vadd.f32 v23, v18  }
0x13c: {  	v23 =	vld.idx.msk [tilespmem:v11+s21+$0x0], $0xffff  }
0x13d: {  	v28 =	vadd.f32 v25, v18;
	v25 =	vld.idx.msk [tilespmem:v13+s21+$0x0], $0xffff  }
0x13e: {  	v18 =	vld.idx.msk [tilespmem:v14+s21+$0x0], $0xffff  }
0x13f: {  	s31 =	simm.s32 $0x0;
	s29 =	simm.s32 $0x40;
	v28 =	vadd.f32 v26, v28;
	v26 =	vld.idx.msk [tilespmem:v15+s21+$0x0], $0xffff  }
.LBB2_5:
0x140: {  	p3 =	sne.s32 s29, $0x7C0;
	v29 =	vld.idx.msk [tilespmem:v16+s21+$0x0], $0xffff;
	s11 =	sadd.s32 $0x2C0, s11;
	s22 =	sadd.s32 $0x40, s22  }
0x141: {  	v27 =	vadd.f32 v27, v28;
	s12 =	smov.u32 s29;
	s29 =	sadd.s32 $0x40, s29;
	_ =	sdelay $0x1  }
0x142: {  	v19 =	vadd.f32 v19, v27;
	_ =	sdelay $0x1  }
0x143: {  	v19 =	vadd.f32 v20, v19;
	_ =	sdelay $0x1  }
0x144: {  	v19 =	vadd.f32 v21, v19;
	_ =	sdelay $0x1  }
0x145: {  	v19 =	vadd.f32 v22, v19;
	_ =	sdelay $0x1  }
0x146: {  	v19 =	vadd.f32 v23, v19;
	_ =	sdelay $0x1  }
0x147: {  	v19 =	vadd.f32 v24, v19;
	_ =	sdelay $0x1  }
0x148: {  	v19 =	vadd.f32 v25, v19;
	_ =	sdelay $0x1  }
0x149: {  	v18 =	vadd.f32 v18, v19;
	_ =	sdelay $0x1  }
0x14a: {  	v18 =	vadd.f32 v26, v18;
	_ =	sdelay $0x1  }
0x14b: {  	v18 =	vadd.f32 v29, v18;
	_ =	sdelay $0x1  }
0x14c: {  	v18 =	vmul.f32 v17, v18  }
0x14d: {  	s14 =	sshra.s32 s31, $0x2;
	s31 =	smov.u32 s12  }
0x14e: {  	[tilespmem:s14+$0x1C20] =	vst v18  }
0x14f: {  	v18 =	vld [tilespmem:s22+$0xFFFFFFE0]  }
0x150: {  	v20 =	vld [tilespmem:s11+$0xFFFFFEB0]  }
0x151: {  	v22 =	vld [tilespmem:s11+$0xFFFFFEA0]  }
0x152: {  	v21 =	vld [tilespmem:s22+$0xFFFFFFF0];
	_ =	sdelay $0x1  }
0x153: {  	v24 =	vld [tilespmem:s11+$0xFFFFFEC0]  }
0x154: {  	v19 =	vunpack.i.l.bf16.f32 v18;
	v25 =	vld [tilespmem:s22+$0x0];
	v23 =	vunpack.i.u.bf16.f32 v20  }
0x155: {  	v18 =	vunpack.i.u.bf16.f32 v18;
	v27 =	vunpack.i.l.bf16.f32 v20;
	v26 =	vunpack.i.u.bf16.f32 v22  }
0x156: {  	v22 =	vunpack.i.l.bf16.f32 v22;
	v20 =	vunpack.i.u.bf16.f32 v21;
	v21 =	vunpack.i.l.bf16.f32 v21;
	v28 =	vld [tilespmem:s11+$0xFFFFFED0]  }
0x157: {  	v29 =	vld [tilespmem:s22+$0x10];
	v27 =	vmul.f32 v27, v21;
	v30 =	vmul.f32 v23, v20  }
0x158: {  	v31 =	vmul.f32 v22, v19;
	v26 =	vmul.f32 v26, v18;
	v32 =	vunpack.i.u.bf16.f32 v24  }
0x159: {  	v23 =	vunpack.i.u.bf16.f32 v25;
	v22 =	vunpack.i.l.bf16.f32 v25;
	v27 =	vadd.f32 v27, v30  }
0x15a: {  	v26 =	vadd.f32 v31, v26;
	v24 =	vunpack.i.l.bf16.f32 v24;
	v30 =	vmul.f32 v32, v23  }
0x15b: {  	v31 =	vmul.f32 v24, v22;
	v32 =	vunpack.i.u.bf16.f32 v28;
	v28 =	vunpack.i.l.bf16.f32 v28  }
0x15c: {  	v26 =	vadd.f32 v27, v26;
	v25 =	vunpack.i.u.bf16.f32 v29;
	v24 =	vunpack.i.l.bf16.f32 v29  }
0x15d: {  	v27 =	vadd.f32 v31, v30;
	v28 =	vmul.f32 v28, v24;
	v29 =	vmul.f32 v32, v25;
	_ =	sdelay $0x1  }
0x15e: {  	v26 =	vadd.f32 v27, v26;
	v28 =	vadd.f32 v28, v29;
	_ =	sdelay $0x1  }
0x15f: {  	v26 =	vadd.f32 v28, v26;
	_ =	sdelay $0x1  }
0x160: {  	[tilespmem:$0x2220] =	vst v26  }
0x161: {  	v26 =	vld [tilespmem:s11+$0xFFFFFEF0]  }
0x162: {  	v27 =	vld [tilespmem:s11+$0xFFFFFEE0];
	_ =	sdelay $0x2  }
0x163: {  	v28 =	vld [tilespmem:s11+$0xFFFFFF00];
	_ =	sdelay $0x1  }
0x164: {  	v30 =	vunpack.i.u.bf16.f32 v26;
	v26 =	vunpack.i.l.bf16.f32 v26;
	v29 =	vunpack.i.u.bf16.f32 v27  }
0x165: {  	v27 =	vunpack.i.l.bf16.f32 v27;
	v26 =	vmul.f32 v26, v21;
	v29 =	vmul.f32 v29, v18;
	v31 =	vld [tilespmem:s11+$0xFFFFFF10]  }
0x166: {  	v30 =	vmul.f32 v30, v20;
	v27 =	vmul.f32 v27, v19  }
0x167: {  	v32 =	vunpack.i.u.bf16.f32 v28;
	v28 =	vunpack.i.l.bf16.f32 v28  }
0x168: {  	v26 =	vadd.f32 v26, v30;
	v27 =	vadd.f32 v27, v29;
	v28 =	vmul.f32 v28, v22  }
0x169: {  	v29 =	vmul.f32 v32, v23  }
0x16a: {  	v26 =	vadd.f32 v26, v27;
	v30 =	vunpack.i.u.bf16.f32 v31;
	v31 =	vunpack.i.l.bf16.f32 v31  }
0x16b: {  	v27 =	vadd.f32 v28, v29;
	v28 =	vmul.f32 v31, v24;
	v29 =	vmul.f32 v30, v25;
	_ =	sdelay $0x1  }
0x16c: {  	v26 =	vadd.f32 v27, v26;
	v28 =	vadd.f32 v28, v29;
	_ =	sdelay $0x1  }
0x16d: {  	v26 =	vadd.f32 v28, v26;
	_ =	sdelay $0x1  }
0x16e: {  	[tilespmem:$0x2230] =	vst v26  }
0x16f: {  	v26 =	vld [tilespmem:s11+$0xFFFFFF20]  }
0x170: {  	v27 =	vld [tilespmem:s11+$0xFFFFFF30]  }
0x171: {  	v28 =	vld [tilespmem:s11+$0xFFFFFF40]  }
0x172: {  	v29 =	vld [tilespmem:s11+$0xFFFFFF50];
	_ =	sdelay $0x1  }
0x173: {  	v30 =	vunpack.i.u.bf16.f32 v26;
	v26 =	vunpack.i.l.bf16.f32 v26  }
0x174: {  	v26 =	vmul.f32 v26, v19;
	v31 =	vunpack.i.u.bf16.f32 v27;
	v27 =	vunpack.i.l.bf16.f32 v27  }
0x175: {  	v27 =	vmul.f32 v27, v21;
	v31 =	vmul.f32 v31, v20;
	v32 =	vunpack.i.u.bf16.f32 v28  }
0x176: {  	v30 =	vmul.f32 v30, v18;
	v28 =	vunpack.i.l.bf16.f32 v28;
	v32 =	vmul.f32 v32, v23  }
0x177: {  	v28 =	vmul.f32 v28, v22;
	v27 =	vadd.f32 v27, v31;
	v31 =	vunpack.i.u.bf16.f32 v29  }
0x178: {  	v26 =	vadd.f32 v26, v30;
	v29 =	vunpack.i.l.bf16.f32 v29;
	v30 =	vmul.f32 v31, v25  }
0x179: {  	v29 =	vmul.f32 v29, v24  }
0x17a: {  	v28 =	vadd.f32 v28, v32;
	v26 =	vadd.f32 v27, v26;
	_ =	sdelay $0x1  }
0x17b: {  	v27 =	vadd.f32 v29, v30;
	v26 =	vadd.f32 v28, v26;
	_ =	sdelay $0x1  }
0x17c: {  	v26 =	vadd.f32 v27, v26;
	_ =	sdelay $0x1  }
0x17d: {  	[tilespmem:$0x2240] =	vst v26  }
0x17e: {  	v26 =	vld [tilespmem:s11+$0xFFFFFF60]  }
0x17f: {  	v27 =	vld [tilespmem:s11+$0xFFFFFF70]  }
0x180: {  	v28 =	vld [tilespmem:s11+$0xFFFFFF80]  }
0x181: {  	v29 =	vld [tilespmem:s11+$0xFFFFFF90];
	_ =	sdelay $0x1  }
0x182: {  	v30 =	vunpack.i.u.bf16.f32 v26;
	v26 =	vunpack.i.l.bf16.f32 v26  }
0x183: {  	v26 =	vmul.f32 v26, v19;
	v31 =	vunpack.i.u.bf16.f32 v27;
	v27 =	vunpack.i.l.bf16.f32 v27  }
0x184: {  	v27 =	vmul.f32 v27, v21;
	v31 =	vmul.f32 v31, v20;
	v32 =	vunpack.i.u.bf16.f32 v28  }
0x185: {  	v30 =	vmul.f32 v30, v18;
	v28 =	vunpack.i.l.bf16.f32 v28;
	v32 =	vmul.f32 v32, v23  }
0x186: {  	v28 =	vmul.f32 v28, v22;
	v27 =	vadd.f32 v27, v31;
	v31 =	vunpack.i.u.bf16.f32 v29  }
0x187: {  	v26 =	vadd.f32 v26, v30;
	v29 =	vunpack.i.l.bf16.f32 v29;
	v30 =	vmul.f32 v31, v25  }
0x188: {  	v29 =	vmul.f32 v29, v24  }
0x189: {  	v28 =	vadd.f32 v28, v32;
	v26 =	vadd.f32 v27, v26;
	_ =	sdelay $0x1  }
0x18a: {  	v27 =	vadd.f32 v29, v30;
	v26 =	vadd.f32 v28, v26;
	_ =	sdelay $0x1  }
0x18b: {  	v26 =	vadd.f32 v27, v26;
	_ =	sdelay $0x1  }
0x18c: {  	[tilespmem:$0x2250] =	vst v26  }
0x18d: {  	v26 =	vld [tilespmem:s11+$0xFFFFFFA0]  }
0x18e: {  	v27 =	vld [tilespmem:s11+$0xFFFFFFB0]  }
0x18f: {  	v28 =	vld [tilespmem:s11+$0xFFFFFFC0]  }
0x190: {  	v29 =	vld [tilespmem:s11+$0xFFFFFFD0];
	_ =	sdelay $0x1  }
0x191: {  	v30 =	vunpack.i.u.bf16.f32 v26;
	v26 =	vunpack.i.l.bf16.f32 v26  }
0x192: {  	v26 =	vmul.f32 v26, v19;
	v31 =	vunpack.i.u.bf16.f32 v27;
	v27 =	vunpack.i.l.bf16.f32 v27  }
0x193: {  	v27 =	vmul.f32 v27, v21;
	v31 =	vmul.f32 v31, v20;
	v32 =	vunpack.i.u.bf16.f32 v28  }
0x194: {  	v30 =	vmul.f32 v30, v18;
	v28 =	vunpack.i.l.bf16.f32 v28;
	v32 =	vmul.f32 v32, v23  }
0x195: {  	v28 =	vmul.f32 v28, v22;
	v27 =	vadd.f32 v27, v31;
	v31 =	vunpack.i.u.bf16.f32 v29  }
0x196: {  	v26 =	vadd.f32 v26, v30;
	v29 =	vunpack.i.l.bf16.f32 v29;
	v30 =	vmul.f32 v31, v25  }
0x197: {  	v28 =	vadd.f32 v28, v32;
	v29 =	vmul.f32 v29, v24  }
0x198: {  	v26 =	vadd.f32 v27, v26  }
0x199: {  	v27 =	vadd.f32 v29, v30  }
0x19a: {  	v26 =	vadd.f32 v28, v26;
	_ =	sdelay $0x1  }
0x19b: {  	v26 =	vadd.f32 v27, v26;
	_ =	sdelay $0x1  }
0x19c: {  	[tilespmem:$0x2260] =	vst v26  }
0x19d: {  	v26 =	vld [tilespmem:s11+$0xFFFFFFE0]  }
0x19e: {  	v27 =	vld [tilespmem:s11+$0xFFFFFFF0]  }
0x19f: {  	v28 =	vld [tilespmem:s11+$0x10]  }
0x1a0: {  	v29 =	vld [tilespmem:s11+$0x0];
	_ =	sdelay $0x1  }
0x1a1: {  	v30 =	vunpack.i.u.bf16.f32 v26;
	v26 =	vunpack.i.l.bf16.f32 v26  }
0x1a2: {  	v26 =	vmul.f32 v26, v19;
	v31 =	vunpack.i.u.bf16.f32 v27;
	v27 =	vunpack.i.l.bf16.f32 v27  }
0x1a3: {  	v27 =	vmul.f32 v27, v21;
	v31 =	vmul.f32 v31, v20;
	v32 =	vunpack.i.u.bf16.f32 v28  }
0x1a4: {  	v30 =	vmul.f32 v30, v18;
	v33 =	vunpack.i.u.bf16.f32 v29;
	v32 =	vmul.f32 v32, v25  }
0x1a5: {  	v29 =	vunpack.i.l.bf16.f32 v29;
	v27 =	vadd.f32 v27, v31;
	v31 =	vmul.f32 v33, v23  }
0x1a6: {  	v28 =	vunpack.i.l.bf16.f32 v28;
	v26 =	vadd.f32 v26, v30;
	v29 =	vmul.f32 v29, v22  }
0x1a7: {  	v28 =	vmul.f32 v28, v24  }
0x1a8: {  	v29 =	vadd.f32 v29, v31;
	v26 =	vadd.f32 v27, v26  }
0x1a9: {  	v27 =	vadd.f32 v28, v32  }
0x1aa: {  	v26 =	vadd.f32 v29, v26;
	_ =	sdelay $0x1  }
0x1ab: {  	v26 =	vadd.f32 v27, v26;
	_ =	sdelay $0x1  }
0x1ac: {  	[tilespmem:$0x2270] =	vst v26  }
0x1ad: {  	v26 =	vld [tilespmem:s11+$0x30]  }
0x1ae: {  	v27 =	vld [tilespmem:s11+$0x20]  }
0x1af: {  	v28 =	vld [tilespmem:s11+$0x40]  }
0x1b0: {  	v29 =	vld [tilespmem:s11+$0x50];
	_ =	sdelay $0x2  }
0x1b1: {  	v31 =	vunpack.i.u.bf16.f32 v26;
	v26 =	vunpack.i.l.bf16.f32 v26;
	v30 =	vunpack.i.u.bf16.f32 v27  }
0x1b2: {  	v27 =	vunpack.i.l.bf16.f32 v27;
	v26 =	vmul.f32 v26, v21;
	v31 =	vmul.f32 v31, v20  }
0x1b3: {  	v27 =	vmul.f32 v27, v19;
	v30 =	vmul.f32 v30, v18;
	v32 =	vunpack.i.u.bf16.f32 v28  }
0x1b4: {  	v28 =	vunpack.i.l.bf16.f32 v28;
	v26 =	vadd.f32 v26, v31;
	v31 =	vmul.f32 v32, v23  }
0x1b5: {  	v28 =	vmul.f32 v28, v22;
	v27 =	vadd.f32 v27, v30;
	v30 =	vunpack.i.u.bf16.f32 v29  }
0x1b6: {  	v29 =	vunpack.i.l.bf16.f32 v29;
	v30 =	vmul.f32 v30, v25  }
0x1b7: {  	v28 =	vadd.f32 v28, v31;
	v29 =	vmul.f32 v29, v24;
	v26 =	vadd.f32 v26, v27;
	_ =	sdelay $0x1  }
0x1b8: {  	v27 =	vadd.f32 v29, v30;
	v26 =	vadd.f32 v28, v26;
	_ =	sdelay $0x1  }
0x1b9: {  	v26 =	vadd.f32 v27, v26;
	_ =	sdelay $0x1  }
0x1ba: {  	[tilespmem:$0x2280] =	vst v26  }
0x1bb: {  	v26 =	vld [tilespmem:s11+$0x70]  }
0x1bc: {  	v27 =	vld [tilespmem:s11+$0x60]  }
0x1bd: {  	v28 =	vld [tilespmem:s11+$0x80]  }
0x1be: {  	v29 =	vld [tilespmem:s11+$0x90];
	_ =	sdelay $0x1  }
0x1bf: {  	v30 =	vunpack.i.u.bf16.f32 v26;
	v26 =	vunpack.i.l.bf16.f32 v26  }
0x1c0: {  	v31 =	vunpack.i.u.bf16.f32 v27;
	v27 =	vunpack.i.l.bf16.f32 v27;
	v30 =	vmul.f32 v30, v20  }
0x1c1: {  	v27 =	vmul.f32 v27, v19;
	v31 =	vmul.f32 v31, v18;
	v32 =	vunpack.i.l.bf16.f32 v28  }
0x1c2: {  	v26 =	vmul.f32 v26, v21;
	v32 =	vmul.f32 v32, v22;
	v33 =	vunpack.i.u.bf16.f32 v29  }
0x1c3: {  	v28 =	vunpack.i.u.bf16.f32 v28;
	v29 =	vunpack.i.l.bf16.f32 v29;
	v27 =	vadd.f32 v27, v31  }
0x1c4: {  	v26 =	vadd.f32 v26, v30;
	v28 =	vmul.f32 v28, v23;
	v29 =	vmul.f32 v29, v24  }
0x1c5: {  	v30 =	vmul.f32 v33, v25  }
0x1c6: {  	v28 =	vadd.f32 v32, v28;
	v26 =	vadd.f32 v26, v27;
	_ =	sdelay $0x1  }
0x1c7: {  	v27 =	vadd.f32 v29, v30;
	v26 =	vadd.f32 v28, v26;
	_ =	sdelay $0x1  }
0x1c8: {  	v26 =	vadd.f32 v27, v26;
	_ =	sdelay $0x1  }
0x1c9: {  	[tilespmem:$0x2290] =	vst v26  }
0x1ca: {  	v26 =	vld [tilespmem:s11+$0xA0]  }
0x1cb: {  	v27 =	vld [tilespmem:s11+$0xB0]  }
0x1cc: {  	v28 =	vld [tilespmem:s11+$0xC0]  }
0x1cd: {  	v29 =	vld [tilespmem:s11+$0xD0];
	_ =	sdelay $0x1  }
0x1ce: {  	v30 =	vunpack.i.u.bf16.f32 v26;
	v26 =	vunpack.i.l.bf16.f32 v26  }
0x1cf: {  	v26 =	vmul.f32 v26, v19;
	v31 =	vunpack.i.u.bf16.f32 v27;
	v27 =	vunpack.i.l.bf16.f32 v27  }
0x1d0: {  	v27 =	vmul.f32 v27, v21;
	v31 =	vmul.f32 v31, v20;
	v32 =	vunpack.i.u.bf16.f32 v28  }
0x1d1: {  	v30 =	vmul.f32 v30, v18;
	v28 =	vunpack.i.l.bf16.f32 v28;
	v32 =	vmul.f32 v32, v23  }
0x1d2: {  	v28 =	vmul.f32 v28, v22;
	v27 =	vadd.f32 v27, v31;
	v31 =	vunpack.i.u.bf16.f32 v29  }
0x1d3: {  	v26 =	vadd.f32 v26, v30;
	v29 =	vunpack.i.l.bf16.f32 v29;
	v30 =	vmul.f32 v31, v25  }
0x1d4: {  	v29 =	vmul.f32 v29, v24  }
0x1d5: {  	v28 =	vadd.f32 v28, v32;
	v26 =	vadd.f32 v27, v26;
	_ =	sdelay $0x1  }
0x1d6: {  	v27 =	vadd.f32 v29, v30;
	v26 =	vadd.f32 v28, v26;
	_ =	sdelay $0x1  }
0x1d7: {  	v26 =	vadd.f32 v27, v26;
	_ =	sdelay $0x1  }
0x1d8: {  	[tilespmem:$0x22A0] =	vst v26  }
0x1d9: {  	v26 =	vld [tilespmem:s11+$0xE0]  }
0x1da: {  	v27 =	vld [tilespmem:s11+$0xF0]  }
0x1db: {  	v28 =	vld [tilespmem:s11+$0x100]  }
0x1dc: {  	v29 =	vld [tilespmem:s11+$0x110];
	_ =	sdelay $0x1  }
0x1dd: {  	v30 =	vunpack.i.u.bf16.f32 v26;
	v26 =	vunpack.i.l.bf16.f32 v26  }
0x1de: {  	v26 =	vmul.f32 v26, v19;
	v31 =	vunpack.i.u.bf16.f32 v27;
	v27 =	vunpack.i.l.bf16.f32 v27  }
0x1df: {  	v27 =	vmul.f32 v27, v21;
	v31 =	vmul.f32 v31, v20;
	v32 =	vunpack.i.u.bf16.f32 v28  }
0x1e0: {  	v30 =	vmul.f32 v30, v18;
	v28 =	vunpack.i.l.bf16.f32 v28;
	v32 =	vmul.f32 v32, v23  }
0x1e1: {  	v28 =	vmul.f32 v28, v22;
	v27 =	vadd.f32 v27, v31;
	v31 =	vunpack.i.u.bf16.f32 v29  }
0x1e2: {  	v26 =	vadd.f32 v26, v30;
	v29 =	vunpack.i.l.bf16.f32 v29;
	v30 =	vmul.f32 v31, v25  }
0x1e3: {  	v29 =	vmul.f32 v29, v24  }
0x1e4: {  	v28 =	vadd.f32 v28, v32;
	v26 =	vadd.f32 v27, v26;
	_ =	sdelay $0x1  }
0x1e5: {  	v27 =	vadd.f32 v29, v30;
	v26 =	vadd.f32 v28, v26;
	_ =	sdelay $0x1  }
0x1e6: {  	v26 =	vadd.f32 v27, v26;
	_ =	sdelay $0x1  }
0x1e7: {  	[tilespmem:$0x22B0] =	vst v26  }
0x1e8: {  	v26 =	vld [tilespmem:s11+$0x120]  }
0x1e9: {  	v27 =	vld [tilespmem:s11+$0x130]  }
0x1ea: {  	v28 =	vld [tilespmem:s11+$0x140]  }
0x1eb: {  	v29 =	vld [tilespmem:s11+$0x150];
	_ =	sdelay $0x1  }
0x1ec: {  	v30 =	vunpack.i.u.bf16.f32 v26;
	v26 =	vunpack.i.l.bf16.f32 v26  }
0x1ed: {  	v19 =	vmul.f32 v26, v19;
	v26 =	vunpack.i.u.bf16.f32 v27;
	v27 =	vunpack.i.l.bf16.f32 v27  }
0x1ee: {  	v18 =	vmul.f32 v30, v18;
	v21 =	vmul.f32 v27, v21;
	v27 =	vunpack.i.u.bf16.f32 v28  }
0x1ef: {  	v20 =	vmul.f32 v26, v20;
	v26 =	vunpack.i.l.bf16.f32 v28;
	v23 =	vmul.f32 v27, v23  }
0x1f0: {  	v18 =	vadd.f32 v19, v18;
	v19 =	vmul.f32 v26, v22;
	v22 =	vunpack.i.u.bf16.f32 v29  }
0x1f1: {  	v20 =	vadd.f32 v21, v20;
	v21 =	vunpack.i.l.bf16.f32 v29;
	v22 =	vmul.f32 v22, v25  }
0x1f2: {  	v19 =	vadd.f32 v19, v23;
	v21 =	vmul.f32 v21, v24  }
0x1f3: {  	v18 =	vadd.f32 v20, v18;
	_ =	sdelay $0x1  }
0x1f4: {  	v20 =	vadd.f32 v21, v22;
	v18 =	vadd.f32 v19, v18;
	_ =	sdelay $0x1  }
0x1f5: {  	v18 =	vadd.f32 v20, v18;
	_ =	sdelay $0x1  }
0x1f6: {  	[tilespmem:$0x22C0] =	vst v18  }
0x1f7: {  	v18 =	vld.idx.msk [tilespmem:v0+s21+$0x0], $0xffff  }
0x1f8: {  	v20 =	vld.idx.msk [tilespmem:v2+s21+$0x0], $0xffff  }
0x1f9: {  	v22 =	vld.idx.msk [tilespmem:v3+s21+$0x0], $0xffff  }
0x1fa: {  	v24 =	vld.idx.msk [tilespmem:v4+s21+$0x0], $0xffff  }
0x1fb: {  	v26 =	vld.idx.msk [tilespmem:v5+s21+$0x0], $0xffff  }
0x1fc: {  	v27 =	vld.idx.msk [tilespmem:v6+s21+$0x0], $0xffff  }
0x1fd: {  	v19 =	vld.idx.msk [tilespmem:v7+s21+$0x0], $0xffff  }
0x1fe: {  	v18 =	vadd.f32 v20, v18;
	v20 =	vld.idx.msk [tilespmem:v8+s21+$0x0], $0xffff  }
0x1ff: {  	v21 =	vld.idx.msk [tilespmem:v9+s21+$0x0], $0xffff  }
0x200: {  	v18 =	vadd.f32 v22, v18;
	v22 =	vld.idx.msk [tilespmem:v10+s21+$0x0], $0xffff  }
.Ltmp3:
0x201: {  	v23 =	vld.idx.msk [tilespmem:v11+s21+$0x0], $0xffff;
	(pc) =	sbr.rel @p3 .LBB2_5-.Ltmp3, $4  }
0x202: {  	v18 =	vadd.f32 v24, v18;
	v24 =	vld.idx.msk [tilespmem:v12+s21+$0x0], $0xffff  }
0x203: {  	v25 =	vld.idx.msk [tilespmem:v13+s21+$0x0], $0xffff  }
0x204: {  	v28 =	vadd.f32 v26, v18;
	v18 =	vld.idx.msk [tilespmem:v14+s21+$0x0], $0xffff  }
0x205: {  	v26 =	vld.idx.msk [tilespmem:v15+s21+$0x0], $0xffff  }
0x206: {  	v27 =	vadd.f32 v27, v28;
	_ =	sdelay $0x1  }
0x207: {  	v19 =	vadd.f32 v19, v27;
	_ =	sdelay $0x1  }
0x208: {  	v19 =	vadd.f32 v20, v19;
	_ =	sdelay $0x1  }
0x209: {  	v19 =	vadd.f32 v21, v19;
	_ =	sdelay $0x1  }
0x20a: {  	v19 =	vadd.f32 v22, v19;
	_ =	sdelay $0x1  }
0x20b: {  	v19 =	vadd.f32 v23, v19;
	_ =	sdelay $0x1  }
0x20c: {  	v19 =	vadd.f32 v24, v19;
	_ =	sdelay $0x1  }
0x20d: {  	v19 =	vadd.f32 v25, v19  }
0x20e: {  	v63 =	vld.idx.msk [tilespmem:v16+s21+$0x0], $0xffff  }
0x20f: {  	v18 =	vadd.f32 v18, v19;
	_ =	sdelay $0x1  }
0x210: {  	v18 =	vadd.f32 v26, v18;
	_ =	sdelay $0x1  }
0x211: {  	s11 =	smul.u32 $0x60, s23;
	v18 =	vadd.f32 v63, v18;
	_ =	sdelay $0x1  }
0x212: {  	s11 =	sadd.s32 s6, s11;
	v18 =	vmul.f32 v17, v18  }
0x213: {  	s12 =	sshra.s32 s31, $0x2;
	s11 =	sshll.u32 s11, $0x1  }
0x214: {  	s31 =	simm.s32 $0x1C20;
	s1 =	sshll.u32 @!p1 s1, $0x8;
	s11 =	sadd.s32 s5, s11;
	[tilespmem:s12+$0x1C20] =	vst v18  }
0x215: {  	[hbm4b:s11+s2] =	stream.linear.scatter [tilespmem:s31], [sflag:$0xA], $0x200, $0x38;
	[tilespmem:$0x12C20] =	vst v63  }
0x216: {  	s1 =	sadd.s32 @!p1 s1, s10;
	s11 =	simm.s32 @!p1 $0x0  }
0x217: {  	[tilespmem:s11], [sflag:$0x1] =	stream.linear.gather @!p1 [hbm4b:s1+s11], $0x800, $0x38;
	[tilespmem:$0x12C20] =	vst v63  }
0x218: {  	s1 =	simm.s32 @!p1 $0x7  }
0x219: {  	_ =	swait.ge @!p1 [sflag:s1], $0x80  }
0x21a: {  	[sflag:s1] =	ssyncset.done @!p1 $0x0  }
0x21b: {  	[sflag:s1] =	ssyncadd.s32 @!p1 $0xFFFFFF80  }
0x21c: {  	_ =	swait.ge @!p1 [sflag:s1], $0x80  }
0x21d: {  	[sflag:s1] =	ssyncset.done @!p1 $0x0  }
0x21e: {  	[sflag:s1] =	ssyncadd.s32 @!p1 $0xFFFFFF80  }
0x21f: {  	_ =	swait.ge @!p1 [sflag:s1], $0x60  }
0x220: {  	s12 =	simm.s32 @!p1 $0x2420;
	[sflag:s1] =	ssyncset.done @!p1 $0x0  }
0x221: {  	s11 =	simm.s32 @!p1 $0x1800;
	[sflag:s1] =	ssyncadd.s32 @!p1 $0xFFFFFFA0;
	s1 =	simm.s32 @!p1 $0x80  }
0x222: {  	[tilespmem:s12], [sflag:$0x4] =	stream.indirect.gather @!p1 [hbm4b:s3+s1], $0x40, s11, s1, $0xb8;
	[tilespmem:$0x12C20] =	vst v63  }
0x223: {  	s11 =	simm.s32 @!p1 $0x1880;
	s12 =	simm.s32 @!p1 $0x4420  }
0x224: {  	[tilespmem:s12], [sflag:$0x4] =	stream.indirect.gather @!p1 [hbm4b:s3+s1], $0x40, s11, s1, $0xb8;
	[tilespmem:$0x12C20] =	vst v63  }
0x225: {  	s1 =	simm.s32 @!p1 $0x60;
	s11 =	simm.s32 @!p1 $0x1900;
	s12 =	simm.s32 @!p1 $0x6420  }
0x226: {  	[tilespmem:s12], [sflag:$0x4] =	stream.indirect.gather @!p1 [hbm4b:s3+s1], $0x40, s11, s1, $0xb8;
	[tilespmem:$0x12C20] =	vst v63  }
0x227: {  	_ =	swait.ge [sflag:s13], $0x2000  }
0x228: {  	[sflag:s13] =	ssyncset.done $0x0  }
0x229: {  	[sflag:s13] =	ssyncadd.s32 $0xFFFFE000  }
0x22a: {  	_ =	swait.ge [sflag:s13], $0x2000  }
0x22b: {  	[sflag:s13] =	ssyncset.done $0x0  }
0x22c: {  	[sflag:s13] =	ssyncadd.s32 $0xFFFFE000  }
0x22d: {  	_ =	swait.ge [sflag:s13], $0x1800  }
0x22e: {  	[sflag:s13] =	ssyncset.done $0x0  }
0x22f: {  	[sflag:s13] =	ssyncadd.s32 $0xFFFFE800  }
0x230: {  	_ =	swait.ge [sflag:s30], $0x800  }
.Ltmp4:
0x231: {  	[sflag:s30] =	ssyncset.done $0x0;
	(pc) =	sbr.rel @!p2 .LBB2_8-.Ltmp4, $4  }
0x232: {  	s1 =	simm.s32 @!p0 $0xB;
	[sflag:s30] =	ssyncadd.s32 $0xFFFFF800  }
0x233: {  	_ =	swait.ge @!p0 [sflag:s1], $0x200  }
0x234: {  	[sflag:s1] =	ssyncset.done @!p0 $0x0  }
0x235: {  	[sflag:s1] =	ssyncadd.s32 @!p0 $0xFFFFFE00;
	s1 =	sadd.s32 @!p0 $0x4, s24  }
0x236: {  	s1 =	simm.s32 @p0 $0x4  }
0x237: {  	s11 =	sshll.u32 s1, $0x5  }
0x238: {  	s11 =	sadd.s32 s6, s11  }
0x239: {  	s11 =	smul.u32 $0xB, s11;
	_ =	sdelay $0x1  }
0x23a: {  	s11 =	sshrl.u32 s11, $0x3  }
0x23b: {  	s11 =	sadd.s32 s4, s11  }
0x23c: {  	[tilespmem:s25], [sflag:$0x8] =	stream.linear.gather [hbm4b:s11+s2], $0x80, $0x38;
	[tilespmem:$0x12C20] =	vst v63  }
0x23d: {  	s12 =	sadd.s32 $0x10, s11  }
0x23e: {  	[tilespmem:s26], [sflag:$0x8] =	stream.linear.gather [hbm4b:s12+s2], $0x80, $0x38;
	[tilespmem:$0x12C20] =	vst v63  }
0x23f: {  	s11 =	sadd.s32 $0x20, s11  }
0x240: {  	[tilespmem:s28], [sflag:$0x8] =	stream.linear.gather [hbm4b:s11+s2], $0x60, $0x38;
	[tilespmem:$0x12C20] =	vst v63  }
.LBB2_8:
0x241: {  	s22 =	simm.s32 $0x820  }
0x242: {  	s11 =	simm.s32 $0x7D80;
	v19 =	vld [tilespmem:s22+$0xFFFFFFE0]  }
0x243: {  	v20 =	vld [tilespmem:s11+$0xFFFFFEB0]  }
0x244: {  	v22 =	vld [tilespmem:s11+$0xFFFFFEA0]  }
0x245: {  	v21 =	vld [tilespmem:s22+$0xFFFFFFF0]  }
0x246: {  	v24 =	vld [tilespmem:s11+$0xFFFFFEC0]  }
0x247: {  	v28 =	vld [tilespmem:s11+$0xFFFFFED0]  }
0x248: {  	v25 =	vld [tilespmem:s22+$0x0];
	v18 =	vunpack.i.l.bf16.f32 v19  }
0x249: {  	v29 =	vld [tilespmem:s22+$0x10];
	v23 =	vunpack.i.u.bf16.f32 v20;
	v19 =	vunpack.i.u.bf16.f32 v19;
	v26 =	vunpack.i.u.bf16.f32 v22  }
0x24a: {  	v27 =	vunpack.i.l.bf16.f32 v20;
	v20 =	vunpack.i.u.bf16.f32 v21;
	v21 =	vunpack.i.l.bf16.f32 v21  }
0x24b: {  	v22 =	vunpack.i.l.bf16.f32 v22;
	v32 =	vunpack.i.u.bf16.f32 v24;
	v24 =	vunpack.i.l.bf16.f32 v24  }
0x24c: {  	v54 =	vunpack.i.u.bf16.f32 v28;
	v27 =	vmul.f32 v27, v21;
	v30 =	vmul.f32 v23, v20  }
0x24d: {  	v31 =	vmul.f32 v22, v18;
	v26 =	vmul.f32 v26, v19;
	v23 =	vunpack.i.u.bf16.f32 v25  }
0x24e: {  	v22 =	vunpack.i.l.bf16.f32 v25;
	v25 =	vunpack.i.u.bf16.f32 v29;
	v27 =	vadd.f32 v27, v30  }
0x24f: {  	v26 =	vadd.f32 v31, v26;
	v30 =	vmul.f32 v32, v23;
	v31 =	vmul.f32 v24, v22  }
0x250: {  	v28 =	vunpack.i.l.bf16.f32 v28;
	v24 =	vunpack.i.l.bf16.f32 v29;
	v29 =	vmul.f32 v54, v25  }
0x251: {  	v28 =	vmul.f32 v28, v24;
	v26 =	vadd.f32 v27, v26;
	v27 =	vadd.f32 v31, v30;
	_ =	sdelay $0x1  }
0x252: {  	v28 =	vadd.f32 v28, v29;
	v26 =	vadd.f32 v27, v26;
	_ =	sdelay $0x1  }
0x253: {  	v26 =	vadd.f32 v28, v26;
	_ =	sdelay $0x1  }
0x254: {  	[tilespmem:$0x2220] =	vst v26  }
0x255: {  	v26 =	vld [tilespmem:s11+$0xFFFFFEF0]  }
0x256: {  	v27 =	vld [tilespmem:s11+$0xFFFFFEE0];
	_ =	sdelay $0x2  }
0x257: {  	v28 =	vld [tilespmem:s11+$0xFFFFFF00];
	_ =	sdelay $0x1  }
0x258: {  	v29 =	vunpack.i.u.bf16.f32 v27;
	v30 =	vunpack.i.u.bf16.f32 v26;
	v26 =	vunpack.i.l.bf16.f32 v26  }
0x259: {  	v31 =	vld [tilespmem:s11+$0xFFFFFF10];
	v27 =	vunpack.i.l.bf16.f32 v27;
	v29 =	vmul.f32 v29, v19;
	v26 =	vmul.f32 v26, v21  }
0x25a: {  	v27 =	vmul.f32 v27, v18;
	v30 =	vmul.f32 v30, v20  }
0x25b: {  	v55 =	vunpack.i.u.bf16.f32 v28  }
0x25c: {  	v28 =	vunpack.i.l.bf16.f32 v28;
	v27 =	vadd.f32 v27, v29;
	v26 =	vadd.f32 v26, v30  }
0x25d: {  	v28 =	vmul.f32 v28, v22;
	v29 =	vmul.f32 v55, v23  }
0x25e: {  	v30 =	vunpack.i.u.bf16.f32 v31;
	v31 =	vunpack.i.l.bf16.f32 v31;
	v26 =	vadd.f32 v26, v27  }
0x25f: {  	v27 =	vadd.f32 v28, v29;
	v28 =	vmul.f32 v31, v24;
	v29 =	vmul.f32 v30, v25;
	_ =	sdelay $0x1  }
0x260: {  	v28 =	vadd.f32 v28, v29;
	v26 =	vadd.f32 v27, v26;
	_ =	sdelay $0x1  }
0x261: {  	v26 =	vadd.f32 v28, v26;
	_ =	sdelay $0x1  }
0x262: {  	[tilespmem:$0x2230] =	vst v26  }
0x263: {  	v26 =	vld [tilespmem:s11+$0xFFFFFF20]  }
0x264: {  	v27 =	vld [tilespmem:s11+$0xFFFFFF30]  }
0x265: {  	v28 =	vld [tilespmem:s11+$0xFFFFFF40];
	_ =	sdelay $0x2  }
0x266: {  	v30 =	vunpack.i.u.bf16.f32 v26  }
0x267: {  	v29 =	vld [tilespmem:s11+$0xFFFFFF50];
	v31 =	vunpack.i.u.bf16.f32 v27;
	v27 =	vunpack.i.l.bf16.f32 v27;
	v26 =	vunpack.i.l.bf16.f32 v26  }
0x268: {  	v56 =	vunpack.i.u.bf16.f32 v28;
	v27 =	vmul.f32 v27, v21;
	v31 =	vmul.f32 v31, v20  }
0x269: {  	v28 =	vunpack.i.l.bf16.f32 v28;
	v26 =	vmul.f32 v26, v18;
	v30 =	vmul.f32 v30, v19  }
0x26a: {  	v32 =	vmul.f32 v56, v23;
	v28 =	vmul.f32 v28, v22  }
0x26b: {  	v27 =	vadd.f32 v27, v31;
	v26 =	vadd.f32 v26, v30  }
0x26c: {  	v31 =	vunpack.i.u.bf16.f32 v29;
	v29 =	vunpack.i.l.bf16.f32 v29;
	v28 =	vadd.f32 v28, v32  }
0x26d: {  	v30 =	vmul.f32 v31, v25;
	v29 =	vmul.f32 v29, v24;
	v26 =	vadd.f32 v27, v26;
	_ =	sdelay $0x1  }
0x26e: {  	v27 =	vadd.f32 v29, v30;
	v26 =	vadd.f32 v28, v26;
	_ =	sdelay $0x1  }
0x26f: {  	v26 =	vadd.f32 v27, v26;
	_ =	sdelay $0x1  }
0x270: {  	[tilespmem:$0x2240] =	vst v26  }
0x271: {  	v26 =	vld [tilespmem:s11+$0xFFFFFF60]  }
0x272: {  	v27 =	vld [tilespmem:s11+$0xFFFFFF70]  }
0x273: {  	v28 =	vld [tilespmem:s11+$0xFFFFFF80];
	_ =	sdelay $0x2  }
0x274: {  	v30 =	vunpack.i.u.bf16.f32 v26  }
0x275: {  	v29 =	vld [tilespmem:s11+$0xFFFFFF90];
	v31 =	vunpack.i.u.bf16.f32 v27;
	v27 =	vunpack.i.l.bf16.f32 v27;
	v26 =	vunpack.i.l.bf16.f32 v26  }
0x276: {  	v57 =	vunpack.i.u.bf16.f32 v28;
	v27 =	vmul.f32 v27, v21;
	v31 =	vmul.f32 v31, v20  }
0x277: {  	v28 =	vunpack.i.l.bf16.f32 v28;
	v26 =	vmul.f32 v26, v18;
	v30 =	vmul.f32 v30, v19  }
0x278: {  	v32 =	vmul.f32 v57, v23;
	v28 =	vmul.f32 v28, v22  }
0x279: {  	v27 =	vadd.f32 v27, v31;
	v26 =	vadd.f32 v26, v30  }
0x27a: {  	v31 =	vunpack.i.u.bf16.f32 v29;
	v29 =	vunpack.i.l.bf16.f32 v29;
	v28 =	vadd.f32 v28, v32  }
0x27b: {  	v30 =	vmul.f32 v31, v25;
	v29 =	vmul.f32 v29, v24;
	v26 =	vadd.f32 v27, v26;
	_ =	sdelay $0x1  }
0x27c: {  	v27 =	vadd.f32 v29, v30;
	v26 =	vadd.f32 v28, v26;
	_ =	sdelay $0x1  }
0x27d: {  	v26 =	vadd.f32 v27, v26;
	_ =	sdelay $0x1  }
0x27e: {  	[tilespmem:$0x2250] =	vst v26  }
0x27f: {  	v26 =	vld [tilespmem:s11+$0xFFFFFFA0]  }
0x280: {  	v27 =	vld [tilespmem:s11+$0xFFFFFFB0]  }
0x281: {  	v28 =	vld [tilespmem:s11+$0xFFFFFFC0];
	_ =	sdelay $0x2  }
0x282: {  	v30 =	vunpack.i.u.bf16.f32 v26  }
0x283: {  	v29 =	vld [tilespmem:s11+$0xFFFFFFD0];
	v31 =	vunpack.i.u.bf16.f32 v27;
	v27 =	vunpack.i.l.bf16.f32 v27;
	v26 =	vunpack.i.l.bf16.f32 v26  }
0x284: {  	v58 =	vunpack.i.u.bf16.f32 v28;
	v27 =	vmul.f32 v27, v21;
	v31 =	vmul.f32 v31, v20  }
0x285: {  	v28 =	vunpack.i.l.bf16.f32 v28;
	v26 =	vmul.f32 v26, v18;
	v30 =	vmul.f32 v30, v19  }
0x286: {  	v32 =	vmul.f32 v58, v23;
	v28 =	vmul.f32 v28, v22  }
0x287: {  	v27 =	vadd.f32 v27, v31;
	v26 =	vadd.f32 v26, v30  }
0x288: {  	v31 =	vunpack.i.u.bf16.f32 v29;
	v29 =	vunpack.i.l.bf16.f32 v29;
	v28 =	vadd.f32 v28, v32  }
0x289: {  	v30 =	vmul.f32 v31, v25;
	v29 =	vmul.f32 v29, v24;
	v26 =	vadd.f32 v27, v26;
	_ =	sdelay $0x1  }
0x28a: {  	v27 =	vadd.f32 v29, v30;
	v26 =	vadd.f32 v28, v26;
	_ =	sdelay $0x1  }
0x28b: {  	v26 =	vadd.f32 v27, v26;
	_ =	sdelay $0x1  }
0x28c: {  	[tilespmem:$0x2260] =	vst v26  }
0x28d: {  	v26 =	vld [tilespmem:s11+$0xFFFFFFE0]  }
0x28e: {  	v27 =	vld [tilespmem:s11+$0xFFFFFFF0]  }
0x28f: {  	v29 =	vld [tilespmem:s11+$0x0];
	_ =	sdelay $0x1  }
0x290: {  	v28 =	vld [tilespmem:s11+$0x10]  }
0x291: {  	v30 =	vunpack.i.u.bf16.f32 v26  }
0x292: {  	v31 =	vunpack.i.u.bf16.f32 v27;
	v27 =	vunpack.i.l.bf16.f32 v27;
	v26 =	vunpack.i.l.bf16.f32 v26  }
0x293: {  	v33 =	vunpack.i.u.bf16.f32 v29;
	v27 =	vmul.f32 v27, v21;
	v31 =	vmul.f32 v31, v20  }
0x294: {  	v29 =	vunpack.i.l.bf16.f32 v29;
	v26 =	vmul.f32 v26, v18;
	v30 =	vmul.f32 v30, v19  }
0x295: {  	v59 =	vunpack.i.u.bf16.f32 v28;
	v28 =	vunpack.i.l.bf16.f32 v28;
	v29 =	vmul.f32 v29, v22  }
0x296: {  	v27 =	vadd.f32 v27, v31;
	v31 =	vmul.f32 v33, v23;
	v26 =	vadd.f32 v26, v30  }
0x297: {  	v28 =	vmul.f32 v28, v24  }
0x298: {  	v30 =	vmul.f32 v59, v25;
	v29 =	vadd.f32 v29, v31;
	v26 =	vadd.f32 v27, v26;
	_ =	sdelay $0x1  }
0x299: {  	v27 =	vadd.f32 v28, v30;
	v26 =	vadd.f32 v29, v26;
	_ =	sdelay $0x1  }
0x29a: {  	v26 =	vadd.f32 v27, v26;
	_ =	sdelay $0x1  }
0x29b: {  	[tilespmem:$0x2270] =	vst v26  }
0x29c: {  	v27 =	vld [tilespmem:s11+$0x20]  }
0x29d: {  	v26 =	vld [tilespmem:s11+$0x30]  }
0x29e: {  	v28 =	vld [tilespmem:s11+$0x40];
	_ =	sdelay $0x2  }
0x29f: {  	v29 =	vld [tilespmem:s11+$0x50];
	v30 =	vunpack.i.u.bf16.f32 v27  }
0x2a0: {  	v31 =	vunpack.i.u.bf16.f32 v26;
	v26 =	vunpack.i.l.bf16.f32 v26;
	v27 =	vunpack.i.l.bf16.f32 v27  }
0x2a1: {  	v60 =	vunpack.i.u.bf16.f32 v28;
	v26 =	vmul.f32 v26, v21;
	v31 =	vmul.f32 v31, v20  }
0x2a2: {  	v28 =	vunpack.i.l.bf16.f32 v28;
	v27 =	vmul.f32 v27, v18;
	v30 =	vmul.f32 v30, v19  }
0x2a3: {  	v28 =	vmul.f32 v28, v22;
	v26 =	vadd.f32 v26, v31  }
0x2a4: {  	v31 =	vmul.f32 v60, v23;
	v27 =	vadd.f32 v27, v30;
	v30 =	vunpack.i.u.bf16.f32 v29  }
0x2a5: {  	v29 =	vunpack.i.l.bf16.f32 v29;
	v30 =	vmul.f32 v30, v25  }
0x2a6: {  	v29 =	vmul.f32 v29, v24;
	v28 =	vadd.f32 v28, v31;
	v26 =	vadd.f32 v26, v27;
	_ =	sdelay $0x1  }
0x2a7: {  	v27 =	vadd.f32 v29, v30;
	v26 =	vadd.f32 v28, v26;
	_ =	sdelay $0x1  }
0x2a8: {  	v26 =	vadd.f32 v27, v26;
	_ =	sdelay $0x1  }
0x2a9: {  	[tilespmem:$0x2280] =	vst v26  }
0x2aa: {  	v26 =	vld [tilespmem:s11+$0x70]  }
0x2ab: {  	v27 =	vld [tilespmem:s11+$0x60]  }
0x2ac: {  	v28 =	vld [tilespmem:s11+$0x80];
	_ =	sdelay $0x2  }
0x2ad: {  	v30 =	vunpack.i.u.bf16.f32 v26  }
0x2ae: {  	v29 =	vld [tilespmem:s11+$0x90];
	v31 =	vunpack.i.u.bf16.f32 v27;
	v27 =	vunpack.i.l.bf16.f32 v27;
	v26 =	vunpack.i.l.bf16.f32 v26  }
0x2af: {  	v61 =	vunpack.i.l.bf16.f32 v28;
	v27 =	vmul.f32 v27, v18;
	v31 =	vmul.f32 v31, v19  }
0x2b0: {  	v28 =	vunpack.i.u.bf16.f32 v28;
	v30 =	vmul.f32 v30, v20;
	v26 =	vmul.f32 v26, v21  }
0x2b1: {  	v32 =	vmul.f32 v61, v22;
	v28 =	vmul.f32 v28, v23  }
0x2b2: {  	v27 =	vadd.f32 v27, v31;
	v26 =	vadd.f32 v26, v30  }
0x2b3: {  	v31 =	vunpack.i.l.bf16.f32 v29;
	v29 =	vunpack.i.u.bf16.f32 v29;
	v28 =	vadd.f32 v32, v28  }
0x2b4: {  	v30 =	vmul.f32 v31, v24;
	v29 =	vmul.f32 v29, v25;
	v26 =	vadd.f32 v26, v27;
	_ =	sdelay $0x1  }
0x2b5: {  	v27 =	vadd.f32 v30, v29;
	v26 =	vadd.f32 v28, v26;
	_ =	sdelay $0x1  }
0x2b6: {  	v26 =	vadd.f32 v27, v26;
	_ =	sdelay $0x1  }
0x2b7: {  	[tilespmem:$0x2290] =	vst v26  }
0x2b8: {  	v26 =	vld [tilespmem:s11+$0xA0]  }
0x2b9: {  	v27 =	vld [tilespmem:s11+$0xB0]  }
0x2ba: {  	v28 =	vld [tilespmem:s11+$0xC0];
	_ =	sdelay $0x2  }
0x2bb: {  	v30 =	vunpack.i.u.bf16.f32 v26  }
0x2bc: {  	v29 =	vld [tilespmem:s11+$0xD0];
	v31 =	vunpack.i.u.bf16.f32 v27;
	v27 =	vunpack.i.l.bf16.f32 v27;
	v26 =	vunpack.i.l.bf16.f32 v26  }
0x2bd: {  	v62 =	vunpack.i.u.bf16.f32 v28;
	v27 =	vmul.f32 v27, v21;
	v31 =	vmul.f32 v31, v20  }
0x2be: {  	v28 =	vunpack.i.l.bf16.f32 v28;
	v26 =	vmul.f32 v26, v18;
	v30 =	vmul.f32 v30, v19  }
0x2bf: {  	v32 =	vmul.f32 v62, v23;
	v28 =	vmul.f32 v28, v22  }
0x2c0: {  	v27 =	vadd.f32 v27, v31;
	v26 =	vadd.f32 v26, v30  }
0x2c1: {  	v31 =	vunpack.i.u.bf16.f32 v29;
	v29 =	vunpack.i.l.bf16.f32 v29;
	v28 =	vadd.f32 v28, v32  }
0x2c2: {  	v30 =	vmul.f32 v31, v25;
	v29 =	vmul.f32 v29, v24;
	v26 =	vadd.f32 v27, v26;
	_ =	sdelay $0x1  }
0x2c3: {  	v27 =	vadd.f32 v29, v30;
	v26 =	vadd.f32 v28, v26;
	_ =	sdelay $0x1  }
0x2c4: {  	v26 =	vadd.f32 v27, v26;
	_ =	sdelay $0x1  }
0x2c5: {  	[tilespmem:$0x22A0] =	vst v26  }
0x2c6: {  	v26 =	vld [tilespmem:s11+$0xE0]  }
0x2c7: {  	v27 =	vld [tilespmem:s11+$0xF0]  }
0x2c8: {  	v28 =	vld [tilespmem:s11+$0x100];
	_ =	sdelay $0x2  }
0x2c9: {  	v30 =	vunpack.i.u.bf16.f32 v26  }
0x2ca: {  	v29 =	vld [tilespmem:s11+$0x110];
	v31 =	vunpack.i.u.bf16.f32 v27;
	v27 =	vunpack.i.l.bf16.f32 v27;
	v26 =	vunpack.i.l.bf16.f32 v26  }
0x2cb: {  	v63 =	vunpack.i.u.bf16.f32 v28;
	v27 =	vmul.f32 v27, v21;
	v31 =	vmul.f32 v31, v20  }
0x2cc: {  	v28 =	vunpack.i.l.bf16.f32 v28;
	v26 =	vmul.f32 v26, v18;
	v30 =	vmul.f32 v30, v19  }
0x2cd: {  	v32 =	vmul.f32 v63, v23;
	v28 =	vmul.f32 v28, v22  }
0x2ce: {  	v27 =	vadd.f32 v27, v31;
	v26 =	vadd.f32 v26, v30  }
0x2cf: {  	v31 =	vunpack.i.u.bf16.f32 v29;
	v29 =	vunpack.i.l.bf16.f32 v29;
	v28 =	vadd.f32 v28, v32  }
0x2d0: {  	v30 =	vmul.f32 v31, v25;
	v29 =	vmul.f32 v29, v24;
	v26 =	vadd.f32 v27, v26;
	_ =	sdelay $0x1  }
0x2d1: {  	v27 =	vadd.f32 v29, v30;
	v26 =	vadd.f32 v28, v26;
	_ =	sdelay $0x1  }
0x2d2: {  	v26 =	vadd.f32 v27, v26;
	_ =	sdelay $0x1  }
0x2d3: {  	[tilespmem:$0x22B0] =	vst v26  }
0x2d4: {  	v26 =	vld [tilespmem:s11+$0x120];
	_ =	sdelay $0x1  }
0x2d5: {  	v27 =	vld [tilespmem:s11+$0x130]  }
0x2d6: {  	v28 =	vld [tilespmem:s11+$0x140];
	_ =	sdelay $0x1  }
0x2d7: {  	v29 =	vld [tilespmem:s11+$0x150];
	v30 =	vunpack.i.l.bf16.f32 v26  }
0x2d8: {  	v26 =	vunpack.i.u.bf16.f32 v26;
	v18 =	vmul.f32 v30, v18  }
0x2d9: {  	v30 =	vunpack.i.u.bf16.f32 v27;
	v27 =	vunpack.i.l.bf16.f32 v27;
	v19 =	vmul.f32 v26, v19  }
0x2da: {  	v26 =	vunpack.i.u.bf16.f32 v28;
	v21 =	vmul.f32 v27, v21;
	v20 =	vmul.f32 v30, v20  }
0x2db: {  	v27 =	vunpack.i.l.bf16.f32 v28;
	v23 =	vmul.f32 v26, v23;
	v18 =	vadd.f32 v18, v19  }
0x2dc: {  	v19 =	vmul.f32 v27, v22;
	v22 =	vunpack.i.u.bf16.f32 v29;
	v20 =	vadd.f32 v21, v20  }
0x2dd: {  	v21 =	vunpack.i.l.bf16.f32 v29;
	v22 =	vmul.f32 v22, v25  }
0x2de: {  	v19 =	vadd.f32 v19, v23;
	v21 =	vmul.f32 v21, v24;
	v18 =	vadd.f32 v20, v18;
	_ =	sdelay $0x1  }
0x2df: {  	v20 =	vadd.f32 v21, v22;
	v18 =	vadd.f32 v19, v18;
	_ =	sdelay $0x1  }
0x2e0: {  	v18 =	vadd.f32 v20, v18;
	_ =	sdelay $0x1  }
0x2e1: {  	[tilespmem:$0x22C0] =	vst v18  }
0x2e2: {  	v18 =	vld.idx.msk [tilespmem:v0+s21+$0x0], $0xffff  }
0x2e3: {  	v21 =	vld.idx.msk [tilespmem:v2+s21+$0x0], $0xffff  }
0x2e4: {  	v23 =	vld.idx.msk [tilespmem:v3+s21+$0x0], $0xffff  }
0x2e5: {  	v25 =	vld.idx.msk [tilespmem:v4+s21+$0x0], $0xffff  }
0x2e6: {  	v26 =	vld.idx.msk [tilespmem:v5+s21+$0x0], $0xffff  }
0x2e7: {  	v27 =	vld.idx.msk [tilespmem:v6+s21+$0x0], $0xffff  }
0x2e8: {  	v19 =	vld.idx.msk [tilespmem:v7+s21+$0x0], $0xffff  }
0x2e9: {  	v20 =	vld.idx.msk [tilespmem:v8+s21+$0x0], $0xffff  }
0x2ea: {  	v22 =	vld.idx.msk [tilespmem:v10+s21+$0x0], $0xffff;
	v18 =	vadd.f32 v21, v18  }
0x2eb: {  	v24 =	vld.idx.msk [tilespmem:v12+s21+$0x0], $0xffff  }
0x2ec: {  	v21 =	vld.idx.msk [tilespmem:v9+s21+$0x0], $0xffff;
	v18 =	vadd.f32 v23, v18  }
0x2ed: {  	v23 =	vld.idx.msk [tilespmem:v11+s21+$0x0], $0xffff  }
0x2ee: {  	v28 =	vadd.f32 v25, v18;
	v25 =	vld.idx.msk [tilespmem:v13+s21+$0x0], $0xffff  }
0x2ef: {  	v18 =	vld.idx.msk [tilespmem:v14+s21+$0x0], $0xffff  }
0x2f0: {  	s31 =	simm.s32 $0x0;
	s29 =	simm.s32 $0x40;
	v28 =	vadd.f32 v26, v28;
	v26 =	vld.idx.msk [tilespmem:v15+s21+$0x0], $0xffff  }
.LBB2_9:
0x2f1: {  	p2 =	sne.s32 s29, $0x7C0;
	v29 =	vld.idx.msk [tilespmem:v16+s21+$0x0], $0xffff;
	s11 =	sadd.s32 $0x2C0, s11;
	s22 =	sadd.s32 $0x40, s22  }
0x2f2: {  	v27 =	vadd.f32 v27, v28;
	s12 =	smov.u32 s29;
	s29 =	sadd.s32 $0x40, s29;
	_ =	sdelay $0x1  }
0x2f3: {  	v19 =	vadd.f32 v19, v27;
	_ =	sdelay $0x1  }
0x2f4: {  	v19 =	vadd.f32 v20, v19;
	_ =	sdelay $0x1  }
0x2f5: {  	v19 =	vadd.f32 v21, v19;
	_ =	sdelay $0x1  }
0x2f6: {  	v19 =	vadd.f32 v22, v19;
	_ =	sdelay $0x1  }
0x2f7: {  	v19 =	vadd.f32 v23, v19;
	_ =	sdelay $0x1  }
0x2f8: {  	v19 =	vadd.f32 v24, v19;
	_ =	sdelay $0x1  }
0x2f9: {  	v19 =	vadd.f32 v25, v19;
	_ =	sdelay $0x1  }
0x2fa: {  	v18 =	vadd.f32 v18, v19;
	_ =	sdelay $0x1  }
0x2fb: {  	v18 =	vadd.f32 v26, v18;
	_ =	sdelay $0x1  }
0x2fc: {  	v18 =	vadd.f32 v29, v18;
	_ =	sdelay $0x1  }
0x2fd: {  	v18 =	vmul.f32 v17, v18  }
0x2fe: {  	s14 =	sshra.s32 s31, $0x2;
	s31 =	smov.u32 s12  }
0x2ff: {  	[tilespmem:s14+$0x1E20] =	vst v18  }
0x300: {  	v18 =	vld [tilespmem:s22+$0xFFFFFFE0]  }
0x301: {  	v20 =	vld [tilespmem:s11+$0xFFFFFEB0]  }
0x302: {  	v22 =	vld [tilespmem:s11+$0xFFFFFEA0]  }
0x303: {  	v21 =	vld [tilespmem:s22+$0xFFFFFFF0];
	_ =	sdelay $0x1  }
0x304: {  	v24 =	vld [tilespmem:s11+$0xFFFFFEC0]  }
0x305: {  	v19 =	vunpack.i.l.bf16.f32 v18;
	v25 =	vld [tilespmem:s22+$0x0];
	v23 =	vunpack.i.u.bf16.f32 v20  }
0x306: {  	v18 =	vunpack.i.u.bf16.f32 v18;
	v27 =	vunpack.i.l.bf16.f32 v20;
	v26 =	vunpack.i.u.bf16.f32 v22  }
0x307: {  	v22 =	vunpack.i.l.bf16.f32 v22;
	v20 =	vunpack.i.u.bf16.f32 v21;
	v21 =	vunpack.i.l.bf16.f32 v21;
	v28 =	vld [tilespmem:s11+$0xFFFFFED0]  }
0x308: {  	v29 =	vld [tilespmem:s22+$0x10];
	v27 =	vmul.f32 v27, v21;
	v30 =	vmul.f32 v23, v20  }
0x309: {  	v31 =	vmul.f32 v22, v19;
	v26 =	vmul.f32 v26, v18;
	v32 =	vunpack.i.u.bf16.f32 v24  }
0x30a: {  	v23 =	vunpack.i.u.bf16.f32 v25;
	v22 =	vunpack.i.l.bf16.f32 v25;
	v27 =	vadd.f32 v27, v30  }
0x30b: {  	v26 =	vadd.f32 v31, v26;
	v24 =	vunpack.i.l.bf16.f32 v24;
	v30 =	vmul.f32 v32, v23  }
0x30c: {  	v31 =	vmul.f32 v24, v22;
	v32 =	vunpack.i.u.bf16.f32 v28;
	v28 =	vunpack.i.l.bf16.f32 v28  }
0x30d: {  	v26 =	vadd.f32 v27, v26;
	v25 =	vunpack.i.u.bf16.f32 v29;
	v24 =	vunpack.i.l.bf16.f32 v29  }
0x30e: {  	v27 =	vadd.f32 v31, v30;
	v28 =	vmul.f32 v28, v24;
	v29 =	vmul.f32 v32, v25;
	_ =	sdelay $0x1  }
0x30f: {  	v26 =	vadd.f32 v27, v26;
	v28 =	vadd.f32 v28, v29;
	_ =	sdelay $0x1  }
0x310: {  	v26 =	vadd.f32 v28, v26;
	_ =	sdelay $0x1  }
0x311: {  	[tilespmem:$0x2220] =	vst v26  }
0x312: {  	v26 =	vld [tilespmem:s11+$0xFFFFFEF0]  }
0x313: {  	v27 =	vld [tilespmem:s11+$0xFFFFFEE0];
	_ =	sdelay $0x2  }
0x314: {  	v28 =	vld [tilespmem:s11+$0xFFFFFF00];
	_ =	sdelay $0x1  }
0x315: {  	v30 =	vunpack.i.u.bf16.f32 v26;
	v26 =	vunpack.i.l.bf16.f32 v26;
	v29 =	vunpack.i.u.bf16.f32 v27  }
0x316: {  	v27 =	vunpack.i.l.bf16.f32 v27;
	v26 =	vmul.f32 v26, v21;
	v29 =	vmul.f32 v29, v18;
	v31 =	vld [tilespmem:s11+$0xFFFFFF10]  }
0x317: {  	v30 =	vmul.f32 v30, v20;
	v27 =	vmul.f32 v27, v19  }
0x318: {  	v32 =	vunpack.i.u.bf16.f32 v28;
	v28 =	vunpack.i.l.bf16.f32 v28  }
0x319: {  	v26 =	vadd.f32 v26, v30;
	v27 =	vadd.f32 v27, v29;
	v28 =	vmul.f32 v28, v22  }
0x31a: {  	v29 =	vmul.f32 v32, v23  }
0x31b: {  	v26 =	vadd.f32 v26, v27;
	v30 =	vunpack.i.u.bf16.f32 v31;
	v31 =	vunpack.i.l.bf16.f32 v31  }
0x31c: {  	v27 =	vadd.f32 v28, v29;
	v28 =	vmul.f32 v31, v24;
	v29 =	vmul.f32 v30, v25;
	_ =	sdelay $0x1  }
0x31d: {  	v26 =	vadd.f32 v27, v26;
	v28 =	vadd.f32 v28, v29;
	_ =	sdelay $0x1  }
0x31e: {  	v26 =	vadd.f32 v28, v26;
	_ =	sdelay $0x1  }
0x31f: {  	[tilespmem:$0x2230] =	vst v26  }
0x320: {  	v26 =	vld [tilespmem:s11+$0xFFFFFF20]  }
0x321: {  	v27 =	vld [tilespmem:s11+$0xFFFFFF30]  }
0x322: {  	v28 =	vld [tilespmem:s11+$0xFFFFFF40]  }
0x323: {  	v29 =	vld [tilespmem:s11+$0xFFFFFF50];
	_ =	sdelay $0x1  }
0x324: {  	v30 =	vunpack.i.u.bf16.f32 v26;
	v26 =	vunpack.i.l.bf16.f32 v26  }
0x325: {  	v26 =	vmul.f32 v26, v19;
	v31 =	vunpack.i.u.bf16.f32 v27;
	v27 =	vunpack.i.l.bf16.f32 v27  }
0x326: {  	v27 =	vmul.f32 v27, v21;
	v31 =	vmul.f32 v31, v20;
	v32 =	vunpack.i.u.bf16.f32 v28  }
0x327: {  	v30 =	vmul.f32 v30, v18;
	v28 =	vunpack.i.l.bf16.f32 v28;
	v32 =	vmul.f32 v32, v23  }
0x328: {  	v28 =	vmul.f32 v28, v22;
	v27 =	vadd.f32 v27, v31;
	v31 =	vunpack.i.u.bf16.f32 v29  }
0x329: {  	v26 =	vadd.f32 v26, v30;
	v29 =	vunpack.i.l.bf16.f32 v29;
	v30 =	vmul.f32 v31, v25  }
0x32a: {  	v29 =	vmul.f32 v29, v24  }
0x32b: {  	v28 =	vadd.f32 v28, v32;
	v26 =	vadd.f32 v27, v26;
	_ =	sdelay $0x1  }
0x32c: {  	v27 =	vadd.f32 v29, v30;
	v26 =	vadd.f32 v28, v26;
	_ =	sdelay $0x1  }
0x32d: {  	v26 =	vadd.f32 v27, v26;
	_ =	sdelay $0x1  }
0x32e: {  	[tilespmem:$0x2240] =	vst v26  }
0x32f: {  	v26 =	vld [tilespmem:s11+$0xFFFFFF60]  }
0x330: {  	v27 =	vld [tilespmem:s11+$0xFFFFFF70]  }
0x331: {  	v28 =	vld [tilespmem:s11+$0xFFFFFF80]  }
0x332: {  	v29 =	vld [tilespmem:s11+$0xFFFFFF90];
	_ =	sdelay $0x1  }
0x333: {  	v30 =	vunpack.i.u.bf16.f32 v26;
	v26 =	vunpack.i.l.bf16.f32 v26  }
0x334: {  	v26 =	vmul.f32 v26, v19;
	v31 =	vunpack.i.u.bf16.f32 v27;
	v27 =	vunpack.i.l.bf16.f32 v27  }
0x335: {  	v27 =	vmul.f32 v27, v21;
	v31 =	vmul.f32 v31, v20;
	v32 =	vunpack.i.u.bf16.f32 v28  }
0x336: {  	v30 =	vmul.f32 v30, v18;
	v28 =	vunpack.i.l.bf16.f32 v28;
	v32 =	vmul.f32 v32, v23  }
0x337: {  	v28 =	vmul.f32 v28, v22;
	v27 =	vadd.f32 v27, v31;
	v31 =	vunpack.i.u.bf16.f32 v29  }
0x338: {  	v26 =	vadd.f32 v26, v30;
	v29 =	vunpack.i.l.bf16.f32 v29;
	v30 =	vmul.f32 v31, v25  }
0x339: {  	v29 =	vmul.f32 v29, v24  }
0x33a: {  	v28 =	vadd.f32 v28, v32;
	v26 =	vadd.f32 v27, v26;
	_ =	sdelay $0x1  }
0x33b: {  	v27 =	vadd.f32 v29, v30;
	v26 =	vadd.f32 v28, v26;
	_ =	sdelay $0x1  }
0x33c: {  	v26 =	vadd.f32 v27, v26;
	_ =	sdelay $0x1  }
0x33d: {  	[tilespmem:$0x2250] =	vst v26  }
0x33e: {  	v26 =	vld [tilespmem:s11+$0xFFFFFFA0]  }
0x33f: {  	v27 =	vld [tilespmem:s11+$0xFFFFFFB0]  }
0x340: {  	v28 =	vld [tilespmem:s11+$0xFFFFFFC0]  }
0x341: {  	v29 =	vld [tilespmem:s11+$0xFFFFFFD0];
	_ =	sdelay $0x1  }
0x342: {  	v30 =	vunpack.i.u.bf16.f32 v26;
	v26 =	vunpack.i.l.bf16.f32 v26  }
0x343: {  	v26 =	vmul.f32 v26, v19;
	v31 =	vunpack.i.u.bf16.f32 v27;
	v27 =	vunpack.i.l.bf16.f32 v27  }
0x344: {  	v27 =	vmul.f32 v27, v21;
	v31 =	vmul.f32 v31, v20;
	v32 =	vunpack.i.u.bf16.f32 v28  }
0x345: {  	v30 =	vmul.f32 v30, v18;
	v28 =	vunpack.i.l.bf16.f32 v28;
	v32 =	vmul.f32 v32, v23  }
0x346: {  	v28 =	vmul.f32 v28, v22;
	v27 =	vadd.f32 v27, v31;
	v31 =	vunpack.i.u.bf16.f32 v29  }
0x347: {  	v26 =	vadd.f32 v26, v30;
	v29 =	vunpack.i.l.bf16.f32 v29;
	v30 =	vmul.f32 v31, v25  }
0x348: {  	v28 =	vadd.f32 v28, v32;
	v29 =	vmul.f32 v29, v24  }
0x349: {  	v26 =	vadd.f32 v27, v26  }
0x34a: {  	v27 =	vadd.f32 v29, v30  }
0x34b: {  	v26 =	vadd.f32 v28, v26;
	_ =	sdelay $0x1  }
0x34c: {  	v26 =	vadd.f32 v27, v26;
	_ =	sdelay $0x1  }
0x34d: {  	[tilespmem:$0x2260] =	vst v26  }
0x34e: {  	v26 =	vld [tilespmem:s11+$0xFFFFFFE0]  }
0x34f: {  	v27 =	vld [tilespmem:s11+$0xFFFFFFF0]  }
0x350: {  	v28 =	vld [tilespmem:s11+$0x10]  }
0x351: {  	v29 =	vld [tilespmem:s11+$0x0];
	_ =	sdelay $0x1  }
0x352: {  	v30 =	vunpack.i.u.bf16.f32 v26;
	v26 =	vunpack.i.l.bf16.f32 v26  }
0x353: {  	v26 =	vmul.f32 v26, v19;
	v31 =	vunpack.i.u.bf16.f32 v27;
	v27 =	vunpack.i.l.bf16.f32 v27  }
0x354: {  	v27 =	vmul.f32 v27, v21;
	v31 =	vmul.f32 v31, v20;
	v32 =	vunpack.i.u.bf16.f32 v28  }
0x355: {  	v30 =	vmul.f32 v30, v18;
	v33 =	vunpack.i.u.bf16.f32 v29;
	v32 =	vmul.f32 v32, v25  }
0x356: {  	v29 =	vunpack.i.l.bf16.f32 v29;
	v27 =	vadd.f32 v27, v31;
	v31 =	vmul.f32 v33, v23  }
0x357: {  	v28 =	vunpack.i.l.bf16.f32 v28;
	v26 =	vadd.f32 v26, v30;
	v29 =	vmul.f32 v29, v22  }
0x358: {  	v28 =	vmul.f32 v28, v24  }
0x359: {  	v29 =	vadd.f32 v29, v31;
	v26 =	vadd.f32 v27, v26  }
0x35a: {  	v27 =	vadd.f32 v28, v32  }
0x35b: {  	v26 =	vadd.f32 v29, v26;
	_ =	sdelay $0x1  }
0x35c: {  	v26 =	vadd.f32 v27, v26;
	_ =	sdelay $0x1  }
0x35d: {  	[tilespmem:$0x2270] =	vst v26  }
0x35e: {  	v26 =	vld [tilespmem:s11+$0x30]  }
0x35f: {  	v27 =	vld [tilespmem:s11+$0x20]  }
0x360: {  	v28 =	vld [tilespmem:s11+$0x40]  }
0x361: {  	v29 =	vld [tilespmem:s11+$0x50];
	_ =	sdelay $0x2  }
0x362: {  	v31 =	vunpack.i.u.bf16.f32 v26;
	v26 =	vunpack.i.l.bf16.f32 v26;
	v30 =	vunpack.i.u.bf16.f32 v27  }
0x363: {  	v27 =	vunpack.i.l.bf16.f32 v27;
	v26 =	vmul.f32 v26, v21;
	v31 =	vmul.f32 v31, v20  }
0x364: {  	v27 =	vmul.f32 v27, v19;
	v30 =	vmul.f32 v30, v18;
	v32 =	vunpack.i.u.bf16.f32 v28  }
0x365: {  	v28 =	vunpack.i.l.bf16.f32 v28;
	v26 =	vadd.f32 v26, v31;
	v31 =	vmul.f32 v32, v23  }
0x366: {  	v28 =	vmul.f32 v28, v22;
	v27 =	vadd.f32 v27, v30;
	v30 =	vunpack.i.u.bf16.f32 v29  }
0x367: {  	v29 =	vunpack.i.l.bf16.f32 v29;
	v30 =	vmul.f32 v30, v25  }
0x368: {  	v28 =	vadd.f32 v28, v31;
	v29 =	vmul.f32 v29, v24;
	v26 =	vadd.f32 v26, v27;
	_ =	sdelay $0x1  }
0x369: {  	v27 =	vadd.f32 v29, v30;
	v26 =	vadd.f32 v28, v26;
	_ =	sdelay $0x1  }
0x36a: {  	v26 =	vadd.f32 v27, v26;
	_ =	sdelay $0x1  }
0x36b: {  	[tilespmem:$0x2280] =	vst v26  }
0x36c: {  	v26 =	vld [tilespmem:s11+$0x70]  }
0x36d: {  	v27 =	vld [tilespmem:s11+$0x60]  }
0x36e: {  	v28 =	vld [tilespmem:s11+$0x80]  }
0x36f: {  	v29 =	vld [tilespmem:s11+$0x90];
	_ =	sdelay $0x1  }
0x370: {  	v30 =	vunpack.i.u.bf16.f32 v26;
	v26 =	vunpack.i.l.bf16.f32 v26  }
0x371: {  	v31 =	vunpack.i.u.bf16.f32 v27;
	v27 =	vunpack.i.l.bf16.f32 v27;
	v30 =	vmul.f32 v30, v20  }
0x372: {  	v27 =	vmul.f32 v27, v19;
	v31 =	vmul.f32 v31, v18;
	v32 =	vunpack.i.l.bf16.f32 v28  }
0x373: {  	v26 =	vmul.f32 v26, v21;
	v32 =	vmul.f32 v32, v22;
	v33 =	vunpack.i.u.bf16.f32 v29  }
0x374: {  	v28 =	vunpack.i.u.bf16.f32 v28;
	v29 =	vunpack.i.l.bf16.f32 v29;
	v27 =	vadd.f32 v27, v31  }
0x375: {  	v26 =	vadd.f32 v26, v30;
	v28 =	vmul.f32 v28, v23;
	v29 =	vmul.f32 v29, v24  }
0x376: {  	v30 =	vmul.f32 v33, v25  }
0x377: {  	v28 =	vadd.f32 v32, v28;
	v26 =	vadd.f32 v26, v27;
	_ =	sdelay $0x1  }
0x378: {  	v27 =	vadd.f32 v29, v30;
	v26 =	vadd.f32 v28, v26;
	_ =	sdelay $0x1  }
0x379: {  	v26 =	vadd.f32 v27, v26;
	_ =	sdelay $0x1  }
0x37a: {  	[tilespmem:$0x2290] =	vst v26  }
0x37b: {  	v26 =	vld [tilespmem:s11+$0xA0]  }
0x37c: {  	v27 =	vld [tilespmem:s11+$0xB0]  }
0x37d: {  	v28 =	vld [tilespmem:s11+$0xC0]  }
0x37e: {  	v29 =	vld [tilespmem:s11+$0xD0];
	_ =	sdelay $0x1  }
0x37f: {  	v30 =	vunpack.i.u.bf16.f32 v26;
	v26 =	vunpack.i.l.bf16.f32 v26  }
0x380: {  	v26 =	vmul.f32 v26, v19;
	v31 =	vunpack.i.u.bf16.f32 v27;
	v27 =	vunpack.i.l.bf16.f32 v27  }
0x381: {  	v27 =	vmul.f32 v27, v21;
	v31 =	vmul.f32 v31, v20;
	v32 =	vunpack.i.u.bf16.f32 v28  }
0x382: {  	v30 =	vmul.f32 v30, v18;
	v28 =	vunpack.i.l.bf16.f32 v28;
	v32 =	vmul.f32 v32, v23  }
0x383: {  	v28 =	vmul.f32 v28, v22;
	v27 =	vadd.f32 v27, v31;
	v31 =	vunpack.i.u.bf16.f32 v29  }
0x384: {  	v26 =	vadd.f32 v26, v30;
	v29 =	vunpack.i.l.bf16.f32 v29;
	v30 =	vmul.f32 v31, v25  }
0x385: {  	v29 =	vmul.f32 v29, v24  }
0x386: {  	v28 =	vadd.f32 v28, v32;
	v26 =	vadd.f32 v27, v26;
	_ =	sdelay $0x1  }
0x387: {  	v27 =	vadd.f32 v29, v30;
	v26 =	vadd.f32 v28, v26;
	_ =	sdelay $0x1  }
0x388: {  	v26 =	vadd.f32 v27, v26;
	_ =	sdelay $0x1  }
0x389: {  	[tilespmem:$0x22A0] =	vst v26  }
0x38a: {  	v26 =	vld [tilespmem:s11+$0xE0]  }
0x38b: {  	v27 =	vld [tilespmem:s11+$0xF0]  }
0x38c: {  	v28 =	vld [tilespmem:s11+$0x100]  }
0x38d: {  	v29 =	vld [tilespmem:s11+$0x110];
	_ =	sdelay $0x1  }
0x38e: {  	v30 =	vunpack.i.u.bf16.f32 v26;
	v26 =	vunpack.i.l.bf16.f32 v26  }
0x38f: {  	v26 =	vmul.f32 v26, v19;
	v31 =	vunpack.i.u.bf16.f32 v27;
	v27 =	vunpack.i.l.bf16.f32 v27  }
0x390: {  	v27 =	vmul.f32 v27, v21;
	v31 =	vmul.f32 v31, v20;
	v32 =	vunpack.i.u.bf16.f32 v28  }
0x391: {  	v30 =	vmul.f32 v30, v18;
	v28 =	vunpack.i.l.bf16.f32 v28;
	v32 =	vmul.f32 v32, v23  }
0x392: {  	v28 =	vmul.f32 v28, v22;
	v27 =	vadd.f32 v27, v31;
	v31 =	vunpack.i.u.bf16.f32 v29  }
0x393: {  	v26 =	vadd.f32 v26, v30;
	v29 =	vunpack.i.l.bf16.f32 v29;
	v30 =	vmul.f32 v31, v25  }
0x394: {  	v29 =	vmul.f32 v29, v24  }
0x395: {  	v28 =	vadd.f32 v28, v32;
	v26 =	vadd.f32 v27, v26;
	_ =	sdelay $0x1  }
0x396: {  	v27 =	vadd.f32 v29, v30;
	v26 =	vadd.f32 v28, v26;
	_ =	sdelay $0x1  }
0x397: {  	v26 =	vadd.f32 v27, v26;
	_ =	sdelay $0x1  }
0x398: {  	[tilespmem:$0x22B0] =	vst v26  }
0x399: {  	v26 =	vld [tilespmem:s11+$0x120]  }
0x39a: {  	v27 =	vld [tilespmem:s11+$0x130]  }
0x39b: {  	v28 =	vld [tilespmem:s11+$0x140]  }
0x39c: {  	v29 =	vld [tilespmem:s11+$0x150];
	_ =	sdelay $0x1  }
0x39d: {  	v30 =	vunpack.i.u.bf16.f32 v26;
	v26 =	vunpack.i.l.bf16.f32 v26  }
0x39e: {  	v19 =	vmul.f32 v26, v19;
	v26 =	vunpack.i.u.bf16.f32 v27;
	v27 =	vunpack.i.l.bf16.f32 v27  }
0x39f: {  	v18 =	vmul.f32 v30, v18;
	v21 =	vmul.f32 v27, v21;
	v27 =	vunpack.i.u.bf16.f32 v28  }
0x3a0: {  	v20 =	vmul.f32 v26, v20;
	v26 =	vunpack.i.l.bf16.f32 v28;
	v23 =	vmul.f32 v27, v23  }
0x3a1: {  	v18 =	vadd.f32 v19, v18;
	v19 =	vmul.f32 v26, v22;
	v22 =	vunpack.i.u.bf16.f32 v29  }
0x3a2: {  	v20 =	vadd.f32 v21, v20;
	v21 =	vunpack.i.l.bf16.f32 v29;
	v22 =	vmul.f32 v22, v25  }
0x3a3: {  	v19 =	vadd.f32 v19, v23;
	v21 =	vmul.f32 v21, v24  }
0x3a4: {  	v18 =	vadd.f32 v20, v18;
	_ =	sdelay $0x1  }
0x3a5: {  	v20 =	vadd.f32 v21, v22;
	v18 =	vadd.f32 v19, v18;
	_ =	sdelay $0x1  }
0x3a6: {  	v18 =	vadd.f32 v20, v18;
	_ =	sdelay $0x1  }
0x3a7: {  	[tilespmem:$0x22C0] =	vst v18  }
0x3a8: {  	v18 =	vld.idx.msk [tilespmem:v0+s21+$0x0], $0xffff  }
0x3a9: {  	v20 =	vld.idx.msk [tilespmem:v2+s21+$0x0], $0xffff  }
0x3aa: {  	v22 =	vld.idx.msk [tilespmem:v3+s21+$0x0], $0xffff  }
0x3ab: {  	v24 =	vld.idx.msk [tilespmem:v4+s21+$0x0], $0xffff  }
0x3ac: {  	v26 =	vld.idx.msk [tilespmem:v5+s21+$0x0], $0xffff  }
0x3ad: {  	v27 =	vld.idx.msk [tilespmem:v6+s21+$0x0], $0xffff  }
0x3ae: {  	v19 =	vld.idx.msk [tilespmem:v7+s21+$0x0], $0xffff  }
0x3af: {  	v18 =	vadd.f32 v20, v18;
	v20 =	vld.idx.msk [tilespmem:v8+s21+$0x0], $0xffff  }
0x3b0: {  	v21 =	vld.idx.msk [tilespmem:v9+s21+$0x0], $0xffff  }
0x3b1: {  	v18 =	vadd.f32 v22, v18;
	v22 =	vld.idx.msk [tilespmem:v10+s21+$0x0], $0xffff  }
.Ltmp5:
0x3b2: {  	v23 =	vld.idx.msk [tilespmem:v11+s21+$0x0], $0xffff;
	(pc) =	sbr.rel @p2 .LBB2_9-.Ltmp5, $4  }
0x3b3: {  	v18 =	vadd.f32 v24, v18;
	v24 =	vld.idx.msk [tilespmem:v12+s21+$0x0], $0xffff  }
0x3b4: {  	v25 =	vld.idx.msk [tilespmem:v13+s21+$0x0], $0xffff  }
0x3b5: {  	v28 =	vadd.f32 v26, v18;
	v18 =	vld.idx.msk [tilespmem:v14+s21+$0x0], $0xffff  }
0x3b6: {  	v26 =	vld.idx.msk [tilespmem:v15+s21+$0x0], $0xffff  }
0x3b7: {  	v27 =	vadd.f32 v27, v28;
	_ =	sdelay $0x1  }
0x3b8: {  	v19 =	vadd.f32 v19, v27;
	_ =	sdelay $0x1  }
0x3b9: {  	v19 =	vadd.f32 v20, v19;
	_ =	sdelay $0x1  }
0x3ba: {  	v19 =	vadd.f32 v21, v19;
	_ =	sdelay $0x1  }
0x3bb: {  	v19 =	vadd.f32 v22, v19;
	_ =	sdelay $0x1  }
0x3bc: {  	v19 =	vadd.f32 v23, v19;
	_ =	sdelay $0x1  }
0x3bd: {  	v19 =	vadd.f32 v24, v19;
	_ =	sdelay $0x1  }
0x3be: {  	v19 =	vadd.f32 v25, v19  }
0x3bf: {  	v63 =	vld.idx.msk [tilespmem:v16+s21+$0x0], $0xffff  }
0x3c0: {  	v18 =	vadd.f32 v18, v19;
	_ =	sdelay $0x1  }
0x3c1: {  	v18 =	vadd.f32 v26, v18;
	_ =	sdelay $0x1  }
0x3c2: {  	s22 =	smul.u32 $0x600, s23;
	v18 =	vadd.f32 v63, v18  }
.Ltmp6:
0x3c3: {  	_ = 	snop;
	(pc) =	sbr.rel @p1 .LBB2_16-.Ltmp6, $4  }
0x3c4: {  	s11 =	sadd.s32 s19, s22;
	v18 =	vmul.f32 v17, v18  }
0x3c5: {  	s12 =	sshra.s32 s31, $0x2;
	s11 =	sshrl.u32 s11, $0x3  }
0x3c6: {  	s31 =	simm.s32 $0x1E20;
	s11 =	sadd.s32 s5, s11;
	[tilespmem:s12+$0x1E20] =	vst v18  }
0x3c7: {  	[hbm4b:s11+s2] =	stream.linear.scatter [tilespmem:s31], [sflag:$0xB], $0x200, $0x38;
	[tilespmem:$0x12C20] =	vst v63  }
0x3c8: {  	s1 =	sshll.u32 s1, $0x8  }
0x3c9: {  	s11 =	simm.s32 $0x800;
	s1 =	sadd.s32 s1, s10  }
0x3ca: {  	[tilespmem:s11], [sflag:$0x2] =	stream.linear.gather [hbm4b:s1+s2], $0x800, $0x38;
	[tilespmem:$0x12C20] =	vst v63  }
0x3cb: {  	_ =	swait.ge [sflag:s9], $0x80  }
0x3cc: {  	[sflag:s9] =	ssyncset.done $0x0  }
0x3cd: {  	[sflag:s9] =	ssyncadd.s32 $0xFFFFFF80  }
0x3ce: {  	_ =	swait.ge [sflag:s9], $0x80  }
0x3cf: {  	[sflag:s9] =	ssyncset.done $0x0  }
0x3d0: {  	[sflag:s9] =	ssyncadd.s32 $0xFFFFFF80  }
0x3d1: {  	_ =	swait.ge [sflag:s9], $0x60  }
0x3d2: {  	[sflag:s9] =	ssyncset.done $0x0  }
0x3d3: {  	s29 =	simm.s32 $0x7C20;
	[sflag:s9] =	ssyncadd.s32 $0xFFFFFFA0  }
0x3d4: {  	[tilespmem:s29], [sflag:$0x5] =	stream.indirect.gather [hbm4b:s3+s7], $0x40, s25, s7, $0xb8;
	[tilespmem:$0x12C20] =	vst v63  }
0x3d5: {  	s31 =	simm.s32 $0x9C20  }
0x3d6: {  	[tilespmem:s31], [sflag:$0x5] =	stream.indirect.gather [hbm4b:s3+s7], $0x40, s26, s7, $0xb8;
	[tilespmem:$0x12C20] =	vst v63  }
0x3d7: {  	_ = 	snop  }
0x3d8: {  	[tilespmem:s15], [sflag:$0x5] =	stream.indirect.gather [hbm4b:s3+s8], $0x40, s28, s8, $0xb8;
	[tilespmem:$0x12C20] =	vst v63  }
0x3d9: {  	_ =	swait.ge [sflag:s0], $0x2000  }
0x3da: {  	[sflag:s0] =	ssyncset.done $0x0  }
0x3db: {  	[sflag:s0] =	ssyncadd.s32 $0xFFFFE000  }
0x3dc: {  	_ =	swait.ge [sflag:s0], $0x2000  }
0x3dd: {  	[sflag:s0] =	ssyncset.done $0x0  }
0x3de: {  	[sflag:s0] =	ssyncadd.s32 $0xFFFFE000  }
0x3df: {  	_ =	swait.ge [sflag:s0], $0x1800  }
0x3e0: {  	[sflag:s0] =	ssyncset.done $0x0  }
0x3e1: {  	p1 =	sgt.u32 @!p0 s23, $0x28;
	[sflag:s0] =	ssyncadd.s32 $0xFFFFE800  }
0x3e2: {  	p2 =	por p0, !p1;
	_ =	swait.ge [sflag:s18], $0x800  }
.Ltmp7:
0x3e3: {  	[sflag:s18] =	ssyncset.done $0x0;
	(pc) =	sbr.rel @!p2 .LBB2_13-.Ltmp7, $4  }
0x3e4: {  	s1 =	simm.s32 @!p0 $0xC;
	[sflag:s18] =	ssyncadd.s32 $0xFFFFF800  }
0x3e5: {  	_ =	swait.ge @!p0 [sflag:s1], $0x200  }
0x3e6: {  	[sflag:s1] =	ssyncset.done @!p0 $0x0  }
0x3e7: {  	p1 =	por @!p0 $0x0, $0x0;
	[sflag:s1] =	ssyncadd.s32 @!p0 $0xFFFFFE00;
	s1 =	sadd.s32 @!p0 $0x5, s24  }
0x3e8: {  	s1 =	simm.s32 @p0 $0x5  }
0x3e9: {  	s11 =	sshll.u32 s1, $0x5  }
0x3ea: {  	s11 =	sadd.s32 s6, s11  }
0x3eb: {  	s11 =	smul.u32 $0xB, s11;
	_ =	sdelay $0x1  }
0x3ec: {  	s11 =	sshrl.u32 s11, $0x3  }
0x3ed: {  	s12 =	simm.s32 $0x1AC0;
	s11 =	sadd.s32 s4, s11  }
0x3ee: {  	[tilespmem:s12], [sflag:$0x9] =	stream.linear.gather [hbm4b:s11+s2], $0x80, $0x38;
	[tilespmem:$0x12C20] =	vst v63  }
0x3ef: {  	s14 =	simm.s32 $0x1B40;
	s29 =	sadd.s32 $0x10, s11  }
0x3f0: {  	[tilespmem:s14], [sflag:$0x9] =	stream.linear.gather [hbm4b:s29+s2], $0x80, $0x38;
	[tilespmem:$0x12C20] =	vst v63  }
0x3f1: {  	s31 =	simm.s32 $0x1BC0;
	p1 =	por $0x1, $0x1;
	s11 =	sadd.s32 $0x20, s11  }
0x3f2: {  	[tilespmem:s31], [sflag:$0x9] =	stream.linear.gather [hbm4b:s11+s2], $0x60, $0x38;
	[tilespmem:$0x12C20] =	vst v63  }
.LBB2_13:
0x3f3: {  	s24 =	simm.s32 $0x1020  }
0x3f4: {  	s11 =	simm.s32 $0xD580;
	v19 =	vld [tilespmem:s24+$0xFFFFFFE0]  }
0x3f5: {  	v20 =	vld [tilespmem:s11+$0xFFFFFEB0]  }
0x3f6: {  	v22 =	vld [tilespmem:s11+$0xFFFFFEA0]  }
0x3f7: {  	v21 =	vld [tilespmem:s24+$0xFFFFFFF0]  }
0x3f8: {  	v24 =	vld [tilespmem:s11+$0xFFFFFEC0]  }
0x3f9: {  	v28 =	vld [tilespmem:s11+$0xFFFFFED0]  }
0x3fa: {  	v25 =	vld [tilespmem:s24+$0x0];
	v18 =	vunpack.i.l.bf16.f32 v19  }
0x3fb: {  	v29 =	vld [tilespmem:s24+$0x10];
	v23 =	vunpack.i.u.bf16.f32 v20;
	v19 =	vunpack.i.u.bf16.f32 v19;
	v26 =	vunpack.i.u.bf16.f32 v22  }
0x3fc: {  	v27 =	vunpack.i.l.bf16.f32 v20;
	v20 =	vunpack.i.u.bf16.f32 v21;
	v21 =	vunpack.i.l.bf16.f32 v21  }
0x3fd: {  	v22 =	vunpack.i.l.bf16.f32 v22;
	v32 =	vunpack.i.u.bf16.f32 v24;
	v24 =	vunpack.i.l.bf16.f32 v24  }
0x3fe: {  	v54 =	vunpack.i.u.bf16.f32 v28;
	v27 =	vmul.f32 v27, v21;
	v30 =	vmul.f32 v23, v20  }
0x3ff: {  	v31 =	vmul.f32 v22, v18;
	v26 =	vmul.f32 v26, v19;
	v23 =	vunpack.i.u.bf16.f32 v25  }
0x400: {  	v22 =	vunpack.i.l.bf16.f32 v25;
	v25 =	vunpack.i.u.bf16.f32 v29;
	v27 =	vadd.f32 v27, v30  }
0x401: {  	v26 =	vadd.f32 v31, v26;
	v30 =	vmul.f32 v32, v23;
	v31 =	vmul.f32 v24, v22  }
0x402: {  	v28 =	vunpack.i.l.bf16.f32 v28;
	v24 =	vunpack.i.l.bf16.f32 v29;
	v29 =	vmul.f32 v54, v25  }
0x403: {  	v28 =	vmul.f32 v28, v24;
	v26 =	vadd.f32 v27, v26;
	v27 =	vadd.f32 v31, v30;
	_ =	sdelay $0x1  }
0x404: {  	v28 =	vadd.f32 v28, v29;
	v26 =	vadd.f32 v27, v26;
	_ =	sdelay $0x1  }
0x405: {  	v26 =	vadd.f32 v28, v26;
	_ =	sdelay $0x1  }
0x406: {  	[tilespmem:$0x2220] =	vst v26  }
0x407: {  	v26 =	vld [tilespmem:s11+$0xFFFFFEF0]  }
0x408: {  	v27 =	vld [tilespmem:s11+$0xFFFFFEE0];
	_ =	sdelay $0x2  }
0x409: {  	v28 =	vld [tilespmem:s11+$0xFFFFFF00];
	_ =	sdelay $0x1  }
0x40a: {  	v29 =	vunpack.i.u.bf16.f32 v27;
	v30 =	vunpack.i.u.bf16.f32 v26;
	v26 =	vunpack.i.l.bf16.f32 v26  }
0x40b: {  	v31 =	vld [tilespmem:s11+$0xFFFFFF10];
	v27 =	vunpack.i.l.bf16.f32 v27;
	v29 =	vmul.f32 v29, v19;
	v26 =	vmul.f32 v26, v21  }
0x40c: {  	v27 =	vmul.f32 v27, v18;
	v30 =	vmul.f32 v30, v20  }
0x40d: {  	v55 =	vunpack.i.u.bf16.f32 v28  }
0x40e: {  	v28 =	vunpack.i.l.bf16.f32 v28;
	v27 =	vadd.f32 v27, v29;
	v26 =	vadd.f32 v26, v30  }
0x40f: {  	v28 =	vmul.f32 v28, v22;
	v29 =	vmul.f32 v55, v23  }
0x410: {  	v30 =	vunpack.i.u.bf16.f32 v31;
	v31 =	vunpack.i.l.bf16.f32 v31;
	v26 =	vadd.f32 v26, v27  }
0x411: {  	v27 =	vadd.f32 v28, v29;
	v28 =	vmul.f32 v31, v24;
	v29 =	vmul.f32 v30, v25;
	_ =	sdelay $0x1  }
0x412: {  	v28 =	vadd.f32 v28, v29;
	v26 =	vadd.f32 v27, v26;
	_ =	sdelay $0x1  }
0x413: {  	v26 =	vadd.f32 v28, v26;
	_ =	sdelay $0x1  }
0x414: {  	[tilespmem:$0x2230] =	vst v26  }
0x415: {  	v26 =	vld [tilespmem:s11+$0xFFFFFF20]  }
0x416: {  	v27 =	vld [tilespmem:s11+$0xFFFFFF30]  }
0x417: {  	v28 =	vld [tilespmem:s11+$0xFFFFFF40];
	_ =	sdelay $0x2  }
0x418: {  	v30 =	vunpack.i.u.bf16.f32 v26  }
0x419: {  	v29 =	vld [tilespmem:s11+$0xFFFFFF50];
	v31 =	vunpack.i.u.bf16.f32 v27;
	v27 =	vunpack.i.l.bf16.f32 v27;
	v26 =	vunpack.i.l.bf16.f32 v26  }
0x41a: {  	v56 =	vunpack.i.u.bf16.f32 v28;
	v27 =	vmul.f32 v27, v21;
	v31 =	vmul.f32 v31, v20  }
0x41b: {  	v28 =	vunpack.i.l.bf16.f32 v28;
	v26 =	vmul.f32 v26, v18;
	v30 =	vmul.f32 v30, v19  }
0x41c: {  	v32 =	vmul.f32 v56, v23;
	v28 =	vmul.f32 v28, v22  }
0x41d: {  	v27 =	vadd.f32 v27, v31;
	v26 =	vadd.f32 v26, v30  }
0x41e: {  	v31 =	vunpack.i.u.bf16.f32 v29;
	v29 =	vunpack.i.l.bf16.f32 v29;
	v28 =	vadd.f32 v28, v32  }
0x41f: {  	v30 =	vmul.f32 v31, v25;
	v29 =	vmul.f32 v29, v24;
	v26 =	vadd.f32 v27, v26;
	_ =	sdelay $0x1  }
0x420: {  	v27 =	vadd.f32 v29, v30;
	v26 =	vadd.f32 v28, v26;
	_ =	sdelay $0x1  }
0x421: {  	v26 =	vadd.f32 v27, v26;
	_ =	sdelay $0x1  }
0x422: {  	[tilespmem:$0x2240] =	vst v26  }
0x423: {  	v26 =	vld [tilespmem:s11+$0xFFFFFF60]  }
0x424: {  	v27 =	vld [tilespmem:s11+$0xFFFFFF70]  }
0x425: {  	v28 =	vld [tilespmem:s11+$0xFFFFFF80];
	_ =	sdelay $0x2  }
0x426: {  	v30 =	vunpack.i.u.bf16.f32 v26  }
0x427: {  	v29 =	vld [tilespmem:s11+$0xFFFFFF90];
	v31 =	vunpack.i.u.bf16.f32 v27;
	v27 =	vunpack.i.l.bf16.f32 v27;
	v26 =	vunpack.i.l.bf16.f32 v26  }
0x428: {  	v57 =	vunpack.i.u.bf16.f32 v28;
	v27 =	vmul.f32 v27, v21;
	v31 =	vmul.f32 v31, v20  }
0x429: {  	v28 =	vunpack.i.l.bf16.f32 v28;
	v26 =	vmul.f32 v26, v18;
	v30 =	vmul.f32 v30, v19  }
0x42a: {  	v32 =	vmul.f32 v57, v23;
	v28 =	vmul.f32 v28, v22  }
0x42b: {  	v27 =	vadd.f32 v27, v31;
	v26 =	vadd.f32 v26, v30  }
0x42c: {  	v31 =	vunpack.i.u.bf16.f32 v29;
	v29 =	vunpack.i.l.bf16.f32 v29;
	v28 =	vadd.f32 v28, v32  }
0x42d: {  	v30 =	vmul.f32 v31, v25;
	v29 =	vmul.f32 v29, v24;
	v26 =	vadd.f32 v27, v26;
	_ =	sdelay $0x1  }
0x42e: {  	v27 =	vadd.f32 v29, v30;
	v26 =	vadd.f32 v28, v26;
	_ =	sdelay $0x1  }
0x42f: {  	v26 =	vadd.f32 v27, v26;
	_ =	sdelay $0x1  }
0x430: {  	[tilespmem:$0x2250] =	vst v26  }
0x431: {  	v26 =	vld [tilespmem:s11+$0xFFFFFFA0]  }
0x432: {  	v27 =	vld [tilespmem:s11+$0xFFFFFFB0]  }
0x433: {  	v28 =	vld [tilespmem:s11+$0xFFFFFFC0];
	_ =	sdelay $0x2  }
0x434: {  	v30 =	vunpack.i.u.bf16.f32 v26  }
0x435: {  	v29 =	vld [tilespmem:s11+$0xFFFFFFD0];
	v31 =	vunpack.i.u.bf16.f32 v27;
	v27 =	vunpack.i.l.bf16.f32 v27;
	v26 =	vunpack.i.l.bf16.f32 v26  }
0x436: {  	v58 =	vunpack.i.u.bf16.f32 v28;
	v27 =	vmul.f32 v27, v21;
	v31 =	vmul.f32 v31, v20  }
0x437: {  	v28 =	vunpack.i.l.bf16.f32 v28;
	v26 =	vmul.f32 v26, v18;
	v30 =	vmul.f32 v30, v19  }
0x438: {  	v32 =	vmul.f32 v58, v23;
	v28 =	vmul.f32 v28, v22  }
0x439: {  	v27 =	vadd.f32 v27, v31;
	v26 =	vadd.f32 v26, v30  }
0x43a: {  	v31 =	vunpack.i.u.bf16.f32 v29;
	v29 =	vunpack.i.l.bf16.f32 v29;
	v28 =	vadd.f32 v28, v32  }
0x43b: {  	v30 =	vmul.f32 v31, v25;
	v29 =	vmul.f32 v29, v24;
	v26 =	vadd.f32 v27, v26;
	_ =	sdelay $0x1  }
0x43c: {  	v27 =	vadd.f32 v29, v30;
	v26 =	vadd.f32 v28, v26;
	_ =	sdelay $0x1  }
0x43d: {  	v26 =	vadd.f32 v27, v26;
	_ =	sdelay $0x1  }
0x43e: {  	[tilespmem:$0x2260] =	vst v26  }
0x43f: {  	v26 =	vld [tilespmem:s11+$0xFFFFFFE0]  }
0x440: {  	v27 =	vld [tilespmem:s11+$0xFFFFFFF0]  }
0x441: {  	v29 =	vld [tilespmem:s11+$0x0];
	_ =	sdelay $0x1  }
0x442: {  	v28 =	vld [tilespmem:s11+$0x10]  }
0x443: {  	v30 =	vunpack.i.u.bf16.f32 v26  }
0x444: {  	v31 =	vunpack.i.u.bf16.f32 v27;
	v27 =	vunpack.i.l.bf16.f32 v27;
	v26 =	vunpack.i.l.bf16.f32 v26  }
0x445: {  	v33 =	vunpack.i.u.bf16.f32 v29;
	v27 =	vmul.f32 v27, v21;
	v31 =	vmul.f32 v31, v20  }
0x446: {  	v29 =	vunpack.i.l.bf16.f32 v29;
	v26 =	vmul.f32 v26, v18;
	v30 =	vmul.f32 v30, v19  }
0x447: {  	v59 =	vunpack.i.u.bf16.f32 v28;
	v28 =	vunpack.i.l.bf16.f32 v28;
	v29 =	vmul.f32 v29, v22  }
0x448: {  	v27 =	vadd.f32 v27, v31;
	v31 =	vmul.f32 v33, v23;
	v26 =	vadd.f32 v26, v30  }
0x449: {  	v28 =	vmul.f32 v28, v24  }
0x44a: {  	v30 =	vmul.f32 v59, v25;
	v29 =	vadd.f32 v29, v31;
	v26 =	vadd.f32 v27, v26;
	_ =	sdelay $0x1  }
0x44b: {  	v27 =	vadd.f32 v28, v30;
	v26 =	vadd.f32 v29, v26;
	_ =	sdelay $0x1  }
0x44c: {  	v26 =	vadd.f32 v27, v26;
	_ =	sdelay $0x1  }
0x44d: {  	[tilespmem:$0x2270] =	vst v26  }
0x44e: {  	v27 =	vld [tilespmem:s11+$0x20]  }
0x44f: {  	v26 =	vld [tilespmem:s11+$0x30]  }
0x450: {  	v28 =	vld [tilespmem:s11+$0x40];
	_ =	sdelay $0x2  }
0x451: {  	v29 =	vld [tilespmem:s11+$0x50];
	v30 =	vunpack.i.u.bf16.f32 v27  }
0x452: {  	v31 =	vunpack.i.u.bf16.f32 v26;
	v26 =	vunpack.i.l.bf16.f32 v26;
	v27 =	vunpack.i.l.bf16.f32 v27  }
0x453: {  	v60 =	vunpack.i.u.bf16.f32 v28;
	v26 =	vmul.f32 v26, v21;
	v31 =	vmul.f32 v31, v20  }
0x454: {  	v28 =	vunpack.i.l.bf16.f32 v28;
	v27 =	vmul.f32 v27, v18;
	v30 =	vmul.f32 v30, v19  }
0x455: {  	v28 =	vmul.f32 v28, v22;
	v26 =	vadd.f32 v26, v31  }
0x456: {  	v31 =	vmul.f32 v60, v23;
	v27 =	vadd.f32 v27, v30;
	v30 =	vunpack.i.u.bf16.f32 v29  }
0x457: {  	v29 =	vunpack.i.l.bf16.f32 v29;
	v30 =	vmul.f32 v30, v25  }
0x458: {  	v29 =	vmul.f32 v29, v24;
	v28 =	vadd.f32 v28, v31;
	v26 =	vadd.f32 v26, v27;
	_ =	sdelay $0x1  }
0x459: {  	v27 =	vadd.f32 v29, v30;
	v26 =	vadd.f32 v28, v26;
	_ =	sdelay $0x1  }
0x45a: {  	v26 =	vadd.f32 v27, v26;
	_ =	sdelay $0x1  }
0x45b: {  	[tilespmem:$0x2280] =	vst v26  }
0x45c: {  	v26 =	vld [tilespmem:s11+$0x70]  }
0x45d: {  	v27 =	vld [tilespmem:s11+$0x60]  }
0x45e: {  	v28 =	vld [tilespmem:s11+$0x80];
	_ =	sdelay $0x2  }
0x45f: {  	v30 =	vunpack.i.u.bf16.f32 v26  }
0x460: {  	v29 =	vld [tilespmem:s11+$0x90];
	v31 =	vunpack.i.u.bf16.f32 v27;
	v27 =	vunpack.i.l.bf16.f32 v27;
	v26 =	vunpack.i.l.bf16.f32 v26  }
0x461: {  	v61 =	vunpack.i.l.bf16.f32 v28;
	v27 =	vmul.f32 v27, v18;
	v31 =	vmul.f32 v31, v19  }
0x462: {  	v28 =	vunpack.i.u.bf16.f32 v28;
	v30 =	vmul.f32 v30, v20;
	v26 =	vmul.f32 v26, v21  }
0x463: {  	v32 =	vmul.f32 v61, v22;
	v28 =	vmul.f32 v28, v23  }
0x464: {  	v27 =	vadd.f32 v27, v31;
	v26 =	vadd.f32 v26, v30  }
0x465: {  	v31 =	vunpack.i.l.bf16.f32 v29;
	v29 =	vunpack.i.u.bf16.f32 v29;
	v28 =	vadd.f32 v32, v28  }
0x466: {  	v30 =	vmul.f32 v31, v24;
	v29 =	vmul.f32 v29, v25;
	v26 =	vadd.f32 v26, v27;
	_ =	sdelay $0x1  }
0x467: {  	v27 =	vadd.f32 v30, v29;
	v26 =	vadd.f32 v28, v26;
	_ =	sdelay $0x1  }
0x468: {  	v26 =	vadd.f32 v27, v26;
	_ =	sdelay $0x1  }
0x469: {  	[tilespmem:$0x2290] =	vst v26  }
0x46a: {  	v26 =	vld [tilespmem:s11+$0xA0]  }
0x46b: {  	v27 =	vld [tilespmem:s11+$0xB0]  }
0x46c: {  	v28 =	vld [tilespmem:s11+$0xC0];
	_ =	sdelay $0x2  }
0x46d: {  	v30 =	vunpack.i.u.bf16.f32 v26  }
0x46e: {  	v29 =	vld [tilespmem:s11+$0xD0];
	v31 =	vunpack.i.u.bf16.f32 v27;
	v27 =	vunpack.i.l.bf16.f32 v27;
	v26 =	vunpack.i.l.bf16.f32 v26  }
0x46f: {  	v62 =	vunpack.i.u.bf16.f32 v28;
	v27 =	vmul.f32 v27, v21;
	v31 =	vmul.f32 v31, v20  }
0x470: {  	v28 =	vunpack.i.l.bf16.f32 v28;
	v26 =	vmul.f32 v26, v18;
	v30 =	vmul.f32 v30, v19  }
0x471: {  	v32 =	vmul.f32 v62, v23;
	v28 =	vmul.f32 v28, v22  }
0x472: {  	v27 =	vadd.f32 v27, v31;
	v26 =	vadd.f32 v26, v30  }
0x473: {  	v31 =	vunpack.i.u.bf16.f32 v29;
	v29 =	vunpack.i.l.bf16.f32 v29;
	v28 =	vadd.f32 v28, v32  }
0x474: {  	v30 =	vmul.f32 v31, v25;
	v29 =	vmul.f32 v29, v24;
	v26 =	vadd.f32 v27, v26;
	_ =	sdelay $0x1  }
0x475: {  	v27 =	vadd.f32 v29, v30;
	v26 =	vadd.f32 v28, v26;
	_ =	sdelay $0x1  }
0x476: {  	v26 =	vadd.f32 v27, v26;
	_ =	sdelay $0x1  }
0x477: {  	[tilespmem:$0x22A0] =	vst v26  }
0x478: {  	v26 =	vld [tilespmem:s11+$0xE0]  }
0x479: {  	v27 =	vld [tilespmem:s11+$0xF0]  }
0x47a: {  	v28 =	vld [tilespmem:s11+$0x100];
	_ =	sdelay $0x2  }
0x47b: {  	v30 =	vunpack.i.u.bf16.f32 v26  }
0x47c: {  	v29 =	vld [tilespmem:s11+$0x110];
	v31 =	vunpack.i.u.bf16.f32 v27;
	v27 =	vunpack.i.l.bf16.f32 v27;
	v26 =	vunpack.i.l.bf16.f32 v26  }
0x47d: {  	v63 =	vunpack.i.u.bf16.f32 v28;
	v27 =	vmul.f32 v27, v21;
	v31 =	vmul.f32 v31, v20  }
0x47e: {  	v28 =	vunpack.i.l.bf16.f32 v28;
	v26 =	vmul.f32 v26, v18;
	v30 =	vmul.f32 v30, v19  }
0x47f: {  	v32 =	vmul.f32 v63, v23;
	v28 =	vmul.f32 v28, v22  }
0x480: {  	v27 =	vadd.f32 v27, v31;
	v26 =	vadd.f32 v26, v30  }
0x481: {  	v31 =	vunpack.i.u.bf16.f32 v29;
	v29 =	vunpack.i.l.bf16.f32 v29;
	v28 =	vadd.f32 v28, v32  }
0x482: {  	v30 =	vmul.f32 v31, v25;
	v29 =	vmul.f32 v29, v24;
	v26 =	vadd.f32 v27, v26;
	_ =	sdelay $0x1  }
0x483: {  	v27 =	vadd.f32 v29, v30;
	v26 =	vadd.f32 v28, v26;
	_ =	sdelay $0x1  }
0x484: {  	v26 =	vadd.f32 v27, v26;
	_ =	sdelay $0x1  }
0x485: {  	[tilespmem:$0x22B0] =	vst v26  }
0x486: {  	v26 =	vld [tilespmem:s11+$0x120];
	_ =	sdelay $0x1  }
0x487: {  	v27 =	vld [tilespmem:s11+$0x130]  }
0x488: {  	v28 =	vld [tilespmem:s11+$0x140];
	_ =	sdelay $0x1  }
0x489: {  	v29 =	vld [tilespmem:s11+$0x150];
	v30 =	vunpack.i.l.bf16.f32 v26  }
0x48a: {  	v26 =	vunpack.i.u.bf16.f32 v26;
	v18 =	vmul.f32 v30, v18  }
0x48b: {  	v30 =	vunpack.i.u.bf16.f32 v27;
	v27 =	vunpack.i.l.bf16.f32 v27;
	v19 =	vmul.f32 v26, v19  }
0x48c: {  	v26 =	vunpack.i.u.bf16.f32 v28;
	v21 =	vmul.f32 v27, v21;
	v20 =	vmul.f32 v30, v20  }
0x48d: {  	v27 =	vunpack.i.l.bf16.f32 v28;
	v23 =	vmul.f32 v26, v23;
	v18 =	vadd.f32 v18, v19  }
0x48e: {  	v19 =	vmul.f32 v27, v22;
	v22 =	vunpack.i.u.bf16.f32 v29;
	v20 =	vadd.f32 v21, v20  }
0x48f: {  	v21 =	vunpack.i.l.bf16.f32 v29;
	v22 =	vmul.f32 v22, v25  }
0x490: {  	v19 =	vadd.f32 v19, v23;
	v21 =	vmul.f32 v21, v24;
	v18 =	vadd.f32 v20, v18;
	_ =	sdelay $0x1  }
0x491: {  	v20 =	vadd.f32 v21, v22;
	v18 =	vadd.f32 v19, v18;
	_ =	sdelay $0x1  }
0x492: {  	v18 =	vadd.f32 v20, v18;
	_ =	sdelay $0x1  }
0x493: {  	[tilespmem:$0x22C0] =	vst v18  }
0x494: {  	v18 =	vld.idx.msk [tilespmem:v0+s21+$0x0], $0xffff  }
0x495: {  	v21 =	vld.idx.msk [tilespmem:v2+s21+$0x0], $0xffff  }
0x496: {  	v23 =	vld.idx.msk [tilespmem:v3+s21+$0x0], $0xffff  }
0x497: {  	v25 =	vld.idx.msk [tilespmem:v4+s21+$0x0], $0xffff  }
0x498: {  	v26 =	vld.idx.msk [tilespmem:v5+s21+$0x0], $0xffff  }
0x499: {  	v27 =	vld.idx.msk [tilespmem:v6+s21+$0x0], $0xffff  }
0x49a: {  	v19 =	vld.idx.msk [tilespmem:v7+s21+$0x0], $0xffff  }
0x49b: {  	v20 =	vld.idx.msk [tilespmem:v8+s21+$0x0], $0xffff  }
0x49c: {  	v22 =	vld.idx.msk [tilespmem:v10+s21+$0x0], $0xffff;
	v18 =	vadd.f32 v21, v18  }
0x49d: {  	v24 =	vld.idx.msk [tilespmem:v12+s21+$0x0], $0xffff  }
0x49e: {  	v21 =	vld.idx.msk [tilespmem:v9+s21+$0x0], $0xffff;
	v18 =	vadd.f32 v23, v18  }
0x49f: {  	v23 =	vld.idx.msk [tilespmem:v11+s21+$0x0], $0xffff  }
0x4a0: {  	v28 =	vadd.f32 v25, v18;
	v25 =	vld.idx.msk [tilespmem:v13+s21+$0x0], $0xffff  }
0x4a1: {  	v18 =	vld.idx.msk [tilespmem:v14+s21+$0x0], $0xffff  }
0x4a2: {  	s31 =	simm.s32 $0x0;
	s29 =	simm.s32 $0x40;
	v28 =	vadd.f32 v26, v28;
	v26 =	vld.idx.msk [tilespmem:v15+s21+$0x0], $0xffff  }
.LBB2_14:
0x4a3: {  	p0 =	sne.s32 s29, $0x7C0;
	v29 =	vld.idx.msk [tilespmem:v16+s21+$0x0], $0xffff;
	s11 =	sadd.s32 $0x2C0, s11;
	s24 =	sadd.s32 $0x40, s24  }
0x4a4: {  	v27 =	vadd.f32 v27, v28;
	s12 =	smov.u32 s29;
	s29 =	sadd.s32 $0x40, s29;
	_ =	sdelay $0x1  }
0x4a5: {  	v19 =	vadd.f32 v19, v27;
	_ =	sdelay $0x1  }
0x4a6: {  	v19 =	vadd.f32 v20, v19;
	_ =	sdelay $0x1  }
0x4a7: {  	v19 =	vadd.f32 v21, v19;
	_ =	sdelay $0x1  }
0x4a8: {  	v19 =	vadd.f32 v22, v19;
	_ =	sdelay $0x1  }
0x4a9: {  	v19 =	vadd.f32 v23, v19;
	_ =	sdelay $0x1  }
0x4aa: {  	v19 =	vadd.f32 v24, v19;
	_ =	sdelay $0x1  }
0x4ab: {  	v19 =	vadd.f32 v25, v19;
	_ =	sdelay $0x1  }
0x4ac: {  	v18 =	vadd.f32 v18, v19;
	_ =	sdelay $0x1  }
0x4ad: {  	v18 =	vadd.f32 v26, v18;
	_ =	sdelay $0x1  }
0x4ae: {  	v18 =	vadd.f32 v29, v18;
	_ =	sdelay $0x1  }
0x4af: {  	v18 =	vmul.f32 v17, v18  }
0x4b0: {  	s14 =	sshra.s32 s31, $0x2;
	s31 =	smov.u32 s12  }
0x4b1: {  	[tilespmem:s14+$0x2020] =	vst v18  }
0x4b2: {  	v18 =	vld [tilespmem:s24+$0xFFFFFFE0]  }
0x4b3: {  	v20 =	vld [tilespmem:s11+$0xFFFFFEB0]  }
0x4b4: {  	v22 =	vld [tilespmem:s11+$0xFFFFFEA0]  }
0x4b5: {  	v21 =	vld [tilespmem:s24+$0xFFFFFFF0];
	_ =	sdelay $0x1  }
0x4b6: {  	v24 =	vld [tilespmem:s11+$0xFFFFFEC0]  }
0x4b7: {  	v19 =	vunpack.i.l.bf16.f32 v18;
	v25 =	vld [tilespmem:s24+$0x0];
	v23 =	vunpack.i.u.bf16.f32 v20  }
0x4b8: {  	v18 =	vunpack.i.u.bf16.f32 v18;
	v27 =	vunpack.i.l.bf16.f32 v20;
	v26 =	vunpack.i.u.bf16.f32 v22  }
0x4b9: {  	v22 =	vunpack.i.l.bf16.f32 v22;
	v20 =	vunpack.i.u.bf16.f32 v21;
	v21 =	vunpack.i.l.bf16.f32 v21;
	v28 =	vld [tilespmem:s11+$0xFFFFFED0]  }
0x4ba: {  	v29 =	vld [tilespmem:s24+$0x10];
	v27 =	vmul.f32 v27, v21;
	v30 =	vmul.f32 v23, v20  }
0x4bb: {  	v31 =	vmul.f32 v22, v19;
	v26 =	vmul.f32 v26, v18;
	v32 =	vunpack.i.u.bf16.f32 v24  }
0x4bc: {  	v23 =	vunpack.i.u.bf16.f32 v25;
	v22 =	vunpack.i.l.bf16.f32 v25;
	v27 =	vadd.f32 v27, v30  }
0x4bd: {  	v26 =	vadd.f32 v31, v26;
	v24 =	vunpack.i.l.bf16.f32 v24;
	v30 =	vmul.f32 v32, v23  }
0x4be: {  	v31 =	vmul.f32 v24, v22;
	v32 =	vunpack.i.u.bf16.f32 v28;
	v28 =	vunpack.i.l.bf16.f32 v28  }
0x4bf: {  	v26 =	vadd.f32 v27, v26;
	v25 =	vunpack.i.u.bf16.f32 v29;
	v24 =	vunpack.i.l.bf16.f32 v29  }
0x4c0: {  	v27 =	vadd.f32 v31, v30;
	v28 =	vmul.f32 v28, v24;
	v29 =	vmul.f32 v32, v25;
	_ =	sdelay $0x1  }
0x4c1: {  	v26 =	vadd.f32 v27, v26;
	v28 =	vadd.f32 v28, v29;
	_ =	sdelay $0x1  }
0x4c2: {  	v26 =	vadd.f32 v28, v26;
	_ =	sdelay $0x1  }
0x4c3: {  	[tilespmem:$0x2220] =	vst v26  }
0x4c4: {  	v26 =	vld [tilespmem:s11+$0xFFFFFEF0]  }
0x4c5: {  	v27 =	vld [tilespmem:s11+$0xFFFFFEE0];
	_ =	sdelay $0x2  }
0x4c6: {  	v28 =	vld [tilespmem:s11+$0xFFFFFF00];
	_ =	sdelay $0x1  }
0x4c7: {  	v30 =	vunpack.i.u.bf16.f32 v26;
	v26 =	vunpack.i.l.bf16.f32 v26;
	v29 =	vunpack.i.u.bf16.f32 v27  }
0x4c8: {  	v27 =	vunpack.i.l.bf16.f32 v27;
	v26 =	vmul.f32 v26, v21;
	v29 =	vmul.f32 v29, v18;
	v31 =	vld [tilespmem:s11+$0xFFFFFF10]  }
0x4c9: {  	v30 =	vmul.f32 v30, v20;
	v27 =	vmul.f32 v27, v19  }
0x4ca: {  	v32 =	vunpack.i.u.bf16.f32 v28;
	v28 =	vunpack.i.l.bf16.f32 v28  }
0x4cb: {  	v26 =	vadd.f32 v26, v30;
	v27 =	vadd.f32 v27, v29;
	v28 =	vmul.f32 v28, v22  }
0x4cc: {  	v29 =	vmul.f32 v32, v23  }
0x4cd: {  	v26 =	vadd.f32 v26, v27;
	v30 =	vunpack.i.u.bf16.f32 v31;
	v31 =	vunpack.i.l.bf16.f32 v31  }
0x4ce: {  	v27 =	vadd.f32 v28, v29;
	v28 =	vmul.f32 v31, v24;
	v29 =	vmul.f32 v30, v25;
	_ =	sdelay $0x1  }
0x4cf: {  	v26 =	vadd.f32 v27, v26;
	v28 =	vadd.f32 v28, v29;
	_ =	sdelay $0x1  }
0x4d0: {  	v26 =	vadd.f32 v28, v26;
	_ =	sdelay $0x1  }
0x4d1: {  	[tilespmem:$0x2230] =	vst v26  }
0x4d2: {  	v26 =	vld [tilespmem:s11+$0xFFFFFF20]  }
0x4d3: {  	v27 =	vld [tilespmem:s11+$0xFFFFFF30]  }
0x4d4: {  	v28 =	vld [tilespmem:s11+$0xFFFFFF40]  }
0x4d5: {  	v29 =	vld [tilespmem:s11+$0xFFFFFF50];
	_ =	sdelay $0x1  }
0x4d6: {  	v30 =	vunpack.i.u.bf16.f32 v26;
	v26 =	vunpack.i.l.bf16.f32 v26  }
0x4d7: {  	v26 =	vmul.f32 v26, v19;
	v31 =	vunpack.i.u.bf16.f32 v27;
	v27 =	vunpack.i.l.bf16.f32 v27  }
0x4d8: {  	v27 =	vmul.f32 v27, v21;
	v31 =	vmul.f32 v31, v20;
	v32 =	vunpack.i.u.bf16.f32 v28  }
0x4d9: {  	v30 =	vmul.f32 v30, v18;
	v28 =	vunpack.i.l.bf16.f32 v28;
	v32 =	vmul.f32 v32, v23  }
0x4da: {  	v28 =	vmul.f32 v28, v22;
	v27 =	vadd.f32 v27, v31;
	v31 =	vunpack.i.u.bf16.f32 v29  }
0x4db: {  	v26 =	vadd.f32 v26, v30;
	v29 =	vunpack.i.l.bf16.f32 v29;
	v30 =	vmul.f32 v31, v25  }
0x4dc: {  	v29 =	vmul.f32 v29, v24  }
0x4dd: {  	v28 =	vadd.f32 v28, v32;
	v26 =	vadd.f32 v27, v26;
	_ =	sdelay $0x1  }
0x4de: {  	v27 =	vadd.f32 v29, v30;
	v26 =	vadd.f32 v28, v26;
	_ =	sdelay $0x1  }
0x4df: {  	v26 =	vadd.f32 v27, v26;
	_ =	sdelay $0x1  }
0x4e0: {  	[tilespmem:$0x2240] =	vst v26  }
0x4e1: {  	v26 =	vld [tilespmem:s11+$0xFFFFFF60]  }
0x4e2: {  	v27 =	vld [tilespmem:s11+$0xFFFFFF70]  }
0x4e3: {  	v28 =	vld [tilespmem:s11+$0xFFFFFF80]  }
0x4e4: {  	v29 =	vld [tilespmem:s11+$0xFFFFFF90];
	_ =	sdelay $0x1  }
0x4e5: {  	v30 =	vunpack.i.u.bf16.f32 v26;
	v26 =	vunpack.i.l.bf16.f32 v26  }
0x4e6: {  	v26 =	vmul.f32 v26, v19;
	v31 =	vunpack.i.u.bf16.f32 v27;
	v27 =	vunpack.i.l.bf16.f32 v27  }
0x4e7: {  	v27 =	vmul.f32 v27, v21;
	v31 =	vmul.f32 v31, v20;
	v32 =	vunpack.i.u.bf16.f32 v28  }
0x4e8: {  	v30 =	vmul.f32 v30, v18;
	v28 =	vunpack.i.l.bf16.f32 v28;
	v32 =	vmul.f32 v32, v23  }
0x4e9: {  	v28 =	vmul.f32 v28, v22;
	v27 =	vadd.f32 v27, v31;
	v31 =	vunpack.i.u.bf16.f32 v29  }
0x4ea: {  	v26 =	vadd.f32 v26, v30;
	v29 =	vunpack.i.l.bf16.f32 v29;
	v30 =	vmul.f32 v31, v25  }
0x4eb: {  	v29 =	vmul.f32 v29, v24  }
0x4ec: {  	v28 =	vadd.f32 v28, v32;
	v26 =	vadd.f32 v27, v26;
	_ =	sdelay $0x1  }
0x4ed: {  	v27 =	vadd.f32 v29, v30;
	v26 =	vadd.f32 v28, v26;
	_ =	sdelay $0x1  }
0x4ee: {  	v26 =	vadd.f32 v27, v26;
	_ =	sdelay $0x1  }
0x4ef: {  	[tilespmem:$0x2250] =	vst v26  }
0x4f0: {  	v26 =	vld [tilespmem:s11+$0xFFFFFFA0]  }
0x4f1: {  	v27 =	vld [tilespmem:s11+$0xFFFFFFB0]  }
0x4f2: {  	v28 =	vld [tilespmem:s11+$0xFFFFFFC0]  }
0x4f3: {  	v29 =	vld [tilespmem:s11+$0xFFFFFFD0];
	_ =	sdelay $0x1  }
0x4f4: {  	v30 =	vunpack.i.u.bf16.f32 v26;
	v26 =	vunpack.i.l.bf16.f32 v26  }
0x4f5: {  	v26 =	vmul.f32 v26, v19;
	v31 =	vunpack.i.u.bf16.f32 v27;
	v27 =	vunpack.i.l.bf16.f32 v27  }
0x4f6: {  	v27 =	vmul.f32 v27, v21;
	v31 =	vmul.f32 v31, v20;
	v32 =	vunpack.i.u.bf16.f32 v28  }
0x4f7: {  	v30 =	vmul.f32 v30, v18;
	v28 =	vunpack.i.l.bf16.f32 v28;
	v32 =	vmul.f32 v32, v23  }
0x4f8: {  	v28 =	vmul.f32 v28, v22;
	v27 =	vadd.f32 v27, v31;
	v31 =	vunpack.i.u.bf16.f32 v29  }
0x4f9: {  	v26 =	vadd.f32 v26, v30;
	v29 =	vunpack.i.l.bf16.f32 v29;
	v30 =	vmul.f32 v31, v25  }
0x4fa: {  	v28 =	vadd.f32 v28, v32;
	v29 =	vmul.f32 v29, v24  }
0x4fb: {  	v26 =	vadd.f32 v27, v26  }
0x4fc: {  	v27 =	vadd.f32 v29, v30  }
0x4fd: {  	v26 =	vadd.f32 v28, v26;
	_ =	sdelay $0x1  }
0x4fe: {  	v26 =	vadd.f32 v27, v26;
	_ =	sdelay $0x1  }
0x4ff: {  	[tilespmem:$0x2260] =	vst v26  }
0x500: {  	v26 =	vld [tilespmem:s11+$0xFFFFFFE0]  }
0x501: {  	v27 =	vld [tilespmem:s11+$0xFFFFFFF0]  }
0x502: {  	v28 =	vld [tilespmem:s11+$0x10]  }
0x503: {  	v29 =	vld [tilespmem:s11+$0x0];
	_ =	sdelay $0x1  }
0x504: {  	v30 =	vunpack.i.u.bf16.f32 v26;
	v26 =	vunpack.i.l.bf16.f32 v26  }
0x505: {  	v26 =	vmul.f32 v26, v19;
	v31 =	vunpack.i.u.bf16.f32 v27;
	v27 =	vunpack.i.l.bf16.f32 v27  }
0x506: {  	v27 =	vmul.f32 v27, v21;
	v31 =	vmul.f32 v31, v20;
	v32 =	vunpack.i.u.bf16.f32 v28  }
0x507: {  	v30 =	vmul.f32 v30, v18;
	v33 =	vunpack.i.u.bf16.f32 v29;
	v32 =	vmul.f32 v32, v25  }
0x508: {  	v29 =	vunpack.i.l.bf16.f32 v29;
	v27 =	vadd.f32 v27, v31;
	v31 =	vmul.f32 v33, v23  }
0x509: {  	v28 =	vunpack.i.l.bf16.f32 v28;
	v26 =	vadd.f32 v26, v30;
	v29 =	vmul.f32 v29, v22  }
0x50a: {  	v28 =	vmul.f32 v28, v24  }
0x50b: {  	v29 =	vadd.f32 v29, v31;
	v26 =	vadd.f32 v27, v26  }
0x50c: {  	v27 =	vadd.f32 v28, v32  }
0x50d: {  	v26 =	vadd.f32 v29, v26;
	_ =	sdelay $0x1  }
0x50e: {  	v26 =	vadd.f32 v27, v26;
	_ =	sdelay $0x1  }
0x50f: {  	[tilespmem:$0x2270] =	vst v26  }
0x510: {  	v26 =	vld [tilespmem:s11+$0x30]  }
0x511: {  	v27 =	vld [tilespmem:s11+$0x20]  }
0x512: {  	v28 =	vld [tilespmem:s11+$0x40]  }
0x513: {  	v29 =	vld [tilespmem:s11+$0x50];
	_ =	sdelay $0x2  }
0x514: {  	v31 =	vunpack.i.u.bf16.f32 v26;
	v26 =	vunpack.i.l.bf16.f32 v26;
	v30 =	vunpack.i.u.bf16.f32 v27  }
0x515: {  	v27 =	vunpack.i.l.bf16.f32 v27;
	v26 =	vmul.f32 v26, v21;
	v31 =	vmul.f32 v31, v20  }
0x516: {  	v27 =	vmul.f32 v27, v19;
	v30 =	vmul.f32 v30, v18;
	v32 =	vunpack.i.u.bf16.f32 v28  }
0x517: {  	v28 =	vunpack.i.l.bf16.f32 v28;
	v26 =	vadd.f32 v26, v31;
	v31 =	vmul.f32 v32, v23  }
0x518: {  	v28 =	vmul.f32 v28, v22;
	v27 =	vadd.f32 v27, v30;
	v30 =	vunpack.i.u.bf16.f32 v29  }
0x519: {  	v29 =	vunpack.i.l.bf16.f32 v29;
	v30 =	vmul.f32 v30, v25  }
0x51a: {  	v28 =	vadd.f32 v28, v31;
	v29 =	vmul.f32 v29, v24;
	v26 =	vadd.f32 v26, v27;
	_ =	sdelay $0x1  }
0x51b: {  	v27 =	vadd.f32 v29, v30;
	v26 =	vadd.f32 v28, v26;
	_ =	sdelay $0x1  }
0x51c: {  	v26 =	vadd.f32 v27, v26;
	_ =	sdelay $0x1  }
0x51d: {  	[tilespmem:$0x2280] =	vst v26  }
0x51e: {  	v26 =	vld [tilespmem:s11+$0x70]  }
0x51f: {  	v27 =	vld [tilespmem:s11+$0x60]  }
0x520: {  	v28 =	vld [tilespmem:s11+$0x80]  }
0x521: {  	v29 =	vld [tilespmem:s11+$0x90];
	_ =	sdelay $0x1  }
0x522: {  	v30 =	vunpack.i.u.bf16.f32 v26;
	v26 =	vunpack.i.l.bf16.f32 v26  }
0x523: {  	v31 =	vunpack.i.u.bf16.f32 v27;
	v27 =	vunpack.i.l.bf16.f32 v27;
	v30 =	vmul.f32 v30, v20  }
0x524: {  	v27 =	vmul.f32 v27, v19;
	v31 =	vmul.f32 v31, v18;
	v32 =	vunpack.i.l.bf16.f32 v28  }
0x525: {  	v26 =	vmul.f32 v26, v21;
	v32 =	vmul.f32 v32, v22;
	v33 =	vunpack.i.u.bf16.f32 v29  }
0x526: {  	v28 =	vunpack.i.u.bf16.f32 v28;
	v29 =	vunpack.i.l.bf16.f32 v29;
	v27 =	vadd.f32 v27, v31  }
0x527: {  	v26 =	vadd.f32 v26, v30;
	v28 =	vmul.f32 v28, v23;
	v29 =	vmul.f32 v29, v24  }
0x528: {  	v30 =	vmul.f32 v33, v25  }
0x529: {  	v28 =	vadd.f32 v32, v28;
	v26 =	vadd.f32 v26, v27;
	_ =	sdelay $0x1  }
0x52a: {  	v27 =	vadd.f32 v29, v30;
	v26 =	vadd.f32 v28, v26;
	_ =	sdelay $0x1  }
0x52b: {  	v26 =	vadd.f32 v27, v26;
	_ =	sdelay $0x1  }
0x52c: {  	[tilespmem:$0x2290] =	vst v26  }
0x52d: {  	v26 =	vld [tilespmem:s11+$0xA0]  }
0x52e: {  	v27 =	vld [tilespmem:s11+$0xB0]  }
0x52f: {  	v28 =	vld [tilespmem:s11+$0xC0]  }
0x530: {  	v29 =	vld [tilespmem:s11+$0xD0];
	_ =	sdelay $0x1  }
0x531: {  	v30 =	vunpack.i.u.bf16.f32 v26;
	v26 =	vunpack.i.l.bf16.f32 v26  }
0x532: {  	v26 =	vmul.f32 v26, v19;
	v31 =	vunpack.i.u.bf16.f32 v27;
	v27 =	vunpack.i.l.bf16.f32 v27  }
0x533: {  	v27 =	vmul.f32 v27, v21;
	v31 =	vmul.f32 v31, v20;
	v32 =	vunpack.i.u.bf16.f32 v28  }
0x534: {  	v30 =	vmul.f32 v30, v18;
	v28 =	vunpack.i.l.bf16.f32 v28;
	v32 =	vmul.f32 v32, v23  }
0x535: {  	v28 =	vmul.f32 v28, v22;
	v27 =	vadd.f32 v27, v31;
	v31 =	vunpack.i.u.bf16.f32 v29  }
0x536: {  	v26 =	vadd.f32 v26, v30;
	v29 =	vunpack.i.l.bf16.f32 v29;
	v30 =	vmul.f32 v31, v25  }
0x537: {  	v29 =	vmul.f32 v29, v24  }
0x538: {  	v28 =	vadd.f32 v28, v32;
	v26 =	vadd.f32 v27, v26;
	_ =	sdelay $0x1  }
0x539: {  	v27 =	vadd.f32 v29, v30;
	v26 =	vadd.f32 v28, v26;
	_ =	sdelay $0x1  }
0x53a: {  	v26 =	vadd.f32 v27, v26;
	_ =	sdelay $0x1  }
0x53b: {  	[tilespmem:$0x22A0] =	vst v26  }
0x53c: {  	v26 =	vld [tilespmem:s11+$0xE0]  }
0x53d: {  	v27 =	vld [tilespmem:s11+$0xF0]  }
0x53e: {  	v28 =	vld [tilespmem:s11+$0x100]  }
0x53f: {  	v29 =	vld [tilespmem:s11+$0x110];
	_ =	sdelay $0x1  }
0x540: {  	v30 =	vunpack.i.u.bf16.f32 v26;
	v26 =	vunpack.i.l.bf16.f32 v26  }
0x541: {  	v26 =	vmul.f32 v26, v19;
	v31 =	vunpack.i.u.bf16.f32 v27;
	v27 =	vunpack.i.l.bf16.f32 v27  }
0x542: {  	v27 =	vmul.f32 v27, v21;
	v31 =	vmul.f32 v31, v20;
	v32 =	vunpack.i.u.bf16.f32 v28  }
0x543: {  	v30 =	vmul.f32 v30, v18;
	v28 =	vunpack.i.l.bf16.f32 v28;
	v32 =	vmul.f32 v32, v23  }
0x544: {  	v28 =	vmul.f32 v28, v22;
	v27 =	vadd.f32 v27, v31;
	v31 =	vunpack.i.u.bf16.f32 v29  }
0x545: {  	v26 =	vadd.f32 v26, v30;
	v29 =	vunpack.i.l.bf16.f32 v29;
	v30 =	vmul.f32 v31, v25  }
0x546: {  	v29 =	vmul.f32 v29, v24  }
0x547: {  	v28 =	vadd.f32 v28, v32;
	v26 =	vadd.f32 v27, v26;
	_ =	sdelay $0x1  }
0x548: {  	v27 =	vadd.f32 v29, v30;
	v26 =	vadd.f32 v28, v26;
	_ =	sdelay $0x1  }
0x549: {  	v26 =	vadd.f32 v27, v26;
	_ =	sdelay $0x1  }
0x54a: {  	[tilespmem:$0x22B0] =	vst v26  }
0x54b: {  	v26 =	vld [tilespmem:s11+$0x120]  }
0x54c: {  	v27 =	vld [tilespmem:s11+$0x130]  }
0x54d: {  	v28 =	vld [tilespmem:s11+$0x140]  }
0x54e: {  	v29 =	vld [tilespmem:s11+$0x150];
	_ =	sdelay $0x1  }
0x54f: {  	v30 =	vunpack.i.u.bf16.f32 v26;
	v26 =	vunpack.i.l.bf16.f32 v26  }
0x550: {  	v19 =	vmul.f32 v26, v19;
	v26 =	vunpack.i.u.bf16.f32 v27;
	v27 =	vunpack.i.l.bf16.f32 v27  }
0x551: {  	v18 =	vmul.f32 v30, v18;
	v21 =	vmul.f32 v27, v21;
	v27 =	vunpack.i.u.bf16.f32 v28  }
0x552: {  	v20 =	vmul.f32 v26, v20;
	v26 =	vunpack.i.l.bf16.f32 v28;
	v23 =	vmul.f32 v27, v23  }
0x553: {  	v18 =	vadd.f32 v19, v18;
	v19 =	vmul.f32 v26, v22;
	v22 =	vunpack.i.u.bf16.f32 v29  }
0x554: {  	v20 =	vadd.f32 v21, v20;
	v21 =	vunpack.i.l.bf16.f32 v29;
	v22 =	vmul.f32 v22, v25  }
0x555: {  	v19 =	vadd.f32 v19, v23;
	v21 =	vmul.f32 v21, v24  }
0x556: {  	v18 =	vadd.f32 v20, v18;
	_ =	sdelay $0x1  }
0x557: {  	v20 =	vadd.f32 v21, v22;
	v18 =	vadd.f32 v19, v18;
	_ =	sdelay $0x1  }
0x558: {  	v18 =	vadd.f32 v20, v18;
	_ =	sdelay $0x1  }
0x559: {  	[tilespmem:$0x22C0] =	vst v18  }
0x55a: {  	v18 =	vld.idx.msk [tilespmem:v0+s21+$0x0], $0xffff  }
0x55b: {  	v20 =	vld.idx.msk [tilespmem:v2+s21+$0x0], $0xffff  }
0x55c: {  	v22 =	vld.idx.msk [tilespmem:v3+s21+$0x0], $0xffff  }
0x55d: {  	v24 =	vld.idx.msk [tilespmem:v4+s21+$0x0], $0xffff  }
0x55e: {  	v26 =	vld.idx.msk [tilespmem:v5+s21+$0x0], $0xffff  }
0x55f: {  	v27 =	vld.idx.msk [tilespmem:v6+s21+$0x0], $0xffff  }
0x560: {  	v19 =	vld.idx.msk [tilespmem:v7+s21+$0x0], $0xffff  }
0x561: {  	v18 =	vadd.f32 v20, v18;
	v20 =	vld.idx.msk [tilespmem:v8+s21+$0x0], $0xffff  }
0x562: {  	v21 =	vld.idx.msk [tilespmem:v9+s21+$0x0], $0xffff  }
0x563: {  	v18 =	vadd.f32 v22, v18;
	v22 =	vld.idx.msk [tilespmem:v10+s21+$0x0], $0xffff  }
.Ltmp8:
0x564: {  	v23 =	vld.idx.msk [tilespmem:v11+s21+$0x0], $0xffff;
	(pc) =	sbr.rel @p0 .LBB2_14-.Ltmp8, $4  }
0x565: {  	v18 =	vadd.f32 v24, v18;
	v24 =	vld.idx.msk [tilespmem:v12+s21+$0x0], $0xffff  }
0x566: {  	v25 =	vld.idx.msk [tilespmem:v13+s21+$0x0], $0xffff  }
0x567: {  	v28 =	vadd.f32 v26, v18;
	v18 =	vld.idx.msk [tilespmem:v14+s21+$0x0], $0xffff  }
0x568: {  	v26 =	vld.idx.msk [tilespmem:v15+s21+$0x0], $0xffff  }
0x569: {  	v27 =	vadd.f32 v27, v28;
	_ =	sdelay $0x1  }
0x56a: {  	v19 =	vadd.f32 v19, v27;
	_ =	sdelay $0x1  }
0x56b: {  	v19 =	vadd.f32 v20, v19;
	_ =	sdelay $0x1  }
0x56c: {  	v19 =	vadd.f32 v21, v19;
	_ =	sdelay $0x1  }
0x56d: {  	v19 =	vadd.f32 v22, v19;
	_ =	sdelay $0x1  }
0x56e: {  	v19 =	vadd.f32 v23, v19;
	_ =	sdelay $0x1  }
0x56f: {  	v19 =	vadd.f32 v24, v19;
	_ =	sdelay $0x1  }
0x570: {  	v19 =	vadd.f32 v25, v19  }
0x571: {  	v63 =	vld.idx.msk [tilespmem:v16+s21+$0x0], $0xffff  }
0x572: {  	v18 =	vadd.f32 v18, v19;
	_ =	sdelay $0x1  }
0x573: {  	v18 =	vadd.f32 v26, v18;
	_ =	sdelay $0x1  }
0x574: {  	v18 =	vadd.f32 v63, v18  }
0x575: {  	s23 =	sadd.s32 $0x1, s23  }
0x576: {  	s11 =	sadd.s32 s20, s22;
	s12 =	sshra.s32 s31, $0x2;
	p0 =	sne.s32 s23, $0x2B;
	v18 =	vmul.f32 v17, v18  }
.Ltmp9:
0x577: {  	s31 =	simm.s32 $0x2020;
	s11 =	sshrl.u32 s11, $0x3;
	(pc) =	sbr.rel @p0 .LBB2_2-.Ltmp9, $4  }
.Ltmp10:
0x578: {  	s1 =	sshll.u32 @p1 s1, $0x8;
	s11 =	sadd.s32 s5, s11;
	[tilespmem:s12+$0x2020] =	vst v18;
	(pc) =	sbr.rel @!p0 .LBB2_16-.Ltmp10, $4  }
0x579: {  	[hbm4b:s11+s2] =	stream.linear.scatter [tilespmem:s31], [sflag:$0xC], $0x200, $0x38;
	[tilespmem:$0x12C20] =	vst v63  }
0x57a: {  	s1 =	sadd.s32 @p1 s1, s10;
	s12 =	simm.s32 @p1 $0x1000;
	s11 =	simm.s32 @p1 $0x0  }
0x57b: {  	[tilespmem:s12], [sflag:$0x3] =	stream.linear.gather @p1 [hbm4b:s1+s11], $0x800, $0x38;
	[tilespmem:$0x12C20] =	vst v63  }
0x57c: {  	_ = 	snop  }
.LBB2_17:
0x57d: {  	_ =	sfence.sel $0x180000  }
0x57e: {  	[bflag:$0x0] =	sbarrier.arrive $0xFFFF  }
0x57f: {  	_ =	strace $0x9000004D  }
0x580: {  	s0 =	stileid.u32;
	[bflag:$0x2] =	sbarrier.arrive $0xFFFF  }
0x581: {  	p0 =	sne.s32 s0, $0x0;
	s0 =	rddreg [dreg:$0x1]  }
0x582: {  	s0 =	sadd.s32 @!p0 $0x100000, s0  }
0x583: {  	[sflag:s0] =	ssyncadd.tile.s32 @!p0 $0x1;
	_ =	shalt  }
.Lfunc_end2:
_tile_overlayer_lowered:
.L_overlay_start_2:
0x584: {  	(tag) =	ssettag $0x2  }
0x585: {  	s0 =	rddreg [dreg:$0x0];
	s2 =	stileid.u32  }
0x586: {  	s1 =	rddreg [dreg:$0x1];
	p0 =	sne.s32 s2, $0x0  }
0x587: {  	s3 =	rddreg [dreg:$0x2];
	[bflag:$0x3] =	sbarrier.arrive $0xFFFF;
	s2 =	simm.s32 @!p0 $0x1C0D  }
0x588: {  	[timem:s3], [sflag:s2] =	dma.local @!p0 [hbm:s0], s1  }
0x589: {  	s0 =	simm.s32 @!p0 $0xD  }
0x58a: {  	_ =	swait.ge @!p0 [sflag:s0], s1  }
0x58b: {  	s1 =	ssub.s32 @!p0 $0x0, s1;
	[sflag:s0] =	ssyncset.done @!p0 $0x0  }
0x58c: {  	[sflag:s0] =	ssyncadd.s32 @!p0 s1  }
0x58d: {  	[bflag:$0x3] =	sbarrier.arrive $0xFFFF  }
0x58e: {  	_ =	shalt  }

// kernel: sparse-core-data-format-call.1.cloned.1.call-start
scs
called_computation.1_lowered:
.L_overlay_start_0:
0x0: {  	s1 =	sld [smem:$0x3FD9]  }
0x1: {  	s2 =	sld [smem:$0x3FFE];
	_ =	sdelay $0x1  }
0x2: {  	s3 =	srdreg.scid  }
0x3: {  	s0 =	sand.u32 $0x1, s3  }
0x4: {  	s17 =	sshll.u32 s0, $0xA;
	s1 =	sadd.s32 s2, s1  }
0x5: {  	s1 =	sadd.s32 s1, s17  }
0x6: {  	[smem:$0x3FC6] =	sst s1  }
0x7: {  	_ = 	snop  }
0x8: {  	(tm) =	ssettm $0x1  }
0x9: {  	s18 =	sld [smem:$0x3FFB];
	_ =	sdelay $0x3  }
0xa: {  	_ =	strace s18  }
0xb: {  	s1 =	sld [smem:$0x3FFC];
	_ =	sdelay $0x3  }
0xc: {  	_ =	strace s1  }
0xd: {  	s1 =	sld [smem:$0x3FFD];
	_ =	sdelay $0x3  }
0xe: {  	_ =	strace s1  }
0xf: {  	_ =	strace $0x8FFFFFFF  }
0x10: {  	s19 =	sld [smem:$0x3FDB];
	_ =	sdelay $0x1  }
0x11: {  	s20 =	simm.s32 $_scs_section_size  }
0x12: {  	s4 =	simm.s32 $_size__tile_overlayer_lowered;
	s5 =	simm.s32 $_tile_overlayer_lowered  }
0x13: {  	s23 =	simm.s32 $0x1BFF;
	s22 =	sshll.u32 s5, $0x1;
	s1 =	sadd.s32 s20, s19  }
0x14: {  	s6 =	simm.s32 $0x0;
	s21 =	sshll.u32 s4, $0x1;
	s4 =	sadd.s32 s22, s1  }
0x15: {  	[timem:s6], [sflag:s23] =	dma.local [hbm:s4], s21  }
0x16: {  	_ =	swait.ge [sflag:s23], s21  }
0x17: {  	s2 =	ssub.s32 $0x0, s21;
	[sflag:s23] =	ssyncset.done $0x0  }
0x18: {  	[sflag:s23] =	ssyncadd.s32 s2;
	_ =	sdelay $0x1  }
0x19: {  	s24 =	simm.s32 $0x1B8B  }
0x1a: {  	_ =	swait.ge [sflag:s24], $0x1  }
0x1b: {  	[sflag:s24] =	ssyncset.done $0x0  }
0x1c: {  	s26 =	simm.s32 $0x1B8E;
	s25 =	sld [smem:$0x3FFE];
	[sflag:s24] =	ssyncadd.s32 $0xFFFFFFFF  }
0x1d: {  	s27 =	simm.s32 $execute0_lowered;
	[smem:$0x3FD2] =	sst s26  }
0x1e: {  	s4 =	sshll.u32 s27, $0x1;
	_ =	strace $0x80000046;
	[dreg:$0x1] =	wrdreg $0xFFFFFFFF  }
0x1f: {  	s28 =	simm.s32 $_size_execute0_lowered;
	s1 =	sadd.s32 s1, s4;
	[dreg:$0x0] =	wrdreg $0x0  }
0x20: {  	s4 =	sshll.u32 s28, $0x1;
	[dreg:$0x2] =	wrdreg s1  }
0x21: {  	[dreg:$0x3] =	wrdreg s4  }
0x22: {  	[dreg:$0x4] =	wrdreg $0xC0  }
0x23: {  	_ =	task [dreg:s6], $0x5FFFF  }
0x24: {  	[dreg:$0x1] =	wrdreg $0xFFFFFFFF  }
0x25: {  	[dreg:$0x0] =	wrdreg $0x60  }
0x26: {  	[dreg:$0x2] =	wrdreg s25  }
0x27: {  	[dreg:$0x3] =	wrdreg $0x9  }
0x28: {  	_ =	task.clear_ibuf [dreg:s6], $0x4FFFF;
	_ =	strace $0x90000046  }
0x29: {  	s29 =	simm.s32 $0x9;
	_ =	strace $0x80000048  }
0x2a: {  	_ =	swait.ge [sflag:s29], $0x1  }
0x2b: {  	[sflag:s29] =	ssyncadd.s32 $0xFFFFFFFF  }
0x2c: {  	_ =	strace $0x90000048  }
0x2d: {  	_ =	sfence  }
0x2e: {  	s30 =	sld [smem:$0x0];
	_ =	sdelay $0x2  }
0x2f: {  	s31 =	sshll.u32 s3, $0xD;
	s3 =	sshrl.u32 s3, $0x2  }
0x30: {  	s2 =	sand.u32 $0x4000, s31;
	s1 =	sadd.s32 s3, s30  }
0x31: {  	s0 =	sor.u32 s2, s0;
	s1 =	sshll.u32 s1, $0x11  }
0x32: {  	s0 =	sor.u32 s1, s0  }
0x33: {  	s0 =	sadd.s32 $0x8F2B, s0  }
0x34: {  	[sflag:s0] =	ssyncadd.remote.s32 $0x1  }
0x35: {  	_ =	sfence.sel $0xFFFF  }
0x36: {  	[dreg:$0x0] =	wrdreg $0xFFFFFFFF;
	(pc) =	sbr.abs _section_cstart, $3  }
0x37: {  	[dreg:$0x1] =	wrdreg $0xFFFFFFFF  }
0x38: {  	_ =	task.clear_ibuf [dreg:s6], $0x2FFFF;
	_ =	strace $0x9FFFFFFF  }
0x39: {  	(tm) =	ssettm $0x7FFFFFFF  }
tec
execute0_lowered:
.L_overlay_start_1:
0x0: {  	(tag) =	ssettag $0x1  }
0x1: {  	s1 =	rddreg [dreg:$0x0]  }
0x2: {  	s0 =	rddreg [dreg:$0x1];
	s3 =	srdreg.scid  }
0x3: {  	_ =	strace $0x80000047;
	s5 =	simm.s32 $0x1;
	s7 =	simm.s32 $0x2  }
0x4: {  	s15 =	simm.s32 $0x0;
	p0 =	por $0x0, $0x0;
	s12 =	simm.s32 $0x0  }
0x5: {  	s13 =	simm.s32 $0x0;
	s14 =	simm.s32 $0x0;
	s8 =	simm.s32 $0x0  }
.Ltmp0:
0x6: {  	s2 =	sadd.s32 $0x2A00, s1;
	s4 =	sshll.u32 s3, $0x4;
	(pc) =	sbr.rel .LBB1_1-.Ltmp0, $4  }
0x7: {  	s3 =	sadd.s32 $0x102A00, s1;
	s1 =	stileid.u32;
	s4 =	sand.u32 $0x10, s4  }
0x8: {  	s9 =	simm.s32 $0x0;
	[sflag:s5] =	ssyncpa.u1 $0x0;
	s6 =	sor.u32 s1, s4  }
0x9: {  	[sflag:s7] =	ssyncpa.u1 $0x0;
	s4 =	sand.u32 $0x3, s1;
	s6 =	sshrl.u32 s6, $0x2  }
0xa: {  	s7 =	simm.s32 $0x0;
	s11 =	smov.u32 s4;
	s10 =	smov.u32 s6  }
.LBB1_5:
0xb: {  	s16 =	sadd.s32 $0x100, s8  }
0xc: {  	s12 =	sadd.s32 $0x80, s9;
	s17 =	smov.u32 s9;
	p2 =	sgt.s32 s16, $0x7FF  }
0xd: {  	s17 =	smov.u32 @p2 s12  }
0xe: {  	s18 =	smov.u32 s10;
	s12 =	sadd.s32 $0x8, s10;
	p3 =	sgt.s32 s17, $0x7F  }
0xf: {  	s18 =	smov.u32 @p3 s12  }
0x10: {  	s19 =	smov.u32 s11;
	s12 =	sadd.s32 $0x4, s11;
	p4 =	sgt.s32 s18, $0xF  }
0x11: {  	p1 =	slt.u32 s7, $0x2;
	s19 =	smov.u32 @p4 s12  }
0x12: {  	s7 =	sadd.s32 $0x1, s7;
	s16 =	simm.s32 @p2 $0x0;
	p2 =	sgt.s32 s19, $0x3  }
0x13: {  	s15 =	smov.u32 s8;
	s19 =	smov.u32 @p2 s4;
	p2 =	sne.s32 s7, $0x12  }
.Ltmp1:
0x14: {  	s13 =	smov.u32 s10;
	s20 =	simm.s32 @!p1 $0x2;
	(pc) =	sbr.rel @!p2 .LBB1_6-.Ltmp1, $4  }
0x15: {  	s14 =	smov.u32 s11;
	p0 =	por !p0, !p0;
	_ =	swait.ge @!p1 [sflag:s20], $0x4000  }
0x16: {  	[sflag:s20] =	ssyncset.done @!p1 $0x0;
	s8 =	smov.u32 s16;
	s17 =	simm.s32 @p3 $0x0  }
0x17: {  	[sflag:s20] =	ssyncadd.s32 @!p1 $0xFFFFC000;
	s18 =	smov.u32 @p4 s6;
	s12 =	smov.u32 s9  }
0x18: {  	s9 =	smov.u32 s17;
	s10 =	smov.u32 s18;
	s11 =	smov.u32 s19  }
.LBB1_1:
0x19: {  	p1 =	sgt.u32 s7, $0xF  }
0x1a: {  	s16 =	sshll.u32 @!p1 s9, $0xB;
	s17 =	sshll.u32 @!p1 s8, $0x3;
	s18 =	sshll.u32 @!p1 s9, $0x7  }
0x1b: {  	s19 =	sshll.u32 @!p1 s8, $0x1;
	s18 =	sand.u32 @!p1 $0x300, s18;
	s20 =	sand.u32 @!p1 $0x400, s17  }
0x1c: {  	s16 =	sand.u32 @!p1 $0x3C000, s16;
	s19 =	sand.u32 @!p1 $0xF0, s19;
	s18 =	sor.u32 @!p1 s18, s20  }
0x1d: {  	s16 =	sadd.s32 @!p1 s16, s17;
	s17 =	sor.u32 @!p1 s19, s18;
	s18 =	sshll.u32 @!p1 s11, $0x12  }
0x1e: {  	s19 =	sshll.u32 @!p1 s10, $0xE;
	s16 =	sshrl.u32 @!p1 s16, $0x4;
	s18 =	sadd.s32 @!p1 s2, s18  }
0x1f: {  	s20 =	sxor.u32 @!p1 $0xFFFFFFFF, s7;
	s16 =	sand.u32 @!p1 $0x3F80, s16;
	s18 =	sadd.s32 @!p1 s19, s18  }
0x20: {  	s17 =	sshrl.u32 @!p1 s17, $0x4;
	s16 =	sadd.s32 @!p1 s16, s18;
	s18 =	sand.u32 @!p1 $0x7, s8  }
0x21: {  	s16 =	sadd.s32 @!p1 s17, s16;
	s17 =	sshll.u32 @!p1 s20, $0xE;
	s18 =	sshll.u32 @!p1 s18, $0x12  }
0x22: {  	s19 =	simm.s32 @!p1 $0x2000;
	s17 =	sand.u32 @!p1 $0x4000, s17;
	s18 =	sor.u32 @!p1 $0x400, s18  }
0x23: {  	[tilespmem:s17], [sflag:$0x1] =	stream.strided.gather @!p1 [hbm4b:s16+s18], $0x4000, s19, s18, $0x38;
	[tilespmem:$0x10100] =	vst v63  }
0x24: {  	p1 =	seq.s32 s7, $0x0  }
0x25: {  	p2 =	seq.s32 @!p1 s7, $0x11  }
0x26: {  	p1 =	por p1, p2  }
.Ltmp2:
0x27: {  	_ = 	snop;
	(pc) =	sbr.rel @p1 .LBB1_5-.Ltmp2, $1  }
0x28: {  	_ =	sdelay $0x3  }
0x29: {  	s18 =	sand.u32 $0x1, s7;
	s16 =	simm.s32 $0x0  }
0x2a: {  	_ =	swait.ge [sflag:s5], $0x4000;
	s17 =	sshll.u32 s18, $0xE;
	s19 =	sand.u32 $0x3C00, s16  }
0x2b: {  	[sflag:s5] =	ssyncset.done $0x0;
	s16 =	sand.u32 $0x180, s16;
	s19 =	sadd.s32 s19, s17  }
0x2c: {  	[sflag:s5] =	ssyncadd.s32 $0xFFFFC000;
	s21 =	sadd.s32 s16, s19  }
0x2d: {  	v0 =	vld [tilespmem:s21+$0x260]  }
0x2e: {  	v1 =	vld [tilespmem:s21+$0x270]  }
0x2f: {  	v2 =	vld [tilespmem:s21+$0x0]  }
0x30: {  	v3 =	vld [tilespmem:s21+$0x10]  }
0x31: {  	v4 =	vld [tilespmem:s21+$0x20]  }
0x32: {  	s16 =	simm.s32 $0x1;
	v5 =	vld [tilespmem:s21+$0x30]  }
0x33: {  	s16 =	simm.s32 @!p0 $0x0;
	v6 =	vld [tilespmem:s21+$0x40]  }
0x34: {  	v7 =	vld [tilespmem:s21+$0x50];
	s16 =	smul.u32 $0x10200, s16;
	v1 =	vperm.xlane.i2c.b16 v1;
	v0 =	vperm.xlane.i2c.b16 v0  }
0x35: {  	v8 =	vld [tilespmem:s21+$0x60];
	v2 =	vperm.xlane.i2c.b16 v2;
	v3 =	vperm.xlane.i2c.b16 v3  }
0x36: {  	v10 =	vld [tilespmem:s21+$0x70];
	s16 =	sshrl.u32 s16, $0x2;
	v9 =	vcombine.low v0, v1;
	v0 =	vcombine.high v0, v1  }
0x37: {  	s16 =	sor.u32 $0x8000, s16;
	v1 =	vperm.xlane.i2c.b16 v5;
	v5 =	vld [tilespmem:s21+$0x200];
	v11 =	vcombine.low v2, v3  }
0x38: {  	v4 =	vperm.xlane.i2c.b16 v4;
	v2 =	vcombine.high v2, v3;
	v3 =	vld [tilespmem:s21+$0x210];
	[tilespmem:s16+$0x3870 ss:$0x81] =	vst.msk $0xffff, v9  }
0x39: {  	s30 =	simm.s32 $0x100;
	v6 =	vperm.xlane.i2c.b16 v6;
	v7 =	vperm.xlane.i2c.b16 v7;
	v9 =	vld [tilespmem:s21+$0x220];
	[tilespmem:s16+$0x0 ss:$0x81] =	vst.msk $0xffff, v11  }
0x3a: {  	s20 =	simm.s32 $0x80;
	s19 =	sand.u32 $0x3C00, s30;
	[tilespmem:s16+$0x3871 ss:$0x81] =	vst.msk $0xffff, v0;
	v0 =	vcombine.low v4, v1;
	v1 =	vcombine.high v4, v1;
	v4 =	vld [tilespmem:s21+$0x230]  }
0x3b: {  	s22 =	sand.u32 $0x180, s20;
	s19 =	sadd.s32 s19, s17;
	[tilespmem:s16+$0x1 ss:$0x81] =	vst.msk $0xffff, v2;
	v2 =	vperm.xlane.i2c.b16 v8;
	v8 =	vperm.xlane.i2c.b16 v10;
	v10 =	vld [tilespmem:s21+$0x240]  }
0x3c: {  	s19 =	sadd.s32 s22, s19;
	[tilespmem:s16+$0x810 ss:$0x81] =	vst.msk $0xffff, v0;
	v0 =	vcombine.low v6, v7;
	v6 =	vcombine.high v6, v7;
	v7 =	vld [tilespmem:s21+$0x250]  }
0x3d: {  	v11 =	vcombine.low v2, v8;
	v2 =	vcombine.high v2, v8;
	v8 =	vld [tilespmem:s19+$0x0];
	[tilespmem:s16+$0x811 ss:$0x81] =	vst.msk $0xffff, v1  }
0x3e: {  	v1 =	vperm.xlane.i2c.b16 v5;
	v5 =	vld [tilespmem:s19+$0x260];
	[tilespmem:s16+$0x1020 ss:$0x81] =	vst.msk $0xffff, v0;
	v0 =	vperm.xlane.i2c.b16 v3  }
0x3f: {  	v3 =	vld [tilespmem:s19+$0x270];
	[tilespmem:s16+$0x1021 ss:$0x81] =	vst.msk $0xffff, v6;
	v6 =	vperm.xlane.i2c.b16 v9  }
0x40: {  	[tilespmem:s16+$0x1830 ss:$0x81] =	vst.msk $0xffff, v11;
	v11 =	vld [tilespmem:s19+$0x10];
	v4 =	vperm.xlane.i2c.b16 v4;
	v9 =	vcombine.low v1, v0  }
0x41: {  	v12 =	vcombine.high v1, v0;
	v0 =	vperm.xlane.i2c.b16 v10  }
0x42: {  	[tilespmem:s16+$0x1831 ss:$0x81] =	vst.msk $0xffff, v2;
	v2 =	vld [tilespmem:s19+$0x20];
	v10 =	vcombine.low v6, v4;
	v1 =	vperm.xlane.i2c.b16 v7  }
0x43: {  	v4 =	vcombine.high v6, v4;
	v8 =	vperm.xlane.i2c.b16 v8;
	[tilespmem:s16+$0x2040 ss:$0x81] =	vst.msk $0xffff, v9;
	v9 =	vld [tilespmem:s19+$0x30]  }
0x44: {  	v6 =	vld [tilespmem:s19+$0x40];
	v5 =	vperm.xlane.i2c.b16 v5;
	[tilespmem:s16+$0x2041 ss:$0x81] =	vst.msk $0xffff, v12;
	v3 =	vperm.xlane.i2c.b16 v3  }
0x45: {  	[tilespmem:s16+$0x2850 ss:$0x81] =	vst.msk $0xffff, v10;
	v10 =	vld [tilespmem:s19+$0x50];
	v12 =	vcombine.low v0, v1;
	v11 =	vperm.xlane.i2c.b16 v11  }
0x46: {  	[tilespmem:s16+$0x2851 ss:$0x81] =	vst.msk $0xffff, v4;
	v4 =	vld [tilespmem:s19+$0x60];
	v13 =	vcombine.low v5, v3  }
0x47: {  	s31 =	smul.u32 $0x10200, s18;
	s18 =	sadd.s32 $0x2, s16;
	v7 =	vperm.xlane.i2c.b16 v2;
	v2 =	vld [tilespmem:s19+$0x70];
	[tilespmem:s16+$0x3060 ss:$0x81] =	vst.msk $0xffff, v12;
	v12 =	vcombine.low v8, v11  }
0x48: {  	v14 =	vcombine.high v5, v3;
	v5 =	vld [tilespmem:s19+$0x200];
	v9 =	vperm.xlane.i2c.b16 v9;
	[tilespmem:s18+$0x3870 ss:$0x81] =	vst.msk $0xffff, v13  }
0x49: {  	s21 =	sshrl.u32 s31, $0x2;
	v11 =	vcombine.high v8, v11;
	v3 =	vld [tilespmem:s19+$0x210];
	v8 =	vperm.xlane.i2c.b16 v6;
	[tilespmem:s18+$0x0 ss:$0x81] =	vst.msk $0xffff, v12  }
0x4a: {  	s23 =	simm.s32 $0x200;
	s22 =	simm.s32 $0x2;
	s21 =	sor.u32 $0x8000, s21;
	v6 =	vld [tilespmem:s19+$0x220];
	[tilespmem:s18+$0x3871 ss:$0x81] =	vst.msk $0xffff, v14;
	v10 =	vperm.xlane.i2c.b16 v10;
	v12 =	vcombine.low v7, v9  }
.LBB1_3:
0x4b: {  	s24 =	sand.u32 $0x3C00, s23;
	[tilespmem:s18+$0x1 ss:$0x81] =	vst.msk $0xffff, v11;
	v7 =	vcombine.high v7, v9;
	v4 =	vperm.xlane.i2c.b16 v4;
	v9 =	vld [tilespmem:s19+$0x230];
	s20 =	sadd.s32 $0x80, s20  }
0x4c: {  	s25 =	sand.u32 $0x180, s20;
	s24 =	sadd.s32 s24, s17;
	[tilespmem:s18+$0x810 ss:$0x81] =	vst.msk $0xffff, v12;
	v11 =	vcombine.low v8, v10;
	v2 =	vperm.xlane.i2c.b16 v2;
	v12 =	vld [tilespmem:s19+$0x240]  }
0x4d: {  	s22 =	sadd.s32 $0x2, s22;
	[tilespmem:s18+$0x811 ss:$0x81] =	vst.msk $0xffff, v7;
	v7 =	vcombine.high v8, v10;
	v5 =	vperm.xlane.i2c.b16 v5;
	v8 =	vld [tilespmem:s19+$0x250];
	s19 =	sadd.s32 s25, s24  }
0x4e: {  	p1 =	slt.u32 s22, $0x7E;
	v10 =	vld [tilespmem:s19+$0x260];
	[tilespmem:s18+$0x1020 ss:$0x81] =	vst.msk $0xffff, v11;
	v11 =	vcombine.low v4, v2;
	v3 =	vperm.xlane.i2c.b16 v3  }
0x4f: {  	v2 =	vcombine.high v4, v2;
	v13 =	vld [tilespmem:s19+$0x270];
	[tilespmem:s18+$0x1021 ss:$0x81] =	vst.msk $0xffff, v7;
	v4 =	vperm.xlane.i2c.b16 v6  }
0x50: {  	v6 =	vld [tilespmem:s19+$0x0];
	[tilespmem:s18+$0x1830 ss:$0x81] =	vst.msk $0xffff, v11;
	v7 =	vcombine.low v5, v3;
	v9 =	vperm.xlane.i2c.b16 v9  }
0x51: {  	v11 =	vld [tilespmem:s19+$0x10];
	[tilespmem:s18+$0x1831 ss:$0x81] =	vst.msk $0xffff, v2;
	v2 =	vcombine.high v5, v3;
	v3 =	vperm.xlane.i2c.b16 v12  }
0x52: {  	v5 =	vld [tilespmem:s19+$0x20];
	[tilespmem:s18+$0x2040 ss:$0x81] =	vst.msk $0xffff, v7;
	v7 =	vcombine.low v4, v9;
	v8 =	vperm.xlane.i2c.b16 v8  }
0x53: {  	v12 =	vld [tilespmem:s19+$0x30];
	[tilespmem:s18+$0x2041 ss:$0x81] =	vst.msk $0xffff, v2;
	v2 =	vcombine.high v4, v9;
	v9 =	vcombine.high v0, v1;
	v0 =	vmov v3  }
0x54: {  	v10 =	vperm.xlane.i2c.b16 v10;
	v3 =	vld [tilespmem:s19+$0x40];
	v13 =	vperm.xlane.i2c.b16 v13;
	[tilespmem:s18+$0x2850 ss:$0x81] =	vst.msk $0xffff, v7;
	v1 =	vmov v8  }
0x55: {  	v6 =	vperm.xlane.i2c.b16 v6;
	v14 =	vld [tilespmem:s19+$0x50];
	[tilespmem:s18+$0x2851 ss:$0x81] =	vst.msk $0xffff, v2;
	v8 =	vcombine.low v0, v1  }
.Ltmp3:
0x56: {  	v11 =	vperm.xlane.i2c.b16 v11;
	v4 =	vld [tilespmem:s19+$0x60];
	v15 =	vcombine.low v10, v13;
	[tilespmem:s16+$0x3061 ss:$0x81] =	vst.msk $0xffff, v9;
	s16 =	smov.u32 s18;
	(pc) =	sbr.rel @p1 .LBB1_3-.Ltmp3, $4  }
0x57: {  	v10 =	vcombine.high v10, v13;
	s18 =	sadd.s32 $0x2, s18;
	v7 =	vperm.xlane.i2c.b16 v5;
	v2 =	vld [tilespmem:s19+$0x70];
	[tilespmem:s16+$0x3060 ss:$0x81] =	vst.msk $0xffff, v8  }
0x58: {  	v13 =	vcombine.low v6, v11;
	v9 =	vperm.xlane.i2c.b16 v12;
	v5 =	vld [tilespmem:s19+$0x200];
	[tilespmem:s18+$0x3870 ss:$0x81] =	vst.msk $0xffff, v15  }
0x59: {  	v11 =	vcombine.high v6, v11;
	v8 =	vperm.xlane.i2c.b16 v3;
	v3 =	vld [tilespmem:s19+$0x210];
	[tilespmem:s18+$0x3871 ss:$0x81] =	vst.msk $0xffff, v10  }
0x5a: {  	s23 =	sadd.s32 $0x100, s23;
	[tilespmem:s18+$0x0 ss:$0x81] =	vst.msk $0xffff, v13;
	v12 =	vcombine.low v7, v9;
	v10 =	vperm.xlane.i2c.b16 v14;
	v6 =	vld [tilespmem:s19+$0x220]  }
0x5b: {  	[tilespmem:s18+$0x1 ss:$0x81] =	vst.msk $0xffff, v11;
	v7 =	vcombine.high v7, v9;
	v4 =	vperm.xlane.i2c.b16 v4;
	v48 =	vld [tilespmem:s19+$0x230]  }
0x5c: {  	v50 =	vld [tilespmem:s19+$0x240];
	v0 =	vcombine.high v0, v1;
	[tilespmem:s18+$0x810 ss:$0x81] =	vst.msk $0xffff, v12;
	v49 =	vcombine.low v8, v10  }
0x5d: {  	v52 =	vld [tilespmem:s19+$0x250];
	v2 =	vperm.xlane.i2c.b16 v2;
	v51 =	vcombine.high v8, v10;
	[tilespmem:s18+$0x811 ss:$0x81] =	vst.msk $0xffff, v7  }
0x5e: {  	v5 =	vperm.xlane.i2c.b16 v5;
	[tilespmem:s16+$0x3061 ss:$0x81] =	vst.msk $0xffff, v0;
	v3 =	vperm.xlane.i2c.b16 v3  }
0x5f: {  	[tilespmem:s18+$0x1020 ss:$0x81] =	vst.msk $0xffff, v49;
	v53 =	vcombine.low v4, v2;
	v2 =	vcombine.high v4, v2  }
0x60: {  	[tilespmem:s18+$0x1021 ss:$0x81] =	vst.msk $0xffff, v51;
	v54 =	vperm.xlane.i2c.b16 v6;
	v55 =	vcombine.low v5, v3  }
0x61: {  	s15 =	sshll.u32 s15, $0x7;
	s17 =	sshll.u32 s12, $0x3;
	s26 =	sshll.u32 s12, $0x1;
	[tilespmem:s18+$0x1830 ss:$0x81] =	vst.msk $0xffff, v53;
	v56 =	vperm.xlane.i2c.b16 v48;
	v57 =	vcombine.high v5, v3  }
0x62: {  	s14 =	sshll.u32 s14, $0x12;
	s25 =	sand.u32 $0x3FC00, s15;
	s17 =	sand.u32 $0x3FC00, s17;
	v58 =	vperm.xlane.i2c.b16 v50;
	v60 =	vperm.xlane.i2c.b16 v52;
	[tilespmem:s18+$0x1831 ss:$0x81] =	vst.msk $0xffff, v2  }
0x63: {  	s13 =	sshll.u32 s13, $0xE;
	s15 =	sand.u32 $0x300, s15;
	s17 =	sadd.s32 s17, s25;
	[tilespmem:s18+$0x2040 ss:$0x81] =	vst.msk $0xffff, v55;
	v59 =	vcombine.low v54, v56  }
0x64: {  	s28 =	sshrl.u32 s12, $0x3;
	s27 =	sand.u32 $0x80, s26;
	s15 =	sor.u32 s15, s17;
	v62 =	vcombine.low v58, v60;
	[tilespmem:s18+$0x2041 ss:$0x81] =	vst.msk $0xffff, v57  }
.Ltmp4:
0x65: {  	s14 =	sadd.s32 s3, s14;
	s15 =	sor.u32 s27, s15;
	v61 =	vcombine.high v54, v56;
	[tilespmem:s18+$0x2850 ss:$0x81] =	vst.msk $0xffff, v59;
	(pc) =	sbr.rel .LBB1_5-.Ltmp4, $4  }
0x66: {  	s29 =	sand.u32 $0x7, s28;
	s13 =	sadd.s32 s13, s14;
	s15 =	sshrl.u32 s15, $0x4;
	v63 =	vcombine.high v58, v60;
	[tilespmem:s18+$0x3060 ss:$0x81] =	vst.msk $0xffff, v62  }
0x67: {  	s13 =	sadd.s32 s29, s13;
	s30 =	sand.u32 $0x3FF8, s15;
	[tilespmem:s18+$0x2851 ss:$0x81] =	vst.msk $0xffff, v61  }
0x68: {  	s31 =	sand.u32 $0x7, s12;
	s13 =	sadd.s32 s30, s13;
	[tilespmem:s18+$0x3061 ss:$0x81] =	vst.msk $0xffff, v63  }
0x69: {  	[hbm4b:s13+s31] =	stream.linear.scatter [tilespmem:s21], [sflag:$0x2], $0x4000, $0x20;
	[tilespmem:$0x10100] =	vst v63  }
.LBB1_6:
0x6a: {  	_ =	sfence.sel $0x180000  }
0x6b: {  	s2 =	simm.s32 $0x1;
	[bflag:$0x0] =	sbarrier.arrive $0xFFFF  }
0x6c: {  	s31 =	simm.s32 $0x2;
	[sflag:s2] =	ssyncpa.u1 $0x1  }
0x6d: {  	[sflag:s31] =	ssyncpa.u1 $0x1  }
0x6e: {  	p0 =	sne.s32 s1, $0x0;
	_ =	strace $0x90000047  }
0x6f: {  	s0 =	sadd.s32 @!p0 $0x100000, s0;
	[bflag:$0x2] =	sbarrier.arrive $0xFFFF  }
0x70: {  	[sflag:s0] =	ssyncadd.tile.s32 @!p0 $0x1;
	_ =	shalt  }
.Lfunc_end1:
_tile_overlayer_lowered:
.L_overlay_start_2:
0x71: {  	(tag) =	ssettag $0x2  }
0x72: {  	s0 =	rddreg [dreg:$0x0];
	s2 =	stileid.u32  }
0x73: {  	s1 =	rddreg [dreg:$0x1];
	p0 =	sne.s32 s2, $0x0  }
0x74: {  	s3 =	rddreg [dreg:$0x2];
	[bflag:$0x3] =	sbarrier.arrive $0xFFFF;
	s2 =	simm.s32 @!p0 $0x1C01  }
0x75: {  	[timem:s3], [sflag:s2] =	dma.local @!p0 [hbm:s0], s1  }
0x76: {  	s0 =	simm.s32 @!p0 $0x1  }
0x77: {  	_ =	swait.ge @!p0 [sflag:s0], s1  }
0x78: {  	s1 =	ssub.s32 @!p0 $0x0, s1;
	[sflag:s0] =	ssyncset.done @!p0 $0x0  }
0x79: {  	[sflag:s0] =	ssyncadd.s32 @!p0 s1  }
0x7a: {  	[bflag:$0x3] =	sbarrier.arrive $0xFFFF  }
0x7b: {  	_ =	shalt  }

// kernel: sparse-core-data-format-call.cloned.1.call-start
scs
called_computation_lowered:
.L_overlay_start_0:
0x0: {  	s1 =	sld [smem:$0x3FD9]  }
0x1: {  	s2 =	sld [smem:$0x3FFE];
	_ =	sdelay $0x1  }
0x2: {  	s3 =	srdreg.scid  }
0x3: {  	s0 =	sand.u32 $0x1, s3  }
0x4: {  	s17 =	sshll.u32 s0, $0xA;
	s1 =	sadd.s32 s2, s1  }
0x5: {  	s1 =	sadd.s32 s1, s17  }
0x6: {  	[smem:$0x3FC6] =	sst s1  }
0x7: {  	_ = 	snop  }
0x8: {  	(tm) =	ssettm $0x1  }
0x9: {  	s18 =	sld [smem:$0x3FFB];
	_ =	sdelay $0x3  }
0xa: {  	_ =	strace s18  }
0xb: {  	s1 =	sld [smem:$0x3FFC];
	_ =	sdelay $0x3  }
0xc: {  	_ =	strace s1  }
0xd: {  	s1 =	sld [smem:$0x3FFD];
	_ =	sdelay $0x3  }
0xe: {  	_ =	strace s1  }
0xf: {  	_ =	strace $0x8FFFFFFF  }
0x10: {  	s19 =	sld [smem:$0x3FDB];
	_ =	sdelay $0x1  }
0x11: {  	s20 =	simm.s32 $_scs_section_size  }
0x12: {  	s4 =	simm.s32 $_size__tile_overlayer_lowered;
	s5 =	simm.s32 $_tile_overlayer_lowered  }
0x13: {  	s23 =	simm.s32 $0x1BFF;
	s22 =	sshll.u32 s5, $0x1;
	s1 =	sadd.s32 s20, s19  }
0x14: {  	s6 =	simm.s32 $0x0;
	s21 =	sshll.u32 s4, $0x1;
	s4 =	sadd.s32 s22, s1  }
0x15: {  	[timem:s6], [sflag:s23] =	dma.local [hbm:s4], s21  }
0x16: {  	_ =	swait.ge [sflag:s23], s21  }
0x17: {  	s2 =	ssub.s32 $0x0, s21;
	[sflag:s23] =	ssyncset.done $0x0  }
0x18: {  	[sflag:s23] =	ssyncadd.s32 s2;
	_ =	sdelay $0x1  }
0x19: {  	s24 =	simm.s32 $0x1B8B  }
0x1a: {  	_ =	swait.ge [sflag:s24], $0x1  }
0x1b: {  	[sflag:s24] =	ssyncset.done $0x0  }
0x1c: {  	s26 =	simm.s32 $0x1B8E;
	s25 =	sld [smem:$0x3FFE];
	[sflag:s24] =	ssyncadd.s32 $0xFFFFFFFF  }
0x1d: {  	s27 =	simm.s32 $execute0_lowered;
	[smem:$0x3FD2] =	sst s26  }
0x1e: {  	s4 =	sshll.u32 s27, $0x1;
	_ =	strace $0x80000049;
	[dreg:$0x1] =	wrdreg $0xFFFFFFFF  }
0x1f: {  	s28 =	simm.s32 $_size_execute0_lowered;
	s1 =	sadd.s32 s1, s4;
	[dreg:$0x0] =	wrdreg $0x0  }
0x20: {  	s4 =	sshll.u32 s28, $0x1;
	[dreg:$0x2] =	wrdreg s1  }
0x21: {  	[dreg:$0x3] =	wrdreg s4  }
0x22: {  	[dreg:$0x4] =	wrdreg $0xC0  }
0x23: {  	_ =	task [dreg:s6], $0x5FFFF  }
0x24: {  	[dreg:$0x1] =	wrdreg $0xFFFFFFFF  }
0x25: {  	[dreg:$0x0] =	wrdreg $0x60  }
0x26: {  	[dreg:$0x2] =	wrdreg s25  }
0x27: {  	[dreg:$0x3] =	wrdreg $0x9  }
0x28: {  	_ =	task.clear_ibuf [dreg:s6], $0x4FFFF;
	_ =	strace $0x90000049  }
0x29: {  	s29 =	simm.s32 $0x9;
	_ =	strace $0x8000004B  }
0x2a: {  	_ =	swait.ge [sflag:s29], $0x1  }
0x2b: {  	[sflag:s29] =	ssyncadd.s32 $0xFFFFFFFF  }
0x2c: {  	_ =	strace $0x9000004B  }
0x2d: {  	_ =	sfence  }
0x2e: {  	s30 =	sld [smem:$0x0];
	_ =	sdelay $0x2  }
0x2f: {  	s31 =	sshll.u32 s3, $0xD;
	s3 =	sshrl.u32 s3, $0x2  }
0x30: {  	s2 =	sand.u32 $0x4000, s31;
	s1 =	sadd.s32 s3, s30  }
0x31: {  	s0 =	sor.u32 s2, s0;
	s1 =	sshll.u32 s1, $0x11  }
0x32: {  	s0 =	sor.u32 s1, s0  }
0x33: {  	s0 =	sadd.s32 $0x8F2B, s0  }
0x34: {  	[sflag:s0] =	ssyncadd.remote.s32 $0x1  }
0x35: {  	_ =	sfence.sel $0xFFFF  }
0x36: {  	[dreg:$0x0] =	wrdreg $0xFFFFFFFF;
	(pc) =	sbr.abs _section_cstart, $3  }
0x37: {  	[dreg:$0x1] =	wrdreg $0xFFFFFFFF  }
0x38: {  	_ =	task.clear_ibuf [dreg:s6], $0x2FFFF;
	_ =	strace $0x9FFFFFFF  }
0x39: {  	(tm) =	ssettm $0x7FFFFFFF  }
tec
execute0_lowered:
.L_overlay_start_1:
0x0: {  	(tag) =	ssettag $0x1  }
0x1: {  	s0 =	srdreg.scid  }
0x2: {  	s1 =	sshll.u32 s0, $0x4  }
0x3: {  	s4 =	rddreg [dreg:$0x0];
	s0 =	stileid.u32;
	s1 =	sand.u32 $0x10, s1  }
0x4: {  	s7 =	simm.s32 $0x1;
	s8 =	simm.s32 $0x2;
	s2 =	sor.u32 s0, s1  }
0x5: {  	s9 =	simm.s32 $0x0;
	s12 =	simm.s32 $0x0;
	s2 =	sshll.u32 s2, $0x4  }
0x6: {  	s11 =	simm.s32 $0x0;
	s3 =	sadd.s32 $0x102A00, s4;
	s6 =	ssub.s32 $0x2000, s2  }
.Ltmp0:
0x7: {  	s4 =	sadd.s32 $0x2A00, s4;
	s5 =	sand.u32 $0x1F0, s6;
	(pc) =	sbr.rel .LBB1_1-.Ltmp0, $4  }
0x8: {  	s1 =	rddreg [dreg:$0x1];
	_ =	strace $0x8000004A;
	p0 =	sne.s32 s5, $0x0  }
0x9: {  	s6 =	sshrl.u32 s6, $0x9;
	s5 =	simm.s32 $0x1;
	s7 =	simm.s32 @!p0 $0x0  }
0xa: {  	s10 =	smov.u32 s2;
	[sflag:s5] =	ssyncpa.u1 $0x0;
	s6 =	sadd.s32 s7, s6  }
0xb: {  	[sflag:s8] =	ssyncpa.u1 $0x0;
	s8 =	simm.s32 $0x0;
	s7 =	sadd.s32 $0x1, s6  }
.LBB1_7:
0xc: {  	s14 =	sadd.s32 $0x200, s10  }
0xd: {  	p1 =	sgt.s32 s14, $0x1FFF  }
0xe: {  	s14 =	smov.u32 @p1 s2;
	p1 =	sne.s32 s11, s7  }
.Ltmp1:
0xf: {  	p0 =	slt.u32 s11, $0x2;
	(pc) =	sbr.rel @!p1 .LBB1_8-.Ltmp1, $4  }
0x10: {  	s13 =	simm.s32 @!p0 $0x2  }
0x11: {  	s15 =	sadd.s32 $0x1, s11;
	_ =	swait.ge @!p0 [sflag:s13], $0x4000  }
0x12: {  	s12 =	smov.u32 s10;
	s9 =	sadd.s32 $0x8000, s9;
	[sflag:s13] =	ssyncset.done @!p0 $0x0  }
0x13: {  	s11 =	smov.u32 s15;
	s10 =	smov.u32 s14;
	[sflag:s13] =	ssyncadd.s32 @!p0 $0xFFFFC000  }
.LBB1_1:
0x14: {  	p0 =	sge.u32 s11, s6  }
0x15: {  	s13 =	sxor.u32 @!p0 $0xFFFFFFFF, s11  }
0x16: {  	s31 =	sadd.s32 $0xFFFFFFFF, s11;
	s14 =	sshll.u32 @!p0 s10, $0x7;
	s13 =	sshll.u32 @!p0 s13, $0xE  }
0x17: {  	s15 =	simm.s32 @!p0 $0x0;
	s14 =	sadd.s32 @!p0 s3, s14;
	s13 =	sand.u32 @!p0 $0x4000, s13  }
0x18: {  	[tilespmem:s13], [sflag:$0x1] =	stream.linear.gather @!p0 [hbm4b:s14+s15], $0x4000, $0x38;
	[tilespmem:$0x10000] =	vst v63  }
0x19: {  	p0 =	sge.u32 s31, s6  }
.Ltmp2:
0x1a: {  	_ = 	snop;
	(pc) =	sbr.rel @p0 .LBB1_7-.Ltmp2, $1  }
0x1b: {  	_ =	sdelay $0x3  }
0x1c: {  	s13 =	sshrl.u32 s9, $0x1;
	_ =	swait.ge [sflag:s5], $0x4000  }
0x1d: {  	s15 =	sshll.u32 s11, $0xE;
	s16 =	simm.s32 $0x0;
	s14 =	sand.u32 $0x4000, s13  }
0x1e: {  	[sflag:s5] =	ssyncset.done $0x0;
	s15 =	sand.u32 $0x4000, s15;
	s13 =	sor.u32 $0x200, s14  }
0x1f: {  	s14 =	sor.u32 $0x8080, s14;
	[sflag:s5] =	ssyncadd.s32 $0xFFFFC000;
	s15 =	sor.u32 $0x8000, s15  }
.LBB1_3:
0x20: {  	v0 =	vld [tilespmem:s13+$0xFFFFFE70]  }
0x21: {  	v1 =	vld [tilespmem:s13+$0x70]  }
0x22: {  	v2 =	vld [tilespmem:s13+$0x0]  }
0x23: {  	v3 =	vld [tilespmem:s13+$0xFFFFFE10]  }
0x24: {  	v4 =	vld [tilespmem:s13+$0x10]  }
0x25: {  	v5 =	vld [tilespmem:s13+$0xFFFFFE20]  }
0x26: {  	v7 =	vld [tilespmem:s13+$0x20]  }
0x27: {  	v11 =	vld [tilespmem:s13+$0x30];
	v6 =	vunpack.i.l.s16.s32 v0;
	v8 =	vunpack.i.u.s16.s32 v0;
	v9 =	vunpack.i.u.s16.s32 v1  }
0x28: {  	v10 =	vunpack.i.l.s16.s32 v1;
	v0 =	vunpack.i.u.s16.s32 v2;
	v1 =	vunpack.i.l.s16.s32 v2;
	v2 =	vld [tilespmem:s13+$0xFFFFFE30]  }
0x29: {  	v8 =	vpack.i.b32.b16 v9, v8;
	v9 =	vunpack.i.u.s16.s32 v3;
	v3 =	vunpack.i.l.s16.s32 v3  }
0x2a: {  	v12 =	vld [tilespmem:s13+$0xFFFFFE40];
	v6 =	vpack.i.b32.b16 v10, v6;
	[tilespmem:s14+$0x70] =	vst v8;
	v8 =	vunpack.i.u.s16.s32 v4;
	v4 =	vunpack.i.l.s16.s32 v4  }
0x2b: {  	v13 =	vld [tilespmem:s13+$0x40];
	v10 =	vunpack.i.u.s16.s32 v5;
	v5 =	vunpack.i.l.s16.s32 v5;
	[tilespmem:s14+$0xFFFFFFF0] =	vst v6;
	v3 =	vpack.i.b32.b16 v4, v3  }
0x2c: {  	v6 =	vunpack.i.l.s16.s32 v7;
	v4 =	vld [tilespmem:s13+$0xFFFFFE50];
	[tilespmem:s14+$0xFFFFFF90] =	vst v3;
	v3 =	vpack.i.b32.b16 v8, v9;
	v8 =	vunpack.i.u.s16.s32 v7  }
0x2d: {  	v7 =	vunpack.i.l.s16.s32 v11;
	[tilespmem:s14+$0x10] =	vst v3;
	v3 =	vpack.i.b32.b16 v6, v5;
	v9 =	vunpack.i.u.s16.s32 v2;
	v6 =	vld [tilespmem:s13+$0x50]  }
0x2e: {  	v5 =	vunpack.i.l.s16.s32 v2;
	v2 =	vld [tilespmem:s13+$0xFFFFFE60];
	[tilespmem:s14+$0xFFFFFFA0] =	vst v3;
	v3 =	vpack.i.b32.b16 v8, v10;
	v10 =	vunpack.i.u.s16.s32 v11  }
0x2f: {  	s19 =	simm.s32 $0x0;
	v11 =	vpack.i.b32.b16 v7, v5;
	v7 =	vunpack.i.u.s16.s32 v12;
	v8 =	vunpack.i.l.s16.s32 v12;
	[tilespmem:s14+$0x20] =	vst v3;
	v3 =	vld [tilespmem:s13+$0x60]  }
0x30: {  	s20 =	sadd.s32 $0x80, s13;
	s18 =	smov.u32 s14;
	s17 =	smov.u32 s14;
	v5 =	vld [tilespmem:s13+$0xFFFFFE00];
	[tilespmem:s14+$0xFFFFFFB0] =	vst v11;
	v10 =	vpack.i.b32.b16 v10, v9;
	v9 =	vunpack.i.u.s16.s32 v13;
	v11 =	vunpack.i.l.s16.s32 v13  }
.LBB1_4:
0x31: {  	v12 =	vld [tilespmem:s20+$0xFFFFFE70];
	[tilespmem:s18+$0x30] =	vst v10;
	v8 =	vpack.i.b32.b16 v11, v8;
	v10 =	vunpack.i.u.s16.s32 v4;
	v4 =	vunpack.i.l.s16.s32 v4  }
0x32: {  	s19 =	sadd.s32 $0x2, s19;
	v7 =	vpack.i.b32.b16 v9, v7;
	v11 =	vld [tilespmem:s20+$0x70];
	[tilespmem:s18+$0xFFFFFFC0] =	vst v8;
	v8 =	vunpack.i.u.s16.s32 v6;
	v6 =	vunpack.i.l.s16.s32 v6  }
0x33: {  	p0 =	slt.u32 s19, $0x6;
	v9 =	vld [tilespmem:s20+$0x0];
	[tilespmem:s18+$0x40] =	vst v7;
	v4 =	vpack.i.b32.b16 v6, v4;
	v6 =	vunpack.i.u.s16.s32 v2;
	v2 =	vunpack.i.l.s16.s32 v2  }
0x34: {  	v7 =	vld [tilespmem:s20+$0xFFFFFE10];
	[tilespmem:s18+$0xFFFFFFD0] =	vst v4;
	v4 =	vpack.i.b32.b16 v8, v10;
	v8 =	vunpack.i.u.s16.s32 v3;
	v3 =	vunpack.i.l.s16.s32 v3  }
0x35: {  	v10 =	vld [tilespmem:s20+$0x10];
	v13 =	vunpack.i.u.s16.s32 v5;
	v5 =	vunpack.i.l.s16.s32 v5;
	[tilespmem:s18+$0x50] =	vst v4;
	v2 =	vpack.i.b32.b16 v3, v2  }
0x36: {  	v3 =	vld [tilespmem:s20+$0xFFFFFE20];
	v4 =	vunpack.i.l.s16.s32 v12;
	v1 =	vpack.i.b32.b16 v1, v5;
	v5 =	vpack.i.b32.b16 v0, v13;
	[tilespmem:s18+$0xFFFFFFE0] =	vst v2  }
0x37: {  	v12 =	vunpack.i.u.s16.s32 v12;
	v2 =	vld [tilespmem:s20+$0x20];
	v13 =	vunpack.i.u.s16.s32 v11;
	v11 =	vunpack.i.l.s16.s32 v11;
	[tilespmem:s18+$0xFFFFFF80] =	vst v1  }
0x38: {  	s18 =	sadd.s32 $0x100, s18;
	v0 =	vunpack.i.u.s16.s32 v9;
	v1 =	vunpack.i.l.s16.s32 v9;
	v9 =	vld [tilespmem:s20+$0xFFFFFE30];
	v12 =	vpack.i.b32.b16 v13, v12;
	[tilespmem:s17+$0x0] =	vst v5  }
0x39: {  	v6 =	vpack.i.b32.b16 v8, v6;
	v5 =	vunpack.i.u.s16.s32 v7;
	v7 =	vunpack.i.l.s16.s32 v7;
	v13 =	vld [tilespmem:s20+$0x30];
	[tilespmem:s18+$0x70] =	vst v12  }
0x3a: {  	v4 =	vpack.i.b32.b16 v11, v4;
	v8 =	vunpack.i.u.s16.s32 v10;
	v10 =	vunpack.i.l.s16.s32 v10;
	v12 =	vld [tilespmem:s20+$0xFFFFFE40];
	[tilespmem:s17+$0x60] =	vst v6;
	s17 =	smov.u32 s18  }
0x3b: {  	v6 =	vpack.i.b32.b16 v10, v7;
	v7 =	vunpack.i.u.s16.s32 v3;
	v3 =	vunpack.i.l.s16.s32 v3;
	v11 =	vld [tilespmem:s20+$0x40];
	[tilespmem:s18+$0xFFFFFFF0] =	vst v4  }
.Ltmp3:
0x3c: {  	v5 =	vpack.i.b32.b16 v8, v5;
	[tilespmem:s18+$0xFFFFFF90] =	vst v6;
	v8 =	vunpack.i.u.s16.s32 v2;
	v2 =	vunpack.i.l.s16.s32 v2;
	v4 =	vld [tilespmem:s20+$0xFFFFFE50];
	(pc) =	sbr.rel @p0 .LBB1_4-.Ltmp3, $4  }
0x3d: {  	[tilespmem:s18+$0x10] =	vst v5;
	v2 =	vpack.i.b32.b16 v2, v3;
	v10 =	vunpack.i.u.s16.s32 v9;
	v3 =	vunpack.i.l.s16.s32 v9;
	v6 =	vld [tilespmem:s20+$0x50]  }
0x3e: {  	v5 =	vpack.i.b32.b16 v8, v7;
	[tilespmem:s18+$0xFFFFFFA0] =	vst v2;
	v9 =	vunpack.i.u.s16.s32 v13;
	v7 =	vunpack.i.l.s16.s32 v13;
	v2 =	vld [tilespmem:s20+$0xFFFFFE60]  }
0x3f: {  	[tilespmem:s18+$0x20] =	vst v5;
	v13 =	vpack.i.b32.b16 v7, v3;
	v7 =	vunpack.i.u.s16.s32 v12;
	v8 =	vunpack.i.l.s16.s32 v12;
	v3 =	vld [tilespmem:s20+$0x60]  }
0x40: {  	v10 =	vpack.i.b32.b16 v9, v10;
	v5 =	vld [tilespmem:s20+$0xFFFFFE00];
	[tilespmem:s18+$0xFFFFFFB0] =	vst v13;
	v9 =	vunpack.i.u.s16.s32 v11;
	v11 =	vunpack.i.l.s16.s32 v11;
	s20 =	sadd.s32 $0x80, s20  }
0x41: {  	[tilespmem:s18+$0x30] =	vst v10;
	v8 =	vpack.i.b32.b16 v11, v8  }
0x42: {  	v51 =	vunpack.i.l.s16.s32 v4;
	v7 =	vpack.i.b32.b16 v9, v7;
	[tilespmem:s18+$0xFFFFFFC0] =	vst v8;
	v52 =	vunpack.i.l.s16.s32 v6  }
0x43: {  	v53 =	vunpack.i.u.s16.s32 v4;
	s16 =	sadd.s32 $0x1, s16;
	v54 =	vunpack.i.u.s16.s32 v6;
	[tilespmem:s18+$0x40] =	vst v7;
	v55 =	vpack.i.b32.b16 v52, v51  }
0x44: {  	p0 =	sne.s32 s16, $0x10;
	v56 =	vunpack.i.l.s16.s32 v2;
	v4 =	vpack.i.b32.b16 v54, v53;
	[tilespmem:s18+$0xFFFFFFD0] =	vst v55;
	v57 =	vunpack.i.l.s16.s32 v3  }
.Ltmp4:
0x45: {  	[tilespmem:s18+$0x50] =	vst v4;
	v58 =	vunpack.i.l.s16.s32 v5;
	v59 =	vpack.i.b32.b16 v57, v56;
	(pc) =	sbr.rel @p0 .LBB1_3-.Ltmp4, $4  }
0x46: {  	v61 =	vunpack.i.u.s16.s32 v2;
	v62 =	vunpack.i.u.s16.s32 v3;
	v1 =	vpack.i.b32.b16 v1, v58;
	[tilespmem:s18+$0xFFFFFFE0] =	vst v59  }
0x47: {  	v60 =	vunpack.i.u.s16.s32 v5;
	v63 =	vpack.i.b32.b16 v62, v61;
	[tilespmem:s18+$0xFFFFFF80] =	vst v1  }
0x48: {  	v0 =	vpack.i.b32.b16 v0, v60;
	[tilespmem:s17+$0x60] =	vst v63  }
0x49: {  	s13 =	sadd.s32 $0x400, s13;
	s14 =	sadd.s32 $0x400, s14;
	[tilespmem:s17+$0x0] =	vst v0  }
.Ltmp5:
0x4a: {  	(pc) =	sbr.rel .LBB1_7-.Ltmp5, $4  }
0x4b: {  	_ = 	snop  }
0x4c: {  	s12 =	sshll.u32 s12, $0x7  }
0x4d: {  	s12 =	sadd.s32 s4, s12  }
0x4e: {  	[hbm4b:s12+s8] =	stream.linear.scatter [tilespmem:s15], [sflag:$0x2], $0x4000, $0x38;
	[tilespmem:$0x10000] =	vst v63  }
.LBB1_8:
0x4f: {  	_ =	sfence.sel $0x180000  }
0x50: {  	s2 =	simm.s32 $0x1;
	[bflag:$0x0] =	sbarrier.arrive $0xFFFF  }
0x51: {  	s31 =	simm.s32 $0x2;
	[sflag:s2] =	ssyncpa.u1 $0x1  }
0x52: {  	[sflag:s31] =	ssyncpa.u1 $0x1  }
0x53: {  	p0 =	sne.s32 s0, $0x0;
	_ =	strace $0x9000004A  }
0x54: {  	s0 =	sadd.s32 @!p0 $0x100000, s1;
	[bflag:$0x2] =	sbarrier.arrive $0xFFFF  }
0x55: {  	[sflag:s0] =	ssyncadd.tile.s32 @!p0 $0x1;
	_ =	shalt  }
.Lfunc_end1:
_tile_overlayer_lowered:
.L_overlay_start_2:
0x56: {  	(tag) =	ssettag $0x2  }
0x57: {  	s0 =	rddreg [dreg:$0x0];
	s2 =	stileid.u32  }
0x58: {  	s1 =	rddreg [dreg:$0x1];
	p0 =	sne.s32 s2, $0x0  }
0x59: {  	s3 =	rddreg [dreg:$0x2];
	[bflag:$0x3] =	sbarrier.arrive $0xFFFF;
	s2 =	simm.s32 @!p0 $0x1C01  }
0x5a: {  	[timem:s3], [sflag:s2] =	dma.local @!p0 [hbm:s0], s1  }
0x5b: {  	s0 =	simm.s32 @!p0 $0x1  }
0x5c: {  	_ =	swait.ge @!p0 [sflag:s0], s1  }
0x5d: {  	s1 =	ssub.s32 @!p0 $0x0, s1;
	[sflag:s0] =	ssyncset.done @!p0 $0x0  }
0x5e: {  	[sflag:s0] =	ssyncadd.s32 @!p0 s1  }
0x5f: {  	[bflag:$0x3] =	sbarrier.arrive $0xFFFF  }
0x60: {  	_ =	shalt  }

</sc_bundles>
